<compile_context>
chip_gen: v7x
topology: tpu7x:2x2x1
jax: 0.10.2.dev20260603
libtpu: 0.0.44.dev20260713+nightly
codegen_flags: <defaults>
</compile_context>

<pallas_src>
import math
import functools

import jax
import jax.numpy as jnp
from jax import lax
from jax.experimental import pallas as pl
from jax.experimental.pallas import tpu as pltpu
from jax.experimental.pallas import tpu_sc as plsc

HEADS = 8
DIMS = 16
SAMPLES = 2
N = 1024
B = 2
T = 12
LA_K = 16
D = HEADS * DIMS
BT = B * T
S = int(SAMPLES * math.log(N, 2))

bf = jnp.bfloat16
f32 = jnp.float32
i32 = jnp.int32

_NW = 32
_ROWS = BT * HEADS * S
_RPW = _ROWS // _NW
_CH = 24
_NCH = _RPW // _CH


def _sc_gather_masks(idx1, idx2, mask1, mask2_big):
    mesh = plsc.VectorSubcoreMesh(core_axis_name="c", subcore_axis_name="s")

    @functools.partial(
        pl.kernel, mesh=mesh,
        out_type=[jax.ShapeDtypeStruct((_ROWS, N), f32),
                  jax.ShapeDtypeStruct((_ROWS, N), f32)],
        scratch_types=[pltpu.VMEM((_CH,), i32),
                       pltpu.VMEM((_CH, N), f32),
                       pltpu.SemaphoreType.DMA],
    )
    def gather(idx1_hbm, idx2_hbm, m1_hbm, m2_hbm, o1_hbm, o2_hbm,
               idx_v, rows_v, sem):
        wid = lax.axis_index("s") * 2 + lax.axis_index("c")
        base = wid * _RPW
        for c in range(_NCH):
            off = base + c * _CH
            pltpu.sync_copy(idx1_hbm.at[pl.ds(off, _CH)], idx_v)
            pltpu.async_copy(m1_hbm.at[idx_v], rows_v, sem).wait()
            pltpu.sync_copy(rows_v, o1_hbm.at[pl.ds(off, _CH)])
            pltpu.sync_copy(idx2_hbm.at[pl.ds(off, _CH)], idx_v)
            pltpu.async_copy(m2_hbm.at[idx_v], rows_v, sem).wait()
            pltpu.sync_copy(rows_v, o2_hbm.at[pl.ds(off, _CH)])

    return gather(idx1, idx2, mask1, mask2_big)


def _topk_body(m_ref, out_ref):
    work = m_ref[...]
    iota = lax.broadcasted_iota(i32, work.shape, 1)
    for s in range(S):
        mx = jnp.max(work, axis=1, keepdims=True)
        eq = work == mx
        idx = jnp.min(jnp.where(eq, iota, N), axis=1, keepdims=True)
        out_ref[:, s:s + 1] = idx
        work = jnp.where(iota == idx, -jnp.inf, work)


def _topk_idx(m):
    rows = m.shape[0]
    blk = 24
    return pl.pallas_call(
        _topk_body,
        grid=(rows // blk,),
        in_specs=[pl.BlockSpec((blk, N), lambda i: (i, 0))],
        out_specs=pl.BlockSpec((blk, S), lambda i: (i, 0)),
        out_shape=jax.ShapeDtypeStruct((rows, S), i32),
    )(m)


def _attn_body(q_ref, k_ref, v_ref, mtl_ref, m1_ref, m2_ref,
               is1_ref, is2_ref, ofcw_ref, ofcb_ref, lnw_ref, lnb_ref,
               ffw_ref, ffb_ref, out_ref):
    Qf = q_ref[0]
    Kf = k_ref[0]
    Vf = v_ref[0]
    mtl = mtl_ref[0]
    iota_n = lax.broadcasted_iota(i32, (N, D), 0)
    iota_s = lax.broadcasted_iota(i32, (S, N), 0)
    is1 = is1_ref[0, 0]
    is2 = is2_ref[0, 0]
    dn = (((1,), (1,)), ((), ()))

    rows = []
    for s in range(S):
        sel = iota_n == mtl[s:s + 1, :]
        rows.append(jnp.sum(jnp.where(sel, Qf, 0.0), axis=0, keepdims=True))
    QR = jnp.concatenate(rows, axis=0)

    outsT = []
    for h in range(HEADS):
        sl = slice(DIMS * h, DIMS * (h + 1))
        qk = lax.dot_general(QR[:, sl].astype(bf), Kf[:, sl].astype(bf),
                             dn, preferred_element_type=f32) * 0.25
        m1r = m1_ref[0, S * h:S * (h + 1), :]
        m2r = m2_ref[0, S * h:S * (h + 1), :]
        qk = jnp.where(is1 != 0, qk * m1r, qk)
        qk = jnp.where(is2 != 0, qk * m2r, qk)
        mx = jnp.max(qk, axis=1, keepdims=True)
        e = jnp.exp(qk - mx)
        attn = e / jnp.sum(e, axis=1, keepdims=True)
        bv = jnp.max(attn, axis=0, keepdims=True)
        cp = jnp.min(jnp.where(attn == bv, iota_s, S),
                     axis=0, keepdims=True)
        v20 = lax.dot_general(attn.astype(bf), Vf[:, sl].astype(bf),
                              (((1,), (0,)), ((), ())),
                              preferred_element_type=f32)
        v20T = jnp.transpose(v20)
        ohT = jnp.zeros((DIMS, N), f32)
        for s in range(S):
            ohT = jnp.where(cp == s, v20T[:, s:s + 1], ohT)
        outsT.append(ohT)
    val = jnp.transpose(jnp.concatenate(outsT, axis=0))

    val = lax.dot_general(val.astype(bf), ofcw_ref[...].astype(bf), dn,
                          preferred_element_type=f32) + ofcb_ref[...]
    mu = jnp.mean(val, axis=1, keepdims=True)
    var = jnp.mean((val - mu) ** 2, axis=1, keepdims=True)
    val = (val - mu) / jnp.sqrt(var + 1e-5) * lnw_ref[...] + lnb_ref[...]
    out_ref[0] = lax.dot_general(val.astype(bf), ffw_ref[...].astype(bf), dn,
                                 preferred_element_type=f32) + ffb_ref[...]


def _attn_stage(Qf, Kf, Vf, mtl, m1rows, m2rows, is1, is2,
                ofc_w, ofc_b, ln_w, ln_b, ff_w, ff_b):
    full2 = lambda s: pl.BlockSpec(s, lambda i: (0, 0))
    smem = pl.BlockSpec((1, 1), lambda i: (0, 0), memory_space=pltpu.SMEM)
    return pl.pallas_call(
        _attn_body,
        grid=(BT,),
        in_specs=[
            pl.BlockSpec((1, N, D), lambda i: (i, 0, 0)),
            pl.BlockSpec((1, N, D), lambda i: (i, 0, 0)),
            pl.BlockSpec((1, N, D), lambda i: (i, 0, 0)),
            pl.BlockSpec((1, S, D), lambda i: (i, 0, 0)),
            pl.BlockSpec((1, HEADS * S, N), lambda i: (i, 0, 0)),
            pl.BlockSpec((1, HEADS * S, N), lambda i: (i, 0, 0)),
            smem, smem,
            full2((D, D)), full2((1, D)), full2((1, D)), full2((1, D)),
            full2((D, D)), full2((1, D)),
        ],
        out_specs=pl.BlockSpec((1, N, D), lambda i: (i, 0, 0)),
        out_shape=jax.ShapeDtypeStruct((BT, N, D), f32),
    )(Qf, Kf, Vf, mtl, m1rows, m2rows, is1, is2,
      ofc_w, ofc_b.reshape(1, D), ln_w.reshape(1, D), ln_b.reshape(1, D),
      ff_w, ff_b.reshape(1, D))


def kernel(x, spa_eigvalue, spa_eigvec, tem_eigvalue, tem_eigvec,
           IsMask1, IsMask2, localadj, mask1, mask2_big,
           proj_w, proj_b, qfc_w, qfc_b, kfc_w, kfc_b, vfc_w, vfc_b,
           ofc_w, ofc_b, ln_w, ln_b, ff_w, ff_b):
    h = HEADS
    x_ = x + jnp.matmul(spa_eigvec, jnp.diag(spa_eigvalue)) \
           + jnp.matmul(tem_eigvec, jnp.diag(tem_eigvalue))
    Q = x_ @ qfc_w.T + qfc_b
    K = x_ @ kfc_w.T + kfc_b
    V = x_ @ vfc_w.T + vfc_b
    Qh = jnp.concatenate(jnp.split(Q, h, axis=-1), axis=0)
    Kh = jnp.concatenate(jnp.split(K, h, axis=-1), axis=0)
    K_sample = Kh[:, :, localadj, :]
    Q_K_sample = jnp.squeeze(
        jnp.matmul(Qh[..., None, :], jnp.swapaxes(K_sample, -2, -1)), axis=-2)
    M = jnp.squeeze(Q_K_sample @ proj_w.T + proj_b, axis=-1)
    M_top = _topk_idx(M.reshape(HEADS * B * T, N)).reshape(HEADS * B, T, S)

    mtop_bth = jnp.transpose(M_top.reshape(h, B, T, S),
                             (1, 2, 0, 3)).reshape(BT, h, S)
    mtl = jnp.repeat(jnp.swapaxes(mtop_bth, 1, 2), DIMS, axis=2)
    idx1 = mtop_bth.reshape(-1).astype(i32)
    idx2 = (mtop_bth + (jnp.arange(h, dtype=i32) * N)[None, :, None]
            ).reshape(-1).astype(i32)

    m1rows, m2rows = _sc_gather_masks(idx1, idx2, mask1, mask2_big)
    m1rows = m1rows.reshape(BT, h * S, N)
    m2rows = m2rows.reshape(BT, h * S, N)

    is1 = jnp.asarray(IsMask1, i32).reshape(1, 1)
    is2 = jnp.asarray(IsMask2, i32).reshape(1, 1)
    out = _attn_stage(Q.reshape(BT, N, D), K.reshape(BT, N, D),
                      V.reshape(BT, N, D), mtl, m1rows, m2rows, is1, is2,
                      ofc_w, ofc_b, ln_w, ln_b, ff_w, ff_b)
    return out.reshape(B, T, N, D)

# --- scband reference (transcript-rebuilt; emitter-appended) ---
"""Pipeline reference for scband-sparse-spatial-attention-7584912244771 (READ-ONLY COPY).

The authoritative reference and input builder live on the scoring server;
editing this copy changes nothing except your own understanding.
"""

import math
import jax
import jax.numpy as jnp
import numpy as np

HEADS = 8
DIMS = 16
SAMPLES = 2
N = 1024
B = 2
T = 12
LA_K = 16
D = HEADS * DIMS


def setup_inputs(seed: int = 0):
    key = jax.random.key(seed)
    ks = jax.random.split(key, 16)
    x = jax.random.normal(ks[0], (B, T, N, D), dtype=jnp.float32)
    spa_eigvalue = jax.random.normal(ks[1], (D,), dtype=jnp.float32)
    spa_eigvec = jax.random.normal(ks[2], (N, D), dtype=jnp.float32)
    tem_eigvalue = jax.random.normal(ks[3], (D,), dtype=jnp.float32)
    tem_eigvec = jax.random.normal(ks[4], (N, D), dtype=jnp.float32)
    localadj = jax.random.randint(ks[5], (N, LA_K), 0, N)
    mask1 = (jax.random.uniform(ks[6], (N, N)) > 0.3).astype(jnp.float32)
    rng = np.random.default_rng(0)
    mask2 = np.argsort(rng.standard_normal((N, N)), axis=-1).astype(np.int64)
    mask2_norm = mask2.astype(np.float32) / float(N - 1)
    mask2_head = np.zeros((HEADS, N, N), dtype=np.float32)
    for i in range(HEADS):
        topK_i = int(N * (i + 1) / HEADS)
        topK_i = max(1, min(N, topK_i))
        threshold = N - topK_i
        mask2_head[i] = mask2_norm * (mask2 >= threshold).astype(np.float32)
    mask2_big = jnp.asarray(mask2_head.reshape(-1, N))

    def lin(k, fo, fi):
        w = jax.random.normal(k, (fo, fi), dtype=jnp.float32) / np.sqrt(fi)
        b = jnp.zeros((fo,), dtype=jnp.float32)
        return w, b

    proj_w, proj_b = lin(ks[7], 1, LA_K)
    qfc_w, qfc_b = lin(ks[8], D, D)
    kfc_w, kfc_b = lin(ks[9], D, D)
    vfc_w, vfc_b = lin(ks[10], D, D)
    ofc_w, ofc_b = lin(ks[11], D, D)
    ff_w, ff_b = lin(ks[12], D, D)
    ln_w = jnp.ones((D,), dtype=jnp.float32)
    ln_b = jnp.zeros((D,), dtype=jnp.float32)
    return {"x": x, "spa_eigvalue": spa_eigvalue, "spa_eigvec": spa_eigvec,
            "tem_eigvalue": tem_eigvalue, "tem_eigvec": tem_eigvec,
            "IsMask1": 1, "IsMask2": 1, "localadj": localadj,
            "mask1": mask1, "mask2_big": mask2_big,
            "proj_w": proj_w, "proj_b": proj_b,
            "qfc_w": qfc_w, "qfc_b": qfc_b, "kfc_w": kfc_w, "kfc_b": kfc_b,
            "vfc_w": vfc_w, "vfc_b": vfc_b, "ofc_w": ofc_w, "ofc_b": ofc_b,
            "ln_w": ln_w, "ln_b": ln_b, "ff_w": ff_w, "ff_b": ff_b}


def reference(x, spa_eigvalue, spa_eigvec, tem_eigvalue, tem_eigvec,
              IsMask1, IsMask2, localadj, mask1, mask2_big,
              proj_w, proj_b, qfc_w, qfc_b, kfc_w, kfc_b, vfc_w, vfc_b,
              ofc_w, ofc_b, ln_w, ln_b, ff_w, ff_b):
    h = HEADS
    d = DIMS
    Bc, Tc, Nc, Dc = x.shape
    x_ = x + jnp.matmul(spa_eigvec, jnp.diag(spa_eigvalue)) \
           + jnp.matmul(tem_eigvec, jnp.diag(tem_eigvalue))
    Q = x_ @ qfc_w.T + qfc_b
    K = x_ @ kfc_w.T + kfc_b
    V = x_ @ vfc_w.T + vfc_b
    Q = jnp.concatenate(jnp.split(Q, h, axis=-1), axis=0)  # [BH,T,N,d]
    K = jnp.concatenate(jnp.split(K, h, axis=-1), axis=0)
    V = jnp.concatenate(jnp.split(V, h, axis=-1), axis=0)
    BH = Q.shape[0]
    # K_sample[b,t,n,j] = K[b,t,localadj[n,j]]  (gather over node axis)
    K_sample = K[:, :, localadj, :]  # [BH,T,N,LA_K,d]
    Q_K_sample = jnp.squeeze(jnp.matmul(Q[..., None, :], jnp.swapaxes(K_sample, -2, -1)), axis=-2)  # [BH,T,N,LA_K]
    M = jnp.squeeze(Q_K_sample @ proj_w.T + proj_b, axis=-1)  # [BH,T,N]
    Sampled_Nodes = int(SAMPLES * math.log(Nc, 2))
    _, M_top = jax.lax.top_k(M, Sampled_Nodes)  # [BH,T,S]
    Q_reduce = jnp.take_along_axis(Q, M_top[..., None], axis=2)  # [BH,T,S,d]
    Q_K = jnp.matmul(Q_reduce, jnp.swapaxes(K, -2, -1)) / (d ** 0.5)  # [BH,T,S,N]
    mask1_vals = mask1[M_top]  # [BH,T,S,N]
    head_ids = jnp.repeat(jnp.arange(h), BH // h)  # [BH]
    M_top_head = M_top + (head_ids * Nc)[:, None, None]
    mask2_vals = mask2_big[M_top_head]  # [BH,T,S,N]
    Q_K = jnp.where(IsMask1 != 0, Q_K * mask1_vals, Q_K)
    Q_K = jnp.where(IsMask2 != 0, Q_K * mask2_vals, Q_K)
    attn = jax.nn.softmax(Q_K, axis=-1)  # [BH,T,S,N]
    cp = jnp.argmax(attn, axis=-2)  # [BH,T,N]
    value = jnp.matmul(attn, V)  # [BH,T,S,d]
    value = jnp.take_along_axis(value, cp[..., None], axis=2)  # [BH,T,N,d]
    value = jnp.concatenate(jnp.split(value, h, axis=0), axis=-1)  # [B,T,N,D]
    value = value @ ofc_w.T + ofc_b
    mu = value.mean(axis=-1, keepdims=True)
    var = value.var(axis=-1, keepdims=True)
    value = (value - mu) / jnp.sqrt(var + 1e-5) * ln_w + ln_b
    return value @ ff_w.T + ff_b

if __name__ == "__main__":
    import jax
    _d = setup_inputs()
    print(jax.jit(kernel)(*tuple(_d.values())))

</pallas_src>

<mosaic_0001>
#map = affine_map<(d0, d1) -> (0)>
#map1 = affine_map<(d0, d1) -> (0, 0)>
module attributes {stable_mosaic.version = 14 : i64} {
  func.func @gather(%arg0: i32, %arg1: i32, %arg2: memref<3840xi32, #tpu.memory_space<hbm>>, %arg3: memref<3840xi32, #tpu.memory_space<hbm>>, %arg4: memref<1024x1024xf32, #tpu.memory_space<hbm>>, %arg5: memref<8192x1024xf32, #tpu.memory_space<hbm>>, %arg6: memref<3840x1024xf32, #tpu.memory_space<hbm>>, %arg7: memref<3840x1024xf32, #tpu.memory_space<hbm>>, %arg8: memref<24xi32, #tpu.memory_space<vmem>>, %arg9: memref<24x1024xf32, #tpu.memory_space<vmem>>, %arg10: memref<!tpu.dma_semaphore, #tpu.memory_space<semaphore_mem>>) attributes {dimension_semantics = [#tpu.dimension_semantics<core_parallel>, #tpu.dimension_semantics<subcore_parallel>], iteration_bounds = array<i64: 2, 16>, scalar_prefetch = 0 : i64, scratch_operands = 3 : i64, tpu.core_type = #tpu.core_type<sc_vector_subcore>, window_params = [{transform_indices = #map}, {transform_indices = #map}, {transform_indices = #map1}, {transform_indices = #map1}, {transform_indices = #map1}, {transform_indices = #map1}]} {
    %mul3A = arith.constant 2 : i32
    %mul3A_0 = arith.muli %arg1, %mul3A : i32
    %add3A = arith.addi %mul3A_0, %arg0 : i32
    %mul3A_1 = arith.constant 120 : i32
    %mul3A_2 = arith.muli %add3A, %mul3A_1 : i32
    %add3A_3 = arith.constant 0 : i32
    %add3A_4 = arith.addi %mul3A_2, %add3A_3 : i32
    "tpu.region"() ({
      %run_scoped3A = tpu.sem_alloc : memref<!tpu.dma_semaphore, #tpu.memory_space<semaphore_mem>>
      %dma_start3A_71 = tpu.memref_slice %arg2[%add3A_4] : memref<3840xi32, #tpu.memory_space<hbm>> -> memref<24xi32, #tpu.memory_space<hbm>>
      %dma_start3A_72 = tpu.memref_slice %arg2[%add3A_4] : memref<3840xi32, #tpu.memory_space<hbm>> -> memref<24xi32, #tpu.memory_space<hbm>>
      tpu.enqueue_dma source(%dma_start3A_72 : memref<24xi32, #tpu.memory_space<hbm>>) target(%arg8 : memref<24xi32, #tpu.memory_space<vmem>>) target_semaphore(%run_scoped3A : memref<!tpu.dma_semaphore, #tpu.memory_space<semaphore_mem>>)
      %dma_wait3A_73 = tpu.memref_slice %arg2[%add3A_4] : memref<3840xi32, #tpu.memory_space<hbm>> -> memref<24xi32, #tpu.memory_space<hbm>>
      %dma_wait3A_74 = tpu.memref_slice %arg2[%add3A_4] : memref<3840xi32, #tpu.memory_space<hbm>> -> memref<24xi32, #tpu.memory_space<hbm>>
      tpu.wait_dma2 semaphore(%run_scoped3A : memref<!tpu.dma_semaphore, #tpu.memory_space<semaphore_mem>>) src(%dma_wait3A_74 : memref<24xi32, #tpu.memory_space<hbm>>) dst(%arg8 : memref<24xi32, #tpu.memory_space<vmem>>)
      tpu.yield
    }) : () -> ()
    %dma_start3A = arith.constant 0 : i32
    %dma_start3A_5 = arith.constant 0 : i32
    %dma_start3A_6 = tpu.memref_slice %arg4[%dma_start3A, %dma_start3A_5] : memref<1024x1024xf32, #tpu.memory_space<hbm>> -> memref<1024x1024xf32, #tpu.memory_space<hbm>>
    tpu.enqueue_indirect_dma source(%dma_start3A_6 : memref<1024x1024xf32, #tpu.memory_space<hbm>>) target(%arg9 : memref<24x1024xf32, #tpu.memory_space<vmem>>) offsets(%arg8 : memref<24xi32, #tpu.memory_space<vmem>>) semaphore(%arg10 : memref<!tpu.dma_semaphore, #tpu.memory_space<semaphore_mem>>)
    %dma_wait3A = arith.constant 0 : i32
    %dma_wait3A_7 = arith.constant 0 : i32
    %dma_wait3A_8 = tpu.memref_slice %arg4[%dma_wait3A, %dma_wait3A_7] : memref<1024x1024xf32, #tpu.memory_space<hbm>> -> memref<1024x1024xf32, #tpu.memory_space<hbm>>
    tpu.wait_indirect_dma semaphore(%arg10 : memref<!tpu.dma_semaphore, #tpu.memory_space<semaphore_mem>>) src(%dma_wait3A_8 : memref<1024x1024xf32, #tpu.memory_space<hbm>>) dst(%arg9 : memref<24x1024xf32, #tpu.memory_space<vmem>>)
    "tpu.region"() ({
      %run_scoped3A = tpu.sem_alloc : memref<!tpu.dma_semaphore, #tpu.memory_space<semaphore_mem>>
      %dma_start3A_71 = arith.constant 0 : i32
      %dma_start3A_72 = tpu.memref_slice %arg6[%add3A_4, %dma_start3A_71] : memref<3840x1024xf32, #tpu.memory_space<hbm>> -> memref<24x1024xf32, #tpu.memory_space<hbm>>
      %dma_start3A_73 = arith.constant 0 : i32
      %dma_start3A_74 = tpu.memref_slice %arg6[%add3A_4, %dma_start3A_73] : memref<3840x1024xf32, #tpu.memory_space<hbm>> -> memref<24x1024xf32, #tpu.memory_space<hbm>>
      tpu.enqueue_dma source(%arg9 : memref<24x1024xf32, #tpu.memory_space<vmem>>) target(%dma_start3A_74 : memref<24x1024xf32, #tpu.memory_space<hbm>>) target_semaphore(%run_scoped3A : memref<!tpu.dma_semaphore, #tpu.memory_space<semaphore_mem>>)
      %dma_wait3A_75 = arith.constant 0 : i32
      %dma_wait3A_76 = tpu.memref_slice %arg6[%add3A_4, %dma_wait3A_75] : memref<3840x1024xf32, #tpu.memory_space<hbm>> -> memref<24x1024xf32, #tpu.memory_space<hbm>>
      %dma_wait3A_77 = arith.constant 0 : i32
      %dma_wait3A_78 = tpu.memref_slice %arg6[%add3A_4, %dma_wait3A_77] : memref<3840x1024xf32, #tpu.memory_space<hbm>> -> memref<24x1024xf32, #tpu.memory_space<hbm>>
      tpu.wait_dma2 semaphore(%run_scoped3A : memref<!tpu.dma_semaphore, #tpu.memory_space<semaphore_mem>>) src(%arg9 : memref<24x1024xf32, #tpu.memory_space<vmem>>) dst(%dma_wait3A_78 : memref<24x1024xf32, #tpu.memory_space<hbm>>)
      tpu.yield
    }) : () -> ()
    "tpu.region"() ({
      %run_scoped3A = tpu.sem_alloc : memref<!tpu.dma_semaphore, #tpu.memory_space<semaphore_mem>>
      %dma_start3A_71 = tpu.memref_slice %arg3[%add3A_4] : memref<3840xi32, #tpu.memory_space<hbm>> -> memref<24xi32, #tpu.memory_space<hbm>>
      %dma_start3A_72 = tpu.memref_slice %arg3[%add3A_4] : memref<3840xi32, #tpu.memory_space<hbm>> -> memref<24xi32, #tpu.memory_space<hbm>>
      tpu.enqueue_dma source(%dma_start3A_72 : memref<24xi32, #tpu.memory_space<hbm>>) target(%arg8 : memref<24xi32, #tpu.memory_space<vmem>>) target_semaphore(%run_scoped3A : memref<!tpu.dma_semaphore, #tpu.memory_space<semaphore_mem>>)
      %dma_wait3A_73 = tpu.memref_slice %arg3[%add3A_4] : memref<3840xi32, #tpu.memory_space<hbm>> -> memref<24xi32, #tpu.memory_space<hbm>>
      %dma_wait3A_74 = tpu.memref_slice %arg3[%add3A_4] : memref<3840xi32, #tpu.memory_space<hbm>> -> memref<24xi32, #tpu.memory_space<hbm>>
      tpu.wait_dma2 semaphore(%run_scoped3A : memref<!tpu.dma_semaphore, #tpu.memory_space<semaphore_mem>>) src(%dma_wait3A_74 : memref<24xi32, #tpu.memory_space<hbm>>) dst(%arg8 : memref<24xi32, #tpu.memory_space<vmem>>)
      tpu.yield
    }) : () -> ()
    %dma_start3A_9 = arith.constant 0 : i32
    %dma_start3A_10 = arith.constant 0 : i32
    %dma_start3A_11 = tpu.memref_slice %arg5[%dma_start3A_9, %dma_start3A_10] : memref<8192x1024xf32, #tpu.memory_space<hbm>> -> memref<8192x1024xf32, #tpu.memory_space<hbm>>
    tpu.enqueue_indirect_dma source(%dma_start3A_11 : memref<8192x1024xf32, #tpu.memory_space<hbm>>) target(%arg9 : memref<24x1024xf32, #tpu.memory_space<vmem>>) offsets(%arg8 : memref<24xi32, #tpu.memory_space<vmem>>) semaphore(%arg10 : memref<!tpu.dma_semaphore, #tpu.memory_space<semaphore_mem>>)
    %dma_wait3A_12 = arith.constant 0 : i32
    %dma_wait3A_13 = arith.constant 0 : i32
    %dma_wait3A_14 = tpu.memref_slice %arg5[%dma_wait3A_12, %dma_wait3A_13] : memref<8192x1024xf32, #tpu.memory_space<hbm>> -> memref<8192x1024xf32, #tpu.memory_space<hbm>>
    tpu.wait_indirect_dma semaphore(%arg10 : memref<!tpu.dma_semaphore, #tpu.memory_space<semaphore_mem>>) src(%dma_wait3A_14 : memref<8192x1024xf32, #tpu.memory_space<hbm>>) dst(%arg9 : memref<24x1024xf32, #tpu.memory_space<vmem>>)
    "tpu.region"() ({
      %run_scoped3A = tpu.sem_alloc : memref<!tpu.dma_semaphore, #tpu.memory_space<semaphore_mem>>
      %dma_start3A_71 = arith.constant 0 : i32
      %dma_start3A_72 = tpu.memref_slice %arg7[%add3A_4, %dma_start3A_71] : memref<3840x1024xf32, #tpu.memory_space<hbm>> -> memref<24x1024xf32, #tpu.memory_space<hbm>>
      %dma_start3A_73 = arith.constant 0 : i32
      %dma_start3A_74 = tpu.memref_slice %arg7[%add3A_4, %dma_start3A_73] : memref<3840x1024xf32, #tpu.memory_space<hbm>> -> memref<24x1024xf32, #tpu.memory_space<hbm>>
      tpu.enqueue_dma source(%arg9 : memref<24x1024xf32, #tpu.memory_space<vmem>>) target(%dma_start3A_74 : memref<24x1024xf32, #tpu.memory_space<hbm>>) target_semaphore(%run_scoped3A : memref<!tpu.dma_semaphore, #tpu.memory_space<semaphore_mem>>)
      %dma_wait3A_75 = arith.constant 0 : i32
      %dma_wait3A_76 = tpu.memref_slice %arg7[%add3A_4, %dma_wait3A_75] : memref<3840x1024xf32, #tpu.memory_space<hbm>> -> memref<24x1024xf32, #tpu.memory_space<hbm>>
      %dma_wait3A_77 = arith.constant 0 : i32
      %dma_wait3A_78 = tpu.memref_slice %arg7[%add3A_4, %dma_wait3A_77] : memref<3840x1024xf32, #tpu.memory_space<hbm>> -> memref<24x1024xf32, #tpu.memory_space<hbm>>
      tpu.wait_dma2 semaphore(%run_scoped3A : memref<!tpu.dma_semaphore, #tpu.memory_space<semaphore_mem>>) src(%arg9 : memref<24x1024xf32, #tpu.memory_space<vmem>>) dst(%dma_wait3A_78 : memref<24x1024xf32, #tpu.memory_space<hbm>>)
      tpu.yield
    }) : () -> ()
    %add3A_15 = arith.constant 24 : i32
    %add3A_16 = arith.addi %mul3A_2, %add3A_15 : i32
    "tpu.region"() ({
      %run_scoped3A = tpu.sem_alloc : memref<!tpu.dma_semaphore, #tpu.memory_space<semaphore_mem>>
      %dma_start3A_71 = tpu.memref_slice %arg2[%add3A_16] : memref<3840xi32, #tpu.memory_space<hbm>> -> memref<24xi32, #tpu.memory_space<hbm>>
      %dma_start3A_72 = tpu.memref_slice %arg2[%add3A_16] : memref<3840xi32, #tpu.memory_space<hbm>> -> memref<24xi32, #tpu.memory_space<hbm>>
      tpu.enqueue_dma source(%dma_start3A_72 : memref<24xi32, #tpu.memory_space<hbm>>) target(%arg8 : memref<24xi32, #tpu.memory_space<vmem>>) target_semaphore(%run_scoped3A : memref<!tpu.dma_semaphore, #tpu.memory_space<semaphore_mem>>)
      %dma_wait3A_73 = tpu.memref_slice %arg2[%add3A_16] : memref<3840xi32, #tpu.memory_space<hbm>> -> memref<24xi32, #tpu.memory_space<hbm>>
      %dma_wait3A_74 = tpu.memref_slice %arg2[%add3A_16] : memref<3840xi32, #tpu.memory_space<hbm>> -> memref<24xi32, #tpu.memory_space<hbm>>
      tpu.wait_dma2 semaphore(%run_scoped3A : memref<!tpu.dma_semaphore, #tpu.memory_space<semaphore_mem>>) src(%dma_wait3A_74 : memref<24xi32, #tpu.memory_space<hbm>>) dst(%arg8 : memref<24xi32, #tpu.memory_space<vmem>>)
      tpu.yield
    }) : () -> ()
    %dma_start3A_17 = arith.constant 0 : i32
    %dma_start3A_18 = arith.constant 0 : i32
    %dma_start3A_19 = tpu.memref_slice %arg4[%dma_start3A_17, %dma_start3A_18] : memref<1024x1024xf32, #tpu.memory_space<hbm>> -> memref<1024x1024xf32, #tpu.memory_space<hbm>>
    tpu.enqueue_indirect_dma source(%dma_start3A_19 : memref<1024x1024xf32, #tpu.memory_space<hbm>>) target(%arg9 : memref<24x1024xf32, #tpu.memory_space<vmem>>) offsets(%arg8 : memref<24xi32, #tpu.memory_space<vmem>>) semaphore(%arg10 : memref<!tpu.dma_semaphore, #tpu.memory_space<semaphore_mem>>)
    %dma_wait3A_20 = arith.constant 0 : i32
    %dma_wait3A_21 = arith.constant 0 : i32
    %dma_wait3A_22 = tpu.memref_slice %arg4[%dma_wait3A_20, %dma_wait3A_21] : memref<1024x1024xf32, #tpu.memory_space<hbm>> -> memref<1024x1024xf32, #tpu.memory_space<hbm>>
    tpu.wait_indirect_dma semaphore(%arg10 : memref<!tpu.dma_semaphore, #tpu.memory_space<semaphore_mem>>) src(%dma_wait3A_22 : memref<1024x1024xf32, #tpu.memory_space<hbm>>) dst(%arg9 : memref<24x1024xf32, #tpu.memory_space<vmem>>)
    "tpu.region"() ({
      %run_scoped3A = tpu.sem_alloc : memref<!tpu.dma_semaphore, #tpu.memory_space<semaphore_mem>>
      %dma_start3A_71 = arith.constant 0 : i32
      %dma_start3A_72 = tpu.memref_slice %arg6[%add3A_16, %dma_start3A_71] : memref<3840x1024xf32, #tpu.memory_space<hbm>> -> memref<24x1024xf32, #tpu.memory_space<hbm>>
      %dma_start3A_73 = arith.constant 0 : i32
      %dma_start3A_74 = tpu.memref_slice %arg6[%add3A_16, %dma_start3A_73] : memref<3840x1024xf32, #tpu.memory_space<hbm>> -> memref<24x1024xf32, #tpu.memory_space<hbm>>
      tpu.enqueue_dma source(%arg9 : memref<24x1024xf32, #tpu.memory_space<vmem>>) target(%dma_start3A_74 : memref<24x1024xf32, #tpu.memory_space<hbm>>) target_semaphore(%run_scoped3A : memref<!tpu.dma_semaphore, #tpu.memory_space<semaphore_mem>>)
      %dma_wait3A_75 = arith.constant 0 : i32
      %dma_wait3A_76 = tpu.memref_slice %arg6[%add3A_16, %dma_wait3A_75] : memref<3840x1024xf32, #tpu.memory_space<hbm>> -> memref<24x1024xf32, #tpu.memory_space<hbm>>
      %dma_wait3A_77 = arith.constant 0 : i32
      %dma_wait3A_78 = tpu.memref_slice %arg6[%add3A_16, %dma_wait3A_77] : memref<3840x1024xf32, #tpu.memory_space<hbm>> -> memref<24x1024xf32, #tpu.memory_space<hbm>>
      tpu.wait_dma2 semaphore(%run_scoped3A : memref<!tpu.dma_semaphore, #tpu.memory_space<semaphore_mem>>) src(%arg9 : memref<24x1024xf32, #tpu.memory_space<vmem>>) dst(%dma_wait3A_78 : memref<24x1024xf32, #tpu.memory_space<hbm>>)
      tpu.yield
    }) : () -> ()
    "tpu.region"() ({
      %run_scoped3A = tpu.sem_alloc : memref<!tpu.dma_semaphore, #tpu.memory_space<semaphore_mem>>
      %dma_start3A_71 = tpu.memref_slice %arg3[%add3A_16] : memref<3840xi32, #tpu.memory_space<hbm>> -> memref<24xi32, #tpu.memory_space<hbm>>
      %dma_start3A_72 = tpu.memref_slice %arg3[%add3A_16] : memref<3840xi32, #tpu.memory_space<hbm>> -> memref<24xi32, #tpu.memory_space<hbm>>
      tpu.enqueue_dma source(%dma_start3A_72 : memref<24xi32, #tpu.memory_space<hbm>>) target(%arg8 : memref<24xi32, #tpu.memory_space<vmem>>) target_semaphore(%run_scoped3A : memref<!tpu.dma_semaphore, #tpu.memory_space<semaphore_mem>>)
      %dma_wait3A_73 = tpu.memref_slice %arg3[%add3A_16] : memref<3840xi32, #tpu.memory_space<hbm>> -> memref<24xi32, #tpu.memory_space<hbm>>
      %dma_wait3A_74 = tpu.memref_slice %arg3[%add3A_16] : memref<3840xi32, #tpu.memory_space<hbm>> -> memref<24xi32, #tpu.memory_space<hbm>>
      tpu.wait_dma2 semaphore(%run_scoped3A : memref<!tpu.dma_semaphore, #tpu.memory_space<semaphore_mem>>) src(%dma_wait3A_74 : memref<24xi32, #tpu.memory_space<hbm>>) dst(%arg8 : memref<24xi32, #tpu.memory_space<vmem>>)
      tpu.yield
    }) : () -> ()
    %dma_start3A_23 = arith.constant 0 : i32
    %dma_start3A_24 = arith.constant 0 : i32
    %dma_start3A_25 = tpu.memref_slice %arg5[%dma_start3A_23, %dma_start3A_24] : memref<8192x1024xf32, #tpu.memory_space<hbm>> -> memref<8192x1024xf32, #tpu.memory_space<hbm>>
    tpu.enqueue_indirect_dma source(%dma_start3A_25 : memref<8192x1024xf32, #tpu.memory_space<hbm>>) target(%arg9 : memref<24x1024xf32, #tpu.memory_space<vmem>>) offsets(%arg8 : memref<24xi32, #tpu.memory_space<vmem>>) semaphore(%arg10 : memref<!tpu.dma_semaphore, #tpu.memory_space<semaphore_mem>>)
    %dma_wait3A_26 = arith.constant 0 : i32
    %dma_wait3A_27 = arith.constant 0 : i32
    %dma_wait3A_28 = tpu.memref_slice %arg5[%dma_wait3A_26, %dma_wait3A_27] : memref<8192x1024xf32, #tpu.memory_space<hbm>> -> memref<8192x1024xf32, #tpu.memory_space<hbm>>
    tpu.wait_indirect_dma semaphore(%arg10 : memref<!tpu.dma_semaphore, #tpu.memory_space<semaphore_mem>>) src(%dma_wait3A_28 : memref<8192x1024xf32, #tpu.memory_space<hbm>>) dst(%arg9 : memref<24x1024xf32, #tpu.memory_space<vmem>>)
    "tpu.region"() ({
      %run_scoped3A = tpu.sem_alloc : memref<!tpu.dma_semaphore, #tpu.memory_space<semaphore_mem>>
      %dma_start3A_71 = arith.constant 0 : i32
      %dma_start3A_72 = tpu.memref_slice %arg7[%add3A_16, %dma_start3A_71] : memref<3840x1024xf32, #tpu.memory_space<hbm>> -> memref<24x1024xf32, #tpu.memory_space<hbm>>
      %dma_start3A_73 = arith.constant 0 : i32
      %dma_start3A_74 = tpu.memref_slice %arg7[%add3A_16, %dma_start3A_73] : memref<3840x1024xf32, #tpu.memory_space<hbm>> -> memref<24x1024xf32, #tpu.memory_space<hbm>>
      tpu.enqueue_dma source(%arg9 : memref<24x1024xf32, #tpu.memory_space<vmem>>) target(%dma_start3A_74 : memref<24x1024xf32, #tpu.memory_space<hbm>>) target_semaphore(%run_scoped3A : memref<!tpu.dma_semaphore, #tpu.memory_space<semaphore_mem>>)
      %dma_wait3A_75 = arith.constant 0 : i32
      %dma_wait3A_76 = tpu.memref_slice %arg7[%add3A_16, %dma_wait3A_75] : memref<3840x1024xf32, #tpu.memory_space<hbm>> -> memref<24x1024xf32, #tpu.memory_space<hbm>>
      %dma_wait3A_77 = arith.constant 0 : i32
      %dma_wait3A_78 = tpu.memref_slice %arg7[%add3A_16, %dma_wait3A_77] : memref<3840x1024xf32, #tpu.memory_space<hbm>> -> memref<24x1024xf32, #tpu.memory_space<hbm>>
      tpu.wait_dma2 semaphore(%run_scoped3A : memref<!tpu.dma_semaphore, #tpu.memory_space<semaphore_mem>>) src(%arg9 : memref<24x1024xf32, #tpu.memory_space<vmem>>) dst(%dma_wait3A_78 : memref<24x1024xf32, #tpu.memory_space<hbm>>)
      tpu.yield
    }) : () -> ()
    %add3A_29 = arith.constant 48 : i32
    %add3A_30 = arith.addi %mul3A_2, %add3A_29 : i32
    "tpu.region"() ({
      %run_scoped3A = tpu.sem_alloc : memref<!tpu.dma_semaphore, #tpu.memory_space<semaphore_mem>>
      %dma_start3A_71 = tpu.memref_slice %arg2[%add3A_30] : memref<3840xi32, #tpu.memory_space<hbm>> -> memref<24xi32, #tpu.memory_space<hbm>>
      %dma_start3A_72 = tpu.memref_slice %arg2[%add3A_30] : memref<3840xi32, #tpu.memory_space<hbm>> -> memref<24xi32, #tpu.memory_space<hbm>>
      tpu.enqueue_dma source(%dma_start3A_72 : memref<24xi32, #tpu.memory_space<hbm>>) target(%arg8 : memref<24xi32, #tpu.memory_space<vmem>>) target_semaphore(%run_scoped3A : memref<!tpu.dma_semaphore, #tpu.memory_space<semaphore_mem>>)
      %dma_wait3A_73 = tpu.memref_slice %arg2[%add3A_30] : memref<3840xi32, #tpu.memory_space<hbm>> -> memref<24xi32, #tpu.memory_space<hbm>>
      %dma_wait3A_74 = tpu.memref_slice %arg2[%add3A_30] : memref<3840xi32, #tpu.memory_space<hbm>> -> memref<24xi32, #tpu.memory_space<hbm>>
      tpu.wait_dma2 semaphore(%run_scoped3A : memref<!tpu.dma_semaphore, #tpu.memory_space<semaphore_mem>>) src(%dma_wait3A_74 : memref<24xi32, #tpu.memory_space<hbm>>) dst(%arg8 : memref<24xi32, #tpu.memory_space<vmem>>)
      tpu.yield
    }) : () -> ()
    %dma_start3A_31 = arith.constant 0 : i32
    %dma_start3A_32 = arith.constant 0 : i32
    %dma_start3A_33 = tpu.memref_slice %arg4[%dma_start3A_31, %dma_start3A_32] : memref<1024x1024xf32, #tpu.memory_space<hbm>> -> memref<1024x1024xf32, #tpu.memory_space<hbm>>
    tpu.enqueue_indirect_dma source(%dma_start3A_33 : memref<1024x1024xf32, #tpu.memory_space<hbm>>) target(%arg9 : memref<24x1024xf32, #tpu.memory_space<vmem>>) offsets(%arg8 : memref<24xi32, #tpu.memory_space<vmem>>) semaphore(%arg10 : memref<!tpu.dma_semaphore, #tpu.memory_space<semaphore_mem>>)
    %dma_wait3A_34 = arith.constant 0 : i32
    %dma_wait3A_35 = arith.constant 0 : i32
    %dma_wait3A_36 = tpu.memref_slice %arg4[%dma_wait3A_34, %dma_wait3A_35] : memref<1024x1024xf32, #tpu.memory_space<hbm>> -> memref<1024x1024xf32, #tpu.memory_space<hbm>>
    tpu.wait_indirect_dma semaphore(%arg10 : memref<!tpu.dma_semaphore, #tpu.memory_space<semaphore_mem>>) src(%dma_wait3A_36 : memref<1024x1024xf32, #tpu.memory_space<hbm>>) dst(%arg9 : memref<24x1024xf32, #tpu.memory_space<vmem>>)
    "tpu.region"() ({
      %run_scoped3A = tpu.sem_alloc : memref<!tpu.dma_semaphore, #tpu.memory_space<semaphore_mem>>
      %dma_start3A_71 = arith.constant 0 : i32
      %dma_start3A_72 = tpu.memref_slice %arg6[%add3A_30, %dma_start3A_71] : memref<3840x1024xf32, #tpu.memory_space<hbm>> -> memref<24x1024xf32, #tpu.memory_space<hbm>>
      %dma_start3A_73 = arith.constant 0 : i32
      %dma_start3A_74 = tpu.memref_slice %arg6[%add3A_30, %dma_start3A_73] : memref<3840x1024xf32, #tpu.memory_space<hbm>> -> memref<24x1024xf32, #tpu.memory_space<hbm>>
      tpu.enqueue_dma source(%arg9 : memref<24x1024xf32, #tpu.memory_space<vmem>>) target(%dma_start3A_74 : memref<24x1024xf32, #tpu.memory_space<hbm>>) target_semaphore(%run_scoped3A : memref<!tpu.dma_semaphore, #tpu.memory_space<semaphore_mem>>)
      %dma_wait3A_75 = arith.constant 0 : i32
      %dma_wait3A_76 = tpu.memref_slice %arg6[%add3A_30, %dma_wait3A_75] : memref<3840x1024xf32, #tpu.memory_space<hbm>> -> memref<24x1024xf32, #tpu.memory_space<hbm>>
      %dma_wait3A_77 = arith.constant 0 : i32
      %dma_wait3A_78 = tpu.memref_slice %arg6[%add3A_30, %dma_wait3A_77] : memref<3840x1024xf32, #tpu.memory_space<hbm>> -> memref<24x1024xf32, #tpu.memory_space<hbm>>
      tpu.wait_dma2 semaphore(%run_scoped3A : memref<!tpu.dma_semaphore, #tpu.memory_space<semaphore_mem>>) src(%arg9 : memref<24x1024xf32, #tpu.memory_space<vmem>>) dst(%dma_wait3A_78 : memref<24x1024xf32, #tpu.memory_space<hbm>>)
      tpu.yield
    }) : () -> ()
    "tpu.region"() ({
      %run_scoped3A = tpu.sem_alloc : memref<!tpu.dma_semaphore, #tpu.memory_space<semaphore_mem>>
      %dma_start3A_71 = tpu.memref_slice %arg3[%add3A_30] : memref<3840xi32, #tpu.memory_space<hbm>> -> memref<24xi32, #tpu.memory_space<hbm>>
      %dma_start3A_72 = tpu.memref_slice %arg3[%add3A_30] : memref<3840xi32, #tpu.memory_space<hbm>> -> memref<24xi32, #tpu.memory_space<hbm>>
      tpu.enqueue_dma source(%dma_start3A_72 : memref<24xi32, #tpu.memory_space<hbm>>) target(%arg8 : memref<24xi32, #tpu.memory_space<vmem>>) target_semaphore(%run_scoped3A : memref<!tpu.dma_semaphore, #tpu.memory_space<semaphore_mem>>)
      %dma_wait3A_73 = tpu.memref_slice %arg3[%add3A_30] : memref<3840xi32, #tpu.memory_space<hbm>> -> memref<24xi32, #tpu.memory_space<hbm>>
      %dma_wait3A_74 = tpu.memref_slice %arg3[%add3A_30] : memref<3840xi32, #tpu.memory_space<hbm>> -> memref<24xi32, #tpu.memory_space<hbm>>
      tpu.wait_dma2 semaphore(%run_scoped3A : memref<!tpu.dma_semaphore, #tpu.memory_space<semaphore_mem>>) src(%dma_wait3A_74 : memref<24xi32, #tpu.memory_space<hbm>>) dst(%arg8 : memref<24xi32, #tpu.memory_space<vmem>>)
      tpu.yield
    }) : () -> ()
    %dma_start3A_37 = arith.constant 0 : i32
    %dma_start3A_38 = arith.constant 0 : i32
    %dma_start3A_39 = tpu.memref_slice %arg5[%dma_start3A_37, %dma_start3A_38] : memref<8192x1024xf32, #tpu.memory_space<hbm>> -> memref<8192x1024xf32, #tpu.memory_space<hbm>>
    tpu.enqueue_indirect_dma source(%dma_start3A_39 : memref<8192x1024xf32, #tpu.memory_space<hbm>>) target(%arg9 : memref<24x1024xf32, #tpu.memory_space<vmem>>) offsets(%arg8 : memref<24xi32, #tpu.memory_space<vmem>>) semaphore(%arg10 : memref<!tpu.dma_semaphore, #tpu.memory_space<semaphore_mem>>)
    %dma_wait3A_40 = arith.constant 0 : i32
    %dma_wait3A_41 = arith.constant 0 : i32
    %dma_wait3A_42 = tpu.memref_slice %arg5[%dma_wait3A_40, %dma_wait3A_41] : memref<8192x1024xf32, #tpu.memory_space<hbm>> -> memref<8192x1024xf32, #tpu.memory_space<hbm>>
    tpu.wait_indirect_dma semaphore(%arg10 : memref<!tpu.dma_semaphore, #tpu.memory_space<semaphore_mem>>) src(%dma_wait3A_42 : memref<8192x1024xf32, #tpu.memory_space<hbm>>) dst(%arg9 : memref<24x1024xf32, #tpu.memory_space<vmem>>)
    "tpu.region"() ({
      %run_scoped3A = tpu.sem_alloc : memref<!tpu.dma_semaphore, #tpu.memory_space<semaphore_mem>>
      %dma_start3A_71 = arith.constant 0 : i32
      %dma_start3A_72 = tpu.memref_slice %arg7[%add3A_30, %dma_start3A_71] : memref<3840x1024xf32, #tpu.memory_space<hbm>> -> memref<24x1024xf32, #tpu.memory_space<hbm>>
      %dma_start3A_73 = arith.constant 0 : i32
      %dma_start3A_74 = tpu.memref_slice %arg7[%add3A_30, %dma_start3A_73] : memref<3840x1024xf32, #tpu.memory_space<hbm>> -> memref<24x1024xf32, #tpu.memory_space<hbm>>
      tpu.enqueue_dma source(%arg9 : memref<24x1024xf32, #tpu.memory_space<vmem>>) target(%dma_start3A_74 : memref<24x1024xf32, #tpu.memory_space<hbm>>) target_semaphore(%run_scoped3A : memref<!tpu.dma_semaphore, #tpu.memory_space<semaphore_mem>>)
      %dma_wait3A_75 = arith.constant 0 : i32
      %dma_wait3A_76 = tpu.memref_slice %arg7[%add3A_30, %dma_wait3A_75] : memref<3840x1024xf32, #tpu.memory_space<hbm>> -> memref<24x1024xf32, #tpu.memory_space<hbm>>
      %dma_wait3A_77 = arith.constant 0 : i32
      %dma_wait3A_78 = tpu.memref_slice %arg7[%add3A_30, %dma_wait3A_77] : memref<3840x1024xf32, #tpu.memory_space<hbm>> -> memref<24x1024xf32, #tpu.memory_space<hbm>>
      tpu.wait_dma2 semaphore(%run_scoped3A : memref<!tpu.dma_semaphore, #tpu.memory_space<semaphore_mem>>) src(%arg9 : memref<24x1024xf32, #tpu.memory_space<vmem>>) dst(%dma_wait3A_78 : memref<24x1024xf32, #tpu.memory_space<hbm>>)
      tpu.yield
    }) : () -> ()
    %add3A_43 = arith.constant 72 : i32
    %add3A_44 = arith.addi %mul3A_2, %add3A_43 : i32
    "tpu.region"() ({
      %run_scoped3A = tpu.sem_alloc : memref<!tpu.dma_semaphore, #tpu.memory_space<semaphore_mem>>
      %dma_start3A_71 = tpu.memref_slice %arg2[%add3A_44] : memref<3840xi32, #tpu.memory_space<hbm>> -> memref<24xi32, #tpu.memory_space<hbm>>
      %dma_start3A_72 = tpu.memref_slice %arg2[%add3A_44] : memref<3840xi32, #tpu.memory_space<hbm>> -> memref<24xi32, #tpu.memory_space<hbm>>
      tpu.enqueue_dma source(%dma_start3A_72 : memref<24xi32, #tpu.memory_space<hbm>>) target(%arg8 : memref<24xi32, #tpu.memory_space<vmem>>) target_semaphore(%run_scoped3A : memref<!tpu.dma_semaphore, #tpu.memory_space<semaphore_mem>>)
      %dma_wait3A_73 = tpu.memref_slice %arg2[%add3A_44] : memref<3840xi32, #tpu.memory_space<hbm>> -> memref<24xi32, #tpu.memory_space<hbm>>
      %dma_wait3A_74 = tpu.memref_slice %arg2[%add3A_44] : memref<3840xi32, #tpu.memory_space<hbm>> -> memref<24xi32, #tpu.memory_space<hbm>>
      tpu.wait_dma2 semaphore(%run_scoped3A : memref<!tpu.dma_semaphore, #tpu.memory_space<semaphore_mem>>) src(%dma_wait3A_74 : memref<24xi32, #tpu.memory_space<hbm>>) dst(%arg8 : memref<24xi32, #tpu.memory_space<vmem>>)
      tpu.yield
    }) : () -> ()
    %dma_start3A_45 = arith.constant 0 : i32
    %dma_start3A_46 = arith.constant 0 : i32
    %dma_start3A_47 = tpu.memref_slice %arg4[%dma_start3A_45, %dma_start3A_46] : memref<1024x1024xf32, #tpu.memory_space<hbm>> -> memref<1024x1024xf32, #tpu.memory_space<hbm>>
    tpu.enqueue_indirect_dma source(%dma_start3A_47 : memref<1024x1024xf32, #tpu.memory_space<hbm>>) target(%arg9 : memref<24x1024xf32, #tpu.memory_space<vmem>>) offsets(%arg8 : memref<24xi32, #tpu.memory_space<vmem>>) semaphore(%arg10 : memref<!tpu.dma_semaphore, #tpu.memory_space<semaphore_mem>>)
    %dma_wait3A_48 = arith.constant 0 : i32
    %dma_wait3A_49 = arith.constant 0 : i32
    %dma_wait3A_50 = tpu.memref_slice %arg4[%dma_wait3A_48, %dma_wait3A_49] : memref<1024x1024xf32, #tpu.memory_space<hbm>> -> memref<1024x1024xf32, #tpu.memory_space<hbm>>
    tpu.wait_indirect_dma semaphore(%arg10 : memref<!tpu.dma_semaphore, #tpu.memory_space<semaphore_mem>>) src(%dma_wait3A_50 : memref<1024x1024xf32, #tpu.memory_space<hbm>>) dst(%arg9 : memref<24x1024xf32, #tpu.memory_space<vmem>>)
    "tpu.region"() ({
      %run_scoped3A = tpu.sem_alloc : memref<!tpu.dma_semaphore, #tpu.memory_space<semaphore_mem>>
      %dma_start3A_71 = arith.constant 0 : i32
      %dma_start3A_72 = tpu.memref_slice %arg6[%add3A_44, %dma_start3A_71] : memref<3840x1024xf32, #tpu.memory_space<hbm>> -> memref<24x1024xf32, #tpu.memory_space<hbm>>
      %dma_start3A_73 = arith.constant 0 : i32
      %dma_start3A_74 = tpu.memref_slice %arg6[%add3A_44, %dma_start3A_73] : memref<3840x1024xf32, #tpu.memory_space<hbm>> -> memref<24x1024xf32, #tpu.memory_space<hbm>>
      tpu.enqueue_dma source(%arg9 : memref<24x1024xf32, #tpu.memory_space<vmem>>) target(%dma_start3A_74 : memref<24x1024xf32, #tpu.memory_space<hbm>>) target_semaphore(%run_scoped3A : memref<!tpu.dma_semaphore, #tpu.memory_space<semaphore_mem>>)
      %dma_wait3A_75 = arith.constant 0 : i32
      %dma_wait3A_76 = tpu.memref_slice %arg6[%add3A_44, %dma_wait3A_75] : memref<3840x1024xf32, #tpu.memory_space<hbm>> -> memref<24x1024xf32, #tpu.memory_space<hbm>>
      %dma_wait3A_77 = arith.constant 0 : i32
      %dma_wait3A_78 = tpu.memref_slice %arg6[%add3A_44, %dma_wait3A_77] : memref<3840x1024xf32, #tpu.memory_space<hbm>> -> memref<24x1024xf32, #tpu.memory_space<hbm>>
      tpu.wait_dma2 semaphore(%run_scoped3A : memref<!tpu.dma_semaphore, #tpu.memory_space<semaphore_mem>>) src(%arg9 : memref<24x1024xf32, #tpu.memory_space<vmem>>) dst(%dma_wait3A_78 : memref<24x1024xf32, #tpu.memory_space<hbm>>)
      tpu.yield
    }) : () -> ()
    "tpu.region"() ({
      %run_scoped3A = tpu.sem_alloc : memref<!tpu.dma_semaphore, #tpu.memory_space<semaphore_mem>>
      %dma_start3A_71 = tpu.memref_slice %arg3[%add3A_44] : memref<3840xi32, #tpu.memory_space<hbm>> -> memref<24xi32, #tpu.memory_space<hbm>>
      %dma_start3A_72 = tpu.memref_slice %arg3[%add3A_44] : memref<3840xi32, #tpu.memory_space<hbm>> -> memref<24xi32, #tpu.memory_space<hbm>>
      tpu.enqueue_dma source(%dma_start3A_72 : memref<24xi32, #tpu.memory_space<hbm>>) target(%arg8 : memref<24xi32, #tpu.memory_space<vmem>>) target_semaphore(%run_scoped3A : memref<!tpu.dma_semaphore, #tpu.memory_space<semaphore_mem>>)
      %dma_wait3A_73 = tpu.memref_slice %arg3[%add3A_44] : memref<3840xi32, #tpu.memory_space<hbm>> -> memref<24xi32, #tpu.memory_space<hbm>>
      %dma_wait3A_74 = tpu.memref_slice %arg3[%add3A_44] : memref<3840xi32, #tpu.memory_space<hbm>> -> memref<24xi32, #tpu.memory_space<hbm>>
      tpu.wait_dma2 semaphore(%run_scoped3A : memref<!tpu.dma_semaphore, #tpu.memory_space<semaphore_mem>>) src(%dma_wait3A_74 : memref<24xi32, #tpu.memory_space<hbm>>) dst(%arg8 : memref<24xi32, #tpu.memory_space<vmem>>)
      tpu.yield
    }) : () -> ()
    %dma_start3A_51 = arith.constant 0 : i32
    %dma_start3A_52 = arith.constant 0 : i32
    %dma_start3A_53 = tpu.memref_slice %arg5[%dma_start3A_51, %dma_start3A_52] : memref<8192x1024xf32, #tpu.memory_space<hbm>> -> memref<8192x1024xf32, #tpu.memory_space<hbm>>
    tpu.enqueue_indirect_dma source(%dma_start3A_53 : memref<8192x1024xf32, #tpu.memory_space<hbm>>) target(%arg9 : memref<24x1024xf32, #tpu.memory_space<vmem>>) offsets(%arg8 : memref<24xi32, #tpu.memory_space<vmem>>) semaphore(%arg10 : memref<!tpu.dma_semaphore, #tpu.memory_space<semaphore_mem>>)
    %dma_wait3A_54 = arith.constant 0 : i32
    %dma_wait3A_55 = arith.constant 0 : i32
    %dma_wait3A_56 = tpu.memref_slice %arg5[%dma_wait3A_54, %dma_wait3A_55] : memref<8192x1024xf32, #tpu.memory_space<hbm>> -> memref<8192x1024xf32, #tpu.memory_space<hbm>>
    tpu.wait_indirect_dma semaphore(%arg10 : memref<!tpu.dma_semaphore, #tpu.memory_space<semaphore_mem>>) src(%dma_wait3A_56 : memref<8192x1024xf32, #tpu.memory_space<hbm>>) dst(%arg9 : memref<24x1024xf32, #tpu.memory_space<vmem>>)
    "tpu.region"() ({
      %run_scoped3A = tpu.sem_alloc : memref<!tpu.dma_semaphore, #tpu.memory_space<semaphore_mem>>
      %dma_start3A_71 = arith.constant 0 : i32
      %dma_start3A_72 = tpu.memref_slice %arg7[%add3A_44, %dma_start3A_71] : memref<3840x1024xf32, #tpu.memory_space<hbm>> -> memref<24x1024xf32, #tpu.memory_space<hbm>>
      %dma_start3A_73 = arith.constant 0 : i32
      %dma_start3A_74 = tpu.memref_slice %arg7[%add3A_44, %dma_start3A_73] : memref<3840x1024xf32, #tpu.memory_space<hbm>> -> memref<24x1024xf32, #tpu.memory_space<hbm>>
      tpu.enqueue_dma source(%arg9 : memref<24x1024xf32, #tpu.memory_space<vmem>>) target(%dma_start3A_74 : memref<24x1024xf32, #tpu.memory_space<hbm>>) target_semaphore(%run_scoped3A : memref<!tpu.dma_semaphore, #tpu.memory_space<semaphore_mem>>)
      %dma_wait3A_75 = arith.constant 0 : i32
      %dma_wait3A_76 = tpu.memref_slice %arg7[%add3A_44, %dma_wait3A_75] : memref<3840x1024xf32, #tpu.memory_space<hbm>> -> memref<24x1024xf32, #tpu.memory_space<hbm>>
      %dma_wait3A_77 = arith.constant 0 : i32
      %dma_wait3A_78 = tpu.memref_slice %arg7[%add3A_44, %dma_wait3A_77] : memref<3840x1024xf32, #tpu.memory_space<hbm>> -> memref<24x1024xf32, #tpu.memory_space<hbm>>
      tpu.wait_dma2 semaphore(%run_scoped3A : memref<!tpu.dma_semaphore, #tpu.memory_space<semaphore_mem>>) src(%arg9 : memref<24x1024xf32, #tpu.memory_space<vmem>>) dst(%dma_wait3A_78 : memref<24x1024xf32, #tpu.memory_space<hbm>>)
      tpu.yield
    }) : () -> ()
    %add3A_57 = arith.constant 96 : i32
    %add3A_58 = arith.addi %mul3A_2, %add3A_57 : i32
    "tpu.region"() ({
      %run_scoped3A = tpu.sem_alloc : memref<!tpu.dma_semaphore, #tpu.memory_space<semaphore_mem>>
      %dma_start3A_71 = tpu.memref_slice %arg2[%add3A_58] : memref<3840xi32, #tpu.memory_space<hbm>> -> memref<24xi32, #tpu.memory_space<hbm>>
      %dma_start3A_72 = tpu.memref_slice %arg2[%add3A_58] : memref<3840xi32, #tpu.memory_space<hbm>> -> memref<24xi32, #tpu.memory_space<hbm>>
      tpu.enqueue_dma source(%dma_start3A_72 : memref<24xi32, #tpu.memory_space<hbm>>) target(%arg8 : memref<24xi32, #tpu.memory_space<vmem>>) target_semaphore(%run_scoped3A : memref<!tpu.dma_semaphore, #tpu.memory_space<semaphore_mem>>)
      %dma_wait3A_73 = tpu.memref_slice %arg2[%add3A_58] : memref<3840xi32, #tpu.memory_space<hbm>> -> memref<24xi32, #tpu.memory_space<hbm>>
      %dma_wait3A_74 = tpu.memref_slice %arg2[%add3A_58] : memref<3840xi32, #tpu.memory_space<hbm>> -> memref<24xi32, #tpu.memory_space<hbm>>
      tpu.wait_dma2 semaphore(%run_scoped3A : memref<!tpu.dma_semaphore, #tpu.memory_space<semaphore_mem>>) src(%dma_wait3A_74 : memref<24xi32, #tpu.memory_space<hbm>>) dst(%arg8 : memref<24xi32, #tpu.memory_space<vmem>>)
      tpu.yield
    }) : () -> ()
    %dma_start3A_59 = arith.constant 0 : i32
    %dma_start3A_60 = arith.constant 0 : i32
    %dma_start3A_61 = tpu.memref_slice %arg4[%dma_start3A_59, %dma_start3A_60] : memref<1024x1024xf32, #tpu.memory_space<hbm>> -> memref<1024x1024xf32, #tpu.memory_space<hbm>>
    tpu.enqueue_indirect_dma source(%dma_start3A_61 : memref<1024x1024xf32, #tpu.memory_space<hbm>>) target(%arg9 : memref<24x1024xf32, #tpu.memory_space<vmem>>) offsets(%arg8 : memref<24xi32, #tpu.memory_space<vmem>>) semaphore(%arg10 : memref<!tpu.dma_semaphore, #tpu.memory_space<semaphore_mem>>)
    %dma_wait3A_62 = arith.constant 0 : i32
    %dma_wait3A_63 = arith.constant 0 : i32
    %dma_wait3A_64 = tpu.memref_slice %arg4[%dma_wait3A_62, %dma_wait3A_63] : memref<1024x1024xf32, #tpu.memory_space<hbm>> -> memref<1024x1024xf32, #tpu.memory_space<hbm>>
    tpu.wait_indirect_dma semaphore(%arg10 : memref<!tpu.dma_semaphore, #tpu.memory_space<semaphore_mem>>) src(%dma_wait3A_64 : memref<1024x1024xf32, #tpu.memory_space<hbm>>) dst(%arg9 : memref<24x1024xf32, #tpu.memory_space<vmem>>)
    "tpu.region"() ({
      %run_scoped3A = tpu.sem_alloc : memref<!tpu.dma_semaphore, #tpu.memory_space<semaphore_mem>>
      %dma_start3A_71 = arith.constant 0 : i32
      %dma_start3A_72 = tpu.memref_slice %arg6[%add3A_58, %dma_start3A_71] : memref<3840x1024xf32, #tpu.memory_space<hbm>> -> memref<24x1024xf32, #tpu.memory_space<hbm>>
      %dma_start3A_73 = arith.constant 0 : i32
      %dma_start3A_74 = tpu.memref_slice %arg6[%add3A_58, %dma_start3A_73] : memref<3840x1024xf32, #tpu.memory_space<hbm>> -> memref<24x1024xf32, #tpu.memory_space<hbm>>
      tpu.enqueue_dma source(%arg9 : memref<24x1024xf32, #tpu.memory_space<vmem>>) target(%dma_start3A_74 : memref<24x1024xf32, #tpu.memory_space<hbm>>) target_semaphore(%run_scoped3A : memref<!tpu.dma_semaphore, #tpu.memory_space<semaphore_mem>>)
      %dma_wait3A_75 = arith.constant 0 : i32
      %dma_wait3A_76 = tpu.memref_slice %arg6[%add3A_58, %dma_wait3A_75] : memref<3840x1024xf32, #tpu.memory_space<hbm>> -> memref<24x1024xf32, #tpu.memory_space<hbm>>
      %dma_wait3A_77 = arith.constant 0 : i32
      %dma_wait3A_78 = tpu.memref_slice %arg6[%add3A_58, %dma_wait3A_77] : memref<3840x1024xf32, #tpu.memory_space<hbm>> -> memref<24x1024xf32, #tpu.memory_space<hbm>>
      tpu.wait_dma2 semaphore(%run_scoped3A : memref<!tpu.dma_semaphore, #tpu.memory_space<semaphore_mem>>) src(%arg9 : memref<24x1024xf32, #tpu.memory_space<vmem>>) dst(%dma_wait3A_78 : memref<24x1024xf32, #tpu.memory_space<hbm>>)
      tpu.yield
    }) : () -> ()
    "tpu.region"() ({
      %run_scoped3A = tpu.sem_alloc : memref<!tpu.dma_semaphore, #tpu.memory_space<semaphore_mem>>
      %dma_start3A_71 = tpu.memref_slice %arg3[%add3A_58] : memref<3840xi32, #tpu.memory_space<hbm>> -> memref<24xi32, #tpu.memory_space<hbm>>
      %dma_start3A_72 = tpu.memref_slice %arg3[%add3A_58] : memref<3840xi32, #tpu.memory_space<hbm>> -> memref<24xi32, #tpu.memory_space<hbm>>
      tpu.enqueue_dma source(%dma_start3A_72 : memref<24xi32, #tpu.memory_space<hbm>>) target(%arg8 : memref<24xi32, #tpu.memory_space<vmem>>) target_semaphore(%run_scoped3A : memref<!tpu.dma_semaphore, #tpu.memory_space<semaphore_mem>>)
      %dma_wait3A_73 = tpu.memref_slice %arg3[%add3A_58] : memref<3840xi32, #tpu.memory_space<hbm>> -> memref<24xi32, #tpu.memory_space<hbm>>
      %dma_wait3A_74 = tpu.memref_slice %arg3[%add3A_58] : memref<3840xi32, #tpu.memory_space<hbm>> -> memref<24xi32, #tpu.memory_space<hbm>>
      tpu.wait_dma2 semaphore(%run_scoped3A : memref<!tpu.dma_semaphore, #tpu.memory_space<semaphore_mem>>) src(%dma_wait3A_74 : memref<24xi32, #tpu.memory_space<hbm>>) dst(%arg8 : memref<24xi32, #tpu.memory_space<vmem>>)
      tpu.yield
    }) : () -> ()
    %dma_start3A_65 = arith.constant 0 : i32
    %dma_start3A_66 = arith.constant 0 : i32
    %dma_start3A_67 = tpu.memref_slice %arg5[%dma_start3A_65, %dma_start3A_66] : memref<8192x1024xf32, #tpu.memory_space<hbm>> -> memref<8192x1024xf32, #tpu.memory_space<hbm>>
    tpu.enqueue_indirect_dma source(%dma_start3A_67 : memref<8192x1024xf32, #tpu.memory_space<hbm>>) target(%arg9 : memref<24x1024xf32, #tpu.memory_space<vmem>>) offsets(%arg8 : memref<24xi32, #tpu.memory_space<vmem>>) semaphore(%arg10 : memref<!tpu.dma_semaphore, #tpu.memory_space<semaphore_mem>>)
    %dma_wait3A_68 = arith.constant 0 : i32
    %dma_wait3A_69 = arith.constant 0 : i32
    %dma_wait3A_70 = tpu.memref_slice %arg5[%dma_wait3A_68, %dma_wait3A_69] : memref<8192x1024xf32, #tpu.memory_space<hbm>> -> memref<8192x1024xf32, #tpu.memory_space<hbm>>
    tpu.wait_indirect_dma semaphore(%arg10 : memref<!tpu.dma_semaphore, #tpu.memory_space<semaphore_mem>>) src(%dma_wait3A_70 : memref<8192x1024xf32, #tpu.memory_space<hbm>>) dst(%arg9 : memref<24x1024xf32, #tpu.memory_space<vmem>>)
    "tpu.region"() ({
      %run_scoped3A = tpu.sem_alloc : memref<!tpu.dma_semaphore, #tpu.memory_space<semaphore_mem>>
      %dma_start3A_71 = arith.constant 0 : i32
      %dma_start3A_72 = tpu.memref_slice %arg7[%add3A_58, %dma_start3A_71] : memref<3840x1024xf32, #tpu.memory_space<hbm>> -> memref<24x1024xf32, #tpu.memory_space<hbm>>
      %dma_start3A_73 = arith.constant 0 : i32
      %dma_start3A_74 = tpu.memref_slice %arg7[%add3A_58, %dma_start3A_73] : memref<3840x1024xf32, #tpu.memory_space<hbm>> -> memref<24x1024xf32, #tpu.memory_space<hbm>>
      tpu.enqueue_dma source(%arg9 : memref<24x1024xf32, #tpu.memory_space<vmem>>) target(%dma_start3A_74 : memref<24x1024xf32, #tpu.memory_space<hbm>>) target_semaphore(%run_scoped3A : memref<!tpu.dma_semaphore, #tpu.memory_space<semaphore_mem>>)
      %dma_wait3A_75 = arith.constant 0 : i32
      %dma_wait3A_76 = tpu.memref_slice %arg7[%add3A_58, %dma_wait3A_75] : memref<3840x1024xf32, #tpu.memory_space<hbm>> -> memref<24x1024xf32, #tpu.memory_space<hbm>>
      %dma_wait3A_77 = arith.constant 0 : i32
      %dma_wait3A_78 = tpu.memref_slice %arg7[%add3A_58, %dma_wait3A_77] : memref<3840x1024xf32, #tpu.memory_space<hbm>> -> memref<24x1024xf32, #tpu.memory_space<hbm>>
      tpu.wait_dma2 semaphore(%run_scoped3A : memref<!tpu.dma_semaphore, #tpu.memory_space<semaphore_mem>>) src(%arg9 : memref<24x1024xf32, #tpu.memory_space<vmem>>) dst(%dma_wait3A_78 : memref<24x1024xf32, #tpu.memory_space<hbm>>)
      tpu.yield
    }) : () -> ()
    return
  }
}

module attributes {stable_mosaic.version = 14 : i64} {
  func.func @_topk_body(%arg0: i32, %arg1: memref<24x1024xf32, #tpu.memory_space<vmem>>, %arg2: memref<24x20xi32, #tpu.memory_space<vmem>>) attributes {dimension_semantics = [#tpu.dimension_semantics<arbitrary>], iteration_bounds = array<i64: 8>, scalar_prefetch = 0 : i64, scratch_operands = 0 : i64, tpu.core_type = #tpu.core_type<tc>, window_params = [{transform_indices = @transform_0, window_bounds = array<i64: 24, 1024>}, {transform_indices = @transform_1, window_bounds = array<i64: 24, 20>}]} {
    %get3A = arith.constant 0 : index
    %get3A_0 = arith.constant 0 : index
    %get3A_1 = vector.load %arg1[%get3A, %get3A_0] : memref<24x1024xf32, #tpu.memory_space<vmem>>, vector<24x1024xf32>
    %iota3A = tpu.iota {dimensions = array<i32: 1>} : vector<24x1024xi32>
    %reduce_max3A = arith.constant dense<0xFF800000> : vector<24xf32>
    %reduce_max3A_2 = vector.multi_reduction <maximumf>, %get3A_1, %reduce_max3A [1] : vector<24x1024xf32> to vector<24xf32>
    %broadcast_in_dim3A = vector.shape_cast %reduce_max3A_2 : vector<24xf32> to vector<24x1xf32>
    %eq3A = vector.broadcast %broadcast_in_dim3A : vector<24x1xf32> to vector<24x1024xf32>
    %eq3A_3 = arith.cmpf oeq, %get3A_1, %eq3A : vector<24x1024xf32>
    %jit3A = arith.constant 1024 : i32
    %broadcast_in_dim3A_4 = vector.broadcast %jit3A : i32 to vector<24x1024xi32>
    %select_n3A = arith.select %eq3A_3, %iota3A, %broadcast_in_dim3A_4 : vector<24x1024xi1>, vector<24x1024xi32>
    %reduce_min3A = arith.constant dense<2147483647> : vector<24xi32>
    %reduce_min3A_5 = vector.multi_reduction <minsi>, %select_n3A, %reduce_min3A [1] : vector<24x1024xi32> to vector<24xi32>
    %broadcast_in_dim3A_6 = vector.shape_cast %reduce_min3A_5 : vector<24xi32> to vector<24x1xi32>
    %swap3A = arith.constant 0 : index
    %swap3A_7 = arith.constant 0 : index
    %swap3A_8 = vector.load %arg2[%swap3A, %swap3A_7] : memref<24x20xi32, #tpu.memory_space<vmem>>, vector<24x1xi32>
    tpu.vector_store %arg2[%swap3A, %swap3A_7], %broadcast_in_dim3A_6 {strides = array<i32>} : memref<24x20xi32, #tpu.memory_space<vmem>>, vector<24x1xi32>,
    %eq3A_9 = vector.broadcast %broadcast_in_dim3A_6 : vector<24x1xi32> to vector<24x1024xi32>
    %eq3A_10 = arith.cmpi eq, %iota3A, %eq3A_9 : vector<24x1024xi32>
    %jit3A_11 = arith.constant 0xFF800000 : f32
    %broadcast_in_dim3A_12 = vector.broadcast %jit3A_11 : f32 to vector<24x1024xf32>
    %select_n3A_13 = arith.select %eq3A_10, %broadcast_in_dim3A_12, %get3A_1 : vector<24x1024xi1>, vector<24x1024xf32>
    %reduce_max3A_14 = arith.constant dense<0xFF800000> : vector<24xf32>
    %reduce_max3A_15 = vector.multi_reduction <maximumf>, %select_n3A_13, %reduce_max3A_14 [1] : vector<24x1024xf32> to vector<24xf32>
    %broadcast_in_dim3A_16 = vector.shape_cast %reduce_max3A_15 : vector<24xf32> to vector<24x1xf32>
    %eq3A_17 = vector.broadcast %broadcast_in_dim3A_16 : vector<24x1xf32> to vector<24x1024xf32>
    %eq3A_18 = arith.cmpf oeq, %select_n3A_13, %eq3A_17 : vector<24x1024xf32>
    %jit3A_19 = arith.constant 1024 : i32
    %broadcast_in_dim3A_20 = vector.broadcast %jit3A_19 : i32 to vector<24x1024xi32>
    %select_n3A_21 = arith.select %eq3A_18, %iota3A, %broadcast_in_dim3A_20 : vector<24x1024xi1>, vector<24x1024xi32>
    %reduce_min3A_22 = arith.constant dense<2147483647> : vector<24xi32>
    %reduce_min3A_23 = vector.multi_reduction <minsi>, %select_n3A_21, %reduce_min3A_22 [1] : vector<24x1024xi32> to vector<24xi32>
    %broadcast_in_dim3A_24 = vector.shape_cast %reduce_min3A_23 : vector<24xi32> to vector<24x1xi32>
    %swap3A_25 = arith.constant 0 : index
    %swap3A_26 = arith.constant 1 : index
    %swap3A_27 = vector.load %arg2[%swap3A_25, %swap3A_26] : memref<24x20xi32, #tpu.memory_space<vmem>>, vector<24x1xi32>
    tpu.vector_store %arg2[%swap3A_25, %swap3A_26], %broadcast_in_dim3A_24 {strides = array<i32>} : memref<24x20xi32, #tpu.memory_space<vmem>>, vector<24x1xi32>,
    %eq3A_28 = vector.broadcast %broadcast_in_dim3A_24 : vector<24x1xi32> to vector<24x1024xi32>
    %eq3A_29 = arith.cmpi eq, %iota3A, %eq3A_28 : vector<24x1024xi32>
    %jit3A_30 = arith.constant 0xFF800000 : f32
    %broadcast_in_dim3A_31 = vector.broadcast %jit3A_30 : f32 to vector<24x1024xf32>
    %select_n3A_32 = arith.select %eq3A_29, %broadcast_in_dim3A_31, %select_n3A_13 : vector<24x1024xi1>, vector<24x1024xf32>
    %reduce_max3A_33 = arith.constant dense<0xFF800000> : vector<24xf32>
    %reduce_max3A_34 = vector.multi_reduction <maximumf>, %select_n3A_32, %reduce_max3A_33 [1] : vector<24x1024xf32> to vector<24xf32>
    %broadcast_in_dim3A_35 = vector.shape_cast %reduce_max3A_34 : vector<24xf32> to vector<24x1xf32>
    %eq3A_36 = vector.broadcast %broadcast_in_dim3A_35 : vector<24x1xf32> to vector<24x1024xf32>
    %eq3A_37 = arith.cmpf oeq, %select_n3A_32, %eq3A_36 : vector<24x1024xf32>
    %jit3A_38 = arith.constant 1024 : i32
    %broadcast_in_dim3A_39 = vector.broadcast %jit3A_38 : i32 to vector<24x1024xi32>
    %select_n3A_40 = arith.select %eq3A_37, %iota3A, %broadcast_in_dim3A_39 : vector<24x1024xi1>, vector<24x1024xi32>
    %reduce_min3A_41 = arith.constant dense<2147483647> : vector<24xi32>
    %reduce_min3A_42 = vector.multi_reduction <minsi>, %select_n3A_40, %reduce_min3A_41 [1] : vector<24x1024xi32> to vector<24xi32>
    %broadcast_in_dim3A_43 = vector.shape_cast %reduce_min3A_42 : vector<24xi32> to vector<24x1xi32>
    %swap3A_44 = arith.constant 0 : index
    %swap3A_45 = arith.constant 2 : index
    %swap3A_46 = vector.load %arg2[%swap3A_44, %swap3A_45] : memref<24x20xi32, #tpu.memory_space<vmem>>, vector<24x1xi32>
    tpu.vector_store %arg2[%swap3A_44, %swap3A_45], %broadcast_in_dim3A_43 {strides = array<i32>} : memref<24x20xi32, #tpu.memory_space<vmem>>, vector<24x1xi32>,
    %eq3A_47 = vector.broadcast %broadcast_in_dim3A_43 : vector<24x1xi32> to vector<24x1024xi32>
    %eq3A_48 = arith.cmpi eq, %iota3A, %eq3A_47 : vector<24x1024xi32>
    %jit3A_49 = arith.constant 0xFF800000 : f32
    %broadcast_in_dim3A_50 = vector.broadcast %jit3A_49 : f32 to vector<24x1024xf32>
    %select_n3A_51 = arith.select %eq3A_48, %broadcast_in_dim3A_50, %select_n3A_32 : vector<24x1024xi1>, vector<24x1024xf32>
    %reduce_max3A_52 = arith.constant dense<0xFF800000> : vector<24xf32>
    %reduce_max3A_53 = vector.multi_reduction <maximumf>, %select_n3A_51, %reduce_max3A_52 [1] : vector<24x1024xf32> to vector<24xf32>
    %broadcast_in_dim3A_54 = vector.shape_cast %reduce_max3A_53 : vector<24xf32> to vector<24x1xf32>
    %eq3A_55 = vector.broadcast %broadcast_in_dim3A_54 : vector<24x1xf32> to vector<24x1024xf32>
    %eq3A_56 = arith.cmpf oeq, %select_n3A_51, %eq3A_55 : vector<24x1024xf32>
    %jit3A_57 = arith.constant 1024 : i32
    %broadcast_in_dim3A_58 = vector.broadcast %jit3A_57 : i32 to vector<24x1024xi32>
    %select_n3A_59 = arith.select %eq3A_56, %iota3A, %broadcast_in_dim3A_58 : vector<24x1024xi1>, vector<24x1024xi32>
    %reduce_min3A_60 = arith.constant dense<2147483647> : vector<24xi32>
    %reduce_min3A_61 = vector.multi_reduction <minsi>, %select_n3A_59, %reduce_min3A_60 [1] : vector<24x1024xi32> to vector<24xi32>
    %broadcast_in_dim3A_62 = vector.shape_cast %reduce_min3A_61 : vector<24xi32> to vector<24x1xi32>
    %swap3A_63 = arith.constant 0 : index
    %swap3A_64 = arith.constant 3 : index
    %swap3A_65 = vector.load %arg2[%swap3A_63, %swap3A_64] : memref<24x20xi32, #tpu.memory_space<vmem>>, vector<24x1xi32>
    tpu.vector_store %arg2[%swap3A_63, %swap3A_64], %broadcast_in_dim3A_62 {strides = array<i32>} : memref<24x20xi32, #tpu.memory_space<vmem>>, vector<24x1xi32>,
    %eq3A_66 = vector.broadcast %broadcast_in_dim3A_62 : vector<24x1xi32> to vector<24x1024xi32>
    %eq3A_67 = arith.cmpi eq, %iota3A, %eq3A_66 : vector<24x1024xi32>
    %jit3A_68 = arith.constant 0xFF800000 : f32
    %broadcast_in_dim3A_69 = vector.broadcast %jit3A_68 : f32 to vector<24x1024xf32>
    %select_n3A_70 = arith.select %eq3A_67, %broadcast_in_dim3A_69, %select_n3A_51 : vector<24x1024xi1>, vector<24x1024xf32>
    %reduce_max3A_71 = arith.constant dense<0xFF800000> : vector<24xf32>
    %reduce_max3A_72 = vector.multi_reduction <maximumf>, %select_n3A_70, %reduce_max3A_71 [1] : vector<24x1024xf32> to vector<24xf32>
    %broadcast_in_dim3A_73 = vector.shape_cast %reduce_max3A_72 : vector<24xf32> to vector<24x1xf32>
    %eq3A_74 = vector.broadcast %broadcast_in_dim3A_73 : vector<24x1xf32> to vector<24x1024xf32>
    %eq3A_75 = arith.cmpf oeq, %select_n3A_70, %eq3A_74 : vector<24x1024xf32>
    %jit3A_76 = arith.constant 1024 : i32
    %broadcast_in_dim3A_77 = vector.broadcast %jit3A_76 : i32 to vector<24x1024xi32>
    %select_n3A_78 = arith.select %eq3A_75, %iota3A, %broadcast_in_dim3A_77 : vector<24x1024xi1>, vector<24x1024xi32>
    %reduce_min3A_79 = arith.constant dense<2147483647> : vector<24xi32>
    %reduce_min3A_80 = vector.multi_reduction <minsi>, %select_n3A_78, %reduce_min3A_79 [1] : vector<24x1024xi32> to vector<24xi32>
    %broadcast_in_dim3A_81 = vector.shape_cast %reduce_min3A_80 : vector<24xi32> to vector<24x1xi32>
    %swap3A_82 = arith.constant 0 : index
    %swap3A_83 = arith.constant 4 : index
    %swap3A_84 = vector.load %arg2[%swap3A_82, %swap3A_83] : memref<24x20xi32, #tpu.memory_space<vmem>>, vector<24x1xi32>
    tpu.vector_store %arg2[%swap3A_82, %swap3A_83], %broadcast_in_dim3A_81 {strides = array<i32>} : memref<24x20xi32, #tpu.memory_space<vmem>>, vector<24x1xi32>,
    %eq3A_85 = vector.broadcast %broadcast_in_dim3A_81 : vector<24x1xi32> to vector<24x1024xi32>
    %eq3A_86 = arith.cmpi eq, %iota3A, %eq3A_85 : vector<24x1024xi32>
    %jit3A_87 = arith.constant 0xFF800000 : f32
    %broadcast_in_dim3A_88 = vector.broadcast %jit3A_87 : f32 to vector<24x1024xf32>
    %select_n3A_89 = arith.select %eq3A_86, %broadcast_in_dim3A_88, %select_n3A_70 : vector<24x1024xi1>, vector<24x1024xf32>
    %reduce_max3A_90 = arith.constant dense<0xFF800000> : vector<24xf32>
    %reduce_max3A_91 = vector.multi_reduction <maximumf>, %select_n3A_89, %reduce_max3A_90 [1] : vector<24x1024xf32> to vector<24xf32>
    %broadcast_in_dim3A_92 = vector.shape_cast %reduce_max3A_91 : vector<24xf32> to vector<24x1xf32>
    %eq3A_93 = vector.broadcast %broadcast_in_dim3A_92 : vector<24x1xf32> to vector<24x1024xf32>
    %eq3A_94 = arith.cmpf oeq, %select_n3A_89, %eq3A_93 : vector<24x1024xf32>
    %jit3A_95 = arith.constant 1024 : i32
    %broadcast_in_dim3A_96 = vector.broadcast %jit3A_95 : i32 to vector<24x1024xi32>
    %select_n3A_97 = arith.select %eq3A_94, %iota3A, %broadcast_in_dim3A_96 : vector<24x1024xi1>, vector<24x1024xi32>
    %reduce_min3A_98 = arith.constant dense<2147483647> : vector<24xi32>
    %reduce_min3A_99 = vector.multi_reduction <minsi>, %select_n3A_97, %reduce_min3A_98 [1] : vector<24x1024xi32> to vector<24xi32>
    %broadcast_in_dim3A_100 = vector.shape_cast %reduce_min3A_99 : vector<24xi32> to vector<24x1xi32>
    %swap3A_101 = arith.constant 0 : index
    %swap3A_102 = arith.constant 5 : index
    %swap3A_103 = vector.load %arg2[%swap3A_101, %swap3A_102] : memref<24x20xi32, #tpu.memory_space<vmem>>, vector<24x1xi32>
    tpu.vector_store %arg2[%swap3A_101, %swap3A_102], %broadcast_in_dim3A_100 {strides = array<i32>} : memref<24x20xi32, #tpu.memory_space<vmem>>, vector<24x1xi32>,
    %eq3A_104 = vector.broadcast %broadcast_in_dim3A_100 : vector<24x1xi32> to vector<24x1024xi32>
    %eq3A_105 = arith.cmpi eq, %iota3A, %eq3A_104 : vector<24x1024xi32>
    %jit3A_106 = arith.constant 0xFF800000 : f32
    %broadcast_in_dim3A_107 = vector.broadcast %jit3A_106 : f32 to vector<24x1024xf32>
    %select_n3A_108 = arith.select %eq3A_105, %broadcast_in_dim3A_107, %select_n3A_89 : vector<24x1024xi1>, vector<24x1024xf32>
    %reduce_max3A_109 = arith.constant dense<0xFF800000> : vector<24xf32>
    %reduce_max3A_110 = vector.multi_reduction <maximumf>, %select_n3A_108, %reduce_max3A_109 [1] : vector<24x1024xf32> to vector<24xf32>
    %broadcast_in_dim3A_111 = vector.shape_cast %reduce_max3A_110 : vector<24xf32> to vector<24x1xf32>
    %eq3A_112 = vector.broadcast %broadcast_in_dim3A_111 : vector<24x1xf32> to vector<24x1024xf32>
    %eq3A_113 = arith.cmpf oeq, %select_n3A_108, %eq3A_112 : vector<24x1024xf32>
    %jit3A_114 = arith.constant 1024 : i32
    %broadcast_in_dim3A_115 = vector.broadcast %jit3A_114 : i32 to vector<24x1024xi32>
    %select_n3A_116 = arith.select %eq3A_113, %iota3A, %broadcast_in_dim3A_115 : vector<24x1024xi1>, vector<24x1024xi32>
    %reduce_min3A_117 = arith.constant dense<2147483647> : vector<24xi32>
    %reduce_min3A_118 = vector.multi_reduction <minsi>, %select_n3A_116, %reduce_min3A_117 [1] : vector<24x1024xi32> to vector<24xi32>
    %broadcast_in_dim3A_119 = vector.shape_cast %reduce_min3A_118 : vector<24xi32> to vector<24x1xi32>
    %swap3A_120 = arith.constant 0 : index
    %swap3A_121 = arith.constant 6 : index
    %swap3A_122 = vector.load %arg2[%swap3A_120, %swap3A_121] : memref<24x20xi32, #tpu.memory_space<vmem>>, vector<24x1xi32>
    tpu.vector_store %arg2[%swap3A_120, %swap3A_121], %broadcast_in_dim3A_119 {strides = array<i32>} : memref<24x20xi32, #tpu.memory_space<vmem>>, vector<24x1xi32>,
    %eq3A_123 = vector.broadcast %broadcast_in_dim3A_119 : vector<24x1xi32> to vector<24x1024xi32>
    %eq3A_124 = arith.cmpi eq, %iota3A, %eq3A_123 : vector<24x1024xi32>
    %jit3A_125 = arith.constant 0xFF800000 : f32
    %broadcast_in_dim3A_126 = vector.broadcast %jit3A_125 : f32 to vector<24x1024xf32>
    %select_n3A_127 = arith.select %eq3A_124, %broadcast_in_dim3A_126, %select_n3A_108 : vector<24x1024xi1>, vector<24x1024xf32>
    %reduce_max3A_128 = arith.constant dense<0xFF800000> : vector<24xf32>
    %reduce_max3A_129 = vector.multi_reduction <maximumf>, %select_n3A_127, %reduce_max3A_128 [1] : vector<24x1024xf32> to vector<24xf32>
    %broadcast_in_dim3A_130 = vector.shape_cast %reduce_max3A_129 : vector<24xf32> to vector<24x1xf32>
    %eq3A_131 = vector.broadcast %broadcast_in_dim3A_130 : vector<24x1xf32> to vector<24x1024xf32>
    %eq3A_132 = arith.cmpf oeq, %select_n3A_127, %eq3A_131 : vector<24x1024xf32>
    %jit3A_133 = arith.constant 1024 : i32
    %broadcast_in_dim3A_134 = vector.broadcast %jit3A_133 : i32 to vector<24x1024xi32>
    %select_n3A_135 = arith.select %eq3A_132, %iota3A, %broadcast_in_dim3A_134 : vector<24x1024xi1>, vector<24x1024xi32>
    %reduce_min3A_136 = arith.constant dense<2147483647> : vector<24xi32>
    %reduce_min3A_137 = vector.multi_reduction <minsi>, %select_n3A_135, %reduce_min3A_136 [1] : vector<24x1024xi32> to vector<24xi32>
    %broadcast_in_dim3A_138 = vector.shape_cast %reduce_min3A_137 : vector<24xi32> to vector<24x1xi32>
    %swap3A_139 = arith.constant 0 : index
    %swap3A_140 = arith.constant 7 : index
    %swap3A_141 = vector.load %arg2[%swap3A_139, %swap3A_140] : memref<24x20xi32, #tpu.memory_space<vmem>>, vector<24x1xi32>
    tpu.vector_store %arg2[%swap3A_139, %swap3A_140], %broadcast_in_dim3A_138 {strides = array<i32>} : memref<24x20xi32, #tpu.memory_space<vmem>>, vector<24x1xi32>,
    %eq3A_142 = vector.broadcast %broadcast_in_dim3A_138 : vector<24x1xi32> to vector<24x1024xi32>
    %eq3A_143 = arith.cmpi eq, %iota3A, %eq3A_142 : vector<24x1024xi32>
    %jit3A_144 = arith.constant 0xFF800000 : f32
    %broadcast_in_dim3A_145 = vector.broadcast %jit3A_144 : f32 to vector<24x1024xf32>
    %select_n3A_146 = arith.select %eq3A_143, %broadcast_in_dim3A_145, %select_n3A_127 : vector<24x1024xi1>, vector<24x1024xf32>
    %reduce_max3A_147 = arith.constant dense<0xFF800000> : vector<24xf32>
    %reduce_max3A_148 = vector.multi_reduction <maximumf>, %select_n3A_146, %reduce_max3A_147 [1] : vector<24x1024xf32> to vector<24xf32>
    %broadcast_in_dim3A_149 = vector.shape_cast %reduce_max3A_148 : vector<24xf32> to vector<24x1xf32>
    %eq3A_150 = vector.broadcast %broadcast_in_dim3A_149 : vector<24x1xf32> to vector<24x1024xf32>
    %eq3A_151 = arith.cmpf oeq, %select_n3A_146, %eq3A_150 : vector<24x1024xf32>
    %jit3A_152 = arith.constant 1024 : i32
    %broadcast_in_dim3A_153 = vector.broadcast %jit3A_152 : i32 to vector<24x1024xi32>
    %select_n3A_154 = arith.select %eq3A_151, %iota3A, %broadcast_in_dim3A_153 : vector<24x1024xi1>, vector<24x1024xi32>
    %reduce_min3A_155 = arith.constant dense<2147483647> : vector<24xi32>
    %reduce_min3A_156 = vector.multi_reduction <minsi>, %select_n3A_154, %reduce_min3A_155 [1] : vector<24x1024xi32> to vector<24xi32>
    %broadcast_in_dim3A_157 = vector.shape_cast %reduce_min3A_156 : vector<24xi32> to vector<24x1xi32>
    %swap3A_158 = arith.constant 0 : index
    %swap3A_159 = arith.constant 8 : index
    %swap3A_160 = vector.load %arg2[%swap3A_158, %swap3A_159] : memref<24x20xi32, #tpu.memory_space<vmem>>, vector<24x1xi32>
    tpu.vector_store %arg2[%swap3A_158, %swap3A_159], %broadcast_in_dim3A_157 {strides = array<i32>} : memref<24x20xi32, #tpu.memory_space<vmem>>, vector<24x1xi32>,
    %eq3A_161 = vector.broadcast %broadcast_in_dim3A_157 : vector<24x1xi32> to vector<24x1024xi32>
    %eq3A_162 = arith.cmpi eq, %iota3A, %eq3A_161 : vector<24x1024xi32>
    %jit3A_163 = arith.constant 0xFF800000 : f32
    %broadcast_in_dim3A_164 = vector.broadcast %jit3A_163 : f32 to vector<24x1024xf32>
    %select_n3A_165 = arith.select %eq3A_162, %broadcast_in_dim3A_164, %select_n3A_146 : vector<24x1024xi1>, vector<24x1024xf32>
    %reduce_max3A_166 = arith.constant dense<0xFF800000> : vector<24xf32>
    %reduce_max3A_167 = vector.multi_reduction <maximumf>, %select_n3A_165, %reduce_max3A_166 [1] : vector<24x1024xf32> to vector<24xf32>
    %broadcast_in_dim3A_168 = vector.shape_cast %reduce_max3A_167 : vector<24xf32> to vector<24x1xf32>
    %eq3A_169 = vector.broadcast %broadcast_in_dim3A_168 : vector<24x1xf32> to vector<24x1024xf32>
    %eq3A_170 = arith.cmpf oeq, %select_n3A_165, %eq3A_169 : vector<24x1024xf32>
    %jit3A_171 = arith.constant 1024 : i32
    %broadcast_in_dim3A_172 = vector.broadcast %jit3A_171 : i32 to vector<24x1024xi32>
    %select_n3A_173 = arith.select %eq3A_170, %iota3A, %broadcast_in_dim3A_172 : vector<24x1024xi1>, vector<24x1024xi32>
    %reduce_min3A_174 = arith.constant dense<2147483647> : vector<24xi32>
    %reduce_min3A_175 = vector.multi_reduction <minsi>, %select_n3A_173, %reduce_min3A_174 [1] : vector<24x1024xi32> to vector<24xi32>
    %broadcast_in_dim3A_176 = vector.shape_cast %reduce_min3A_175 : vector<24xi32> to vector<24x1xi32>
    %swap3A_177 = arith.constant 0 : index
    %swap3A_178 = arith.constant 9 : index
    %swap3A_179 = vector.load %arg2[%swap3A_177, %swap3A_178] : memref<24x20xi32, #tpu.memory_space<vmem>>, vector<24x1xi32>
    tpu.vector_store %arg2[%swap3A_177, %swap3A_178], %broadcast_in_dim3A_176 {strides = array<i32>} : memref<24x20xi32, #tpu.memory_space<vmem>>, vector<24x1xi32>,
    %eq3A_180 = vector.broadcast %broadcast_in_dim3A_176 : vector<24x1xi32> to vector<24x1024xi32>
    %eq3A_181 = arith.cmpi eq, %iota3A, %eq3A_180 : vector<24x1024xi32>
    %jit3A_182 = arith.constant 0xFF800000 : f32
    %broadcast_in_dim3A_183 = vector.broadcast %jit3A_182 : f32 to vector<24x1024xf32>
    %select_n3A_184 = arith.select %eq3A_181, %broadcast_in_dim3A_183, %select_n3A_165 : vector<24x1024xi1>, vector<24x1024xf32>
    %reduce_max3A_185 = arith.constant dense<0xFF800000> : vector<24xf32>
    %reduce_max3A_186 = vector.multi_reduction <maximumf>, %select_n3A_184, %reduce_max3A_185 [1] : vector<24x1024xf32> to vector<24xf32>
    %broadcast_in_dim3A_187 = vector.shape_cast %reduce_max3A_186 : vector<24xf32> to vector<24x1xf32>
    %eq3A_188 = vector.broadcast %broadcast_in_dim3A_187 : vector<24x1xf32> to vector<24x1024xf32>
    %eq3A_189 = arith.cmpf oeq, %select_n3A_184, %eq3A_188 : vector<24x1024xf32>
    %jit3A_190 = arith.constant 1024 : i32
    %broadcast_in_dim3A_191 = vector.broadcast %jit3A_190 : i32 to vector<24x1024xi32>
    %select_n3A_192 = arith.select %eq3A_189, %iota3A, %broadcast_in_dim3A_191 : vector<24x1024xi1>, vector<24x1024xi32>
    %reduce_min3A_193 = arith.constant dense<2147483647> : vector<24xi32>
    %reduce_min3A_194 = vector.multi_reduction <minsi>, %select_n3A_192, %reduce_min3A_193 [1] : vector<24x1024xi32> to vector<24xi32>
    %broadcast_in_dim3A_195 = vector.shape_cast %reduce_min3A_194 : vector<24xi32> to vector<24x1xi32>
    %swap3A_196 = arith.constant 0 : index
    %swap3A_197 = arith.constant 10 : index
    %swap3A_198 = vector.load %arg2[%swap3A_196, %swap3A_197] : memref<24x20xi32, #tpu.memory_space<vmem>>, vector<24x1xi32>
    tpu.vector_store %arg2[%swap3A_196, %swap3A_197], %broadcast_in_dim3A_195 {strides = array<i32>} : memref<24x20xi32, #tpu.memory_space<vmem>>, vector<24x1xi32>,
    %eq3A_199 = vector.broadcast %broadcast_in_dim3A_195 : vector<24x1xi32> to vector<24x1024xi32>
    %eq3A_200 = arith.cmpi eq, %iota3A, %eq3A_199 : vector<24x1024xi32>
    %jit3A_201 = arith.constant 0xFF800000 : f32
    %broadcast_in_dim3A_202 = vector.broadcast %jit3A_201 : f32 to vector<24x1024xf32>
    %select_n3A_203 = arith.select %eq3A_200, %broadcast_in_dim3A_202, %select_n3A_184 : vector<24x1024xi1>, vector<24x1024xf32>
    %reduce_max3A_204 = arith.constant dense<0xFF800000> : vector<24xf32>
    %reduce_max3A_205 = vector.multi_reduction <maximumf>, %select_n3A_203, %reduce_max3A_204 [1] : vector<24x1024xf32> to vector<24xf32>
    %broadcast_in_dim3A_206 = vector.shape_cast %reduce_max3A_205 : vector<24xf32> to vector<24x1xf32>
    %eq3A_207 = vector.broadcast %broadcast_in_dim3A_206 : vector<24x1xf32> to vector<24x1024xf32>
    %eq3A_208 = arith.cmpf oeq, %select_n3A_203, %eq3A_207 : vector<24x1024xf32>
    %jit3A_209 = arith.constant 1024 : i32
    %broadcast_in_dim3A_210 = vector.broadcast %jit3A_209 : i32 to vector<24x1024xi32>
    %select_n3A_211 = arith.select %eq3A_208, %iota3A, %broadcast_in_dim3A_210 : vector<24x1024xi1>, vector<24x1024xi32>
    %reduce_min3A_212 = arith.constant dense<2147483647> : vector<24xi32>
    %reduce_min3A_213 = vector.multi_reduction <minsi>, %select_n3A_211, %reduce_min3A_212 [1] : vector<24x1024xi32> to vector<24xi32>
    %broadcast_in_dim3A_214 = vector.shape_cast %reduce_min3A_213 : vector<24xi32> to vector<24x1xi32>
    %swap3A_215 = arith.constant 0 : index
    %swap3A_216 = arith.constant 11 : index
    %swap3A_217 = vector.load %arg2[%swap3A_215, %swap3A_216] : memref<24x20xi32, #tpu.memory_space<vmem>>, vector<24x1xi32>
    tpu.vector_store %arg2[%swap3A_215, %swap3A_216], %broadcast_in_dim3A_214 {strides = array<i32>} : memref<24x20xi32, #tpu.memory_space<vmem>>, vector<24x1xi32>,
    %eq3A_218 = vector.broadcast %broadcast_in_dim3A_214 : vector<24x1xi32> to vector<24x1024xi32>
    %eq3A_219 = arith.cmpi eq, %iota3A, %eq3A_218 : vector<24x1024xi32>
    %jit3A_220 = arith.constant 0xFF800000 : f32
    %broadcast_in_dim3A_221 = vector.broadcast %jit3A_220 : f32 to vector<24x1024xf32>
    %select_n3A_222 = arith.select %eq3A_219, %broadcast_in_dim3A_221, %select_n3A_203 : vector<24x1024xi1>, vector<24x1024xf32>
    %reduce_max3A_223 = arith.constant dense<0xFF800000> : vector<24xf32>
    %reduce_max3A_224 = vector.multi_reduction <maximumf>, %select_n3A_222, %reduce_max3A_223 [1] : vector<24x1024xf32> to vector<24xf32>
    %broadcast_in_dim3A_225 = vector.shape_cast %reduce_max3A_224 : vector<24xf32> to vector<24x1xf32>
    %eq3A_226 = vector.broadcast %broadcast_in_dim3A_225 : vector<24x1xf32> to vector<24x1024xf32>
    %eq3A_227 = arith.cmpf oeq, %select_n3A_222, %eq3A_226 : vector<24x1024xf32>
    %jit3A_228 = arith.constant 1024 : i32
    %broadcast_in_dim3A_229 = vector.broadcast %jit3A_228 : i32 to vector<24x1024xi32>
    %select_n3A_230 = arith.select %eq3A_227, %iota3A, %broadcast_in_dim3A_229 : vector<24x1024xi1>, vector<24x1024xi32>
    %reduce_min3A_231 = arith.constant dense<2147483647> : vector<24xi32>
    %reduce_min3A_232 = vector.multi_reduction <minsi>, %select_n3A_230, %reduce_min3A_231 [1] : vector<24x1024xi32> to vector<24xi32>
    %broadcast_in_dim3A_233 = vector.shape_cast %reduce_min3A_232 : vector<24xi32> to vector<24x1xi32>
    %swap3A_234 = arith.constant 0 : index
    %swap3A_235 = arith.constant 12 : index
    %swap3A_236 = vector.load %arg2[%swap3A_234, %swap3A_235] : memref<24x20xi32, #tpu.memory_space<vmem>>, vector<24x1xi32>
    tpu.vector_store %arg2[%swap3A_234, %swap3A_235], %broadcast_in_dim3A_233 {strides = array<i32>} : memref<24x20xi32, #tpu.memory_space<vmem>>, vector<24x1xi32>,
    %eq3A_237 = vector.broadcast %broadcast_in_dim3A_233 : vector<24x1xi32> to vector<24x1024xi32>
    %eq3A_238 = arith.cmpi eq, %iota3A, %eq3A_237 : vector<24x1024xi32>
    %jit3A_239 = arith.constant 0xFF800000 : f32
    %broadcast_in_dim3A_240 = vector.broadcast %jit3A_239 : f32 to vector<24x1024xf32>
    %select_n3A_241 = arith.select %eq3A_238, %broadcast_in_dim3A_240, %select_n3A_222 : vector<24x1024xi1>, vector<24x1024xf32>
    %reduce_max3A_242 = arith.constant dense<0xFF800000> : vector<24xf32>
    %reduce_max3A_243 = vector.multi_reduction <maximumf>, %select_n3A_241, %reduce_max3A_242 [1] : vector<24x1024xf32> to vector<24xf32>
    %broadcast_in_dim3A_244 = vector.shape_cast %reduce_max3A_243 : vector<24xf32> to vector<24x1xf32>
    %eq3A_245 = vector.broadcast %broadcast_in_dim3A_244 : vector<24x1xf32> to vector<24x1024xf32>
    %eq3A_246 = arith.cmpf oeq, %select_n3A_241, %eq3A_245 : vector<24x1024xf32>
    %jit3A_247 = arith.constant 1024 : i32
    %broadcast_in_dim3A_248 = vector.broadcast %jit3A_247 : i32 to vector<24x1024xi32>
    %select_n3A_249 = arith.select %eq3A_246, %iota3A, %broadcast_in_dim3A_248 : vector<24x1024xi1>, vector<24x1024xi32>
    %reduce_min3A_250 = arith.constant dense<2147483647> : vector<24xi32>
    %reduce_min3A_251 = vector.multi_reduction <minsi>, %select_n3A_249, %reduce_min3A_250 [1] : vector<24x1024xi32> to vector<24xi32>
    %broadcast_in_dim3A_252 = vector.shape_cast %reduce_min3A_251 : vector<24xi32> to vector<24x1xi32>
    %swap3A_253 = arith.constant 0 : index
    %swap3A_254 = arith.constant 13 : index
    %swap3A_255 = vector.load %arg2[%swap3A_253, %swap3A_254] : memref<24x20xi32, #tpu.memory_space<vmem>>, vector<24x1xi32>
    tpu.vector_store %arg2[%swap3A_253, %swap3A_254], %broadcast_in_dim3A_252 {strides = array<i32>} : memref<24x20xi32, #tpu.memory_space<vmem>>, vector<24x1xi32>,
    %eq3A_256 = vector.broadcast %broadcast_in_dim3A_252 : vector<24x1xi32> to vector<24x1024xi32>
    %eq3A_257 = arith.cmpi eq, %iota3A, %eq3A_256 : vector<24x1024xi32>
    %jit3A_258 = arith.constant 0xFF800000 : f32
    %broadcast_in_dim3A_259 = vector.broadcast %jit3A_258 : f32 to vector<24x1024xf32>
    %select_n3A_260 = arith.select %eq3A_257, %broadcast_in_dim3A_259, %select_n3A_241 : vector<24x1024xi1>, vector<24x1024xf32>
    %reduce_max3A_261 = arith.constant dense<0xFF800000> : vector<24xf32>
    %reduce_max3A_262 = vector.multi_reduction <maximumf>, %select_n3A_260, %reduce_max3A_261 [1] : vector<24x1024xf32> to vector<24xf32>
    %broadcast_in_dim3A_263 = vector.shape_cast %reduce_max3A_262 : vector<24xf32> to vector<24x1xf32>
    %eq3A_264 = vector.broadcast %broadcast_in_dim3A_263 : vector<24x1xf32> to vector<24x1024xf32>
    %eq3A_265 = arith.cmpf oeq, %select_n3A_260, %eq3A_264 : vector<24x1024xf32>
    %jit3A_266 = arith.constant 1024 : i32
    %broadcast_in_dim3A_267 = vector.broadcast %jit3A_266 : i32 to vector<24x1024xi32>
    %select_n3A_268 = arith.select %eq3A_265, %iota3A, %broadcast_in_dim3A_267 : vector<24x1024xi1>, vector<24x1024xi32>
    %reduce_min3A_269 = arith.constant dense<2147483647> : vector<24xi32>
    %reduce_min3A_270 = vector.multi_reduction <minsi>, %select_n3A_268, %reduce_min3A_269 [1] : vector<24x1024xi32> to vector<24xi32>
    %broadcast_in_dim3A_271 = vector.shape_cast %reduce_min3A_270 : vector<24xi32> to vector<24x1xi32>
    %swap3A_272 = arith.constant 0 : index
    %swap3A_273 = arith.constant 14 : index
    %swap3A_274 = vector.load %arg2[%swap3A_272, %swap3A_273] : memref<24x20xi32, #tpu.memory_space<vmem>>, vector<24x1xi32>
    tpu.vector_store %arg2[%swap3A_272, %swap3A_273], %broadcast_in_dim3A_271 {strides = array<i32>} : memref<24x20xi32, #tpu.memory_space<vmem>>, vector<24x1xi32>,
    %eq3A_275 = vector.broadcast %broadcast_in_dim3A_271 : vector<24x1xi32> to vector<24x1024xi32>
    %eq3A_276 = arith.cmpi eq, %iota3A, %eq3A_275 : vector<24x1024xi32>
    %jit3A_277 = arith.constant 0xFF800000 : f32
    %broadcast_in_dim3A_278 = vector.broadcast %jit3A_277 : f32 to vector<24x1024xf32>
    %select_n3A_279 = arith.select %eq3A_276, %broadcast_in_dim3A_278, %select_n3A_260 : vector<24x1024xi1>, vector<24x1024xf32>
    %reduce_max3A_280 = arith.constant dense<0xFF800000> : vector<24xf32>
    %reduce_max3A_281 = vector.multi_reduction <maximumf>, %select_n3A_279, %reduce_max3A_280 [1] : vector<24x1024xf32> to vector<24xf32>
    %broadcast_in_dim3A_282 = vector.shape_cast %reduce_max3A_281 : vector<24xf32> to vector<24x1xf32>
    %eq3A_283 = vector.broadcast %broadcast_in_dim3A_282 : vector<24x1xf32> to vector<24x1024xf32>
    %eq3A_284 = arith.cmpf oeq, %select_n3A_279, %eq3A_283 : vector<24x1024xf32>
    %jit3A_285 = arith.constant 1024 : i32
    %broadcast_in_dim3A_286 = vector.broadcast %jit3A_285 : i32 to vector<24x1024xi32>
    %select_n3A_287 = arith.select %eq3A_284, %iota3A, %broadcast_in_dim3A_286 : vector<24x1024xi1>, vector<24x1024xi32>
    %reduce_min3A_288 = arith.constant dense<2147483647> : vector<24xi32>
    %reduce_min3A_289 = vector.multi_reduction <minsi>, %select_n3A_287, %reduce_min3A_288 [1] : vector<24x1024xi32> to vector<24xi32>
    %broadcast_in_dim3A_290 = vector.shape_cast %reduce_min3A_289 : vector<24xi32> to vector<24x1xi32>
    %swap3A_291 = arith.constant 0 : index
    %swap3A_292 = arith.constant 15 : index
    %swap3A_293 = vector.load %arg2[%swap3A_291, %swap3A_292] : memref<24x20xi32, #tpu.memory_space<vmem>>, vector<24x1xi32>
    tpu.vector_store %arg2[%swap3A_291, %swap3A_292], %broadcast_in_dim3A_290 {strides = array<i32>} : memref<24x20xi32, #tpu.memory_space<vmem>>, vector<24x1xi32>,
    %eq3A_294 = vector.broadcast %broadcast_in_dim3A_290 : vector<24x1xi32> to vector<24x1024xi32>
    %eq3A_295 = arith.cmpi eq, %iota3A, %eq3A_294 : vector<24x1024xi32>
    %jit3A_296 = arith.constant 0xFF800000 : f32
    %broadcast_in_dim3A_297 = vector.broadcast %jit3A_296 : f32 to vector<24x1024xf32>
    %select_n3A_298 = arith.select %eq3A_295, %broadcast_in_dim3A_297, %select_n3A_279 : vector<24x1024xi1>, vector<24x1024xf32>
    %reduce_max3A_299 = arith.constant dense<0xFF800000> : vector<24xf32>
    %reduce_max3A_300 = vector.multi_reduction <maximumf>, %select_n3A_298, %reduce_max3A_299 [1] : vector<24x1024xf32> to vector<24xf32>
    %broadcast_in_dim3A_301 = vector.shape_cast %reduce_max3A_300 : vector<24xf32> to vector<24x1xf32>
    %eq3A_302 = vector.broadcast %broadcast_in_dim3A_301 : vector<24x1xf32> to vector<24x1024xf32>
    %eq3A_303 = arith.cmpf oeq, %select_n3A_298, %eq3A_302 : vector<24x1024xf32>
    %jit3A_304 = arith.constant 1024 : i32
    %broadcast_in_dim3A_305 = vector.broadcast %jit3A_304 : i32 to vector<24x1024xi32>
    %select_n3A_306 = arith.select %eq3A_303, %iota3A, %broadcast_in_dim3A_305 : vector<24x1024xi1>, vector<24x1024xi32>
    %reduce_min3A_307 = arith.constant dense<2147483647> : vector<24xi32>
    %reduce_min3A_308 = vector.multi_reduction <minsi>, %select_n3A_306, %reduce_min3A_307 [1] : vector<24x1024xi32> to vector<24xi32>
    %broadcast_in_dim3A_309 = vector.shape_cast %reduce_min3A_308 : vector<24xi32> to vector<24x1xi32>
    %swap3A_310 = arith.constant 0 : index
    %swap3A_311 = arith.constant 16 : index
    %swap3A_312 = vector.load %arg2[%swap3A_310, %swap3A_311] : memref<24x20xi32, #tpu.memory_space<vmem>>, vector<24x1xi32>
    tpu.vector_store %arg2[%swap3A_310, %swap3A_311], %broadcast_in_dim3A_309 {strides = array<i32>} : memref<24x20xi32, #tpu.memory_space<vmem>>, vector<24x1xi32>,
    %eq3A_313 = vector.broadcast %broadcast_in_dim3A_309 : vector<24x1xi32> to vector<24x1024xi32>
    %eq3A_314 = arith.cmpi eq, %iota3A, %eq3A_313 : vector<24x1024xi32>
    %jit3A_315 = arith.constant 0xFF800000 : f32
    %broadcast_in_dim3A_316 = vector.broadcast %jit3A_315 : f32 to vector<24x1024xf32>
    %select_n3A_317 = arith.select %eq3A_314, %broadcast_in_dim3A_316, %select_n3A_298 : vector<24x1024xi1>, vector<24x1024xf32>
    %reduce_max3A_318 = arith.constant dense<0xFF800000> : vector<24xf32>
    %reduce_max3A_319 = vector.multi_reduction <maximumf>, %select_n3A_317, %reduce_max3A_318 [1] : vector<24x1024xf32> to vector<24xf32>
    %broadcast_in_dim3A_320 = vector.shape_cast %reduce_max3A_319 : vector<24xf32> to vector<24x1xf32>
    %eq3A_321 = vector.broadcast %broadcast_in_dim3A_320 : vector<24x1xf32> to vector<24x1024xf32>
    %eq3A_322 = arith.cmpf oeq, %select_n3A_317, %eq3A_321 : vector<24x1024xf32>
    %jit3A_323 = arith.constant 1024 : i32
    %broadcast_in_dim3A_324 = vector.broadcast %jit3A_323 : i32 to vector<24x1024xi32>
    %select_n3A_325 = arith.select %eq3A_322, %iota3A, %broadcast_in_dim3A_324 : vector<24x1024xi1>, vector<24x1024xi32>
    %reduce_min3A_326 = arith.constant dense<2147483647> : vector<24xi32>
    %reduce_min3A_327 = vector.multi_reduction <minsi>, %select_n3A_325, %reduce_min3A_326 [1] : vector<24x1024xi32> to vector<24xi32>
    %broadcast_in_dim3A_328 = vector.shape_cast %reduce_min3A_327 : vector<24xi32> to vector<24x1xi32>
    %swap3A_329 = arith.constant 0 : index
    %swap3A_330 = arith.constant 17 : index
    %swap3A_331 = vector.load %arg2[%swap3A_329, %swap3A_330] : memref<24x20xi32, #tpu.memory_space<vmem>>, vector<24x1xi32>
    tpu.vector_store %arg2[%swap3A_329, %swap3A_330], %broadcast_in_dim3A_328 {strides = array<i32>} : memref<24x20xi32, #tpu.memory_space<vmem>>, vector<24x1xi32>,
    %eq3A_332 = vector.broadcast %broadcast_in_dim3A_328 : vector<24x1xi32> to vector<24x1024xi32>
    %eq3A_333 = arith.cmpi eq, %iota3A, %eq3A_332 : vector<24x1024xi32>
    %jit3A_334 = arith.constant 0xFF800000 : f32
    %broadcast_in_dim3A_335 = vector.broadcast %jit3A_334 : f32 to vector<24x1024xf32>
    %select_n3A_336 = arith.select %eq3A_333, %broadcast_in_dim3A_335, %select_n3A_317 : vector<24x1024xi1>, vector<24x1024xf32>
    %reduce_max3A_337 = arith.constant dense<0xFF800000> : vector<24xf32>
    %reduce_max3A_338 = vector.multi_reduction <maximumf>, %select_n3A_336, %reduce_max3A_337 [1] : vector<24x1024xf32> to vector<24xf32>
    %broadcast_in_dim3A_339 = vector.shape_cast %reduce_max3A_338 : vector<24xf32> to vector<24x1xf32>
    %eq3A_340 = vector.broadcast %broadcast_in_dim3A_339 : vector<24x1xf32> to vector<24x1024xf32>
    %eq3A_341 = arith.cmpf oeq, %select_n3A_336, %eq3A_340 : vector<24x1024xf32>
    %jit3A_342 = arith.constant 1024 : i32
    %broadcast_in_dim3A_343 = vector.broadcast %jit3A_342 : i32 to vector<24x1024xi32>
    %select_n3A_344 = arith.select %eq3A_341, %iota3A, %broadcast_in_dim3A_343 : vector<24x1024xi1>, vector<24x1024xi32>
    %reduce_min3A_345 = arith.constant dense<2147483647> : vector<24xi32>
    %reduce_min3A_346 = vector.multi_reduction <minsi>, %select_n3A_344, %reduce_min3A_345 [1] : vector<24x1024xi32> to vector<24xi32>
    %broadcast_in_dim3A_347 = vector.shape_cast %reduce_min3A_346 : vector<24xi32> to vector<24x1xi32>
    %swap3A_348 = arith.constant 0 : index
    %swap3A_349 = arith.constant 18 : index
    %swap3A_350 = vector.load %arg2[%swap3A_348, %swap3A_349] : memref<24x20xi32, #tpu.memory_space<vmem>>, vector<24x1xi32>
    tpu.vector_store %arg2[%swap3A_348, %swap3A_349], %broadcast_in_dim3A_347 {strides = array<i32>} : memref<24x20xi32, #tpu.memory_space<vmem>>, vector<24x1xi32>,
    %eq3A_351 = vector.broadcast %broadcast_in_dim3A_347 : vector<24x1xi32> to vector<24x1024xi32>
    %eq3A_352 = arith.cmpi eq, %iota3A, %eq3A_351 : vector<24x1024xi32>
    %jit3A_353 = arith.constant 0xFF800000 : f32
    %broadcast_in_dim3A_354 = vector.broadcast %jit3A_353 : f32 to vector<24x1024xf32>
    %select_n3A_355 = arith.select %eq3A_352, %broadcast_in_dim3A_354, %select_n3A_336 : vector<24x1024xi1>, vector<24x1024xf32>
    %reduce_max3A_356 = arith.constant dense<0xFF800000> : vector<24xf32>
    %reduce_max3A_357 = vector.multi_reduction <maximumf>, %select_n3A_355, %reduce_max3A_356 [1] : vector<24x1024xf32> to vector<24xf32>
    %broadcast_in_dim3A_358 = vector.shape_cast %reduce_max3A_357 : vector<24xf32> to vector<24x1xf32>
    %eq3A_359 = vector.broadcast %broadcast_in_dim3A_358 : vector<24x1xf32> to vector<24x1024xf32>
    %eq3A_360 = arith.cmpf oeq, %select_n3A_355, %eq3A_359 : vector<24x1024xf32>
    %jit3A_361 = arith.constant 1024 : i32
    %broadcast_in_dim3A_362 = vector.broadcast %jit3A_361 : i32 to vector<24x1024xi32>
    %select_n3A_363 = arith.select %eq3A_360, %iota3A, %broadcast_in_dim3A_362 : vector<24x1024xi1>, vector<24x1024xi32>
    %reduce_min3A_364 = arith.constant dense<2147483647> : vector<24xi32>
    %reduce_min3A_365 = vector.multi_reduction <minsi>, %select_n3A_363, %reduce_min3A_364 [1] : vector<24x1024xi32> to vector<24xi32>
    %broadcast_in_dim3A_366 = vector.shape_cast %reduce_min3A_365 : vector<24xi32> to vector<24x1xi32>
    %swap3A_367 = arith.constant 0 : index
    %swap3A_368 = arith.constant 19 : index
    %swap3A_369 = vector.load %arg2[%swap3A_367, %swap3A_368] : memref<24x20xi32, #tpu.memory_space<vmem>>, vector<24x1xi32>
    tpu.vector_store %arg2[%swap3A_367, %swap3A_368], %broadcast_in_dim3A_366 {strides = array<i32>} : memref<24x20xi32, #tpu.memory_space<vmem>>, vector<24x1xi32>,
    return
  }
  func.func @transform_0(%arg0: i32) -> (i32, i32) {
    %c0_i32 = arith.constant 0 : i32
    %c0_i32_0 = arith.constant 0 : i32
    return %arg0, %c0_i32 : i32, i32
  }
  func.func @transform_1(%arg0: i32) -> (i32, i32) {
    %c0_i32 = arith.constant 0 : i32
    %c0_i32_0 = arith.constant 0 : i32
    return %arg0, %c0_i32 : i32, i32
  }
}

module attributes {stable_mosaic.version = 14 : i64} {
  func.func @_attn_body(%arg0: i32, %arg1: memref<1x1024x128xf32, #tpu.memory_space<vmem>>, %arg2: memref<1x1024x128xf32, #tpu.memory_space<vmem>>, %arg3: memref<1x1024x128xf32, #tpu.memory_space<vmem>>, %arg4: memref<1x20x128xi32, #tpu.memory_space<vmem>>, %arg5: memref<1x160x1024xf32, #tpu.memory_space<vmem>>, %arg6: memref<1x160x1024xf32, #tpu.memory_space<vmem>>, %arg7: memref<1x1xi32, #tpu.memory_space<smem>>, %arg8: memref<1x1xi32, #tpu.memory_space<smem>>, %arg9: memref<128x128xf32, #tpu.memory_space<vmem>>, %arg10: memref<1x128xf32, #tpu.memory_space<vmem>>, %arg11: memref<1x128xf32, #tpu.memory_space<vmem>>, %arg12: memref<1x128xf32, #tpu.memory_space<vmem>>, %arg13: memref<128x128xf32, #tpu.memory_space<vmem>>, %arg14: memref<1x128xf32, #tpu.memory_space<vmem>>, %arg15: memref<1x1024x128xf32, #tpu.memory_space<vmem>>) attributes {dimension_semantics = [#tpu.dimension_semantics<arbitrary>], iteration_bounds = array<i64: 24>, scalar_prefetch = 0 : i64, scratch_operands = 0 : i64, tpu.core_type = #tpu.core_type<tc>, window_params = [{transform_indices = @transform_0, window_bounds = array<i64: 1, 1024, 128>}, {transform_indices = @transform_1, window_bounds = array<i64: 1, 1024, 128>}, {transform_indices = @transform_2, window_bounds = array<i64: 1, 1024, 128>}, {transform_indices = @transform_3, window_bounds = array<i64: 1, 20, 128>}, {transform_indices = @transform_4, window_bounds = array<i64: 1, 160, 1024>}, {transform_indices = @transform_5, window_bounds = array<i64: 1, 160, 1024>}, {transform_indices = @transform_6, window_bounds = array<i64: 1, 1>}, {transform_indices = @transform_7, window_bounds = array<i64: 1, 1>}, {pipeline_mode = #tpu.pipeline_mode<synchronous>, transform_indices = @transform_8, window_bounds = array<i64: 128, 128>}, {pipeline_mode = #tpu.pipeline_mode<synchronous>, transform_indices = @transform_9, window_bounds = array<i64: 1, 128>}, {pipeline_mode = #tpu.pipeline_mode<synchronous>, transform_indices = @transform_10, window_bounds = array<i64: 1, 128>}, {pipeline_mode = #tpu.pipeline_mode<synchronous>, transform_indices = @transform_11, window_bounds = array<i64: 1, 128>}, {pipeline_mode = #tpu.pipeline_mode<synchronous>, transform_indices = @transform_12, window_bounds = array<i64: 128, 128>}, {pipeline_mode = #tpu.pipeline_mode<synchronous>, transform_indices = @transform_13, window_bounds = array<i64: 1, 128>}, {transform_indices = @transform_14, window_bounds = array<i64: 1, 1024, 128>}]} {
    %get3A = arith.constant 0 : index
    %get3A_0 = arith.constant 0 : index
    %get3A_1 = arith.constant 0 : index
    %get3A_2 = vector.load %arg1[%get3A, %get3A_0, %get3A_1] : memref<1x1024x128xf32, #tpu.memory_space<vmem>>, vector<1x1024x128xf32>
    %get3A_3 = vector.shape_cast %get3A_2 : vector<1x1024x128xf32> to vector<1024x128xf32>
    %get3A_4 = arith.constant 0 : index
    %get3A_5 = arith.constant 0 : index
    %get3A_6 = arith.constant 0 : index
    %get3A_7 = vector.load %arg2[%get3A_4, %get3A_5, %get3A_6] : memref<1x1024x128xf32, #tpu.memory_space<vmem>>, vector<1x1024x128xf32>
    %get3A_8 = vector.shape_cast %get3A_7 : vector<1x1024x128xf32> to vector<1024x128xf32>
    %get3A_9 = arith.constant 0 : index
    %get3A_10 = arith.constant 0 : index
    %get3A_11 = arith.constant 0 : index
    %get3A_12 = vector.load %arg3[%get3A_9, %get3A_10, %get3A_11] : memref<1x1024x128xf32, #tpu.memory_space<vmem>>, vector<1x1024x128xf32>
    %get3A_13 = vector.shape_cast %get3A_12 : vector<1x1024x128xf32> to vector<1024x128xf32>
    %get3A_14 = arith.constant 0 : index
    %get3A_15 = arith.constant 0 : index
    %get3A_16 = arith.constant 0 : index
    %get3A_17 = vector.load %arg4[%get3A_14, %get3A_15, %get3A_16] : memref<1x20x128xi32, #tpu.memory_space<vmem>>, vector<1x20x128xi32>
    %get3A_18 = vector.shape_cast %get3A_17 : vector<1x20x128xi32> to vector<20x128xi32>
    %iota3A = tpu.iota {dimensions = array<i32: 0>} : vector<1024x128xi32>
    %iota3A_19 = tpu.iota {dimensions = array<i32: 0>} : vector<20x1024xi32>
    %get3A_20 = arith.constant 0 : index
    %get3A_21 = arith.constant 0 : index
    %get3A_22 = memref.load %arg7[%get3A_20, %get3A_21] : memref<1x1xi32, #tpu.memory_space<smem>>
    %get3A_23 = arith.constant 0 : index
    %get3A_24 = arith.constant 0 : index
    %get3A_25 = memref.load %arg8[%get3A_23, %get3A_24] : memref<1x1xi32, #tpu.memory_space<smem>>
    %slice3A = vector.extract_strided_slice %get3A_18 {offsets = [0, 0], sizes = [1, 128], strides = [1, 1]} : vector<20x128xi32> to vector<1x128xi32>
    %eq3A = vector.broadcast %slice3A : vector<1x128xi32> to vector<1024x128xi32>
    %eq3A_26 = arith.cmpi eq, %iota3A, %eq3A : vector<1024x128xi32>
    %jit3A = arith.constant 0.000000e+00 : f32
    %broadcast_in_dim3A = vector.broadcast %jit3A : f32 to vector<1024x128xf32>
    %select_n3A = arith.select %eq3A_26, %get3A_3, %broadcast_in_dim3A : vector<1024x128xi1>, vector<1024x128xf32>
    %reduce_sum3A = arith.constant dense<0.000000e+00> : vector<128xf32>
    %reduce_sum3A_27 = vector.multi_reduction <add>, %select_n3A, %reduce_sum3A [0] : vector<1024x128xf32> to vector<128xf32>
    %broadcast_in_dim3A_28 = vector.shape_cast %reduce_sum3A_27 : vector<128xf32> to vector<1x128xf32>
    %slice3A_29 = vector.extract_strided_slice %get3A_18 {offsets = [1, 0], sizes = [1, 128], strides = [1, 1]} : vector<20x128xi32> to vector<1x128xi32>
    %eq3A_30 = vector.broadcast %slice3A_29 : vector<1x128xi32> to vector<1024x128xi32>
    %eq3A_31 = arith.cmpi eq, %iota3A, %eq3A_30 : vector<1024x128xi32>
    %jit3A_32 = arith.constant 0.000000e+00 : f32
    %broadcast_in_dim3A_33 = vector.broadcast %jit3A_32 : f32 to vector<1024x128xf32>
    %select_n3A_34 = arith.select %eq3A_31, %get3A_3, %broadcast_in_dim3A_33 : vector<1024x128xi1>, vector<1024x128xf32>
    %reduce_sum3A_35 = arith.constant dense<0.000000e+00> : vector<128xf32>
    %reduce_sum3A_36 = vector.multi_reduction <add>, %select_n3A_34, %reduce_sum3A_35 [0] : vector<1024x128xf32> to vector<128xf32>
    %broadcast_in_dim3A_37 = vector.shape_cast %reduce_sum3A_36 : vector<128xf32> to vector<1x128xf32>
    %slice3A_38 = vector.extract_strided_slice %get3A_18 {offsets = [2, 0], sizes = [1, 128], strides = [1, 1]} : vector<20x128xi32> to vector<1x128xi32>
    %eq3A_39 = vector.broadcast %slice3A_38 : vector<1x128xi32> to vector<1024x128xi32>
    %eq3A_40 = arith.cmpi eq, %iota3A, %eq3A_39 : vector<1024x128xi32>
    %jit3A_41 = arith.constant 0.000000e+00 : f32
    %broadcast_in_dim3A_42 = vector.broadcast %jit3A_41 : f32 to vector<1024x128xf32>
    %select_n3A_43 = arith.select %eq3A_40, %get3A_3, %broadcast_in_dim3A_42 : vector<1024x128xi1>, vector<1024x128xf32>
    %reduce_sum3A_44 = arith.constant dense<0.000000e+00> : vector<128xf32>
    %reduce_sum3A_45 = vector.multi_reduction <add>, %select_n3A_43, %reduce_sum3A_44 [0] : vector<1024x128xf32> to vector<128xf32>
    %broadcast_in_dim3A_46 = vector.shape_cast %reduce_sum3A_45 : vector<128xf32> to vector<1x128xf32>
    %slice3A_47 = vector.extract_strided_slice %get3A_18 {offsets = [3, 0], sizes = [1, 128], strides = [1, 1]} : vector<20x128xi32> to vector<1x128xi32>
    %eq3A_48 = vector.broadcast %slice3A_47 : vector<1x128xi32> to vector<1024x128xi32>
    %eq3A_49 = arith.cmpi eq, %iota3A, %eq3A_48 : vector<1024x128xi32>
    %jit3A_50 = arith.constant 0.000000e+00 : f32
    %broadcast_in_dim3A_51 = vector.broadcast %jit3A_50 : f32 to vector<1024x128xf32>
    %select_n3A_52 = arith.select %eq3A_49, %get3A_3, %broadcast_in_dim3A_51 : vector<1024x128xi1>, vector<1024x128xf32>
    %reduce_sum3A_53 = arith.constant dense<0.000000e+00> : vector<128xf32>
    %reduce_sum3A_54 = vector.multi_reduction <add>, %select_n3A_52, %reduce_sum3A_53 [0] : vector<1024x128xf32> to vector<128xf32>
    %broadcast_in_dim3A_55 = vector.shape_cast %reduce_sum3A_54 : vector<128xf32> to vector<1x128xf32>
    %slice3A_56 = vector.extract_strided_slice %get3A_18 {offsets = [4, 0], sizes = [1, 128], strides = [1, 1]} : vector<20x128xi32> to vector<1x128xi32>
    %eq3A_57 = vector.broadcast %slice3A_56 : vector<1x128xi32> to vector<1024x128xi32>
    %eq3A_58 = arith.cmpi eq, %iota3A, %eq3A_57 : vector<1024x128xi32>
    %jit3A_59 = arith.constant 0.000000e+00 : f32
    %broadcast_in_dim3A_60 = vector.broadcast %jit3A_59 : f32 to vector<1024x128xf32>
    %select_n3A_61 = arith.select %eq3A_58, %get3A_3, %broadcast_in_dim3A_60 : vector<1024x128xi1>, vector<1024x128xf32>
    %reduce_sum3A_62 = arith.constant dense<0.000000e+00> : vector<128xf32>
    %reduce_sum3A_63 = vector.multi_reduction <add>, %select_n3A_61, %reduce_sum3A_62 [0] : vector<1024x128xf32> to vector<128xf32>
    %broadcast_in_dim3A_64 = vector.shape_cast %reduce_sum3A_63 : vector<128xf32> to vector<1x128xf32>
    %slice3A_65 = vector.extract_strided_slice %get3A_18 {offsets = [5, 0], sizes = [1, 128], strides = [1, 1]} : vector<20x128xi32> to vector<1x128xi32>
    %eq3A_66 = vector.broadcast %slice3A_65 : vector<1x128xi32> to vector<1024x128xi32>
    %eq3A_67 = arith.cmpi eq, %iota3A, %eq3A_66 : vector<1024x128xi32>
    %jit3A_68 = arith.constant 0.000000e+00 : f32
    %broadcast_in_dim3A_69 = vector.broadcast %jit3A_68 : f32 to vector<1024x128xf32>
    %select_n3A_70 = arith.select %eq3A_67, %get3A_3, %broadcast_in_dim3A_69 : vector<1024x128xi1>, vector<1024x128xf32>
    %reduce_sum3A_71 = arith.constant dense<0.000000e+00> : vector<128xf32>
    %reduce_sum3A_72 = vector.multi_reduction <add>, %select_n3A_70, %reduce_sum3A_71 [0] : vector<1024x128xf32> to vector<128xf32>
    %broadcast_in_dim3A_73 = vector.shape_cast %reduce_sum3A_72 : vector<128xf32> to vector<1x128xf32>
    %slice3A_74 = vector.extract_strided_slice %get3A_18 {offsets = [6, 0], sizes = [1, 128], strides = [1, 1]} : vector<20x128xi32> to vector<1x128xi32>
    %eq3A_75 = vector.broadcast %slice3A_74 : vector<1x128xi32> to vector<1024x128xi32>
    %eq3A_76 = arith.cmpi eq, %iota3A, %eq3A_75 : vector<1024x128xi32>
    %jit3A_77 = arith.constant 0.000000e+00 : f32
    %broadcast_in_dim3A_78 = vector.broadcast %jit3A_77 : f32 to vector<1024x128xf32>
    %select_n3A_79 = arith.select %eq3A_76, %get3A_3, %broadcast_in_dim3A_78 : vector<1024x128xi1>, vector<1024x128xf32>
    %reduce_sum3A_80 = arith.constant dense<0.000000e+00> : vector<128xf32>
    %reduce_sum3A_81 = vector.multi_reduction <add>, %select_n3A_79, %reduce_sum3A_80 [0] : vector<1024x128xf32> to vector<128xf32>
    %broadcast_in_dim3A_82 = vector.shape_cast %reduce_sum3A_81 : vector<128xf32> to vector<1x128xf32>
    %slice3A_83 = vector.extract_strided_slice %get3A_18 {offsets = [7, 0], sizes = [1, 128], strides = [1, 1]} : vector<20x128xi32> to vector<1x128xi32>
    %eq3A_84 = vector.broadcast %slice3A_83 : vector<1x128xi32> to vector<1024x128xi32>
    %eq3A_85 = arith.cmpi eq, %iota3A, %eq3A_84 : vector<1024x128xi32>
    %jit3A_86 = arith.constant 0.000000e+00 : f32
    %broadcast_in_dim3A_87 = vector.broadcast %jit3A_86 : f32 to vector<1024x128xf32>
    %select_n3A_88 = arith.select %eq3A_85, %get3A_3, %broadcast_in_dim3A_87 : vector<1024x128xi1>, vector<1024x128xf32>
    %reduce_sum3A_89 = arith.constant dense<0.000000e+00> : vector<128xf32>
    %reduce_sum3A_90 = vector.multi_reduction <add>, %select_n3A_88, %reduce_sum3A_89 [0] : vector<1024x128xf32> to vector<128xf32>
    %broadcast_in_dim3A_91 = vector.shape_cast %reduce_sum3A_90 : vector<128xf32> to vector<1x128xf32>
    %slice3A_92 = vector.extract_strided_slice %get3A_18 {offsets = [8, 0], sizes = [1, 128], strides = [1, 1]} : vector<20x128xi32> to vector<1x128xi32>
    %eq3A_93 = vector.broadcast %slice3A_92 : vector<1x128xi32> to vector<1024x128xi32>
    %eq3A_94 = arith.cmpi eq, %iota3A, %eq3A_93 : vector<1024x128xi32>
    %jit3A_95 = arith.constant 0.000000e+00 : f32
    %broadcast_in_dim3A_96 = vector.broadcast %jit3A_95 : f32 to vector<1024x128xf32>
    %select_n3A_97 = arith.select %eq3A_94, %get3A_3, %broadcast_in_dim3A_96 : vector<1024x128xi1>, vector<1024x128xf32>
    %reduce_sum3A_98 = arith.constant dense<0.000000e+00> : vector<128xf32>
    %reduce_sum3A_99 = vector.multi_reduction <add>, %select_n3A_97, %reduce_sum3A_98 [0] : vector<1024x128xf32> to vector<128xf32>
    %broadcast_in_dim3A_100 = vector.shape_cast %reduce_sum3A_99 : vector<128xf32> to vector<1x128xf32>
    %slice3A_101 = vector.extract_strided_slice %get3A_18 {offsets = [9, 0], sizes = [1, 128], strides = [1, 1]} : vector<20x128xi32> to vector<1x128xi32>
    %eq3A_102 = vector.broadcast %slice3A_101 : vector<1x128xi32> to vector<1024x128xi32>
    %eq3A_103 = arith.cmpi eq, %iota3A, %eq3A_102 : vector<1024x128xi32>
    %jit3A_104 = arith.constant 0.000000e+00 : f32
    %broadcast_in_dim3A_105 = vector.broadcast %jit3A_104 : f32 to vector<1024x128xf32>
    %select_n3A_106 = arith.select %eq3A_103, %get3A_3, %broadcast_in_dim3A_105 : vector<1024x128xi1>, vector<1024x128xf32>
    %reduce_sum3A_107 = arith.constant dense<0.000000e+00> : vector<128xf32>
    %reduce_sum3A_108 = vector.multi_reduction <add>, %select_n3A_106, %reduce_sum3A_107 [0] : vector<1024x128xf32> to vector<128xf32>
    %broadcast_in_dim3A_109 = vector.shape_cast %reduce_sum3A_108 : vector<128xf32> to vector<1x128xf32>
    %slice3A_110 = vector.extract_strided_slice %get3A_18 {offsets = [10, 0], sizes = [1, 128], strides = [1, 1]} : vector<20x128xi32> to vector<1x128xi32>
    %eq3A_111 = vector.broadcast %slice3A_110 : vector<1x128xi32> to vector<1024x128xi32>
    %eq3A_112 = arith.cmpi eq, %iota3A, %eq3A_111 : vector<1024x128xi32>
    %jit3A_113 = arith.constant 0.000000e+00 : f32
    %broadcast_in_dim3A_114 = vector.broadcast %jit3A_113 : f32 to vector<1024x128xf32>
    %select_n3A_115 = arith.select %eq3A_112, %get3A_3, %broadcast_in_dim3A_114 : vector<1024x128xi1>, vector<1024x128xf32>
    %reduce_sum3A_116 = arith.constant dense<0.000000e+00> : vector<128xf32>
    %reduce_sum3A_117 = vector.multi_reduction <add>, %select_n3A_115, %reduce_sum3A_116 [0] : vector<1024x128xf32> to vector<128xf32>
    %broadcast_in_dim3A_118 = vector.shape_cast %reduce_sum3A_117 : vector<128xf32> to vector<1x128xf32>
    %slice3A_119 = vector.extract_strided_slice %get3A_18 {offsets = [11, 0], sizes = [1, 128], strides = [1, 1]} : vector<20x128xi32> to vector<1x128xi32>
    %eq3A_120 = vector.broadcast %slice3A_119 : vector<1x128xi32> to vector<1024x128xi32>
    %eq3A_121 = arith.cmpi eq, %iota3A, %eq3A_120 : vector<1024x128xi32>
    %jit3A_122 = arith.constant 0.000000e+00 : f32
    %broadcast_in_dim3A_123 = vector.broadcast %jit3A_122 : f32 to vector<1024x128xf32>
    %select_n3A_124 = arith.select %eq3A_121, %get3A_3, %broadcast_in_dim3A_123 : vector<1024x128xi1>, vector<1024x128xf32>
    %reduce_sum3A_125 = arith.constant dense<0.000000e+00> : vector<128xf32>
    %reduce_sum3A_126 = vector.multi_reduction <add>, %select_n3A_124, %reduce_sum3A_125 [0] : vector<1024x128xf32> to vector<128xf32>
    %broadcast_in_dim3A_127 = vector.shape_cast %reduce_sum3A_126 : vector<128xf32> to vector<1x128xf32>
    %slice3A_128 = vector.extract_strided_slice %get3A_18 {offsets = [12, 0], sizes = [1, 128], strides = [1, 1]} : vector<20x128xi32> to vector<1x128xi32>
    %eq3A_129 = vector.broadcast %slice3A_128 : vector<1x128xi32> to vector<1024x128xi32>
    %eq3A_130 = arith.cmpi eq, %iota3A, %eq3A_129 : vector<1024x128xi32>
    %jit3A_131 = arith.constant 0.000000e+00 : f32
    %broadcast_in_dim3A_132 = vector.broadcast %jit3A_131 : f32 to vector<1024x128xf32>
    %select_n3A_133 = arith.select %eq3A_130, %get3A_3, %broadcast_in_dim3A_132 : vector<1024x128xi1>, vector<1024x128xf32>
    %reduce_sum3A_134 = arith.constant dense<0.000000e+00> : vector<128xf32>
    %reduce_sum3A_135 = vector.multi_reduction <add>, %select_n3A_133, %reduce_sum3A_134 [0] : vector<1024x128xf32> to vector<128xf32>
    %broadcast_in_dim3A_136 = vector.shape_cast %reduce_sum3A_135 : vector<128xf32> to vector<1x128xf32>
    %slice3A_137 = vector.extract_strided_slice %get3A_18 {offsets = [13, 0], sizes = [1, 128], strides = [1, 1]} : vector<20x128xi32> to vector<1x128xi32>
    %eq3A_138 = vector.broadcast %slice3A_137 : vector<1x128xi32> to vector<1024x128xi32>
    %eq3A_139 = arith.cmpi eq, %iota3A, %eq3A_138 : vector<1024x128xi32>
    %jit3A_140 = arith.constant 0.000000e+00 : f32
    %broadcast_in_dim3A_141 = vector.broadcast %jit3A_140 : f32 to vector<1024x128xf32>
    %select_n3A_142 = arith.select %eq3A_139, %get3A_3, %broadcast_in_dim3A_141 : vector<1024x128xi1>, vector<1024x128xf32>
    %reduce_sum3A_143 = arith.constant dense<0.000000e+00> : vector<128xf32>
    %reduce_sum3A_144 = vector.multi_reduction <add>, %select_n3A_142, %reduce_sum3A_143 [0] : vector<1024x128xf32> to vector<128xf32>
    %broadcast_in_dim3A_145 = vector.shape_cast %reduce_sum3A_144 : vector<128xf32> to vector<1x128xf32>
    %slice3A_146 = vector.extract_strided_slice %get3A_18 {offsets = [14, 0], sizes = [1, 128], strides = [1, 1]} : vector<20x128xi32> to vector<1x128xi32>
    %eq3A_147 = vector.broadcast %slice3A_146 : vector<1x128xi32> to vector<1024x128xi32>
    %eq3A_148 = arith.cmpi eq, %iota3A, %eq3A_147 : vector<1024x128xi32>
    %jit3A_149 = arith.constant 0.000000e+00 : f32
    %broadcast_in_dim3A_150 = vector.broadcast %jit3A_149 : f32 to vector<1024x128xf32>
    %select_n3A_151 = arith.select %eq3A_148, %get3A_3, %broadcast_in_dim3A_150 : vector<1024x128xi1>, vector<1024x128xf32>
    %reduce_sum3A_152 = arith.constant dense<0.000000e+00> : vector<128xf32>
    %reduce_sum3A_153 = vector.multi_reduction <add>, %select_n3A_151, %reduce_sum3A_152 [0] : vector<1024x128xf32> to vector<128xf32>
    %broadcast_in_dim3A_154 = vector.shape_cast %reduce_sum3A_153 : vector<128xf32> to vector<1x128xf32>
    %slice3A_155 = vector.extract_strided_slice %get3A_18 {offsets = [15, 0], sizes = [1, 128], strides = [1, 1]} : vector<20x128xi32> to vector<1x128xi32>
    %eq3A_156 = vector.broadcast %slice3A_155 : vector<1x128xi32> to vector<1024x128xi32>
    %eq3A_157 = arith.cmpi eq, %iota3A, %eq3A_156 : vector<1024x128xi32>
    %jit3A_158 = arith.constant 0.000000e+00 : f32
    %broadcast_in_dim3A_159 = vector.broadcast %jit3A_158 : f32 to vector<1024x128xf32>
    %select_n3A_160 = arith.select %eq3A_157, %get3A_3, %broadcast_in_dim3A_159 : vector<1024x128xi1>, vector<1024x128xf32>
    %reduce_sum3A_161 = arith.constant dense<0.000000e+00> : vector<128xf32>
    %reduce_sum3A_162 = vector.multi_reduction <add>, %select_n3A_160, %reduce_sum3A_161 [0] : vector<1024x128xf32> to vector<128xf32>
    %broadcast_in_dim3A_163 = vector.shape_cast %reduce_sum3A_162 : vector<128xf32> to vector<1x128xf32>
    %slice3A_164 = vector.extract_strided_slice %get3A_18 {offsets = [16, 0], sizes = [1, 128], strides = [1, 1]} : vector<20x128xi32> to vector<1x128xi32>
    %eq3A_165 = vector.broadcast %slice3A_164 : vector<1x128xi32> to vector<1024x128xi32>
    %eq3A_166 = arith.cmpi eq, %iota3A, %eq3A_165 : vector<1024x128xi32>
    %jit3A_167 = arith.constant 0.000000e+00 : f32
    %broadcast_in_dim3A_168 = vector.broadcast %jit3A_167 : f32 to vector<1024x128xf32>
    %select_n3A_169 = arith.select %eq3A_166, %get3A_3, %broadcast_in_dim3A_168 : vector<1024x128xi1>, vector<1024x128xf32>
    %reduce_sum3A_170 = arith.constant dense<0.000000e+00> : vector<128xf32>
    %reduce_sum3A_171 = vector.multi_reduction <add>, %select_n3A_169, %reduce_sum3A_170 [0] : vector<1024x128xf32> to vector<128xf32>
    %broadcast_in_dim3A_172 = vector.shape_cast %reduce_sum3A_171 : vector<128xf32> to vector<1x128xf32>
    %slice3A_173 = vector.extract_strided_slice %get3A_18 {offsets = [17, 0], sizes = [1, 128], strides = [1, 1]} : vector<20x128xi32> to vector<1x128xi32>
    %eq3A_174 = vector.broadcast %slice3A_173 : vector<1x128xi32> to vector<1024x128xi32>
    %eq3A_175 = arith.cmpi eq, %iota3A, %eq3A_174 : vector<1024x128xi32>
    %jit3A_176 = arith.constant 0.000000e+00 : f32
    %broadcast_in_dim3A_177 = vector.broadcast %jit3A_176 : f32 to vector<1024x128xf32>
    %select_n3A_178 = arith.select %eq3A_175, %get3A_3, %broadcast_in_dim3A_177 : vector<1024x128xi1>, vector<1024x128xf32>
    %reduce_sum3A_179 = arith.constant dense<0.000000e+00> : vector<128xf32>
    %reduce_sum3A_180 = vector.multi_reduction <add>, %select_n3A_178, %reduce_sum3A_179 [0] : vector<1024x128xf32> to vector<128xf32>
    %broadcast_in_dim3A_181 = vector.shape_cast %reduce_sum3A_180 : vector<128xf32> to vector<1x128xf32>
    %slice3A_182 = vector.extract_strided_slice %get3A_18 {offsets = [18, 0], sizes = [1, 128], strides = [1, 1]} : vector<20x128xi32> to vector<1x128xi32>
    %eq3A_183 = vector.broadcast %slice3A_182 : vector<1x128xi32> to vector<1024x128xi32>
    %eq3A_184 = arith.cmpi eq, %iota3A, %eq3A_183 : vector<1024x128xi32>
    %jit3A_185 = arith.constant 0.000000e+00 : f32
    %broadcast_in_dim3A_186 = vector.broadcast %jit3A_185 : f32 to vector<1024x128xf32>
    %select_n3A_187 = arith.select %eq3A_184, %get3A_3, %broadcast_in_dim3A_186 : vector<1024x128xi1>, vector<1024x128xf32>
    %reduce_sum3A_188 = arith.constant dense<0.000000e+00> : vector<128xf32>
    %reduce_sum3A_189 = vector.multi_reduction <add>, %select_n3A_187, %reduce_sum3A_188 [0] : vector<1024x128xf32> to vector<128xf32>
    %broadcast_in_dim3A_190 = vector.shape_cast %reduce_sum3A_189 : vector<128xf32> to vector<1x128xf32>
    %slice3A_191 = vector.extract_strided_slice %get3A_18 {offsets = [19, 0], sizes = [1, 128], strides = [1, 1]} : vector<20x128xi32> to vector<1x128xi32>
    %eq3A_192 = vector.broadcast %slice3A_191 : vector<1x128xi32> to vector<1024x128xi32>
    %eq3A_193 = arith.cmpi eq, %iota3A, %eq3A_192 : vector<1024x128xi32>
    %jit3A_194 = arith.constant 0.000000e+00 : f32
    %broadcast_in_dim3A_195 = vector.broadcast %jit3A_194 : f32 to vector<1024x128xf32>
    %select_n3A_196 = arith.select %eq3A_193, %get3A_3, %broadcast_in_dim3A_195 : vector<1024x128xi1>, vector<1024x128xf32>
    %reduce_sum3A_197 = arith.constant dense<0.000000e+00> : vector<128xf32>
    %reduce_sum3A_198 = vector.multi_reduction <add>, %select_n3A_196, %reduce_sum3A_197 [0] : vector<1024x128xf32> to vector<128xf32>
    %broadcast_in_dim3A_199 = vector.shape_cast %reduce_sum3A_198 : vector<128xf32> to vector<1x128xf32>
    %concatenate3A = tpu.concatenate %broadcast_in_dim3A_28, %broadcast_in_dim3A_37, %broadcast_in_dim3A_46, %broadcast_in_dim3A_55, %broadcast_in_dim3A_64, %broadcast_in_dim3A_73, %broadcast_in_dim3A_82, %broadcast_in_dim3A_91, %broadcast_in_dim3A_100, %broadcast_in_dim3A_109, %broadcast_in_dim3A_118, %broadcast_in_dim3A_127, %broadcast_in_dim3A_136, %broadcast_in_dim3A_145, %broadcast_in_dim3A_154, %broadcast_in_dim3A_163, %broadcast_in_dim3A_172, %broadcast_in_dim3A_181, %broadcast_in_dim3A_190, %broadcast_in_dim3A_199 in 0 : vector<1x128xf32>, vector<1x128xf32>, vector<1x128xf32>, vector<1x128xf32>, vector<1x128xf32>, vector<1x128xf32>, vector<1x128xf32>, vector<1x128xf32>, vector<1x128xf32>, vector<1x128xf32>, vector<1x128xf32>, vector<1x128xf32>, vector<1x128xf32>, vector<1x128xf32>, vector<1x128xf32>, vector<1x128xf32>, vector<1x128xf32>, vector<1x128xf32>, vector<1x128xf32>, vector<1x128xf32> -> vector<20x128xf32>
    %slice3A_200 = vector.extract_strided_slice %concatenate3A {offsets = [0, 0], sizes = [20, 16], strides = [1, 1]} : vector<20x128xf32> to vector<20x16xf32>
    %convert_element_type3A = arith.truncf %slice3A_200 : vector<20x16xf32> to vector<20x16xbf16>
    %slice3A_201 = vector.extract_strided_slice %get3A_8 {offsets = [0, 0], sizes = [1024, 16], strides = [1, 1]} : vector<1024x128xf32> to vector<1024x16xf32>
    %convert_element_type3A_202 = arith.truncf %slice3A_201 : vector<1024x16xf32> to vector<1024x16xbf16>
    %dot_general3A = arith.constant dense<0.000000e+00> : vector<20x1024xf32>
    %dot_general3A_203 = tpu.matmul %convert_element_type3A, %convert_element_type3A_202, %dot_general3A {dimension_numbers = #tpu.dot_dimension_numbers<[1], [1], [0], [0], [0, 0, 1, 0], [], []>, transpose_lhs_hint = false} : vector<20x16xbf16>, vector<1024x16xbf16>, vector<20x1024xf32> -> vector<20x1024xf32>
    %mul3A = arith.constant 2.500000e-01 : f32
    %mul3A_204 = vector.broadcast %mul3A : f32 to vector<20x1024xf32>
    %mul3A_205 = arith.mulf %dot_general3A_203, %mul3A_204 : vector<20x1024xf32>
    %get3A_206 = arith.constant 0 : index
    %get3A_207 = arith.constant 0 : index
    %get3A_208 = arith.constant 0 : index
    %get3A_209 = vector.load %arg5[%get3A_206, %get3A_207, %get3A_208] : memref<1x160x1024xf32, #tpu.memory_space<vmem>>, vector<1x20x1024xf32>
    %get3A_210 = vector.shape_cast %get3A_209 : vector<1x20x1024xf32> to vector<20x1024xf32>
    %get3A_211 = arith.constant 0 : index
    %get3A_212 = arith.constant 0 : index
    %get3A_213 = arith.constant 0 : index
    %get3A_214 = vector.load %arg6[%get3A_211, %get3A_212, %get3A_213] : memref<1x160x1024xf32, #tpu.memory_space<vmem>>, vector<1x20x1024xf32>
    %get3A_215 = vector.shape_cast %get3A_214 : vector<1x20x1024xf32> to vector<20x1024xf32>
    %ne3A = arith.constant 0 : i32
    %ne3A_216 = arith.cmpi ne, %get3A_22, %ne3A : i32
    %mul3A_217 = arith.mulf %mul3A_205, %get3A_210 : vector<20x1024xf32>
    %select_n3A_218 = arith.select %ne3A_216, %mul3A_217, %mul3A_205 : vector<20x1024xf32>
    %ne3A_219 = arith.constant 0 : i32
    %ne3A_220 = arith.cmpi ne, %get3A_25, %ne3A_219 : i32
    %mul3A_221 = arith.mulf %select_n3A_218, %get3A_215 : vector<20x1024xf32>
    %select_n3A_222 = arith.select %ne3A_220, %mul3A_221, %select_n3A_218 : vector<20x1024xf32>
    %reduce_max3A = arith.constant dense<0xFF800000> : vector<20xf32>
    %reduce_max3A_223 = vector.multi_reduction <maximumf>, %select_n3A_222, %reduce_max3A [1] : vector<20x1024xf32> to vector<20xf32>
    %broadcast_in_dim3A_224 = vector.shape_cast %reduce_max3A_223 : vector<20xf32> to vector<20x1xf32>
    %sub3A = vector.broadcast %broadcast_in_dim3A_224 : vector<20x1xf32> to vector<20x1024xf32>
    %sub3A_225 = arith.subf %select_n3A_222, %sub3A : vector<20x1024xf32>
    %exp3A = math.exp %sub3A_225 : vector<20x1024xf32>
    %reduce_sum3A_226 = arith.constant dense<0.000000e+00> : vector<20xf32>
    %reduce_sum3A_227 = vector.multi_reduction <add>, %exp3A, %reduce_sum3A_226 [1] : vector<20x1024xf32> to vector<20xf32>
    %broadcast_in_dim3A_228 = vector.shape_cast %reduce_sum3A_227 : vector<20xf32> to vector<20x1xf32>
    %div3A = vector.broadcast %broadcast_in_dim3A_228 : vector<20x1xf32> to vector<20x1024xf32>
    %div3A_229 = arith.divf %exp3A, %div3A : vector<20x1024xf32>
    %reduce_max3A_230 = arith.constant dense<0xFF800000> : vector<1024xf32>
    %reduce_max3A_231 = vector.multi_reduction <maximumf>, %div3A_229, %reduce_max3A_230 [0] : vector<20x1024xf32> to vector<1024xf32>
    %broadcast_in_dim3A_232 = vector.shape_cast %reduce_max3A_231 : vector<1024xf32> to vector<1x1024xf32>
    %eq3A_233 = vector.broadcast %broadcast_in_dim3A_232 : vector<1x1024xf32> to vector<20x1024xf32>
    %eq3A_234 = arith.cmpf oeq, %div3A_229, %eq3A_233 : vector<20x1024xf32>
    %jit3A_235 = arith.constant 20 : i32
    %broadcast_in_dim3A_236 = vector.broadcast %jit3A_235 : i32 to vector<20x1024xi32>
    %select_n3A_237 = arith.select %eq3A_234, %iota3A_19, %broadcast_in_dim3A_236 : vector<20x1024xi1>, vector<20x1024xi32>
    %reduce_min3A = arith.constant dense<2147483647> : vector<1024xi32>
    %reduce_min3A_238 = vector.multi_reduction <minsi>, %select_n3A_237, %reduce_min3A [0] : vector<20x1024xi32> to vector<1024xi32>
    %broadcast_in_dim3A_239 = vector.shape_cast %reduce_min3A_238 : vector<1024xi32> to vector<1x1024xi32>
    %convert_element_type3A_240 = arith.truncf %div3A_229 : vector<20x1024xf32> to vector<20x1024xbf16>
    %slice3A_241 = vector.extract_strided_slice %get3A_13 {offsets = [0, 0], sizes = [1024, 16], strides = [1, 1]} : vector<1024x128xf32> to vector<1024x16xf32>
    %convert_element_type3A_242 = arith.truncf %slice3A_241 : vector<1024x16xf32> to vector<1024x16xbf16>
    %dot_general3A_243 = arith.constant dense<0.000000e+00> : vector<20x16xf32>
    %dot_general3A_244 = tpu.matmul %convert_element_type3A_240, %convert_element_type3A_242, %dot_general3A_243 {dimension_numbers = #tpu.dot_dimension_numbers<[1], [0], [0], [1], [0, 0, 1, 1], [], []>, transpose_lhs_hint = false} : vector<20x1024xbf16>, vector<1024x16xbf16>, vector<20x16xf32> -> vector<20x16xf32>
    %transpose3A = tpu.transpose %dot_general3A_244, [1, 0] : vector<20x16xf32> -> vector<16x20xf32>
    %broadcast_in_dim3A_245 = arith.constant 0.000000e+00 : f32
    %broadcast_in_dim3A_246 = vector.broadcast %broadcast_in_dim3A_245 : f32 to vector<16x1024xf32>
    %eq3A_247 = arith.constant 0 : i32
    %eq3A_248 = vector.broadcast %eq3A_247 : i32 to vector<1x1024xi32>
    %eq3A_249 = arith.cmpi eq, %broadcast_in_dim3A_239, %eq3A_248 : vector<1x1024xi32>
    %slice3A_250 = vector.extract_strided_slice %transpose3A {offsets = [0, 0], sizes = [16, 1], strides = [1, 1]} : vector<16x20xf32> to vector<16x1xf32>
    %broadcast_in_dim3A_251 = vector.shape_cast %eq3A_249 : vector<1x1024xi1> to vector<1x1024xi1>
    %broadcast_in_dim3A_252 = vector.broadcast %broadcast_in_dim3A_251 : vector<1x1024xi1> to vector<16x1024xi1>
    %broadcast_in_dim3A_253 = vector.shape_cast %slice3A_250 : vector<16x1xf32> to vector<16x1xf32>
    %broadcast_in_dim3A_254 = vector.broadcast %broadcast_in_dim3A_253 : vector<16x1xf32> to vector<16x1024xf32>
    %select_n3A_255 = arith.select %broadcast_in_dim3A_252, %broadcast_in_dim3A_254, %broadcast_in_dim3A_246 : vector<16x1024xi1>, vector<16x1024xf32>
    %eq3A_256 = arith.constant 1 : i32
    %eq3A_257 = vector.broadcast %eq3A_256 : i32 to vector<1x1024xi32>
    %eq3A_258 = arith.cmpi eq, %broadcast_in_dim3A_239, %eq3A_257 : vector<1x1024xi32>
    %slice3A_259 = vector.extract_strided_slice %transpose3A {offsets = [0, 1], sizes = [16, 1], strides = [1, 1]} : vector<16x20xf32> to vector<16x1xf32>
    %broadcast_in_dim3A_260 = vector.shape_cast %eq3A_258 : vector<1x1024xi1> to vector<1x1024xi1>
    %broadcast_in_dim3A_261 = vector.broadcast %broadcast_in_dim3A_260 : vector<1x1024xi1> to vector<16x1024xi1>
    %broadcast_in_dim3A_262 = vector.shape_cast %slice3A_259 : vector<16x1xf32> to vector<16x1xf32>
    %broadcast_in_dim3A_263 = vector.broadcast %broadcast_in_dim3A_262 : vector<16x1xf32> to vector<16x1024xf32>
    %select_n3A_264 = arith.select %broadcast_in_dim3A_261, %broadcast_in_dim3A_263, %select_n3A_255 : vector<16x1024xi1>, vector<16x1024xf32>
    %eq3A_265 = arith.constant 2 : i32
    %eq3A_266 = vector.broadcast %eq3A_265 : i32 to vector<1x1024xi32>
    %eq3A_267 = arith.cmpi eq, %broadcast_in_dim3A_239, %eq3A_266 : vector<1x1024xi32>
    %slice3A_268 = vector.extract_strided_slice %transpose3A {offsets = [0, 2], sizes = [16, 1], strides = [1, 1]} : vector<16x20xf32> to vector<16x1xf32>
    %broadcast_in_dim3A_269 = vector.shape_cast %eq3A_267 : vector<1x1024xi1> to vector<1x1024xi1>
    %broadcast_in_dim3A_270 = vector.broadcast %broadcast_in_dim3A_269 : vector<1x1024xi1> to vector<16x1024xi1>
    %broadcast_in_dim3A_271 = vector.shape_cast %slice3A_268 : vector<16x1xf32> to vector<16x1xf32>
    %broadcast_in_dim3A_272 = vector.broadcast %broadcast_in_dim3A_271 : vector<16x1xf32> to vector<16x1024xf32>
    %select_n3A_273 = arith.select %broadcast_in_dim3A_270, %broadcast_in_dim3A_272, %select_n3A_264 : vector<16x1024xi1>, vector<16x1024xf32>
    %eq3A_274 = arith.constant 3 : i32
    %eq3A_275 = vector.broadcast %eq3A_274 : i32 to vector<1x1024xi32>
    %eq3A_276 = arith.cmpi eq, %broadcast_in_dim3A_239, %eq3A_275 : vector<1x1024xi32>
    %slice3A_277 = vector.extract_strided_slice %transpose3A {offsets = [0, 3], sizes = [16, 1], strides = [1, 1]} : vector<16x20xf32> to vector<16x1xf32>
    %broadcast_in_dim3A_278 = vector.shape_cast %eq3A_276 : vector<1x1024xi1> to vector<1x1024xi1>
    %broadcast_in_dim3A_279 = vector.broadcast %broadcast_in_dim3A_278 : vector<1x1024xi1> to vector<16x1024xi1>
    %broadcast_in_dim3A_280 = vector.shape_cast %slice3A_277 : vector<16x1xf32> to vector<16x1xf32>
    %broadcast_in_dim3A_281 = vector.broadcast %broadcast_in_dim3A_280 : vector<16x1xf32> to vector<16x1024xf32>
    %select_n3A_282 = arith.select %broadcast_in_dim3A_279, %broadcast_in_dim3A_281, %select_n3A_273 : vector<16x1024xi1>, vector<16x1024xf32>
    %eq3A_283 = arith.constant 4 : i32
    %eq3A_284 = vector.broadcast %eq3A_283 : i32 to vector<1x1024xi32>
    %eq3A_285 = arith.cmpi eq, %broadcast_in_dim3A_239, %eq3A_284 : vector<1x1024xi32>
    %slice3A_286 = vector.extract_strided_slice %transpose3A {offsets = [0, 4], sizes = [16, 1], strides = [1, 1]} : vector<16x20xf32> to vector<16x1xf32>
    %broadcast_in_dim3A_287 = vector.shape_cast %eq3A_285 : vector<1x1024xi1> to vector<1x1024xi1>
    %broadcast_in_dim3A_288 = vector.broadcast %broadcast_in_dim3A_287 : vector<1x1024xi1> to vector<16x1024xi1>
    %broadcast_in_dim3A_289 = vector.shape_cast %slice3A_286 : vector<16x1xf32> to vector<16x1xf32>
    %broadcast_in_dim3A_290 = vector.broadcast %broadcast_in_dim3A_289 : vector<16x1xf32> to vector<16x1024xf32>
    %select_n3A_291 = arith.select %broadcast_in_dim3A_288, %broadcast_in_dim3A_290, %select_n3A_282 : vector<16x1024xi1>, vector<16x1024xf32>
    %eq3A_292 = arith.constant 5 : i32
    %eq3A_293 = vector.broadcast %eq3A_292 : i32 to vector<1x1024xi32>
    %eq3A_294 = arith.cmpi eq, %broadcast_in_dim3A_239, %eq3A_293 : vector<1x1024xi32>
    %slice3A_295 = vector.extract_strided_slice %transpose3A {offsets = [0, 5], sizes = [16, 1], strides = [1, 1]} : vector<16x20xf32> to vector<16x1xf32>
    %broadcast_in_dim3A_296 = vector.shape_cast %eq3A_294 : vector<1x1024xi1> to vector<1x1024xi1>
    %broadcast_in_dim3A_297 = vector.broadcast %broadcast_in_dim3A_296 : vector<1x1024xi1> to vector<16x1024xi1>
    %broadcast_in_dim3A_298 = vector.shape_cast %slice3A_295 : vector<16x1xf32> to vector<16x1xf32>
    %broadcast_in_dim3A_299 = vector.broadcast %broadcast_in_dim3A_298 : vector<16x1xf32> to vector<16x1024xf32>
    %select_n3A_300 = arith.select %broadcast_in_dim3A_297, %broadcast_in_dim3A_299, %select_n3A_291 : vector<16x1024xi1>, vector<16x1024xf32>
    %eq3A_301 = arith.constant 6 : i32
    %eq3A_302 = vector.broadcast %eq3A_301 : i32 to vector<1x1024xi32>
    %eq3A_303 = arith.cmpi eq, %broadcast_in_dim3A_239, %eq3A_302 : vector<1x1024xi32>
    %slice3A_304 = vector.extract_strided_slice %transpose3A {offsets = [0, 6], sizes = [16, 1], strides = [1, 1]} : vector<16x20xf32> to vector<16x1xf32>
    %broadcast_in_dim3A_305 = vector.shape_cast %eq3A_303 : vector<1x1024xi1> to vector<1x1024xi1>
    %broadcast_in_dim3A_306 = vector.broadcast %broadcast_in_dim3A_305 : vector<1x1024xi1> to vector<16x1024xi1>
    %broadcast_in_dim3A_307 = vector.shape_cast %slice3A_304 : vector<16x1xf32> to vector<16x1xf32>
    %broadcast_in_dim3A_308 = vector.broadcast %broadcast_in_dim3A_307 : vector<16x1xf32> to vector<16x1024xf32>
    %select_n3A_309 = arith.select %broadcast_in_dim3A_306, %broadcast_in_dim3A_308, %select_n3A_300 : vector<16x1024xi1>, vector<16x1024xf32>
    %eq3A_310 = arith.constant 7 : i32
    %eq3A_311 = vector.broadcast %eq3A_310 : i32 to vector<1x1024xi32>
    %eq3A_312 = arith.cmpi eq, %broadcast_in_dim3A_239, %eq3A_311 : vector<1x1024xi32>
    %slice3A_313 = vector.extract_strided_slice %transpose3A {offsets = [0, 7], sizes = [16, 1], strides = [1, 1]} : vector<16x20xf32> to vector<16x1xf32>
    %broadcast_in_dim3A_314 = vector.shape_cast %eq3A_312 : vector<1x1024xi1> to vector<1x1024xi1>
    %broadcast_in_dim3A_315 = vector.broadcast %broadcast_in_dim3A_314 : vector<1x1024xi1> to vector<16x1024xi1>
    %broadcast_in_dim3A_316 = vector.shape_cast %slice3A_313 : vector<16x1xf32> to vector<16x1xf32>
    %broadcast_in_dim3A_317 = vector.broadcast %broadcast_in_dim3A_316 : vector<16x1xf32> to vector<16x1024xf32>
    %select_n3A_318 = arith.select %broadcast_in_dim3A_315, %broadcast_in_dim3A_317, %select_n3A_309 : vector<16x1024xi1>, vector<16x1024xf32>
    %eq3A_319 = arith.constant 8 : i32
    %eq3A_320 = vector.broadcast %eq3A_319 : i32 to vector<1x1024xi32>
    %eq3A_321 = arith.cmpi eq, %broadcast_in_dim3A_239, %eq3A_320 : vector<1x1024xi32>
    %slice3A_322 = vector.extract_strided_slice %transpose3A {offsets = [0, 8], sizes = [16, 1], strides = [1, 1]} : vector<16x20xf32> to vector<16x1xf32>
    %broadcast_in_dim3A_323 = vector.shape_cast %eq3A_321 : vector<1x1024xi1> to vector<1x1024xi1>
    %broadcast_in_dim3A_324 = vector.broadcast %broadcast_in_dim3A_323 : vector<1x1024xi1> to vector<16x1024xi1>
    %broadcast_in_dim3A_325 = vector.shape_cast %slice3A_322 : vector<16x1xf32> to vector<16x1xf32>
    %broadcast_in_dim3A_326 = vector.broadcast %broadcast_in_dim3A_325 : vector<16x1xf32> to vector<16x1024xf32>
    %select_n3A_327 = arith.select %broadcast_in_dim3A_324, %broadcast_in_dim3A_326, %select_n3A_318 : vector<16x1024xi1>, vector<16x1024xf32>
    %eq3A_328 = arith.constant 9 : i32
    %eq3A_329 = vector.broadcast %eq3A_328 : i32 to vector<1x1024xi32>
    %eq3A_330 = arith.cmpi eq, %broadcast_in_dim3A_239, %eq3A_329 : vector<1x1024xi32>
    %slice3A_331 = vector.extract_strided_slice %transpose3A {offsets = [0, 9], sizes = [16, 1], strides = [1, 1]} : vector<16x20xf32> to vector<16x1xf32>
    %broadcast_in_dim3A_332 = vector.shape_cast %eq3A_330 : vector<1x1024xi1> to vector<1x1024xi1>
    %broadcast_in_dim3A_333 = vector.broadcast %broadcast_in_dim3A_332 : vector<1x1024xi1> to vector<16x1024xi1>
    %broadcast_in_dim3A_334 = vector.shape_cast %slice3A_331 : vector<16x1xf32> to vector<16x1xf32>
    %broadcast_in_dim3A_335 = vector.broadcast %broadcast_in_dim3A_334 : vector<16x1xf32> to vector<16x1024xf32>
    %select_n3A_336 = arith.select %broadcast_in_dim3A_333, %broadcast_in_dim3A_335, %select_n3A_327 : vector<16x1024xi1>, vector<16x1024xf32>
    %eq3A_337 = arith.constant 10 : i32
    %eq3A_338 = vector.broadcast %eq3A_337 : i32 to vector<1x1024xi32>
    %eq3A_339 = arith.cmpi eq, %broadcast_in_dim3A_239, %eq3A_338 : vector<1x1024xi32>
    %slice3A_340 = vector.extract_strided_slice %transpose3A {offsets = [0, 10], sizes = [16, 1], strides = [1, 1]} : vector<16x20xf32> to vector<16x1xf32>
    %broadcast_in_dim3A_341 = vector.shape_cast %eq3A_339 : vector<1x1024xi1> to vector<1x1024xi1>
    %broadcast_in_dim3A_342 = vector.broadcast %broadcast_in_dim3A_341 : vector<1x1024xi1> to vector<16x1024xi1>
    %broadcast_in_dim3A_343 = vector.shape_cast %slice3A_340 : vector<16x1xf32> to vector<16x1xf32>
    %broadcast_in_dim3A_344 = vector.broadcast %broadcast_in_dim3A_343 : vector<16x1xf32> to vector<16x1024xf32>
    %select_n3A_345 = arith.select %broadcast_in_dim3A_342, %broadcast_in_dim3A_344, %select_n3A_336 : vector<16x1024xi1>, vector<16x1024xf32>
    %eq3A_346 = arith.constant 11 : i32
    %eq3A_347 = vector.broadcast %eq3A_346 : i32 to vector<1x1024xi32>
    %eq3A_348 = arith.cmpi eq, %broadcast_in_dim3A_239, %eq3A_347 : vector<1x1024xi32>
    %slice3A_349 = vector.extract_strided_slice %transpose3A {offsets = [0, 11], sizes = [16, 1], strides = [1, 1]} : vector<16x20xf32> to vector<16x1xf32>
    %broadcast_in_dim3A_350 = vector.shape_cast %eq3A_348 : vector<1x1024xi1> to vector<1x1024xi1>
    %broadcast_in_dim3A_351 = vector.broadcast %broadcast_in_dim3A_350 : vector<1x1024xi1> to vector<16x1024xi1>
    %broadcast_in_dim3A_352 = vector.shape_cast %slice3A_349 : vector<16x1xf32> to vector<16x1xf32>
    %broadcast_in_dim3A_353 = vector.broadcast %broadcast_in_dim3A_352 : vector<16x1xf32> to vector<16x1024xf32>
    %select_n3A_354 = arith.select %broadcast_in_dim3A_351, %broadcast_in_dim3A_353, %select_n3A_345 : vector<16x1024xi1>, vector<16x1024xf32>
    %eq3A_355 = arith.constant 12 : i32
    %eq3A_356 = vector.broadcast %eq3A_355 : i32 to vector<1x1024xi32>
    %eq3A_357 = arith.cmpi eq, %broadcast_in_dim3A_239, %eq3A_356 : vector<1x1024xi32>
    %slice3A_358 = vector.extract_strided_slice %transpose3A {offsets = [0, 12], sizes = [16, 1], strides = [1, 1]} : vector<16x20xf32> to vector<16x1xf32>
    %broadcast_in_dim3A_359 = vector.shape_cast %eq3A_357 : vector<1x1024xi1> to vector<1x1024xi1>
    %broadcast_in_dim3A_360 = vector.broadcast %broadcast_in_dim3A_359 : vector<1x1024xi1> to vector<16x1024xi1>
    %broadcast_in_dim3A_361 = vector.shape_cast %slice3A_358 : vector<16x1xf32> to vector<16x1xf32>
    %broadcast_in_dim3A_362 = vector.broadcast %broadcast_in_dim3A_361 : vector<16x1xf32> to vector<16x1024xf32>
    %select_n3A_363 = arith.select %broadcast_in_dim3A_360, %broadcast_in_dim3A_362, %select_n3A_354 : vector<16x1024xi1>, vector<16x1024xf32>
    %eq3A_364 = arith.constant 13 : i32
    %eq3A_365 = vector.broadcast %eq3A_364 : i32 to vector<1x1024xi32>
    %eq3A_366 = arith.cmpi eq, %broadcast_in_dim3A_239, %eq3A_365 : vector<1x1024xi32>
    %slice3A_367 = vector.extract_strided_slice %transpose3A {offsets = [0, 13], sizes = [16, 1], strides = [1, 1]} : vector<16x20xf32> to vector<16x1xf32>
    %broadcast_in_dim3A_368 = vector.shape_cast %eq3A_366 : vector<1x1024xi1> to vector<1x1024xi1>
    %broadcast_in_dim3A_369 = vector.broadcast %broadcast_in_dim3A_368 : vector<1x1024xi1> to vector<16x1024xi1>
    %broadcast_in_dim3A_370 = vector.shape_cast %slice3A_367 : vector<16x1xf32> to vector<16x1xf32>
    %broadcast_in_dim3A_371 = vector.broadcast %broadcast_in_dim3A_370 : vector<16x1xf32> to vector<16x1024xf32>
    %select_n3A_372 = arith.select %broadcast_in_dim3A_369, %broadcast_in_dim3A_371, %select_n3A_363 : vector<16x1024xi1>, vector<16x1024xf32>
    %eq3A_373 = arith.constant 14 : i32
    %eq3A_374 = vector.broadcast %eq3A_373 : i32 to vector<1x1024xi32>
    %eq3A_375 = arith.cmpi eq, %broadcast_in_dim3A_239, %eq3A_374 : vector<1x1024xi32>
    %slice3A_376 = vector.extract_strided_slice %transpose3A {offsets = [0, 14], sizes = [16, 1], strides = [1, 1]} : vector<16x20xf32> to vector<16x1xf32>
    %broadcast_in_dim3A_377 = vector.shape_cast %eq3A_375 : vector<1x1024xi1> to vector<1x1024xi1>
    %broadcast_in_dim3A_378 = vector.broadcast %broadcast_in_dim3A_377 : vector<1x1024xi1> to vector<16x1024xi1>
    %broadcast_in_dim3A_379 = vector.shape_cast %slice3A_376 : vector<16x1xf32> to vector<16x1xf32>
    %broadcast_in_dim3A_380 = vector.broadcast %broadcast_in_dim3A_379 : vector<16x1xf32> to vector<16x1024xf32>
    %select_n3A_381 = arith.select %broadcast_in_dim3A_378, %broadcast_in_dim3A_380, %select_n3A_372 : vector<16x1024xi1>, vector<16x1024xf32>
    %eq3A_382 = arith.constant 15 : i32
    %eq3A_383 = vector.broadcast %eq3A_382 : i32 to vector<1x1024xi32>
    %eq3A_384 = arith.cmpi eq, %broadcast_in_dim3A_239, %eq3A_383 : vector<1x1024xi32>
    %slice3A_385 = vector.extract_strided_slice %transpose3A {offsets = [0, 15], sizes = [16, 1], strides = [1, 1]} : vector<16x20xf32> to vector<16x1xf32>
    %broadcast_in_dim3A_386 = vector.shape_cast %eq3A_384 : vector<1x1024xi1> to vector<1x1024xi1>
    %broadcast_in_dim3A_387 = vector.broadcast %broadcast_in_dim3A_386 : vector<1x1024xi1> to vector<16x1024xi1>
    %broadcast_in_dim3A_388 = vector.shape_cast %slice3A_385 : vector<16x1xf32> to vector<16x1xf32>
    %broadcast_in_dim3A_389 = vector.broadcast %broadcast_in_dim3A_388 : vector<16x1xf32> to vector<16x1024xf32>
    %select_n3A_390 = arith.select %broadcast_in_dim3A_387, %broadcast_in_dim3A_389, %select_n3A_381 : vector<16x1024xi1>, vector<16x1024xf32>
    %eq3A_391 = arith.constant 16 : i32
    %eq3A_392 = vector.broadcast %eq3A_391 : i32 to vector<1x1024xi32>
    %eq3A_393 = arith.cmpi eq, %broadcast_in_dim3A_239, %eq3A_392 : vector<1x1024xi32>
    %slice3A_394 = vector.extract_strided_slice %transpose3A {offsets = [0, 16], sizes = [16, 1], strides = [1, 1]} : vector<16x20xf32> to vector<16x1xf32>
    %broadcast_in_dim3A_395 = vector.shape_cast %eq3A_393 : vector<1x1024xi1> to vector<1x1024xi1>
    %broadcast_in_dim3A_396 = vector.broadcast %broadcast_in_dim3A_395 : vector<1x1024xi1> to vector<16x1024xi1>
    %broadcast_in_dim3A_397 = vector.shape_cast %slice3A_394 : vector<16x1xf32> to vector<16x1xf32>
    %broadcast_in_dim3A_398 = vector.broadcast %broadcast_in_dim3A_397 : vector<16x1xf32> to vector<16x1024xf32>
    %select_n3A_399 = arith.select %broadcast_in_dim3A_396, %broadcast_in_dim3A_398, %select_n3A_390 : vector<16x1024xi1>, vector<16x1024xf32>
    %eq3A_400 = arith.constant 17 : i32
    %eq3A_401 = vector.broadcast %eq3A_400 : i32 to vector<1x1024xi32>
    %eq3A_402 = arith.cmpi eq, %broadcast_in_dim3A_239, %eq3A_401 : vector<1x1024xi32>
    %slice3A_403 = vector.extract_strided_slice %transpose3A {offsets = [0, 17], sizes = [16, 1], strides = [1, 1]} : vector<16x20xf32> to vector<16x1xf32>
    %broadcast_in_dim3A_404 = vector.shape_cast %eq3A_402 : vector<1x1024xi1> to vector<1x1024xi1>
    %broadcast_in_dim3A_405 = vector.broadcast %broadcast_in_dim3A_404 : vector<1x1024xi1> to vector<16x1024xi1>
    %broadcast_in_dim3A_406 = vector.shape_cast %slice3A_403 : vector<16x1xf32> to vector<16x1xf32>
    %broadcast_in_dim3A_407 = vector.broadcast %broadcast_in_dim3A_406 : vector<16x1xf32> to vector<16x1024xf32>
    %select_n3A_408 = arith.select %broadcast_in_dim3A_405, %broadcast_in_dim3A_407, %select_n3A_399 : vector<16x1024xi1>, vector<16x1024xf32>
    %eq3A_409 = arith.constant 18 : i32
    %eq3A_410 = vector.broadcast %eq3A_409 : i32 to vector<1x1024xi32>
    %eq3A_411 = arith.cmpi eq, %broadcast_in_dim3A_239, %eq3A_410 : vector<1x1024xi32>
    %slice3A_412 = vector.extract_strided_slice %transpose3A {offsets = [0, 18], sizes = [16, 1], strides = [1, 1]} : vector<16x20xf32> to vector<16x1xf32>
    %broadcast_in_dim3A_413 = vector.shape_cast %eq3A_411 : vector<1x1024xi1> to vector<1x1024xi1>
    %broadcast_in_dim3A_414 = vector.broadcast %broadcast_in_dim3A_413 : vector<1x1024xi1> to vector<16x1024xi1>
    %broadcast_in_dim3A_415 = vector.shape_cast %slice3A_412 : vector<16x1xf32> to vector<16x1xf32>
    %broadcast_in_dim3A_416 = vector.broadcast %broadcast_in_dim3A_415 : vector<16x1xf32> to vector<16x1024xf32>
    %select_n3A_417 = arith.select %broadcast_in_dim3A_414, %broadcast_in_dim3A_416, %select_n3A_408 : vector<16x1024xi1>, vector<16x1024xf32>
    %eq3A_418 = arith.constant 19 : i32
    %eq3A_419 = vector.broadcast %eq3A_418 : i32 to vector<1x1024xi32>
    %eq3A_420 = arith.cmpi eq, %broadcast_in_dim3A_239, %eq3A_419 : vector<1x1024xi32>
    %slice3A_421 = vector.extract_strided_slice %transpose3A {offsets = [0, 19], sizes = [16, 1], strides = [1, 1]} : vector<16x20xf32> to vector<16x1xf32>
    %broadcast_in_dim3A_422 = vector.shape_cast %eq3A_420 : vector<1x1024xi1> to vector<1x1024xi1>
    %broadcast_in_dim3A_423 = vector.broadcast %broadcast_in_dim3A_422 : vector<1x1024xi1> to vector<16x1024xi1>
    %broadcast_in_dim3A_424 = vector.shape_cast %slice3A_421 : vector<16x1xf32> to vector<16x1xf32>
    %broadcast_in_dim3A_425 = vector.broadcast %broadcast_in_dim3A_424 : vector<16x1xf32> to vector<16x1024xf32>
    %select_n3A_426 = arith.select %broadcast_in_dim3A_423, %broadcast_in_dim3A_425, %select_n3A_417 : vector<16x1024xi1>, vector<16x1024xf32>
    %slice3A_427 = vector.extract_strided_slice %concatenate3A {offsets = [0, 16], sizes = [20, 16], strides = [1, 1]} : vector<20x128xf32> to vector<20x16xf32>
    %convert_element_type3A_428 = arith.truncf %slice3A_427 : vector<20x16xf32> to vector<20x16xbf16>
    %slice3A_429 = vector.extract_strided_slice %get3A_8 {offsets = [0, 16], sizes = [1024, 16], strides = [1, 1]} : vector<1024x128xf32> to vector<1024x16xf32>
    %convert_element_type3A_430 = arith.truncf %slice3A_429 : vector<1024x16xf32> to vector<1024x16xbf16>
    %dot_general3A_431 = arith.constant dense<0.000000e+00> : vector<20x1024xf32>
    %dot_general3A_432 = tpu.matmul %convert_element_type3A_428, %convert_element_type3A_430, %dot_general3A_431 {dimension_numbers = #tpu.dot_dimension_numbers<[1], [1], [0], [0], [0, 0, 1, 0], [], []>, transpose_lhs_hint = false} : vector<20x16xbf16>, vector<1024x16xbf16>, vector<20x1024xf32> -> vector<20x1024xf32>
    %mul3A_433 = arith.constant 2.500000e-01 : f32
    %mul3A_434 = vector.broadcast %mul3A_433 : f32 to vector<20x1024xf32>
    %mul3A_435 = arith.mulf %dot_general3A_432, %mul3A_434 : vector<20x1024xf32>
    %get3A_436 = arith.constant 0 : index
    %get3A_437 = arith.constant 20 : index
    %get3A_438 = arith.constant 0 : index
    %get3A_439 = vector.load %arg5[%get3A_436, %get3A_437, %get3A_438] : memref<1x160x1024xf32, #tpu.memory_space<vmem>>, vector<1x20x1024xf32>
    %get3A_440 = vector.shape_cast %get3A_439 : vector<1x20x1024xf32> to vector<20x1024xf32>
    %get3A_441 = arith.constant 0 : index
    %get3A_442 = arith.constant 20 : index
    %get3A_443 = arith.constant 0 : index
    %get3A_444 = vector.load %arg6[%get3A_441, %get3A_442, %get3A_443] : memref<1x160x1024xf32, #tpu.memory_space<vmem>>, vector<1x20x1024xf32>
    %get3A_445 = vector.shape_cast %get3A_444 : vector<1x20x1024xf32> to vector<20x1024xf32>
    %ne3A_446 = arith.constant 0 : i32
    %ne3A_447 = arith.cmpi ne, %get3A_22, %ne3A_446 : i32
    %mul3A_448 = arith.mulf %mul3A_435, %get3A_440 : vector<20x1024xf32>
    %select_n3A_449 = arith.select %ne3A_447, %mul3A_448, %mul3A_435 : vector<20x1024xf32>
    %ne3A_450 = arith.constant 0 : i32
    %ne3A_451 = arith.cmpi ne, %get3A_25, %ne3A_450 : i32
    %mul3A_452 = arith.mulf %select_n3A_449, %get3A_445 : vector<20x1024xf32>
    %select_n3A_453 = arith.select %ne3A_451, %mul3A_452, %select_n3A_449 : vector<20x1024xf32>
    %reduce_max3A_454 = arith.constant dense<0xFF800000> : vector<20xf32>
    %reduce_max3A_455 = vector.multi_reduction <maximumf>, %select_n3A_453, %reduce_max3A_454 [1] : vector<20x1024xf32> to vector<20xf32>
    %broadcast_in_dim3A_456 = vector.shape_cast %reduce_max3A_455 : vector<20xf32> to vector<20x1xf32>
    %sub3A_457 = vector.broadcast %broadcast_in_dim3A_456 : vector<20x1xf32> to vector<20x1024xf32>
    %sub3A_458 = arith.subf %select_n3A_453, %sub3A_457 : vector<20x1024xf32>
    %exp3A_459 = math.exp %sub3A_458 : vector<20x1024xf32>
    %reduce_sum3A_460 = arith.constant dense<0.000000e+00> : vector<20xf32>
    %reduce_sum3A_461 = vector.multi_reduction <add>, %exp3A_459, %reduce_sum3A_460 [1] : vector<20x1024xf32> to vector<20xf32>
    %broadcast_in_dim3A_462 = vector.shape_cast %reduce_sum3A_461 : vector<20xf32> to vector<20x1xf32>
    %div3A_463 = vector.broadcast %broadcast_in_dim3A_462 : vector<20x1xf32> to vector<20x1024xf32>
    %div3A_464 = arith.divf %exp3A_459, %div3A_463 : vector<20x1024xf32>
    %reduce_max3A_465 = arith.constant dense<0xFF800000> : vector<1024xf32>
    %reduce_max3A_466 = vector.multi_reduction <maximumf>, %div3A_464, %reduce_max3A_465 [0] : vector<20x1024xf32> to vector<1024xf32>
    %broadcast_in_dim3A_467 = vector.shape_cast %reduce_max3A_466 : vector<1024xf32> to vector<1x1024xf32>
    %eq3A_468 = vector.broadcast %broadcast_in_dim3A_467 : vector<1x1024xf32> to vector<20x1024xf32>
    %eq3A_469 = arith.cmpf oeq, %div3A_464, %eq3A_468 : vector<20x1024xf32>
    %jit3A_470 = arith.constant 20 : i32
    %broadcast_in_dim3A_471 = vector.broadcast %jit3A_470 : i32 to vector<20x1024xi32>
    %select_n3A_472 = arith.select %eq3A_469, %iota3A_19, %broadcast_in_dim3A_471 : vector<20x1024xi1>, vector<20x1024xi32>
    %reduce_min3A_473 = arith.constant dense<2147483647> : vector<1024xi32>
    %reduce_min3A_474 = vector.multi_reduction <minsi>, %select_n3A_472, %reduce_min3A_473 [0] : vector<20x1024xi32> to vector<1024xi32>
    %broadcast_in_dim3A_475 = vector.shape_cast %reduce_min3A_474 : vector<1024xi32> to vector<1x1024xi32>
    %convert_element_type3A_476 = arith.truncf %div3A_464 : vector<20x1024xf32> to vector<20x1024xbf16>
    %slice3A_477 = vector.extract_strided_slice %get3A_13 {offsets = [0, 16], sizes = [1024, 16], strides = [1, 1]} : vector<1024x128xf32> to vector<1024x16xf32>
    %convert_element_type3A_478 = arith.truncf %slice3A_477 : vector<1024x16xf32> to vector<1024x16xbf16>
    %dot_general3A_479 = arith.constant dense<0.000000e+00> : vector<20x16xf32>
    %dot_general3A_480 = tpu.matmul %convert_element_type3A_476, %convert_element_type3A_478, %dot_general3A_479 {dimension_numbers = #tpu.dot_dimension_numbers<[1], [0], [0], [1], [0, 0, 1, 1], [], []>, transpose_lhs_hint = false} : vector<20x1024xbf16>, vector<1024x16xbf16>, vector<20x16xf32> -> vector<20x16xf32>
    %transpose3A_481 = tpu.transpose %dot_general3A_480, [1, 0] : vector<20x16xf32> -> vector<16x20xf32>
    %broadcast_in_dim3A_482 = arith.constant 0.000000e+00 : f32
    %broadcast_in_dim3A_483 = vector.broadcast %broadcast_in_dim3A_482 : f32 to vector<16x1024xf32>
    %eq3A_484 = arith.constant 0 : i32
    %eq3A_485 = vector.broadcast %eq3A_484 : i32 to vector<1x1024xi32>
    %eq3A_486 = arith.cmpi eq, %broadcast_in_dim3A_475, %eq3A_485 : vector<1x1024xi32>
    %slice3A_487 = vector.extract_strided_slice %transpose3A_481 {offsets = [0, 0], sizes = [16, 1], strides = [1, 1]} : vector<16x20xf32> to vector<16x1xf32>
    %broadcast_in_dim3A_488 = vector.shape_cast %eq3A_486 : vector<1x1024xi1> to vector<1x1024xi1>
    %broadcast_in_dim3A_489 = vector.broadcast %broadcast_in_dim3A_488 : vector<1x1024xi1> to vector<16x1024xi1>
    %broadcast_in_dim3A_490 = vector.shape_cast %slice3A_487 : vector<16x1xf32> to vector<16x1xf32>
    %broadcast_in_dim3A_491 = vector.broadcast %broadcast_in_dim3A_490 : vector<16x1xf32> to vector<16x1024xf32>
    %select_n3A_492 = arith.select %broadcast_in_dim3A_489, %broadcast_in_dim3A_491, %broadcast_in_dim3A_483 : vector<16x1024xi1>, vector<16x1024xf32>
    %eq3A_493 = arith.constant 1 : i32
    %eq3A_494 = vector.broadcast %eq3A_493 : i32 to vector<1x1024xi32>
    %eq3A_495 = arith.cmpi eq, %broadcast_in_dim3A_475, %eq3A_494 : vector<1x1024xi32>
    %slice3A_496 = vector.extract_strided_slice %transpose3A_481 {offsets = [0, 1], sizes = [16, 1], strides = [1, 1]} : vector<16x20xf32> to vector<16x1xf32>
    %broadcast_in_dim3A_497 = vector.shape_cast %eq3A_495 : vector<1x1024xi1> to vector<1x1024xi1>
    %broadcast_in_dim3A_498 = vector.broadcast %broadcast_in_dim3A_497 : vector<1x1024xi1> to vector<16x1024xi1>
    %broadcast_in_dim3A_499 = vector.shape_cast %slice3A_496 : vector<16x1xf32> to vector<16x1xf32>
    %broadcast_in_dim3A_500 = vector.broadcast %broadcast_in_dim3A_499 : vector<16x1xf32> to vector<16x1024xf32>
    %select_n3A_501 = arith.select %broadcast_in_dim3A_498, %broadcast_in_dim3A_500, %select_n3A_492 : vector<16x1024xi1>, vector<16x1024xf32>
    %eq3A_502 = arith.constant 2 : i32
    %eq3A_503 = vector.broadcast %eq3A_502 : i32 to vector<1x1024xi32>
    %eq3A_504 = arith.cmpi eq, %broadcast_in_dim3A_475, %eq3A_503 : vector<1x1024xi32>
    %slice3A_505 = vector.extract_strided_slice %transpose3A_481 {offsets = [0, 2], sizes = [16, 1], strides = [1, 1]} : vector<16x20xf32> to vector<16x1xf32>
    %broadcast_in_dim3A_506 = vector.shape_cast %eq3A_504 : vector<1x1024xi1> to vector<1x1024xi1>
    %broadcast_in_dim3A_507 = vector.broadcast %broadcast_in_dim3A_506 : vector<1x1024xi1> to vector<16x1024xi1>
    %broadcast_in_dim3A_508 = vector.shape_cast %slice3A_505 : vector<16x1xf32> to vector<16x1xf32>
    %broadcast_in_dim3A_509 = vector.broadcast %broadcast_in_dim3A_508 : vector<16x1xf32> to vector<16x1024xf32>
    %select_n3A_510 = arith.select %broadcast_in_dim3A_507, %broadcast_in_dim3A_509, %select_n3A_501 : vector<16x1024xi1>, vector<16x1024xf32>
    %eq3A_511 = arith.constant 3 : i32
    %eq3A_512 = vector.broadcast %eq3A_511 : i32 to vector<1x1024xi32>
    %eq3A_513 = arith.cmpi eq, %broadcast_in_dim3A_475, %eq3A_512 : vector<1x1024xi32>
    %slice3A_514 = vector.extract_strided_slice %transpose3A_481 {offsets = [0, 3], sizes = [16, 1], strides = [1, 1]} : vector<16x20xf32> to vector<16x1xf32>
    %broadcast_in_dim3A_515 = vector.shape_cast %eq3A_513 : vector<1x1024xi1> to vector<1x1024xi1>
    %broadcast_in_dim3A_516 = vector.broadcast %broadcast_in_dim3A_515 : vector<1x1024xi1> to vector<16x1024xi1>
    %broadcast_in_dim3A_517 = vector.shape_cast %slice3A_514 : vector<16x1xf32> to vector<16x1xf32>
    %broadcast_in_dim3A_518 = vector.broadcast %broadcast_in_dim3A_517 : vector<16x1xf32> to vector<16x1024xf32>
    %select_n3A_519 = arith.select %broadcast_in_dim3A_516, %broadcast_in_dim3A_518, %select_n3A_510 : vector<16x1024xi1>, vector<16x1024xf32>
    %eq3A_520 = arith.constant 4 : i32
    %eq3A_521 = vector.broadcast %eq3A_520 : i32 to vector<1x1024xi32>
    %eq3A_522 = arith.cmpi eq, %broadcast_in_dim3A_475, %eq3A_521 : vector<1x1024xi32>
    %slice3A_523 = vector.extract_strided_slice %transpose3A_481 {offsets = [0, 4], sizes = [16, 1], strides = [1, 1]} : vector<16x20xf32> to vector<16x1xf32>
    %broadcast_in_dim3A_524 = vector.shape_cast %eq3A_522 : vector<1x1024xi1> to vector<1x1024xi1>
    %broadcast_in_dim3A_525 = vector.broadcast %broadcast_in_dim3A_524 : vector<1x1024xi1> to vector<16x1024xi1>
    %broadcast_in_dim3A_526 = vector.shape_cast %slice3A_523 : vector<16x1xf32> to vector<16x1xf32>
    %broadcast_in_dim3A_527 = vector.broadcast %broadcast_in_dim3A_526 : vector<16x1xf32> to vector<16x1024xf32>
    %select_n3A_528 = arith.select %broadcast_in_dim3A_525, %broadcast_in_dim3A_527, %select_n3A_519 : vector<16x1024xi1>, vector<16x1024xf32>
    %eq3A_529 = arith.constant 5 : i32
    %eq3A_530 = vector.broadcast %eq3A_529 : i32 to vector<1x1024xi32>
    %eq3A_531 = arith.cmpi eq, %broadcast_in_dim3A_475, %eq3A_530 : vector<1x1024xi32>
    %slice3A_532 = vector.extract_strided_slice %transpose3A_481 {offsets = [0, 5], sizes = [16, 1], strides = [1, 1]} : vector<16x20xf32> to vector<16x1xf32>
    %broadcast_in_dim3A_533 = vector.shape_cast %eq3A_531 : vector<1x1024xi1> to vector<1x1024xi1>
    %broadcast_in_dim3A_534 = vector.broadcast %broadcast_in_dim3A_533 : vector<1x1024xi1> to vector<16x1024xi1>
    %broadcast_in_dim3A_535 = vector.shape_cast %slice3A_532 : vector<16x1xf32> to vector<16x1xf32>
    %broadcast_in_dim3A_536 = vector.broadcast %broadcast_in_dim3A_535 : vector<16x1xf32> to vector<16x1024xf32>
    %select_n3A_537 = arith.select %broadcast_in_dim3A_534, %broadcast_in_dim3A_536, %select_n3A_528 : vector<16x1024xi1>, vector<16x1024xf32>
    %eq3A_538 = arith.constant 6 : i32
    %eq3A_539 = vector.broadcast %eq3A_538 : i32 to vector<1x1024xi32>
    %eq3A_540 = arith.cmpi eq, %broadcast_in_dim3A_475, %eq3A_539 : vector<1x1024xi32>
    %slice3A_541 = vector.extract_strided_slice %transpose3A_481 {offsets = [0, 6], sizes = [16, 1], strides = [1, 1]} : vector<16x20xf32> to vector<16x1xf32>
    %broadcast_in_dim3A_542 = vector.shape_cast %eq3A_540 : vector<1x1024xi1> to vector<1x1024xi1>
    %broadcast_in_dim3A_543 = vector.broadcast %broadcast_in_dim3A_542 : vector<1x1024xi1> to vector<16x1024xi1>
    %broadcast_in_dim3A_544 = vector.shape_cast %slice3A_541 : vector<16x1xf32> to vector<16x1xf32>
    %broadcast_in_dim3A_545 = vector.broadcast %broadcast_in_dim3A_544 : vector<16x1xf32> to vector<16x1024xf32>
    %select_n3A_546 = arith.select %broadcast_in_dim3A_543, %broadcast_in_dim3A_545, %select_n3A_537 : vector<16x1024xi1>, vector<16x1024xf32>
    %eq3A_547 = arith.constant 7 : i32
    %eq3A_548 = vector.broadcast %eq3A_547 : i32 to vector<1x1024xi32>
    %eq3A_549 = arith.cmpi eq, %broadcast_in_dim3A_475, %eq3A_548 : vector<1x1024xi32>
    %slice3A_550 = vector.extract_strided_slice %transpose3A_481 {offsets = [0, 7], sizes = [16, 1], strides = [1, 1]} : vector<16x20xf32> to vector<16x1xf32>
    %broadcast_in_dim3A_551 = vector.shape_cast %eq3A_549 : vector<1x1024xi1> to vector<1x1024xi1>
    %broadcast_in_dim3A_552 = vector.broadcast %broadcast_in_dim3A_551 : vector<1x1024xi1> to vector<16x1024xi1>
    %broadcast_in_dim3A_553 = vector.shape_cast %slice3A_550 : vector<16x1xf32> to vector<16x1xf32>
    %broadcast_in_dim3A_554 = vector.broadcast %broadcast_in_dim3A_553 : vector<16x1xf32> to vector<16x1024xf32>
    %select_n3A_555 = arith.select %broadcast_in_dim3A_552, %broadcast_in_dim3A_554, %select_n3A_546 : vector<16x1024xi1>, vector<16x1024xf32>
    %eq3A_556 = arith.constant 8 : i32
    %eq3A_557 = vector.broadcast %eq3A_556 : i32 to vector<1x1024xi32>
    %eq3A_558 = arith.cmpi eq, %broadcast_in_dim3A_475, %eq3A_557 : vector<1x1024xi32>
    %slice3A_559 = vector.extract_strided_slice %transpose3A_481 {offsets = [0, 8], sizes = [16, 1], strides = [1, 1]} : vector<16x20xf32> to vector<16x1xf32>
    %broadcast_in_dim3A_560 = vector.shape_cast %eq3A_558 : vector<1x1024xi1> to vector<1x1024xi1>
    %broadcast_in_dim3A_561 = vector.broadcast %broadcast_in_dim3A_560 : vector<1x1024xi1> to vector<16x1024xi1>
    %broadcast_in_dim3A_562 = vector.shape_cast %slice3A_559 : vector<16x1xf32> to vector<16x1xf32>
    %broadcast_in_dim3A_563 = vector.broadcast %broadcast_in_dim3A_562 : vector<16x1xf32> to vector<16x1024xf32>
    %select_n3A_564 = arith.select %broadcast_in_dim3A_561, %broadcast_in_dim3A_563, %select_n3A_555 : vector<16x1024xi1>, vector<16x1024xf32>
    %eq3A_565 = arith.constant 9 : i32
    %eq3A_566 = vector.broadcast %eq3A_565 : i32 to vector<1x1024xi32>
    %eq3A_567 = arith.cmpi eq, %broadcast_in_dim3A_475, %eq3A_566 : vector<1x1024xi32>
    %slice3A_568 = vector.extract_strided_slice %transpose3A_481 {offsets = [0, 9], sizes = [16, 1], strides = [1, 1]} : vector<16x20xf32> to vector<16x1xf32>
    %broadcast_in_dim3A_569 = vector.shape_cast %eq3A_567 : vector<1x1024xi1> to vector<1x1024xi1>
    %broadcast_in_dim3A_570 = vector.broadcast %broadcast_in_dim3A_569 : vector<1x1024xi1> to vector<16x1024xi1>
    %broadcast_in_dim3A_571 = vector.shape_cast %slice3A_568 : vector<16x1xf32> to vector<16x1xf32>
    %broadcast_in_dim3A_572 = vector.broadcast %broadcast_in_dim3A_571 : vector<16x1xf32> to vector<16x1024xf32>
    %select_n3A_573 = arith.select %broadcast_in_dim3A_570, %broadcast_in_dim3A_572, %select_n3A_564 : vector<16x1024xi1>, vector<16x1024xf32>
    %eq3A_574 = arith.constant 10 : i32
    %eq3A_575 = vector.broadcast %eq3A_574 : i32 to vector<1x1024xi32>
    %eq3A_576 = arith.cmpi eq, %broadcast_in_dim3A_475, %eq3A_575 : vector<1x1024xi32>
    %slice3A_577 = vector.extract_strided_slice %transpose3A_481 {offsets = [0, 10], sizes = [16, 1], strides = [1, 1]} : vector<16x20xf32> to vector<16x1xf32>
    %broadcast_in_dim3A_578 = vector.shape_cast %eq3A_576 : vector<1x1024xi1> to vector<1x1024xi1>
    %broadcast_in_dim3A_579 = vector.broadcast %broadcast_in_dim3A_578 : vector<1x1024xi1> to vector<16x1024xi1>
    %broadcast_in_dim3A_580 = vector.shape_cast %slice3A_577 : vector<16x1xf32> to vector<16x1xf32>
    %broadcast_in_dim3A_581 = vector.broadcast %broadcast_in_dim3A_580 : vector<16x1xf32> to vector<16x1024xf32>
    %select_n3A_582 = arith.select %broadcast_in_dim3A_579, %broadcast_in_dim3A_581, %select_n3A_573 : vector<16x1024xi1>, vector<16x1024xf32>
    %eq3A_583 = arith.constant 11 : i32
    %eq3A_584 = vector.broadcast %eq3A_583 : i32 to vector<1x1024xi32>
    %eq3A_585 = arith.cmpi eq, %broadcast_in_dim3A_475, %eq3A_584 : vector<1x1024xi32>
    %slice3A_586 = vector.extract_strided_slice %transpose3A_481 {offsets = [0, 11], sizes = [16, 1], strides = [1, 1]} : vector<16x20xf32> to vector<16x1xf32>
    %broadcast_in_dim3A_587 = vector.shape_cast %eq3A_585 : vector<1x1024xi1> to vector<1x1024xi1>
    %broadcast_in_dim3A_588 = vector.broadcast %broadcast_in_dim3A_587 : vector<1x1024xi1> to vector<16x1024xi1>
    %broadcast_in_dim3A_589 = vector.shape_cast %slice3A_586 : vector<16x1xf32> to vector<16x1xf32>
    %broadcast_in_dim3A_590 = vector.broadcast %broadcast_in_dim3A_589 : vector<16x1xf32> to vector<16x1024xf32>
    %select_n3A_591 = arith.select %broadcast_in_dim3A_588, %broadcast_in_dim3A_590, %select_n3A_582 : vector<16x1024xi1>, vector<16x1024xf32>
    %eq3A_592 = arith.constant 12 : i32
    %eq3A_593 = vector.broadcast %eq3A_592 : i32 to vector<1x1024xi32>
    %eq3A_594 = arith.cmpi eq, %broadcast_in_dim3A_475, %eq3A_593 : vector<1x1024xi32>
    %slice3A_595 = vector.extract_strided_slice %transpose3A_481 {offsets = [0, 12], sizes = [16, 1], strides = [1, 1]} : vector<16x20xf32> to vector<16x1xf32>
    %broadcast_in_dim3A_596 = vector.shape_cast %eq3A_594 : vector<1x1024xi1> to vector<1x1024xi1>
    %broadcast_in_dim3A_597 = vector.broadcast %broadcast_in_dim3A_596 : vector<1x1024xi1> to vector<16x1024xi1>
    %broadcast_in_dim3A_598 = vector.shape_cast %slice3A_595 : vector<16x1xf32> to vector<16x1xf32>
    %broadcast_in_dim3A_599 = vector.broadcast %broadcast_in_dim3A_598 : vector<16x1xf32> to vector<16x1024xf32>
    %select_n3A_600 = arith.select %broadcast_in_dim3A_597, %broadcast_in_dim3A_599, %select_n3A_591 : vector<16x1024xi1>, vector<16x1024xf32>
    %eq3A_601 = arith.constant 13 : i32
    %eq3A_602 = vector.broadcast %eq3A_601 : i32 to vector<1x1024xi32>
    %eq3A_603 = arith.cmpi eq, %broadcast_in_dim3A_475, %eq3A_602 : vector<1x1024xi32>
    %slice3A_604 = vector.extract_strided_slice %transpose3A_481 {offsets = [0, 13], sizes = [16, 1], strides = [1, 1]} : vector<16x20xf32> to vector<16x1xf32>
    %broadcast_in_dim3A_605 = vector.shape_cast %eq3A_603 : vector<1x1024xi1> to vector<1x1024xi1>
    %broadcast_in_dim3A_606 = vector.broadcast %broadcast_in_dim3A_605 : vector<1x1024xi1> to vector<16x1024xi1>
    %broadcast_in_dim3A_607 = vector.shape_cast %slice3A_604 : vector<16x1xf32> to vector<16x1xf32>
    %broadcast_in_dim3A_608 = vector.broadcast %broadcast_in_dim3A_607 : vector<16x1xf32> to vector<16x1024xf32>
    %select_n3A_609 = arith.select %broadcast_in_dim3A_606, %broadcast_in_dim3A_608, %select_n3A_600 : vector<16x1024xi1>, vector<16x1024xf32>
    %eq3A_610 = arith.constant 14 : i32
    %eq3A_611 = vector.broadcast %eq3A_610 : i32 to vector<1x1024xi32>
    %eq3A_612 = arith.cmpi eq, %broadcast_in_dim3A_475, %eq3A_611 : vector<1x1024xi32>
    %slice3A_613 = vector.extract_strided_slice %transpose3A_481 {offsets = [0, 14], sizes = [16, 1], strides = [1, 1]} : vector<16x20xf32> to vector<16x1xf32>
    %broadcast_in_dim3A_614 = vector.shape_cast %eq3A_612 : vector<1x1024xi1> to vector<1x1024xi1>
    %broadcast_in_dim3A_615 = vector.broadcast %broadcast_in_dim3A_614 : vector<1x1024xi1> to vector<16x1024xi1>
    %broadcast_in_dim3A_616 = vector.shape_cast %slice3A_613 : vector<16x1xf32> to vector<16x1xf32>
    %broadcast_in_dim3A_617 = vector.broadcast %broadcast_in_dim3A_616 : vector<16x1xf32> to vector<16x1024xf32>
    %select_n3A_618 = arith.select %broadcast_in_dim3A_615, %broadcast_in_dim3A_617, %select_n3A_609 : vector<16x1024xi1>, vector<16x1024xf32>
    %eq3A_619 = arith.constant 15 : i32
    %eq3A_620 = vector.broadcast %eq3A_619 : i32 to vector<1x1024xi32>
    %eq3A_621 = arith.cmpi eq, %broadcast_in_dim3A_475, %eq3A_620 : vector<1x1024xi32>
    %slice3A_622 = vector.extract_strided_slice %transpose3A_481 {offsets = [0, 15], sizes = [16, 1], strides = [1, 1]} : vector<16x20xf32> to vector<16x1xf32>
    %broadcast_in_dim3A_623 = vector.shape_cast %eq3A_621 : vector<1x1024xi1> to vector<1x1024xi1>
    %broadcast_in_dim3A_624 = vector.broadcast %broadcast_in_dim3A_623 : vector<1x1024xi1> to vector<16x1024xi1>
    %broadcast_in_dim3A_625 = vector.shape_cast %slice3A_622 : vector<16x1xf32> to vector<16x1xf32>
    %broadcast_in_dim3A_626 = vector.broadcast %broadcast_in_dim3A_625 : vector<16x1xf32> to vector<16x1024xf32>
    %select_n3A_627 = arith.select %broadcast_in_dim3A_624, %broadcast_in_dim3A_626, %select_n3A_618 : vector<16x1024xi1>, vector<16x1024xf32>
    %eq3A_628 = arith.constant 16 : i32
    %eq3A_629 = vector.broadcast %eq3A_628 : i32 to vector<1x1024xi32>
    %eq3A_630 = arith.cmpi eq, %broadcast_in_dim3A_475, %eq3A_629 : vector<1x1024xi32>
    %slice3A_631 = vector.extract_strided_slice %transpose3A_481 {offsets = [0, 16], sizes = [16, 1], strides = [1, 1]} : vector<16x20xf32> to vector<16x1xf32>
    %broadcast_in_dim3A_632 = vector.shape_cast %eq3A_630 : vector<1x1024xi1> to vector<1x1024xi1>
    %broadcast_in_dim3A_633 = vector.broadcast %broadcast_in_dim3A_632 : vector<1x1024xi1> to vector<16x1024xi1>
    %broadcast_in_dim3A_634 = vector.shape_cast %slice3A_631 : vector<16x1xf32> to vector<16x1xf32>
    %broadcast_in_dim3A_635 = vector.broadcast %broadcast_in_dim3A_634 : vector<16x1xf32> to vector<16x1024xf32>
    %select_n3A_636 = arith.select %broadcast_in_dim3A_633, %broadcast_in_dim3A_635, %select_n3A_627 : vector<16x1024xi1>, vector<16x1024xf32>
    %eq3A_637 = arith.constant 17 : i32
    %eq3A_638 = vector.broadcast %eq3A_637 : i32 to vector<1x1024xi32>
    %eq3A_639 = arith.cmpi eq, %broadcast_in_dim3A_475, %eq3A_638 : vector<1x1024xi32>
    %slice3A_640 = vector.extract_strided_slice %transpose3A_481 {offsets = [0, 17], sizes = [16, 1], strides = [1, 1]} : vector<16x20xf32> to vector<16x1xf32>
    %broadcast_in_dim3A_641 = vector.shape_cast %eq3A_639 : vector<1x1024xi1> to vector<1x1024xi1>
    %broadcast_in_dim3A_642 = vector.broadcast %broadcast_in_dim3A_641 : vector<1x1024xi1> to vector<16x1024xi1>
    %broadcast_in_dim3A_643 = vector.shape_cast %slice3A_640 : vector<16x1xf32> to vector<16x1xf32>
    %broadcast_in_dim3A_644 = vector.broadcast %broadcast_in_dim3A_643 : vector<16x1xf32> to vector<16x1024xf32>
    %select_n3A_645 = arith.select %broadcast_in_dim3A_642, %broadcast_in_dim3A_644, %select_n3A_636 : vector<16x1024xi1>, vector<16x1024xf32>
    %eq3A_646 = arith.constant 18 : i32
    %eq3A_647 = vector.broadcast %eq3A_646 : i32 to vector<1x1024xi32>
    %eq3A_648 = arith.cmpi eq, %broadcast_in_dim3A_475, %eq3A_647 : vector<1x1024xi32>
    %slice3A_649 = vector.extract_strided_slice %transpose3A_481 {offsets = [0, 18], sizes = [16, 1], strides = [1, 1]} : vector<16x20xf32> to vector<16x1xf32>
    %broadcast_in_dim3A_650 = vector.shape_cast %eq3A_648 : vector<1x1024xi1> to vector<1x1024xi1>
    %broadcast_in_dim3A_651 = vector.broadcast %broadcast_in_dim3A_650 : vector<1x1024xi1> to vector<16x1024xi1>
    %broadcast_in_dim3A_652 = vector.shape_cast %slice3A_649 : vector<16x1xf32> to vector<16x1xf32>
    %broadcast_in_dim3A_653 = vector.broadcast %broadcast_in_dim3A_652 : vector<16x1xf32> to vector<16x1024xf32>
    %select_n3A_654 = arith.select %broadcast_in_dim3A_651, %broadcast_in_dim3A_653, %select_n3A_645 : vector<16x1024xi1>, vector<16x1024xf32>
    %eq3A_655 = arith.constant 19 : i32
    %eq3A_656 = vector.broadcast %eq3A_655 : i32 to vector<1x1024xi32>
    %eq3A_657 = arith.cmpi eq, %broadcast_in_dim3A_475, %eq3A_656 : vector<1x1024xi32>
    %slice3A_658 = vector.extract_strided_slice %transpose3A_481 {offsets = [0, 19], sizes = [16, 1], strides = [1, 1]} : vector<16x20xf32> to vector<16x1xf32>
    %broadcast_in_dim3A_659 = vector.shape_cast %eq3A_657 : vector<1x1024xi1> to vector<1x1024xi1>
    %broadcast_in_dim3A_660 = vector.broadcast %broadcast_in_dim3A_659 : vector<1x1024xi1> to vector<16x1024xi1>
    %broadcast_in_dim3A_661 = vector.shape_cast %slice3A_658 : vector<16x1xf32> to vector<16x1xf32>
    %broadcast_in_dim3A_662 = vector.broadcast %broadcast_in_dim3A_661 : vector<16x1xf32> to vector<16x1024xf32>
    %select_n3A_663 = arith.select %broadcast_in_dim3A_660, %broadcast_in_dim3A_662, %select_n3A_654 : vector<16x1024xi1>, vector<16x1024xf32>
    %slice3A_664 = vector.extract_strided_slice %concatenate3A {offsets = [0, 32], sizes = [20, 16], strides = [1, 1]} : vector<20x128xf32> to vector<20x16xf32>
    %convert_element_type3A_665 = arith.truncf %slice3A_664 : vector<20x16xf32> to vector<20x16xbf16>
    %slice3A_666 = vector.extract_strided_slice %get3A_8 {offsets = [0, 32], sizes = [1024, 16], strides = [1, 1]} : vector<1024x128xf32> to vector<1024x16xf32>
    %convert_element_type3A_667 = arith.truncf %slice3A_666 : vector<1024x16xf32> to vector<1024x16xbf16>
    %dot_general3A_668 = arith.constant dense<0.000000e+00> : vector<20x1024xf32>
    %dot_general3A_669 = tpu.matmul %convert_element_type3A_665, %convert_element_type3A_667, %dot_general3A_668 {dimension_numbers = #tpu.dot_dimension_numbers<[1], [1], [0], [0], [0, 0, 1, 0], [], []>, transpose_lhs_hint = false} : vector<20x16xbf16>, vector<1024x16xbf16>, vector<20x1024xf32> -> vector<20x1024xf32>
    %mul3A_670 = arith.constant 2.500000e-01 : f32
    %mul3A_671 = vector.broadcast %mul3A_670 : f32 to vector<20x1024xf32>
    %mul3A_672 = arith.mulf %dot_general3A_669, %mul3A_671 : vector<20x1024xf32>
    %get3A_673 = arith.constant 0 : index
    %get3A_674 = arith.constant 40 : index
    %get3A_675 = arith.constant 0 : index
    %get3A_676 = vector.load %arg5[%get3A_673, %get3A_674, %get3A_675] : memref<1x160x1024xf32, #tpu.memory_space<vmem>>, vector<1x20x1024xf32>
    %get3A_677 = vector.shape_cast %get3A_676 : vector<1x20x1024xf32> to vector<20x1024xf32>
    %get3A_678 = arith.constant 0 : index
    %get3A_679 = arith.constant 40 : index
    %get3A_680 = arith.constant 0 : index
    %get3A_681 = vector.load %arg6[%get3A_678, %get3A_679, %get3A_680] : memref<1x160x1024xf32, #tpu.memory_space<vmem>>, vector<1x20x1024xf32>
    %get3A_682 = vector.shape_cast %get3A_681 : vector<1x20x1024xf32> to vector<20x1024xf32>
    %ne3A_683 = arith.constant 0 : i32
    %ne3A_684 = arith.cmpi ne, %get3A_22, %ne3A_683 : i32
    %mul3A_685 = arith.mulf %mul3A_672, %get3A_677 : vector<20x1024xf32>
    %select_n3A_686 = arith.select %ne3A_684, %mul3A_685, %mul3A_672 : vector<20x1024xf32>
    %ne3A_687 = arith.constant 0 : i32
    %ne3A_688 = arith.cmpi ne, %get3A_25, %ne3A_687 : i32
    %mul3A_689 = arith.mulf %select_n3A_686, %get3A_682 : vector<20x1024xf32>
    %select_n3A_690 = arith.select %ne3A_688, %mul3A_689, %select_n3A_686 : vector<20x1024xf32>
    %reduce_max3A_691 = arith.constant dense<0xFF800000> : vector<20xf32>
    %reduce_max3A_692 = vector.multi_reduction <maximumf>, %select_n3A_690, %reduce_max3A_691 [1] : vector<20x1024xf32> to vector<20xf32>
    %broadcast_in_dim3A_693 = vector.shape_cast %reduce_max3A_692 : vector<20xf32> to vector<20x1xf32>
    %sub3A_694 = vector.broadcast %broadcast_in_dim3A_693 : vector<20x1xf32> to vector<20x1024xf32>
    %sub3A_695 = arith.subf %select_n3A_690, %sub3A_694 : vector<20x1024xf32>
    %exp3A_696 = math.exp %sub3A_695 : vector<20x1024xf32>
    %reduce_sum3A_697 = arith.constant dense<0.000000e+00> : vector<20xf32>
    %reduce_sum3A_698 = vector.multi_reduction <add>, %exp3A_696, %reduce_sum3A_697 [1] : vector<20x1024xf32> to vector<20xf32>
    %broadcast_in_dim3A_699 = vector.shape_cast %reduce_sum3A_698 : vector<20xf32> to vector<20x1xf32>
    %div3A_700 = vector.broadcast %broadcast_in_dim3A_699 : vector<20x1xf32> to vector<20x1024xf32>
    %div3A_701 = arith.divf %exp3A_696, %div3A_700 : vector<20x1024xf32>
    %reduce_max3A_702 = arith.constant dense<0xFF800000> : vector<1024xf32>
    %reduce_max3A_703 = vector.multi_reduction <maximumf>, %div3A_701, %reduce_max3A_702 [0] : vector<20x1024xf32> to vector<1024xf32>
    %broadcast_in_dim3A_704 = vector.shape_cast %reduce_max3A_703 : vector<1024xf32> to vector<1x1024xf32>
    %eq3A_705 = vector.broadcast %broadcast_in_dim3A_704 : vector<1x1024xf32> to vector<20x1024xf32>
    %eq3A_706 = arith.cmpf oeq, %div3A_701, %eq3A_705 : vector<20x1024xf32>
    %jit3A_707 = arith.constant 20 : i32
    %broadcast_in_dim3A_708 = vector.broadcast %jit3A_707 : i32 to vector<20x1024xi32>
    %select_n3A_709 = arith.select %eq3A_706, %iota3A_19, %broadcast_in_dim3A_708 : vector<20x1024xi1>, vector<20x1024xi32>
    %reduce_min3A_710 = arith.constant dense<2147483647> : vector<1024xi32>
    %reduce_min3A_711 = vector.multi_reduction <minsi>, %select_n3A_709, %reduce_min3A_710 [0] : vector<20x1024xi32> to vector<1024xi32>
    %broadcast_in_dim3A_712 = vector.shape_cast %reduce_min3A_711 : vector<1024xi32> to vector<1x1024xi32>
    %convert_element_type3A_713 = arith.truncf %div3A_701 : vector<20x1024xf32> to vector<20x1024xbf16>
    %slice3A_714 = vector.extract_strided_slice %get3A_13 {offsets = [0, 32], sizes = [1024, 16], strides = [1, 1]} : vector<1024x128xf32> to vector<1024x16xf32>
    %convert_element_type3A_715 = arith.truncf %slice3A_714 : vector<1024x16xf32> to vector<1024x16xbf16>
    %dot_general3A_716 = arith.constant dense<0.000000e+00> : vector<20x16xf32>
    %dot_general3A_717 = tpu.matmul %convert_element_type3A_713, %convert_element_type3A_715, %dot_general3A_716 {dimension_numbers = #tpu.dot_dimension_numbers<[1], [0], [0], [1], [0, 0, 1, 1], [], []>, transpose_lhs_hint = false} : vector<20x1024xbf16>, vector<1024x16xbf16>, vector<20x16xf32> -> vector<20x16xf32>
    %transpose3A_718 = tpu.transpose %dot_general3A_717, [1, 0] : vector<20x16xf32> -> vector<16x20xf32>
    %broadcast_in_dim3A_719 = arith.constant 0.000000e+00 : f32
    %broadcast_in_dim3A_720 = vector.broadcast %broadcast_in_dim3A_719 : f32 to vector<16x1024xf32>
    %eq3A_721 = arith.constant 0 : i32
    %eq3A_722 = vector.broadcast %eq3A_721 : i32 to vector<1x1024xi32>
    %eq3A_723 = arith.cmpi eq, %broadcast_in_dim3A_712, %eq3A_722 : vector<1x1024xi32>
    %slice3A_724 = vector.extract_strided_slice %transpose3A_718 {offsets = [0, 0], sizes = [16, 1], strides = [1, 1]} : vector<16x20xf32> to vector<16x1xf32>
    %broadcast_in_dim3A_725 = vector.shape_cast %eq3A_723 : vector<1x1024xi1> to vector<1x1024xi1>
    %broadcast_in_dim3A_726 = vector.broadcast %broadcast_in_dim3A_725 : vector<1x1024xi1> to vector<16x1024xi1>
    %broadcast_in_dim3A_727 = vector.shape_cast %slice3A_724 : vector<16x1xf32> to vector<16x1xf32>
    %broadcast_in_dim3A_728 = vector.broadcast %broadcast_in_dim3A_727 : vector<16x1xf32> to vector<16x1024xf32>
    %select_n3A_729 = arith.select %broadcast_in_dim3A_726, %broadcast_in_dim3A_728, %broadcast_in_dim3A_720 : vector<16x1024xi1>, vector<16x1024xf32>
    %eq3A_730 = arith.constant 1 : i32
    %eq3A_731 = vector.broadcast %eq3A_730 : i32 to vector<1x1024xi32>
    %eq3A_732 = arith.cmpi eq, %broadcast_in_dim3A_712, %eq3A_731 : vector<1x1024xi32>
    %slice3A_733 = vector.extract_strided_slice %transpose3A_718 {offsets = [0, 1], sizes = [16, 1], strides = [1, 1]} : vector<16x20xf32> to vector<16x1xf32>
    %broadcast_in_dim3A_734 = vector.shape_cast %eq3A_732 : vector<1x1024xi1> to vector<1x1024xi1>
    %broadcast_in_dim3A_735 = vector.broadcast %broadcast_in_dim3A_734 : vector<1x1024xi1> to vector<16x1024xi1>
    %broadcast_in_dim3A_736 = vector.shape_cast %slice3A_733 : vector<16x1xf32> to vector<16x1xf32>
    %broadcast_in_dim3A_737 = vector.broadcast %broadcast_in_dim3A_736 : vector<16x1xf32> to vector<16x1024xf32>
    %select_n3A_738 = arith.select %broadcast_in_dim3A_735, %broadcast_in_dim3A_737, %select_n3A_729 : vector<16x1024xi1>, vector<16x1024xf32>
    %eq3A_739 = arith.constant 2 : i32
    %eq3A_740 = vector.broadcast %eq3A_739 : i32 to vector<1x1024xi32>
    %eq3A_741 = arith.cmpi eq, %broadcast_in_dim3A_712, %eq3A_740 : vector<1x1024xi32>
    %slice3A_742 = vector.extract_strided_slice %transpose3A_718 {offsets = [0, 2], sizes = [16, 1], strides = [1, 1]} : vector<16x20xf32> to vector<16x1xf32>
    %broadcast_in_dim3A_743 = vector.shape_cast %eq3A_741 : vector<1x1024xi1> to vector<1x1024xi1>
    %broadcast_in_dim3A_744 = vector.broadcast %broadcast_in_dim3A_743 : vector<1x1024xi1> to vector<16x1024xi1>
    %broadcast_in_dim3A_745 = vector.shape_cast %slice3A_742 : vector<16x1xf32> to vector<16x1xf32>
    %broadcast_in_dim3A_746 = vector.broadcast %broadcast_in_dim3A_745 : vector<16x1xf32> to vector<16x1024xf32>
    %select_n3A_747 = arith.select %broadcast_in_dim3A_744, %broadcast_in_dim3A_746, %select_n3A_738 : vector<16x1024xi1>, vector<16x1024xf32>
    %eq3A_748 = arith.constant 3 : i32
    %eq3A_749 = vector.broadcast %eq3A_748 : i32 to vector<1x1024xi32>
    %eq3A_750 = arith.cmpi eq, %broadcast_in_dim3A_712, %eq3A_749 : vector<1x1024xi32>
    %slice3A_751 = vector.extract_strided_slice %transpose3A_718 {offsets = [0, 3], sizes = [16, 1], strides = [1, 1]} : vector<16x20xf32> to vector<16x1xf32>
    %broadcast_in_dim3A_752 = vector.shape_cast %eq3A_750 : vector<1x1024xi1> to vector<1x1024xi1>
    %broadcast_in_dim3A_753 = vector.broadcast %broadcast_in_dim3A_752 : vector<1x1024xi1> to vector<16x1024xi1>
    %broadcast_in_dim3A_754 = vector.shape_cast %slice3A_751 : vector<16x1xf32> to vector<16x1xf32>
    %broadcast_in_dim3A_755 = vector.broadcast %broadcast_in_dim3A_754 : vector<16x1xf32> to vector<16x1024xf32>
    %select_n3A_756 = arith.select %broadcast_in_dim3A_753, %broadcast_in_dim3A_755, %select_n3A_747 : vector<16x1024xi1>, vector<16x1024xf32>
    %eq3A_757 = arith.constant 4 : i32
    %eq3A_758 = vector.broadcast %eq3A_757 : i32 to vector<1x1024xi32>
    %eq3A_759 = arith.cmpi eq, %broadcast_in_dim3A_712, %eq3A_758 : vector<1x1024xi32>
    %slice3A_760 = vector.extract_strided_slice %transpose3A_718 {offsets = [0, 4], sizes = [16, 1], strides = [1, 1]} : vector<16x20xf32> to vector<16x1xf32>
    %broadcast_in_dim3A_761 = vector.shape_cast %eq3A_759 : vector<1x1024xi1> to vector<1x1024xi1>
    %broadcast_in_dim3A_762 = vector.broadcast %broadcast_in_dim3A_761 : vector<1x1024xi1> to vector<16x1024xi1>
    %broadcast_in_dim3A_763 = vector.shape_cast %slice3A_760 : vector<16x1xf32> to vector<16x1xf32>
    %broadcast_in_dim3A_764 = vector.broadcast %broadcast_in_dim3A_763 : vector<16x1xf32> to vector<16x1024xf32>
    %select_n3A_765 = arith.select %broadcast_in_dim3A_762, %broadcast_in_dim3A_764, %select_n3A_756 : vector<16x1024xi1>, vector<16x1024xf32>
    %eq3A_766 = arith.constant 5 : i32
    %eq3A_767 = vector.broadcast %eq3A_766 : i32 to vector<1x1024xi32>
    %eq3A_768 = arith.cmpi eq, %broadcast_in_dim3A_712, %eq3A_767 : vector<1x1024xi32>
    %slice3A_769 = vector.extract_strided_slice %transpose3A_718 {offsets = [0, 5], sizes = [16, 1], strides = [1, 1]} : vector<16x20xf32> to vector<16x1xf32>
    %broadcast_in_dim3A_770 = vector.shape_cast %eq3A_768 : vector<1x1024xi1> to vector<1x1024xi1>
    %broadcast_in_dim3A_771 = vector.broadcast %broadcast_in_dim3A_770 : vector<1x1024xi1> to vector<16x1024xi1>
    %broadcast_in_dim3A_772 = vector.shape_cast %slice3A_769 : vector<16x1xf32> to vector<16x1xf32>
    %broadcast_in_dim3A_773 = vector.broadcast %broadcast_in_dim3A_772 : vector<16x1xf32> to vector<16x1024xf32>
    %select_n3A_774 = arith.select %broadcast_in_dim3A_771, %broadcast_in_dim3A_773, %select_n3A_765 : vector<16x1024xi1>, vector<16x1024xf32>
    %eq3A_775 = arith.constant 6 : i32
    %eq3A_776 = vector.broadcast %eq3A_775 : i32 to vector<1x1024xi32>
    %eq3A_777 = arith.cmpi eq, %broadcast_in_dim3A_712, %eq3A_776 : vector<1x1024xi32>
    %slice3A_778 = vector.extract_strided_slice %transpose3A_718 {offsets = [0, 6], sizes = [16, 1], strides = [1, 1]} : vector<16x20xf32> to vector<16x1xf32>
    %broadcast_in_dim3A_779 = vector.shape_cast %eq3A_777 : vector<1x1024xi1> to vector<1x1024xi1>
    %broadcast_in_dim3A_780 = vector.broadcast %broadcast_in_dim3A_779 : vector<1x1024xi1> to vector<16x1024xi1>
    %broadcast_in_dim3A_781 = vector.shape_cast %slice3A_778 : vector<16x1xf32> to vector<16x1xf32>
    %broadcast_in_dim3A_782 = vector.broadcast %broadcast_in_dim3A_781 : vector<16x1xf32> to vector<16x1024xf32>
    %select_n3A_783 = arith.select %broadcast_in_dim3A_780, %broadcast_in_dim3A_782, %select_n3A_774 : vector<16x1024xi1>, vector<16x1024xf32>
    %eq3A_784 = arith.constant 7 : i32
    %eq3A_785 = vector.broadcast %eq3A_784 : i32 to vector<1x1024xi32>
    %eq3A_786 = arith.cmpi eq, %broadcast_in_dim3A_712, %eq3A_785 : vector<1x1024xi32>
    %slice3A_787 = vector.extract_strided_slice %transpose3A_718 {offsets = [0, 7], sizes = [16, 1], strides = [1, 1]} : vector<16x20xf32> to vector<16x1xf32>
    %broadcast_in_dim3A_788 = vector.shape_cast %eq3A_786 : vector<1x1024xi1> to vector<1x1024xi1>
    %broadcast_in_dim3A_789 = vector.broadcast %broadcast_in_dim3A_788 : vector<1x1024xi1> to vector<16x1024xi1>
    %broadcast_in_dim3A_790 = vector.shape_cast %slice3A_787 : vector<16x1xf32> to vector<16x1xf32>
    %broadcast_in_dim3A_791 = vector.broadcast %broadcast_in_dim3A_790 : vector<16x1xf32> to vector<16x1024xf32>
    %select_n3A_792 = arith.select %broadcast_in_dim3A_789, %broadcast_in_dim3A_791, %select_n3A_783 : vector<16x1024xi1>, vector<16x1024xf32>
    %eq3A_793 = arith.constant 8 : i32
    %eq3A_794 = vector.broadcast %eq3A_793 : i32 to vector<1x1024xi32>
    %eq3A_795 = arith.cmpi eq, %broadcast_in_dim3A_712, %eq3A_794 : vector<1x1024xi32>
    %slice3A_796 = vector.extract_strided_slice %transpose3A_718 {offsets = [0, 8], sizes = [16, 1], strides = [1, 1]} : vector<16x20xf32> to vector<16x1xf32>
    %broadcast_in_dim3A_797 = vector.shape_cast %eq3A_795 : vector<1x1024xi1> to vector<1x1024xi1>
    %broadcast_in_dim3A_798 = vector.broadcast %broadcast_in_dim3A_797 : vector<1x1024xi1> to vector<16x1024xi1>
    %broadcast_in_dim3A_799 = vector.shape_cast %slice3A_796 : vector<16x1xf32> to vector<16x1xf32>
    %broadcast_in_dim3A_800 = vector.broadcast %broadcast_in_dim3A_799 : vector<16x1xf32> to vector<16x1024xf32>
    %select_n3A_801 = arith.select %broadcast_in_dim3A_798, %broadcast_in_dim3A_800, %select_n3A_792 : vector<16x1024xi1>, vector<16x1024xf32>
    %eq3A_802 = arith.constant 9 : i32
    %eq3A_803 = vector.broadcast %eq3A_802 : i32 to vector<1x1024xi32>
    %eq3A_804 = arith.cmpi eq, %broadcast_in_dim3A_712, %eq3A_803 : vector<1x1024xi32>
    %slice3A_805 = vector.extract_strided_slice %transpose3A_718 {offsets = [0, 9], sizes = [16, 1], strides = [1, 1]} : vector<16x20xf32> to vector<16x1xf32>
    %broadcast_in_dim3A_806 = vector.shape_cast %eq3A_804 : vector<1x1024xi1> to vector<1x1024xi1>
    %broadcast_in_dim3A_807 = vector.broadcast %broadcast_in_dim3A_806 : vector<1x1024xi1> to vector<16x1024xi1>
    %broadcast_in_dim3A_808 = vector.shape_cast %slice3A_805 : vector<16x1xf32> to vector<16x1xf32>
    %broadcast_in_dim3A_809 = vector.broadcast %broadcast_in_dim3A_808 : vector<16x1xf32> to vector<16x1024xf32>
    %select_n3A_810 = arith.select %broadcast_in_dim3A_807, %broadcast_in_dim3A_809, %select_n3A_801 : vector<16x1024xi1>, vector<16x1024xf32>
    %eq3A_811 = arith.constant 10 : i32
    %eq3A_812 = vector.broadcast %eq3A_811 : i32 to vector<1x1024xi32>
    %eq3A_813 = arith.cmpi eq, %broadcast_in_dim3A_712, %eq3A_812 : vector<1x1024xi32>
    %slice3A_814 = vector.extract_strided_slice %transpose3A_718 {offsets = [0, 10], sizes = [16, 1], strides = [1, 1]} : vector<16x20xf32> to vector<16x1xf32>
    %broadcast_in_dim3A_815 = vector.shape_cast %eq3A_813 : vector<1x1024xi1> to vector<1x1024xi1>
    %broadcast_in_dim3A_816 = vector.broadcast %broadcast_in_dim3A_815 : vector<1x1024xi1> to vector<16x1024xi1>
    %broadcast_in_dim3A_817 = vector.shape_cast %slice3A_814 : vector<16x1xf32> to vector<16x1xf32>
    %broadcast_in_dim3A_818 = vector.broadcast %broadcast_in_dim3A_817 : vector<16x1xf32> to vector<16x1024xf32>
    %select_n3A_819 = arith.select %broadcast_in_dim3A_816, %broadcast_in_dim3A_818, %select_n3A_810 : vector<16x1024xi1>, vector<16x1024xf32>
    %eq3A_820 = arith.constant 11 : i32
    %eq3A_821 = vector.broadcast %eq3A_820 : i32 to vector<1x1024xi32>
    %eq3A_822 = arith.cmpi eq, %broadcast_in_dim3A_712, %eq3A_821 : vector<1x1024xi32>
    %slice3A_823 = vector.extract_strided_slice %transpose3A_718 {offsets = [0, 11], sizes = [16, 1], strides = [1, 1]} : vector<16x20xf32> to vector<16x1xf32>
    %broadcast_in_dim3A_824 = vector.shape_cast %eq3A_822 : vector<1x1024xi1> to vector<1x1024xi1>
    %broadcast_in_dim3A_825 = vector.broadcast %broadcast_in_dim3A_824 : vector<1x1024xi1> to vector<16x1024xi1>
    %broadcast_in_dim3A_826 = vector.shape_cast %slice3A_823 : vector<16x1xf32> to vector<16x1xf32>
    %broadcast_in_dim3A_827 = vector.broadcast %broadcast_in_dim3A_826 : vector<16x1xf32> to vector<16x1024xf32>
    %select_n3A_828 = arith.select %broadcast_in_dim3A_825, %broadcast_in_dim3A_827, %select_n3A_819 : vector<16x1024xi1>, vector<16x1024xf32>
    %eq3A_829 = arith.constant 12 : i32
    %eq3A_830 = vector.broadcast %eq3A_829 : i32 to vector<1x1024xi32>
    %eq3A_831 = arith.cmpi eq, %broadcast_in_dim3A_712, %eq3A_830 : vector<1x1024xi32>
    %slice3A_832 = vector.extract_strided_slice %transpose3A_718 {offsets = [0, 12], sizes = [16, 1], strides = [1, 1]} : vector<16x20xf32> to vector<16x1xf32>
    %broadcast_in_dim3A_833 = vector.shape_cast %eq3A_831 : vector<1x1024xi1> to vector<1x1024xi1>
    %broadcast_in_dim3A_834 = vector.broadcast %broadcast_in_dim3A_833 : vector<1x1024xi1> to vector<16x1024xi1>
    %broadcast_in_dim3A_835 = vector.shape_cast %slice3A_832 : vector<16x1xf32> to vector<16x1xf32>
    %broadcast_in_dim3A_836 = vector.broadcast %broadcast_in_dim3A_835 : vector<16x1xf32> to vector<16x1024xf32>
    %select_n3A_837 = arith.select %broadcast_in_dim3A_834, %broadcast_in_dim3A_836, %select_n3A_828 : vector<16x1024xi1>, vector<16x1024xf32>
    %eq3A_838 = arith.constant 13 : i32
    %eq3A_839 = vector.broadcast %eq3A_838 : i32 to vector<1x1024xi32>
    %eq3A_840 = arith.cmpi eq, %broadcast_in_dim3A_712, %eq3A_839 : vector<1x1024xi32>
    %slice3A_841 = vector.extract_strided_slice %transpose3A_718 {offsets = [0, 13], sizes = [16, 1], strides = [1, 1]} : vector<16x20xf32> to vector<16x1xf32>
    %broadcast_in_dim3A_842 = vector.shape_cast %eq3A_840 : vector<1x1024xi1> to vector<1x1024xi1>
    %broadcast_in_dim3A_843 = vector.broadcast %broadcast_in_dim3A_842 : vector<1x1024xi1> to vector<16x1024xi1>
    %broadcast_in_dim3A_844 = vector.shape_cast %slice3A_841 : vector<16x1xf32> to vector<16x1xf32>
    %broadcast_in_dim3A_845 = vector.broadcast %broadcast_in_dim3A_844 : vector<16x1xf32> to vector<16x1024xf32>
    %select_n3A_846 = arith.select %broadcast_in_dim3A_843, %broadcast_in_dim3A_845, %select_n3A_837 : vector<16x1024xi1>, vector<16x1024xf32>
    %eq3A_847 = arith.constant 14 : i32
    %eq3A_848 = vector.broadcast %eq3A_847 : i32 to vector<1x1024xi32>
    %eq3A_849 = arith.cmpi eq, %broadcast_in_dim3A_712, %eq3A_848 : vector<1x1024xi32>
    %slice3A_850 = vector.extract_strided_slice %transpose3A_718 {offsets = [0, 14], sizes = [16, 1], strides = [1, 1]} : vector<16x20xf32> to vector<16x1xf32>
    %broadcast_in_dim3A_851 = vector.shape_cast %eq3A_849 : vector<1x1024xi1> to vector<1x1024xi1>
    %broadcast_in_dim3A_852 = vector.broadcast %broadcast_in_dim3A_851 : vector<1x1024xi1> to vector<16x1024xi1>
    %broadcast_in_dim3A_853 = vector.shape_cast %slice3A_850 : vector<16x1xf32> to vector<16x1xf32>
    %broadcast_in_dim3A_854 = vector.broadcast %broadcast_in_dim3A_853 : vector<16x1xf32> to vector<16x1024xf32>
    %select_n3A_855 = arith.select %broadcast_in_dim3A_852, %broadcast_in_dim3A_854, %select_n3A_846 : vector<16x1024xi1>, vector<16x1024xf32>
    %eq3A_856 = arith.constant 15 : i32
    %eq3A_857 = vector.broadcast %eq3A_856 : i32 to vector<1x1024xi32>
    %eq3A_858 = arith.cmpi eq, %broadcast_in_dim3A_712, %eq3A_857 : vector<1x1024xi32>
    %slice3A_859 = vector.extract_strided_slice %transpose3A_718 {offsets = [0, 15], sizes = [16, 1], strides = [1, 1]} : vector<16x20xf32> to vector<16x1xf32>
    %broadcast_in_dim3A_860 = vector.shape_cast %eq3A_858 : vector<1x1024xi1> to vector<1x1024xi1>
    %broadcast_in_dim3A_861 = vector.broadcast %broadcast_in_dim3A_860 : vector<1x1024xi1> to vector<16x1024xi1>
    %broadcast_in_dim3A_862 = vector.shape_cast %slice3A_859 : vector<16x1xf32> to vector<16x1xf32>
    %broadcast_in_dim3A_863 = vector.broadcast %broadcast_in_dim3A_862 : vector<16x1xf32> to vector<16x1024xf32>
    %select_n3A_864 = arith.select %broadcast_in_dim3A_861, %broadcast_in_dim3A_863, %select_n3A_855 : vector<16x1024xi1>, vector<16x1024xf32>
    %eq3A_865 = arith.constant 16 : i32
    %eq3A_866 = vector.broadcast %eq3A_865 : i32 to vector<1x1024xi32>
    %eq3A_867 = arith.cmpi eq, %broadcast_in_dim3A_712, %eq3A_866 : vector<1x1024xi32>
    %slice3A_868 = vector.extract_strided_slice %transpose3A_718 {offsets = [0, 16], sizes = [16, 1], strides = [1, 1]} : vector<16x20xf32> to vector<16x1xf32>
    %broadcast_in_dim3A_869 = vector.shape_cast %eq3A_867 : vector<1x1024xi1> to vector<1x1024xi1>
    %broadcast_in_dim3A_870 = vector.broadcast %broadcast_in_dim3A_869 : vector<1x1024xi1> to vector<16x1024xi1>
    %broadcast_in_dim3A_871 = vector.shape_cast %slice3A_868 : vector<16x1xf32> to vector<16x1xf32>
    %broadcast_in_dim3A_872 = vector.broadcast %broadcast_in_dim3A_871 : vector<16x1xf32> to vector<16x1024xf32>
    %select_n3A_873 = arith.select %broadcast_in_dim3A_870, %broadcast_in_dim3A_872, %select_n3A_864 : vector<16x1024xi1>, vector<16x1024xf32>
    %eq3A_874 = arith.constant 17 : i32
    %eq3A_875 = vector.broadcast %eq3A_874 : i32 to vector<1x1024xi32>
    %eq3A_876 = arith.cmpi eq, %broadcast_in_dim3A_712, %eq3A_875 : vector<1x1024xi32>
    %slice3A_877 = vector.extract_strided_slice %transpose3A_718 {offsets = [0, 17], sizes = [16, 1], strides = [1, 1]} : vector<16x20xf32> to vector<16x1xf32>
    %broadcast_in_dim3A_878 = vector.shape_cast %eq3A_876 : vector<1x1024xi1> to vector<1x1024xi1>
    %broadcast_in_dim3A_879 = vector.broadcast %broadcast_in_dim3A_878 : vector<1x1024xi1> to vector<16x1024xi1>
    %broadcast_in_dim3A_880 = vector.shape_cast %slice3A_877 : vector<16x1xf32> to vector<16x1xf32>
    %broadcast_in_dim3A_881 = vector.broadcast %broadcast_in_dim3A_880 : vector<16x1xf32> to vector<16x1024xf32>
    %select_n3A_882 = arith.select %broadcast_in_dim3A_879, %broadcast_in_dim3A_881, %select_n3A_873 : vector<16x1024xi1>, vector<16x1024xf32>
    %eq3A_883 = arith.constant 18 : i32
    %eq3A_884 = vector.broadcast %eq3A_883 : i32 to vector<1x1024xi32>
    %eq3A_885 = arith.cmpi eq, %broadcast_in_dim3A_712, %eq3A_884 : vector<1x1024xi32>
    %slice3A_886 = vector.extract_strided_slice %transpose3A_718 {offsets = [0, 18], sizes = [16, 1], strides = [1, 1]} : vector<16x20xf32> to vector<16x1xf32>
    %broadcast_in_dim3A_887 = vector.shape_cast %eq3A_885 : vector<1x1024xi1> to vector<1x1024xi1>
    %broadcast_in_dim3A_888 = vector.broadcast %broadcast_in_dim3A_887 : vector<1x1024xi1> to vector<16x1024xi1>
    %broadcast_in_dim3A_889 = vector.shape_cast %slice3A_886 : vector<16x1xf32> to vector<16x1xf32>
    %broadcast_in_dim3A_890 = vector.broadcast %broadcast_in_dim3A_889 : vector<16x1xf32> to vector<16x1024xf32>
    %select_n3A_891 = arith.select %broadcast_in_dim3A_888, %broadcast_in_dim3A_890, %select_n3A_882 : vector<16x1024xi1>, vector<16x1024xf32>
    %eq3A_892 = arith.constant 19 : i32
    %eq3A_893 = vector.broadcast %eq3A_892 : i32 to vector<1x1024xi32>
    %eq3A_894 = arith.cmpi eq, %broadcast_in_dim3A_712, %eq3A_893 : vector<1x1024xi32>
    %slice3A_895 = vector.extract_strided_slice %transpose3A_718 {offsets = [0, 19], sizes = [16, 1], strides = [1, 1]} : vector<16x20xf32> to vector<16x1xf32>
    %broadcast_in_dim3A_896 = vector.shape_cast %eq3A_894 : vector<1x1024xi1> to vector<1x1024xi1>
    %broadcast_in_dim3A_897 = vector.broadcast %broadcast_in_dim3A_896 : vector<1x1024xi1> to vector<16x1024xi1>
    %broadcast_in_dim3A_898 = vector.shape_cast %slice3A_895 : vector<16x1xf32> to vector<16x1xf32>
    %broadcast_in_dim3A_899 = vector.broadcast %broadcast_in_dim3A_898 : vector<16x1xf32> to vector<16x1024xf32>
    %select_n3A_900 = arith.select %broadcast_in_dim3A_897, %broadcast_in_dim3A_899, %select_n3A_891 : vector<16x1024xi1>, vector<16x1024xf32>
    %slice3A_901 = vector.extract_strided_slice %concatenate3A {offsets = [0, 48], sizes = [20, 16], strides = [1, 1]} : vector<20x128xf32> to vector<20x16xf32>
    %convert_element_type3A_902 = arith.truncf %slice3A_901 : vector<20x16xf32> to vector<20x16xbf16>
    %slice3A_903 = vector.extract_strided_slice %get3A_8 {offsets = [0, 48], sizes = [1024, 16], strides = [1, 1]} : vector<1024x128xf32> to vector<1024x16xf32>
    %convert_element_type3A_904 = arith.truncf %slice3A_903 : vector<1024x16xf32> to vector<1024x16xbf16>
    %dot_general3A_905 = arith.constant dense<0.000000e+00> : vector<20x1024xf32>
    %dot_general3A_906 = tpu.matmul %convert_element_type3A_902, %convert_element_type3A_904, %dot_general3A_905 {dimension_numbers = #tpu.dot_dimension_numbers<[1], [1], [0], [0], [0, 0, 1, 0], [], []>, transpose_lhs_hint = false} : vector<20x16xbf16>, vector<1024x16xbf16>, vector<20x1024xf32> -> vector<20x1024xf32>
    %mul3A_907 = arith.constant 2.500000e-01 : f32
    %mul3A_908 = vector.broadcast %mul3A_907 : f32 to vector<20x1024xf32>
    %mul3A_909 = arith.mulf %dot_general3A_906, %mul3A_908 : vector<20x1024xf32>
    %get3A_910 = arith.constant 0 : index
    %get3A_911 = arith.constant 60 : index
    %get3A_912 = arith.constant 0 : index
    %get3A_913 = vector.load %arg5[%get3A_910, %get3A_911, %get3A_912] : memref<1x160x1024xf32, #tpu.memory_space<vmem>>, vector<1x20x1024xf32>
    %get3A_914 = vector.shape_cast %get3A_913 : vector<1x20x1024xf32> to vector<20x1024xf32>
    %get3A_915 = arith.constant 0 : index
    %get3A_916 = arith.constant 60 : index
    %get3A_917 = arith.constant 0 : index
    %get3A_918 = vector.load %arg6[%get3A_915, %get3A_916, %get3A_917] : memref<1x160x1024xf32, #tpu.memory_space<vmem>>, vector<1x20x1024xf32>
    %get3A_919 = vector.shape_cast %get3A_918 : vector<1x20x1024xf32> to vector<20x1024xf32>
    %ne3A_920 = arith.constant 0 : i32
    %ne3A_921 = arith.cmpi ne, %get3A_22, %ne3A_920 : i32
    %mul3A_922 = arith.mulf %mul3A_909, %get3A_914 : vector<20x1024xf32>
    %select_n3A_923 = arith.select %ne3A_921, %mul3A_922, %mul3A_909 : vector<20x1024xf32>
    %ne3A_924 = arith.constant 0 : i32
    %ne3A_925 = arith.cmpi ne, %get3A_25, %ne3A_924 : i32
    %mul3A_926 = arith.mulf %select_n3A_923, %get3A_919 : vector<20x1024xf32>
    %select_n3A_927 = arith.select %ne3A_925, %mul3A_926, %select_n3A_923 : vector<20x1024xf32>
    %reduce_max3A_928 = arith.constant dense<0xFF800000> : vector<20xf32>
    %reduce_max3A_929 = vector.multi_reduction <maximumf>, %select_n3A_927, %reduce_max3A_928 [1] : vector<20x1024xf32> to vector<20xf32>
    %broadcast_in_dim3A_930 = vector.shape_cast %reduce_max3A_929 : vector<20xf32> to vector<20x1xf32>
    %sub3A_931 = vector.broadcast %broadcast_in_dim3A_930 : vector<20x1xf32> to vector<20x1024xf32>
    %sub3A_932 = arith.subf %select_n3A_927, %sub3A_931 : vector<20x1024xf32>
    %exp3A_933 = math.exp %sub3A_932 : vector<20x1024xf32>
    %reduce_sum3A_934 = arith.constant dense<0.000000e+00> : vector<20xf32>
    %reduce_sum3A_935 = vector.multi_reduction <add>, %exp3A_933, %reduce_sum3A_934 [1] : vector<20x1024xf32> to vector<20xf32>
    %broadcast_in_dim3A_936 = vector.shape_cast %reduce_sum3A_935 : vector<20xf32> to vector<20x1xf32>
    %div3A_937 = vector.broadcast %broadcast_in_dim3A_936 : vector<20x1xf32> to vector<20x1024xf32>
    %div3A_938 = arith.divf %exp3A_933, %div3A_937 : vector<20x1024xf32>
    %reduce_max3A_939 = arith.constant dense<0xFF800000> : vector<1024xf32>
    %reduce_max3A_940 = vector.multi_reduction <maximumf>, %div3A_938, %reduce_max3A_939 [0] : vector<20x1024xf32> to vector<1024xf32>
    %broadcast_in_dim3A_941 = vector.shape_cast %reduce_max3A_940 : vector<1024xf32> to vector<1x1024xf32>
    %eq3A_942 = vector.broadcast %broadcast_in_dim3A_941 : vector<1x1024xf32> to vector<20x1024xf32>
    %eq3A_943 = arith.cmpf oeq, %div3A_938, %eq3A_942 : vector<20x1024xf32>
    %jit3A_944 = arith.constant 20 : i32
    %broadcast_in_dim3A_945 = vector.broadcast %jit3A_944 : i32 to vector<20x1024xi32>
    %select_n3A_946 = arith.select %eq3A_943, %iota3A_19, %broadcast_in_dim3A_945 : vector<20x1024xi1>, vector<20x1024xi32>
    %reduce_min3A_947 = arith.constant dense<2147483647> : vector<1024xi32>
    %reduce_min3A_948 = vector.multi_reduction <minsi>, %select_n3A_946, %reduce_min3A_947 [0] : vector<20x1024xi32> to vector<1024xi32>
    %broadcast_in_dim3A_949 = vector.shape_cast %reduce_min3A_948 : vector<1024xi32> to vector<1x1024xi32>
    %convert_element_type3A_950 = arith.truncf %div3A_938 : vector<20x1024xf32> to vector<20x1024xbf16>
    %slice3A_951 = vector.extract_strided_slice %get3A_13 {offsets = [0, 48], sizes = [1024, 16], strides = [1, 1]} : vector<1024x128xf32> to vector<1024x16xf32>
    %convert_element_type3A_952 = arith.truncf %slice3A_951 : vector<1024x16xf32> to vector<1024x16xbf16>
    %dot_general3A_953 = arith.constant dense<0.000000e+00> : vector<20x16xf32>
    %dot_general3A_954 = tpu.matmul %convert_element_type3A_950, %convert_element_type3A_952, %dot_general3A_953 {dimension_numbers = #tpu.dot_dimension_numbers<[1], [0], [0], [1], [0, 0, 1, 1], [], []>, transpose_lhs_hint = false} : vector<20x1024xbf16>, vector<1024x16xbf16>, vector<20x16xf32> -> vector<20x16xf32>
    %transpose3A_955 = tpu.transpose %dot_general3A_954, [1, 0] : vector<20x16xf32> -> vector<16x20xf32>
    %broadcast_in_dim3A_956 = arith.constant 0.000000e+00 : f32
    %broadcast_in_dim3A_957 = vector.broadcast %broadcast_in_dim3A_956 : f32 to vector<16x1024xf32>
    %eq3A_958 = arith.constant 0 : i32
    %eq3A_959 = vector.broadcast %eq3A_958 : i32 to vector<1x1024xi32>
    %eq3A_960 = arith.cmpi eq, %broadcast_in_dim3A_949, %eq3A_959 : vector<1x1024xi32>
    %slice3A_961 = vector.extract_strided_slice %transpose3A_955 {offsets = [0, 0], sizes = [16, 1], strides = [1, 1]} : vector<16x20xf32> to vector<16x1xf32>
    %broadcast_in_dim3A_962 = vector.shape_cast %eq3A_960 : vector<1x1024xi1> to vector<1x1024xi1>
    %broadcast_in_dim3A_963 = vector.broadcast %broadcast_in_dim3A_962 : vector<1x1024xi1> to vector<16x1024xi1>
    %broadcast_in_dim3A_964 = vector.shape_cast %slice3A_961 : vector<16x1xf32> to vector<16x1xf32>
    %broadcast_in_dim3A_965 = vector.broadcast %broadcast_in_dim3A_964 : vector<16x1xf32> to vector<16x1024xf32>
    %select_n3A_966 = arith.select %broadcast_in_dim3A_963, %broadcast_in_dim3A_965, %broadcast_in_dim3A_957 : vector<16x1024xi1>, vector<16x1024xf32>
    %eq3A_967 = arith.constant 1 : i32
    %eq3A_968 = vector.broadcast %eq3A_967 : i32 to vector<1x1024xi32>
    %eq3A_969 = arith.cmpi eq, %broadcast_in_dim3A_949, %eq3A_968 : vector<1x1024xi32>
    %slice3A_970 = vector.extract_strided_slice %transpose3A_955 {offsets = [0, 1], sizes = [16, 1], strides = [1, 1]} : vector<16x20xf32> to vector<16x1xf32>
    %broadcast_in_dim3A_971 = vector.shape_cast %eq3A_969 : vector<1x1024xi1> to vector<1x1024xi1>
    %broadcast_in_dim3A_972 = vector.broadcast %broadcast_in_dim3A_971 : vector<1x1024xi1> to vector<16x1024xi1>
    %broadcast_in_dim3A_973 = vector.shape_cast %slice3A_970 : vector<16x1xf32> to vector<16x1xf32>
    %broadcast_in_dim3A_974 = vector.broadcast %broadcast_in_dim3A_973 : vector<16x1xf32> to vector<16x1024xf32>
    %select_n3A_975 = arith.select %broadcast_in_dim3A_972, %broadcast_in_dim3A_974, %select_n3A_966 : vector<16x1024xi1>, vector<16x1024xf32>
    %eq3A_976 = arith.constant 2 : i32
    %eq3A_977 = vector.broadcast %eq3A_976 : i32 to vector<1x1024xi32>
    %eq3A_978 = arith.cmpi eq, %broadcast_in_dim3A_949, %eq3A_977 : vector<1x1024xi32>
    %slice3A_979 = vector.extract_strided_slice %transpose3A_955 {offsets = [0, 2], sizes = [16, 1], strides = [1, 1]} : vector<16x20xf32> to vector<16x1xf32>
    %broadcast_in_dim3A_980 = vector.shape_cast %eq3A_978 : vector<1x1024xi1> to vector<1x1024xi1>
    %broadcast_in_dim3A_981 = vector.broadcast %broadcast_in_dim3A_980 : vector<1x1024xi1> to vector<16x1024xi1>
    %broadcast_in_dim3A_982 = vector.shape_cast %slice3A_979 : vector<16x1xf32> to vector<16x1xf32>
    %broadcast_in_dim3A_983 = vector.broadcast %broadcast_in_dim3A_982 : vector<16x1xf32> to vector<16x1024xf32>
    %select_n3A_984 = arith.select %broadcast_in_dim3A_981, %broadcast_in_dim3A_983, %select_n3A_975 : vector<16x1024xi1>, vector<16x1024xf32>
    %eq3A_985 = arith.constant 3 : i32
    %eq3A_986 = vector.broadcast %eq3A_985 : i32 to vector<1x1024xi32>
    %eq3A_987 = arith.cmpi eq, %broadcast_in_dim3A_949, %eq3A_986 : vector<1x1024xi32>
    %slice3A_988 = vector.extract_strided_slice %transpose3A_955 {offsets = [0, 3], sizes = [16, 1], strides = [1, 1]} : vector<16x20xf32> to vector<16x1xf32>
    %broadcast_in_dim3A_989 = vector.shape_cast %eq3A_987 : vector<1x1024xi1> to vector<1x1024xi1>
    %broadcast_in_dim3A_990 = vector.broadcast %broadcast_in_dim3A_989 : vector<1x1024xi1> to vector<16x1024xi1>
    %broadcast_in_dim3A_991 = vector.shape_cast %slice3A_988 : vector<16x1xf32> to vector<16x1xf32>
    %broadcast_in_dim3A_992 = vector.broadcast %broadcast_in_dim3A_991 : vector<16x1xf32> to vector<16x1024xf32>
    %select_n3A_993 = arith.select %broadcast_in_dim3A_990, %broadcast_in_dim3A_992, %select_n3A_984 : vector<16x1024xi1>, vector<16x1024xf32>
    %eq3A_994 = arith.constant 4 : i32
    %eq3A_995 = vector.broadcast %eq3A_994 : i32 to vector<1x1024xi32>
    %eq3A_996 = arith.cmpi eq, %broadcast_in_dim3A_949, %eq3A_995 : vector<1x1024xi32>
    %slice3A_997 = vector.extract_strided_slice %transpose3A_955 {offsets = [0, 4], sizes = [16, 1], strides = [1, 1]} : vector<16x20xf32> to vector<16x1xf32>
    %broadcast_in_dim3A_998 = vector.shape_cast %eq3A_996 : vector<1x1024xi1> to vector<1x1024xi1>
    %broadcast_in_dim3A_999 = vector.broadcast %broadcast_in_dim3A_998 : vector<1x1024xi1> to vector<16x1024xi1>
    %broadcast_in_dim3A_1000 = vector.shape_cast %slice3A_997 : vector<16x1xf32> to vector<16x1xf32>
    %broadcast_in_dim3A_1001 = vector.broadcast %broadcast_in_dim3A_1000 : vector<16x1xf32> to vector<16x1024xf32>
    %select_n3A_1002 = arith.select %broadcast_in_dim3A_999, %broadcast_in_dim3A_1001, %select_n3A_993 : vector<16x1024xi1>, vector<16x1024xf32>
    %eq3A_1003 = arith.constant 5 : i32
    %eq3A_1004 = vector.broadcast %eq3A_1003 : i32 to vector<1x1024xi32>
    %eq3A_1005 = arith.cmpi eq, %broadcast_in_dim3A_949, %eq3A_1004 : vector<1x1024xi32>
    %slice3A_1006 = vector.extract_strided_slice %transpose3A_955 {offsets = [0, 5], sizes = [16, 1], strides = [1, 1]} : vector<16x20xf32> to vector<16x1xf32>
    %broadcast_in_dim3A_1007 = vector.shape_cast %eq3A_1005 : vector<1x1024xi1> to vector<1x1024xi1>
    %broadcast_in_dim3A_1008 = vector.broadcast %broadcast_in_dim3A_1007 : vector<1x1024xi1> to vector<16x1024xi1>
    %broadcast_in_dim3A_1009 = vector.shape_cast %slice3A_1006 : vector<16x1xf32> to vector<16x1xf32>
    %broadcast_in_dim3A_1010 = vector.broadcast %broadcast_in_dim3A_1009 : vector<16x1xf32> to vector<16x1024xf32>
    %select_n3A_1011 = arith.select %broadcast_in_dim3A_1008, %broadcast_in_dim3A_1010, %select_n3A_1002 : vector<16x1024xi1>, vector<16x1024xf32>
    %eq3A_1012 = arith.constant 6 : i32
    %eq3A_1013 = vector.broadcast %eq3A_1012 : i32 to vector<1x1024xi32>
    %eq3A_1014 = arith.cmpi eq, %broadcast_in_dim3A_949, %eq3A_1013 : vector<1x1024xi32>
    %slice3A_1015 = vector.extract_strided_slice %transpose3A_955 {offsets = [0, 6], sizes = [16, 1], strides = [1, 1]} : vector<16x20xf32> to vector<16x1xf32>
    %broadcast_in_dim3A_1016 = vector.shape_cast %eq3A_1014 : vector<1x1024xi1> to vector<1x1024xi1>
    %broadcast_in_dim3A_1017 = vector.broadcast %broadcast_in_dim3A_1016 : vector<1x1024xi1> to vector<16x1024xi1>
    %broadcast_in_dim3A_1018 = vector.shape_cast %slice3A_1015 : vector<16x1xf32> to vector<16x1xf32>
    %broadcast_in_dim3A_1019 = vector.broadcast %broadcast_in_dim3A_1018 : vector<16x1xf32> to vector<16x1024xf32>
    %select_n3A_1020 = arith.select %broadcast_in_dim3A_1017, %broadcast_in_dim3A_1019, %select_n3A_1011 : vector<16x1024xi1>, vector<16x1024xf32>
    %eq3A_1021 = arith.constant 7 : i32
    %eq3A_1022 = vector.broadcast %eq3A_1021 : i32 to vector<1x1024xi32>
    %eq3A_1023 = arith.cmpi eq, %broadcast_in_dim3A_949, %eq3A_1022 : vector<1x1024xi32>
    %slice3A_1024 = vector.extract_strided_slice %transpose3A_955 {offsets = [0, 7], sizes = [16, 1], strides = [1, 1]} : vector<16x20xf32> to vector<16x1xf32>
    %broadcast_in_dim3A_1025 = vector.shape_cast %eq3A_1023 : vector<1x1024xi1> to vector<1x1024xi1>
    %broadcast_in_dim3A_1026 = vector.broadcast %broadcast_in_dim3A_1025 : vector<1x1024xi1> to vector<16x1024xi1>
    %broadcast_in_dim3A_1027 = vector.shape_cast %slice3A_1024 : vector<16x1xf32> to vector<16x1xf32>
    %broadcast_in_dim3A_1028 = vector.broadcast %broadcast_in_dim3A_1027 : vector<16x1xf32> to vector<16x1024xf32>
    %select_n3A_1029 = arith.select %broadcast_in_dim3A_1026, %broadcast_in_dim3A_1028, %select_n3A_1020 : vector<16x1024xi1>, vector<16x1024xf32>
    %eq3A_1030 = arith.constant 8 : i32
    %eq3A_1031 = vector.broadcast %eq3A_1030 : i32 to vector<1x1024xi32>
    %eq3A_1032 = arith.cmpi eq, %broadcast_in_dim3A_949, %eq3A_1031 : vector<1x1024xi32>
    %slice3A_1033 = vector.extract_strided_slice %transpose3A_955 {offsets = [0, 8], sizes = [16, 1], strides = [1, 1]} : vector<16x20xf32> to vector<16x1xf32>
    %broadcast_in_dim3A_1034 = vector.shape_cast %eq3A_1032 : vector<1x1024xi1> to vector<1x1024xi1>
    %broadcast_in_dim3A_1035 = vector.broadcast %broadcast_in_dim3A_1034 : vector<1x1024xi1> to vector<16x1024xi1>
    %broadcast_in_dim3A_1036 = vector.shape_cast %slice3A_1033 : vector<16x1xf32> to vector<16x1xf32>
    %broadcast_in_dim3A_1037 = vector.broadcast %broadcast_in_dim3A_1036 : vector<16x1xf32> to vector<16x1024xf32>
    %select_n3A_1038 = arith.select %broadcast_in_dim3A_1035, %broadcast_in_dim3A_1037, %select_n3A_1029 : vector<16x1024xi1>, vector<16x1024xf32>
    %eq3A_1039 = arith.constant 9 : i32
    %eq3A_1040 = vector.broadcast %eq3A_1039 : i32 to vector<1x1024xi32>
    %eq3A_1041 = arith.cmpi eq, %broadcast_in_dim3A_949, %eq3A_1040 : vector<1x1024xi32>
    %slice3A_1042 = vector.extract_strided_slice %transpose3A_955 {offsets = [0, 9], sizes = [16, 1], strides = [1, 1]} : vector<16x20xf32> to vector<16x1xf32>
    %broadcast_in_dim3A_1043 = vector.shape_cast %eq3A_1041 : vector<1x1024xi1> to vector<1x1024xi1>
    %broadcast_in_dim3A_1044 = vector.broadcast %broadcast_in_dim3A_1043 : vector<1x1024xi1> to vector<16x1024xi1>
    %broadcast_in_dim3A_1045 = vector.shape_cast %slice3A_1042 : vector<16x1xf32> to vector<16x1xf32>
    %broadcast_in_dim3A_1046 = vector.broadcast %broadcast_in_dim3A_1045 : vector<16x1xf32> to vector<16x1024xf32>
    %select_n3A_1047 = arith.select %broadcast_in_dim3A_1044, %broadcast_in_dim3A_1046, %select_n3A_1038 : vector<16x1024xi1>, vector<16x1024xf32>
    %eq3A_1048 = arith.constant 10 : i32
    %eq3A_1049 = vector.broadcast %eq3A_1048 : i32 to vector<1x1024xi32>
    %eq3A_1050 = arith.cmpi eq, %broadcast_in_dim3A_949, %eq3A_1049 : vector<1x1024xi32>
    %slice3A_1051 = vector.extract_strided_slice %transpose3A_955 {offsets = [0, 10], sizes = [16, 1], strides = [1, 1]} : vector<16x20xf32> to vector<16x1xf32>
    %broadcast_in_dim3A_1052 = vector.shape_cast %eq3A_1050 : vector<1x1024xi1> to vector<1x1024xi1>
    %broadcast_in_dim3A_1053 = vector.broadcast %broadcast_in_dim3A_1052 : vector<1x1024xi1> to vector<16x1024xi1>
    %broadcast_in_dim3A_1054 = vector.shape_cast %slice3A_1051 : vector<16x1xf32> to vector<16x1xf32>
    %broadcast_in_dim3A_1055 = vector.broadcast %broadcast_in_dim3A_1054 : vector<16x1xf32> to vector<16x1024xf32>
    %select_n3A_1056 = arith.select %broadcast_in_dim3A_1053, %broadcast_in_dim3A_1055, %select_n3A_1047 : vector<16x1024xi1>, vector<16x1024xf32>
    %eq3A_1057 = arith.constant 11 : i32
    %eq3A_1058 = vector.broadcast %eq3A_1057 : i32 to vector<1x1024xi32>
    %eq3A_1059 = arith.cmpi eq, %broadcast_in_dim3A_949, %eq3A_1058 : vector<1x1024xi32>
    %slice3A_1060 = vector.extract_strided_slice %transpose3A_955 {offsets = [0, 11], sizes = [16, 1], strides = [1, 1]} : vector<16x20xf32> to vector<16x1xf32>
    %broadcast_in_dim3A_1061 = vector.shape_cast %eq3A_1059 : vector<1x1024xi1> to vector<1x1024xi1>
    %broadcast_in_dim3A_1062 = vector.broadcast %broadcast_in_dim3A_1061 : vector<1x1024xi1> to vector<16x1024xi1>
    %broadcast_in_dim3A_1063 = vector.shape_cast %slice3A_1060 : vector<16x1xf32> to vector<16x1xf32>
    %broadcast_in_dim3A_1064 = vector.broadcast %broadcast_in_dim3A_1063 : vector<16x1xf32> to vector<16x1024xf32>
    %select_n3A_1065 = arith.select %broadcast_in_dim3A_1062, %broadcast_in_dim3A_1064, %select_n3A_1056 : vector<16x1024xi1>, vector<16x1024xf32>
    %eq3A_1066 = arith.constant 12 : i32
    %eq3A_1067 = vector.broadcast %eq3A_1066 : i32 to vector<1x1024xi32>
    %eq3A_1068 = arith.cmpi eq, %broadcast_in_dim3A_949, %eq3A_1067 : vector<1x1024xi32>
    %slice3A_1069 = vector.extract_strided_slice %transpose3A_955 {offsets = [0, 12], sizes = [16, 1], strides = [1, 1]} : vector<16x20xf32> to vector<16x1xf32>
    %broadcast_in_dim3A_1070 = vector.shape_cast %eq3A_1068 : vector<1x1024xi1> to vector<1x1024xi1>
    %broadcast_in_dim3A_1071 = vector.broadcast %broadcast_in_dim3A_1070 : vector<1x1024xi1> to vector<16x1024xi1>
    %broadcast_in_dim3A_1072 = vector.shape_cast %slice3A_1069 : vector<16x1xf32> to vector<16x1xf32>
    %broadcast_in_dim3A_1073 = vector.broadcast %broadcast_in_dim3A_1072 : vector<16x1xf32> to vector<16x1024xf32>
    %select_n3A_1074 = arith.select %broadcast_in_dim3A_1071, %broadcast_in_dim3A_1073, %select_n3A_1065 : vector<16x1024xi1>, vector<16x1024xf32>
    %eq3A_1075 = arith.constant 13 : i32
    %eq3A_1076 = vector.broadcast %eq3A_1075 : i32 to vector<1x1024xi32>
    %eq3A_1077 = arith.cmpi eq, %broadcast_in_dim3A_949, %eq3A_1076 : vector<1x1024xi32>
    %slice3A_1078 = vector.extract_strided_slice %transpose3A_955 {offsets = [0, 13], sizes = [16, 1], strides = [1, 1]} : vector<16x20xf32> to vector<16x1xf32>
    %broadcast_in_dim3A_1079 = vector.shape_cast %eq3A_1077 : vector<1x1024xi1> to vector<1x1024xi1>
    %broadcast_in_dim3A_1080 = vector.broadcast %broadcast_in_dim3A_1079 : vector<1x1024xi1> to vector<16x1024xi1>
    %broadcast_in_dim3A_1081 = vector.shape_cast %slice3A_1078 : vector<16x1xf32> to vector<16x1xf32>
    %broadcast_in_dim3A_1082 = vector.broadcast %broadcast_in_dim3A_1081 : vector<16x1xf32> to vector<16x1024xf32>
    %select_n3A_1083 = arith.select %broadcast_in_dim3A_1080, %broadcast_in_dim3A_1082, %select_n3A_1074 : vector<16x1024xi1>, vector<16x1024xf32>
    %eq3A_1084 = arith.constant 14 : i32
    %eq3A_1085 = vector.broadcast %eq3A_1084 : i32 to vector<1x1024xi32>
    %eq3A_1086 = arith.cmpi eq, %broadcast_in_dim3A_949, %eq3A_1085 : vector<1x1024xi32>
    %slice3A_1087 = vector.extract_strided_slice %transpose3A_955 {offsets = [0, 14], sizes = [16, 1], strides = [1, 1]} : vector<16x20xf32> to vector<16x1xf32>
    %broadcast_in_dim3A_1088 = vector.shape_cast %eq3A_1086 : vector<1x1024xi1> to vector<1x1024xi1>
    %broadcast_in_dim3A_1089 = vector.broadcast %broadcast_in_dim3A_1088 : vector<1x1024xi1> to vector<16x1024xi1>
    %broadcast_in_dim3A_1090 = vector.shape_cast %slice3A_1087 : vector<16x1xf32> to vector<16x1xf32>
    %broadcast_in_dim3A_1091 = vector.broadcast %broadcast_in_dim3A_1090 : vector<16x1xf32> to vector<16x1024xf32>
    %select_n3A_1092 = arith.select %broadcast_in_dim3A_1089, %broadcast_in_dim3A_1091, %select_n3A_1083 : vector<16x1024xi1>, vector<16x1024xf32>
    %eq3A_1093 = arith.constant 15 : i32
    %eq3A_1094 = vector.broadcast %eq3A_1093 : i32 to vector<1x1024xi32>
    %eq3A_1095 = arith.cmpi eq, %broadcast_in_dim3A_949, %eq3A_1094 : vector<1x1024xi32>
    %slice3A_1096 = vector.extract_strided_slice %transpose3A_955 {offsets = [0, 15], sizes = [16, 1], strides = [1, 1]} : vector<16x20xf32> to vector<16x1xf32>
    %broadcast_in_dim3A_1097 = vector.shape_cast %eq3A_1095 : vector<1x1024xi1> to vector<1x1024xi1>
    %broadcast_in_dim3A_1098 = vector.broadcast %broadcast_in_dim3A_1097 : vector<1x1024xi1> to vector<16x1024xi1>
    %broadcast_in_dim3A_1099 = vector.shape_cast %slice3A_1096 : vector<16x1xf32> to vector<16x1xf32>
    %broadcast_in_dim3A_1100 = vector.broadcast %broadcast_in_dim3A_1099 : vector<16x1xf32> to vector<16x1024xf32>
    %select_n3A_1101 = arith.select %broadcast_in_dim3A_1098, %broadcast_in_dim3A_1100, %select_n3A_1092 : vector<16x1024xi1>, vector<16x1024xf32>
    %eq3A_1102 = arith.constant 16 : i32
    %eq3A_1103 = vector.broadcast %eq3A_1102 : i32 to vector<1x1024xi32>
    %eq3A_1104 = arith.cmpi eq, %broadcast_in_dim3A_949, %eq3A_1103 : vector<1x1024xi32>
    %slice3A_1105 = vector.extract_strided_slice %transpose3A_955 {offsets = [0, 16], sizes = [16, 1], strides = [1, 1]} : vector<16x20xf32> to vector<16x1xf32>
    %broadcast_in_dim3A_1106 = vector.shape_cast %eq3A_1104 : vector<1x1024xi1> to vector<1x1024xi1>
    %broadcast_in_dim3A_1107 = vector.broadcast %broadcast_in_dim3A_1106 : vector<1x1024xi1> to vector<16x1024xi1>
    %broadcast_in_dim3A_1108 = vector.shape_cast %slice3A_1105 : vector<16x1xf32> to vector<16x1xf32>
    %broadcast_in_dim3A_1109 = vector.broadcast %broadcast_in_dim3A_1108 : vector<16x1xf32> to vector<16x1024xf32>
    %select_n3A_1110 = arith.select %broadcast_in_dim3A_1107, %broadcast_in_dim3A_1109, %select_n3A_1101 : vector<16x1024xi1>, vector<16x1024xf32>
    %eq3A_1111 = arith.constant 17 : i32
    %eq3A_1112 = vector.broadcast %eq3A_1111 : i32 to vector<1x1024xi32>
    %eq3A_1113 = arith.cmpi eq, %broadcast_in_dim3A_949, %eq3A_1112 : vector<1x1024xi32>
    %slice3A_1114 = vector.extract_strided_slice %transpose3A_955 {offsets = [0, 17], sizes = [16, 1], strides = [1, 1]} : vector<16x20xf32> to vector<16x1xf32>
    %broadcast_in_dim3A_1115 = vector.shape_cast %eq3A_1113 : vector<1x1024xi1> to vector<1x1024xi1>
    %broadcast_in_dim3A_1116 = vector.broadcast %broadcast_in_dim3A_1115 : vector<1x1024xi1> to vector<16x1024xi1>
    %broadcast_in_dim3A_1117 = vector.shape_cast %slice3A_1114 : vector<16x1xf32> to vector<16x1xf32>
    %broadcast_in_dim3A_1118 = vector.broadcast %broadcast_in_dim3A_1117 : vector<16x1xf32> to vector<16x1024xf32>
    %select_n3A_1119 = arith.select %broadcast_in_dim3A_1116, %broadcast_in_dim3A_1118, %select_n3A_1110 : vector<16x1024xi1>, vector<16x1024xf32>
    %eq3A_1120 = arith.constant 18 : i32
    %eq3A_1121 = vector.broadcast %eq3A_1120 : i32 to vector<1x1024xi32>
    %eq3A_1122 = arith.cmpi eq, %broadcast_in_dim3A_949, %eq3A_1121 : vector<1x1024xi32>
    %slice3A_1123 = vector.extract_strided_slice %transpose3A_955 {offsets = [0, 18], sizes = [16, 1], strides = [1, 1]} : vector<16x20xf32> to vector<16x1xf32>
    %broadcast_in_dim3A_1124 = vector.shape_cast %eq3A_1122 : vector<1x1024xi1> to vector<1x1024xi1>
    %broadcast_in_dim3A_1125 = vector.broadcast %broadcast_in_dim3A_1124 : vector<1x1024xi1> to vector<16x1024xi1>
    %broadcast_in_dim3A_1126 = vector.shape_cast %slice3A_1123 : vector<16x1xf32> to vector<16x1xf32>
    %broadcast_in_dim3A_1127 = vector.broadcast %broadcast_in_dim3A_1126 : vector<16x1xf32> to vector<16x1024xf32>
    %select_n3A_1128 = arith.select %broadcast_in_dim3A_1125, %broadcast_in_dim3A_1127, %select_n3A_1119 : vector<16x1024xi1>, vector<16x1024xf32>
    %eq3A_1129 = arith.constant 19 : i32
    %eq3A_1130 = vector.broadcast %eq3A_1129 : i32 to vector<1x1024xi32>
    %eq3A_1131 = arith.cmpi eq, %broadcast_in_dim3A_949, %eq3A_1130 : vector<1x1024xi32>
    %slice3A_1132 = vector.extract_strided_slice %transpose3A_955 {offsets = [0, 19], sizes = [16, 1], strides = [1, 1]} : vector<16x20xf32> to vector<16x1xf32>
    %broadcast_in_dim3A_1133 = vector.shape_cast %eq3A_1131 : vector<1x1024xi1> to vector<1x1024xi1>
    %broadcast_in_dim3A_1134 = vector.broadcast %broadcast_in_dim3A_1133 : vector<1x1024xi1> to vector<16x1024xi1>
    %broadcast_in_dim3A_1135 = vector.shape_cast %slice3A_1132 : vector<16x1xf32> to vector<16x1xf32>
    %broadcast_in_dim3A_1136 = vector.broadcast %broadcast_in_dim3A_1135 : vector<16x1xf32> to vector<16x1024xf32>
    %select_n3A_1137 = arith.select %broadcast_in_dim3A_1134, %broadcast_in_dim3A_1136, %select_n3A_1128 : vector<16x1024xi1>, vector<16x1024xf32>
    %slice3A_1138 = vector.extract_strided_slice %concatenate3A {offsets = [0, 64], sizes = [20, 16], strides = [1, 1]} : vector<20x128xf32> to vector<20x16xf32>
    %convert_element_type3A_1139 = arith.truncf %slice3A_1138 : vector<20x16xf32> to vector<20x16xbf16>
    %slice3A_1140 = vector.extract_strided_slice %get3A_8 {offsets = [0, 64], sizes = [1024, 16], strides = [1, 1]} : vector<1024x128xf32> to vector<1024x16xf32>
    %convert_element_type3A_1141 = arith.truncf %slice3A_1140 : vector<1024x16xf32> to vector<1024x16xbf16>
    %dot_general3A_1142 = arith.constant dense<0.000000e+00> : vector<20x1024xf32>
    %dot_general3A_1143 = tpu.matmul %convert_element_type3A_1139, %convert_element_type3A_1141, %dot_general3A_1142 {dimension_numbers = #tpu.dot_dimension_numbers<[1], [1], [0], [0], [0, 0, 1, 0], [], []>, transpose_lhs_hint = false} : vector<20x16xbf16>, vector<1024x16xbf16>, vector<20x1024xf32> -> vector<20x1024xf32>
    %mul3A_1144 = arith.constant 2.500000e-01 : f32
    %mul3A_1145 = vector.broadcast %mul3A_1144 : f32 to vector<20x1024xf32>
    %mul3A_1146 = arith.mulf %dot_general3A_1143, %mul3A_1145 : vector<20x1024xf32>
    %get3A_1147 = arith.constant 0 : index
    %get3A_1148 = arith.constant 80 : index
    %get3A_1149 = arith.constant 0 : index
    %get3A_1150 = vector.load %arg5[%get3A_1147, %get3A_1148, %get3A_1149] : memref<1x160x1024xf32, #tpu.memory_space<vmem>>, vector<1x20x1024xf32>
    %get3A_1151 = vector.shape_cast %get3A_1150 : vector<1x20x1024xf32> to vector<20x1024xf32>
    %get3A_1152 = arith.constant 0 : index
    %get3A_1153 = arith.constant 80 : index
    %get3A_1154 = arith.constant 0 : index
    %get3A_1155 = vector.load %arg6[%get3A_1152, %get3A_1153, %get3A_1154] : memref<1x160x1024xf32, #tpu.memory_space<vmem>>, vector<1x20x1024xf32>
    %get3A_1156 = vector.shape_cast %get3A_1155 : vector<1x20x1024xf32> to vector<20x1024xf32>
    %ne3A_1157 = arith.constant 0 : i32
    %ne3A_1158 = arith.cmpi ne, %get3A_22, %ne3A_1157 : i32
    %mul3A_1159 = arith.mulf %mul3A_1146, %get3A_1151 : vector<20x1024xf32>
    %select_n3A_1160 = arith.select %ne3A_1158, %mul3A_1159, %mul3A_1146 : vector<20x1024xf32>
    %ne3A_1161 = arith.constant 0 : i32
    %ne3A_1162 = arith.cmpi ne, %get3A_25, %ne3A_1161 : i32
    %mul3A_1163 = arith.mulf %select_n3A_1160, %get3A_1156 : vector<20x1024xf32>
    %select_n3A_1164 = arith.select %ne3A_1162, %mul3A_1163, %select_n3A_1160 : vector<20x1024xf32>
    %reduce_max3A_1165 = arith.constant dense<0xFF800000> : vector<20xf32>
    %reduce_max3A_1166 = vector.multi_reduction <maximumf>, %select_n3A_1164, %reduce_max3A_1165 [1] : vector<20x1024xf32> to vector<20xf32>
    %broadcast_in_dim3A_1167 = vector.shape_cast %reduce_max3A_1166 : vector<20xf32> to vector<20x1xf32>
    %sub3A_1168 = vector.broadcast %broadcast_in_dim3A_1167 : vector<20x1xf32> to vector<20x1024xf32>
    %sub3A_1169 = arith.subf %select_n3A_1164, %sub3A_1168 : vector<20x1024xf32>
    %exp3A_1170 = math.exp %sub3A_1169 : vector<20x1024xf32>
    %reduce_sum3A_1171 = arith.constant dense<0.000000e+00> : vector<20xf32>
    %reduce_sum3A_1172 = vector.multi_reduction <add>, %exp3A_1170, %reduce_sum3A_1171 [1] : vector<20x1024xf32> to vector<20xf32>
    %broadcast_in_dim3A_1173 = vector.shape_cast %reduce_sum3A_1172 : vector<20xf32> to vector<20x1xf32>
    %div3A_1174 = vector.broadcast %broadcast_in_dim3A_1173 : vector<20x1xf32> to vector<20x1024xf32>
    %div3A_1175 = arith.divf %exp3A_1170, %div3A_1174 : vector<20x1024xf32>
    %reduce_max3A_1176 = arith.constant dense<0xFF800000> : vector<1024xf32>
    %reduce_max3A_1177 = vector.multi_reduction <maximumf>, %div3A_1175, %reduce_max3A_1176 [0] : vector<20x1024xf32> to vector<1024xf32>
    %broadcast_in_dim3A_1178 = vector.shape_cast %reduce_max3A_1177 : vector<1024xf32> to vector<1x1024xf32>
    %eq3A_1179 = vector.broadcast %broadcast_in_dim3A_1178 : vector<1x1024xf32> to vector<20x1024xf32>
    %eq3A_1180 = arith.cmpf oeq, %div3A_1175, %eq3A_1179 : vector<20x1024xf32>
    %jit3A_1181 = arith.constant 20 : i32
    %broadcast_in_dim3A_1182 = vector.broadcast %jit3A_1181 : i32 to vector<20x1024xi32>
    %select_n3A_1183 = arith.select %eq3A_1180, %iota3A_19, %broadcast_in_dim3A_1182 : vector<20x1024xi1>, vector<20x1024xi32>
    %reduce_min3A_1184 = arith.constant dense<2147483647> : vector<1024xi32>
    %reduce_min3A_1185 = vector.multi_reduction <minsi>, %select_n3A_1183, %reduce_min3A_1184 [0] : vector<20x1024xi32> to vector<1024xi32>
    %broadcast_in_dim3A_1186 = vector.shape_cast %reduce_min3A_1185 : vector<1024xi32> to vector<1x1024xi32>
    %convert_element_type3A_1187 = arith.truncf %div3A_1175 : vector<20x1024xf32> to vector<20x1024xbf16>
    %slice3A_1188 = vector.extract_strided_slice %get3A_13 {offsets = [0, 64], sizes = [1024, 16], strides = [1, 1]} : vector<1024x128xf32> to vector<1024x16xf32>
    %convert_element_type3A_1189 = arith.truncf %slice3A_1188 : vector<1024x16xf32> to vector<1024x16xbf16>
    %dot_general3A_1190 = arith.constant dense<0.000000e+00> : vector<20x16xf32>
    %dot_general3A_1191 = tpu.matmul %convert_element_type3A_1187, %convert_element_type3A_1189, %dot_general3A_1190 {dimension_numbers = #tpu.dot_dimension_numbers<[1], [0], [0], [1], [0, 0, 1, 1], [], []>, transpose_lhs_hint = false} : vector<20x1024xbf16>, vector<1024x16xbf16>, vector<20x16xf32> -> vector<20x16xf32>
    %transpose3A_1192 = tpu.transpose %dot_general3A_1191, [1, 0] : vector<20x16xf32> -> vector<16x20xf32>
    %broadcast_in_dim3A_1193 = arith.constant 0.000000e+00 : f32
    %broadcast_in_dim3A_1194 = vector.broadcast %broadcast_in_dim3A_1193 : f32 to vector<16x1024xf32>
    %eq3A_1195 = arith.constant 0 : i32
    %eq3A_1196 = vector.broadcast %eq3A_1195 : i32 to vector<1x1024xi32>
    %eq3A_1197 = arith.cmpi eq, %broadcast_in_dim3A_1186, %eq3A_1196 : vector<1x1024xi32>
    %slice3A_1198 = vector.extract_strided_slice %transpose3A_1192 {offsets = [0, 0], sizes = [16, 1], strides = [1, 1]} : vector<16x20xf32> to vector<16x1xf32>
    %broadcast_in_dim3A_1199 = vector.shape_cast %eq3A_1197 : vector<1x1024xi1> to vector<1x1024xi1>
    %broadcast_in_dim3A_1200 = vector.broadcast %broadcast_in_dim3A_1199 : vector<1x1024xi1> to vector<16x1024xi1>
    %broadcast_in_dim3A_1201 = vector.shape_cast %slice3A_1198 : vector<16x1xf32> to vector<16x1xf32>
    %broadcast_in_dim3A_1202 = vector.broadcast %broadcast_in_dim3A_1201 : vector<16x1xf32> to vector<16x1024xf32>
    %select_n3A_1203 = arith.select %broadcast_in_dim3A_1200, %broadcast_in_dim3A_1202, %broadcast_in_dim3A_1194 : vector<16x1024xi1>, vector<16x1024xf32>
    %eq3A_1204 = arith.constant 1 : i32
    %eq3A_1205 = vector.broadcast %eq3A_1204 : i32 to vector<1x1024xi32>
    %eq3A_1206 = arith.cmpi eq, %broadcast_in_dim3A_1186, %eq3A_1205 : vector<1x1024xi32>
    %slice3A_1207 = vector.extract_strided_slice %transpose3A_1192 {offsets = [0, 1], sizes = [16, 1], strides = [1, 1]} : vector<16x20xf32> to vector<16x1xf32>
    %broadcast_in_dim3A_1208 = vector.shape_cast %eq3A_1206 : vector<1x1024xi1> to vector<1x1024xi1>
    %broadcast_in_dim3A_1209 = vector.broadcast %broadcast_in_dim3A_1208 : vector<1x1024xi1> to vector<16x1024xi1>
    %broadcast_in_dim3A_1210 = vector.shape_cast %slice3A_1207 : vector<16x1xf32> to vector<16x1xf32>
    %broadcast_in_dim3A_1211 = vector.broadcast %broadcast_in_dim3A_1210 : vector<16x1xf32> to vector<16x1024xf32>
    %select_n3A_1212 = arith.select %broadcast_in_dim3A_1209, %broadcast_in_dim3A_1211, %select_n3A_1203 : vector<16x1024xi1>, vector<16x1024xf32>
    %eq3A_1213 = arith.constant 2 : i32
    %eq3A_1214 = vector.broadcast %eq3A_1213 : i32 to vector<1x1024xi32>
    %eq3A_1215 = arith.cmpi eq, %broadcast_in_dim3A_1186, %eq3A_1214 : vector<1x1024xi32>
    %slice3A_1216 = vector.extract_strided_slice %transpose3A_1192 {offsets = [0, 2], sizes = [16, 1], strides = [1, 1]} : vector<16x20xf32> to vector<16x1xf32>
    %broadcast_in_dim3A_1217 = vector.shape_cast %eq3A_1215 : vector<1x1024xi1> to vector<1x1024xi1>
    %broadcast_in_dim3A_1218 = vector.broadcast %broadcast_in_dim3A_1217 : vector<1x1024xi1> to vector<16x1024xi1>
    %broadcast_in_dim3A_1219 = vector.shape_cast %slice3A_1216 : vector<16x1xf32> to vector<16x1xf32>
    %broadcast_in_dim3A_1220 = vector.broadcast %broadcast_in_dim3A_1219 : vector<16x1xf32> to vector<16x1024xf32>
    %select_n3A_1221 = arith.select %broadcast_in_dim3A_1218, %broadcast_in_dim3A_1220, %select_n3A_1212 : vector<16x1024xi1>, vector<16x1024xf32>
    %eq3A_1222 = arith.constant 3 : i32
    %eq3A_1223 = vector.broadcast %eq3A_1222 : i32 to vector<1x1024xi32>
    %eq3A_1224 = arith.cmpi eq, %broadcast_in_dim3A_1186, %eq3A_1223 : vector<1x1024xi32>
    %slice3A_1225 = vector.extract_strided_slice %transpose3A_1192 {offsets = [0, 3], sizes = [16, 1], strides = [1, 1]} : vector<16x20xf32> to vector<16x1xf32>
    %broadcast_in_dim3A_1226 = vector.shape_cast %eq3A_1224 : vector<1x1024xi1> to vector<1x1024xi1>
    %broadcast_in_dim3A_1227 = vector.broadcast %broadcast_in_dim3A_1226 : vector<1x1024xi1> to vector<16x1024xi1>
    %broadcast_in_dim3A_1228 = vector.shape_cast %slice3A_1225 : vector<16x1xf32> to vector<16x1xf32>
    %broadcast_in_dim3A_1229 = vector.broadcast %broadcast_in_dim3A_1228 : vector<16x1xf32> to vector<16x1024xf32>
    %select_n3A_1230 = arith.select %broadcast_in_dim3A_1227, %broadcast_in_dim3A_1229, %select_n3A_1221 : vector<16x1024xi1>, vector<16x1024xf32>
    %eq3A_1231 = arith.constant 4 : i32
    %eq3A_1232 = vector.broadcast %eq3A_1231 : i32 to vector<1x1024xi32>
    %eq3A_1233 = arith.cmpi eq, %broadcast_in_dim3A_1186, %eq3A_1232 : vector<1x1024xi32>
    %slice3A_1234 = vector.extract_strided_slice %transpose3A_1192 {offsets = [0, 4], sizes = [16, 1], strides = [1, 1]} : vector<16x20xf32> to vector<16x1xf32>
    %broadcast_in_dim3A_1235 = vector.shape_cast %eq3A_1233 : vector<1x1024xi1> to vector<1x1024xi1>
    %broadcast_in_dim3A_1236 = vector.broadcast %broadcast_in_dim3A_1235 : vector<1x1024xi1> to vector<16x1024xi1>
    %broadcast_in_dim3A_1237 = vector.shape_cast %slice3A_1234 : vector<16x1xf32> to vector<16x1xf32>
    %broadcast_in_dim3A_1238 = vector.broadcast %broadcast_in_dim3A_1237 : vector<16x1xf32> to vector<16x1024xf32>
    %select_n3A_1239 = arith.select %broadcast_in_dim3A_1236, %broadcast_in_dim3A_1238, %select_n3A_1230 : vector<16x1024xi1>, vector<16x1024xf32>
    %eq3A_1240 = arith.constant 5 : i32
    %eq3A_1241 = vector.broadcast %eq3A_1240 : i32 to vector<1x1024xi32>
    %eq3A_1242 = arith.cmpi eq, %broadcast_in_dim3A_1186, %eq3A_1241 : vector<1x1024xi32>
    %slice3A_1243 = vector.extract_strided_slice %transpose3A_1192 {offsets = [0, 5], sizes = [16, 1], strides = [1, 1]} : vector<16x20xf32> to vector<16x1xf32>
    %broadcast_in_dim3A_1244 = vector.shape_cast %eq3A_1242 : vector<1x1024xi1> to vector<1x1024xi1>
    %broadcast_in_dim3A_1245 = vector.broadcast %broadcast_in_dim3A_1244 : vector<1x1024xi1> to vector<16x1024xi1>
    %broadcast_in_dim3A_1246 = vector.shape_cast %slice3A_1243 : vector<16x1xf32> to vector<16x1xf32>
    %broadcast_in_dim3A_1247 = vector.broadcast %broadcast_in_dim3A_1246 : vector<16x1xf32> to vector<16x1024xf32>
    %select_n3A_1248 = arith.select %broadcast_in_dim3A_1245, %broadcast_in_dim3A_1247, %select_n3A_1239 : vector<16x1024xi1>, vector<16x1024xf32>
    %eq3A_1249 = arith.constant 6 : i32
    %eq3A_1250 = vector.broadcast %eq3A_1249 : i32 to vector<1x1024xi32>
    %eq3A_1251 = arith.cmpi eq, %broadcast_in_dim3A_1186, %eq3A_1250 : vector<1x1024xi32>
    %slice3A_1252 = vector.extract_strided_slice %transpose3A_1192 {offsets = [0, 6], sizes = [16, 1], strides = [1, 1]} : vector<16x20xf32> to vector<16x1xf32>
    %broadcast_in_dim3A_1253 = vector.shape_cast %eq3A_1251 : vector<1x1024xi1> to vector<1x1024xi1>
    %broadcast_in_dim3A_1254 = vector.broadcast %broadcast_in_dim3A_1253 : vector<1x1024xi1> to vector<16x1024xi1>
    %broadcast_in_dim3A_1255 = vector.shape_cast %slice3A_1252 : vector<16x1xf32> to vector<16x1xf32>
    %broadcast_in_dim3A_1256 = vector.broadcast %broadcast_in_dim3A_1255 : vector<16x1xf32> to vector<16x1024xf32>
    %select_n3A_1257 = arith.select %broadcast_in_dim3A_1254, %broadcast_in_dim3A_1256, %select_n3A_1248 : vector<16x1024xi1>, vector<16x1024xf32>
    %eq3A_1258 = arith.constant 7 : i32
    %eq3A_1259 = vector.broadcast %eq3A_1258 : i32 to vector<1x1024xi32>
    %eq3A_1260 = arith.cmpi eq, %broadcast_in_dim3A_1186, %eq3A_1259 : vector<1x1024xi32>
    %slice3A_1261 = vector.extract_strided_slice %transpose3A_1192 {offsets = [0, 7], sizes = [16, 1], strides = [1, 1]} : vector<16x20xf32> to vector<16x1xf32>
    %broadcast_in_dim3A_1262 = vector.shape_cast %eq3A_1260 : vector<1x1024xi1> to vector<1x1024xi1>
    %broadcast_in_dim3A_1263 = vector.broadcast %broadcast_in_dim3A_1262 : vector<1x1024xi1> to vector<16x1024xi1>
    %broadcast_in_dim3A_1264 = vector.shape_cast %slice3A_1261 : vector<16x1xf32> to vector<16x1xf32>
    %broadcast_in_dim3A_1265 = vector.broadcast %broadcast_in_dim3A_1264 : vector<16x1xf32> to vector<16x1024xf32>
    %select_n3A_1266 = arith.select %broadcast_in_dim3A_1263, %broadcast_in_dim3A_1265, %select_n3A_1257 : vector<16x1024xi1>, vector<16x1024xf32>
    %eq3A_1267 = arith.constant 8 : i32
    %eq3A_1268 = vector.broadcast %eq3A_1267 : i32 to vector<1x1024xi32>
    %eq3A_1269 = arith.cmpi eq, %broadcast_in_dim3A_1186, %eq3A_1268 : vector<1x1024xi32>
    %slice3A_1270 = vector.extract_strided_slice %transpose3A_1192 {offsets = [0, 8], sizes = [16, 1], strides = [1, 1]} : vector<16x20xf32> to vector<16x1xf32>
    %broadcast_in_dim3A_1271 = vector.shape_cast %eq3A_1269 : vector<1x1024xi1> to vector<1x1024xi1>
    %broadcast_in_dim3A_1272 = vector.broadcast %broadcast_in_dim3A_1271 : vector<1x1024xi1> to vector<16x1024xi1>
    %broadcast_in_dim3A_1273 = vector.shape_cast %slice3A_1270 : vector<16x1xf32> to vector<16x1xf32>
    %broadcast_in_dim3A_1274 = vector.broadcast %broadcast_in_dim3A_1273 : vector<16x1xf32> to vector<16x1024xf32>
    %select_n3A_1275 = arith.select %broadcast_in_dim3A_1272, %broadcast_in_dim3A_1274, %select_n3A_1266 : vector<16x1024xi1>, vector<16x1024xf32>
    %eq3A_1276 = arith.constant 9 : i32
    %eq3A_1277 = vector.broadcast %eq3A_1276 : i32 to vector<1x1024xi32>
    %eq3A_1278 = arith.cmpi eq, %broadcast_in_dim3A_1186, %eq3A_1277 : vector<1x1024xi32>
    %slice3A_1279 = vector.extract_strided_slice %transpose3A_1192 {offsets = [0, 9], sizes = [16, 1], strides = [1, 1]} : vector<16x20xf32> to vector<16x1xf32>
    %broadcast_in_dim3A_1280 = vector.shape_cast %eq3A_1278 : vector<1x1024xi1> to vector<1x1024xi1>
    %broadcast_in_dim3A_1281 = vector.broadcast %broadcast_in_dim3A_1280 : vector<1x1024xi1> to vector<16x1024xi1>
    %broadcast_in_dim3A_1282 = vector.shape_cast %slice3A_1279 : vector<16x1xf32> to vector<16x1xf32>
    %broadcast_in_dim3A_1283 = vector.broadcast %broadcast_in_dim3A_1282 : vector<16x1xf32> to vector<16x1024xf32>
    %select_n3A_1284 = arith.select %broadcast_in_dim3A_1281, %broadcast_in_dim3A_1283, %select_n3A_1275 : vector<16x1024xi1>, vector<16x1024xf32>
    %eq3A_1285 = arith.constant 10 : i32
    %eq3A_1286 = vector.broadcast %eq3A_1285 : i32 to vector<1x1024xi32>
    %eq3A_1287 = arith.cmpi eq, %broadcast_in_dim3A_1186, %eq3A_1286 : vector<1x1024xi32>
    %slice3A_1288 = vector.extract_strided_slice %transpose3A_1192 {offsets = [0, 10], sizes = [16, 1], strides = [1, 1]} : vector<16x20xf32> to vector<16x1xf32>
    %broadcast_in_dim3A_1289 = vector.shape_cast %eq3A_1287 : vector<1x1024xi1> to vector<1x1024xi1>
    %broadcast_in_dim3A_1290 = vector.broadcast %broadcast_in_dim3A_1289 : vector<1x1024xi1> to vector<16x1024xi1>
    %broadcast_in_dim3A_1291 = vector.shape_cast %slice3A_1288 : vector<16x1xf32> to vector<16x1xf32>
    %broadcast_in_dim3A_1292 = vector.broadcast %broadcast_in_dim3A_1291 : vector<16x1xf32> to vector<16x1024xf32>
    %select_n3A_1293 = arith.select %broadcast_in_dim3A_1290, %broadcast_in_dim3A_1292, %select_n3A_1284 : vector<16x1024xi1>, vector<16x1024xf32>
    %eq3A_1294 = arith.constant 11 : i32
    %eq3A_1295 = vector.broadcast %eq3A_1294 : i32 to vector<1x1024xi32>
    %eq3A_1296 = arith.cmpi eq, %broadcast_in_dim3A_1186, %eq3A_1295 : vector<1x1024xi32>
    %slice3A_1297 = vector.extract_strided_slice %transpose3A_1192 {offsets = [0, 11], sizes = [16, 1], strides = [1, 1]} : vector<16x20xf32> to vector<16x1xf32>
    %broadcast_in_dim3A_1298 = vector.shape_cast %eq3A_1296 : vector<1x1024xi1> to vector<1x1024xi1>
    %broadcast_in_dim3A_1299 = vector.broadcast %broadcast_in_dim3A_1298 : vector<1x1024xi1> to vector<16x1024xi1>
    %broadcast_in_dim3A_1300 = vector.shape_cast %slice3A_1297 : vector<16x1xf32> to vector<16x1xf32>
    %broadcast_in_dim3A_1301 = vector.broadcast %broadcast_in_dim3A_1300 : vector<16x1xf32> to vector<16x1024xf32>
    %select_n3A_1302 = arith.select %broadcast_in_dim3A_1299, %broadcast_in_dim3A_1301, %select_n3A_1293 : vector<16x1024xi1>, vector<16x1024xf32>
    %eq3A_1303 = arith.constant 12 : i32
    %eq3A_1304 = vector.broadcast %eq3A_1303 : i32 to vector<1x1024xi32>
    %eq3A_1305 = arith.cmpi eq, %broadcast_in_dim3A_1186, %eq3A_1304 : vector<1x1024xi32>
    %slice3A_1306 = vector.extract_strided_slice %transpose3A_1192 {offsets = [0, 12], sizes = [16, 1], strides = [1, 1]} : vector<16x20xf32> to vector<16x1xf32>
    %broadcast_in_dim3A_1307 = vector.shape_cast %eq3A_1305 : vector<1x1024xi1> to vector<1x1024xi1>
    %broadcast_in_dim3A_1308 = vector.broadcast %broadcast_in_dim3A_1307 : vector<1x1024xi1> to vector<16x1024xi1>
    %broadcast_in_dim3A_1309 = vector.shape_cast %slice3A_1306 : vector<16x1xf32> to vector<16x1xf32>
    %broadcast_in_dim3A_1310 = vector.broadcast %broadcast_in_dim3A_1309 : vector<16x1xf32> to vector<16x1024xf32>
    %select_n3A_1311 = arith.select %broadcast_in_dim3A_1308, %broadcast_in_dim3A_1310, %select_n3A_1302 : vector<16x1024xi1>, vector<16x1024xf32>
    %eq3A_1312 = arith.constant 13 : i32
    %eq3A_1313 = vector.broadcast %eq3A_1312 : i32 to vector<1x1024xi32>
    %eq3A_1314 = arith.cmpi eq, %broadcast_in_dim3A_1186, %eq3A_1313 : vector<1x1024xi32>
    %slice3A_1315 = vector.extract_strided_slice %transpose3A_1192 {offsets = [0, 13], sizes = [16, 1], strides = [1, 1]} : vector<16x20xf32> to vector<16x1xf32>
    %broadcast_in_dim3A_1316 = vector.shape_cast %eq3A_1314 : vector<1x1024xi1> to vector<1x1024xi1>
    %broadcast_in_dim3A_1317 = vector.broadcast %broadcast_in_dim3A_1316 : vector<1x1024xi1> to vector<16x1024xi1>
    %broadcast_in_dim3A_1318 = vector.shape_cast %slice3A_1315 : vector<16x1xf32> to vector<16x1xf32>
    %broadcast_in_dim3A_1319 = vector.broadcast %broadcast_in_dim3A_1318 : vector<16x1xf32> to vector<16x1024xf32>
    %select_n3A_1320 = arith.select %broadcast_in_dim3A_1317, %broadcast_in_dim3A_1319, %select_n3A_1311 : vector<16x1024xi1>, vector<16x1024xf32>
    %eq3A_1321 = arith.constant 14 : i32
    %eq3A_1322 = vector.broadcast %eq3A_1321 : i32 to vector<1x1024xi32>
    %eq3A_1323 = arith.cmpi eq, %broadcast_in_dim3A_1186, %eq3A_1322 : vector<1x1024xi32>
    %slice3A_1324 = vector.extract_strided_slice %transpose3A_1192 {offsets = [0, 14], sizes = [16, 1], strides = [1, 1]} : vector<16x20xf32> to vector<16x1xf32>
    %broadcast_in_dim3A_1325 = vector.shape_cast %eq3A_1323 : vector<1x1024xi1> to vector<1x1024xi1>
    %broadcast_in_dim3A_1326 = vector.broadcast %broadcast_in_dim3A_1325 : vector<1x1024xi1> to vector<16x1024xi1>
    %broadcast_in_dim3A_1327 = vector.shape_cast %slice3A_1324 : vector<16x1xf32> to vector<16x1xf32>
    %broadcast_in_dim3A_1328 = vector.broadcast %broadcast_in_dim3A_1327 : vector<16x1xf32> to vector<16x1024xf32>
    %select_n3A_1329 = arith.select %broadcast_in_dim3A_1326, %broadcast_in_dim3A_1328, %select_n3A_1320 : vector<16x1024xi1>, vector<16x1024xf32>
    %eq3A_1330 = arith.constant 15 : i32
    %eq3A_1331 = vector.broadcast %eq3A_1330 : i32 to vector<1x1024xi32>
    %eq3A_1332 = arith.cmpi eq, %broadcast_in_dim3A_1186, %eq3A_1331 : vector<1x1024xi32>
    %slice3A_1333 = vector.extract_strided_slice %transpose3A_1192 {offsets = [0, 15], sizes = [16, 1], strides = [1, 1]} : vector<16x20xf32> to vector<16x1xf32>
    %broadcast_in_dim3A_1334 = vector.shape_cast %eq3A_1332 : vector<1x1024xi1> to vector<1x1024xi1>
    %broadcast_in_dim3A_1335 = vector.broadcast %broadcast_in_dim3A_1334 : vector<1x1024xi1> to vector<16x1024xi1>
    %broadcast_in_dim3A_1336 = vector.shape_cast %slice3A_1333 : vector<16x1xf32> to vector<16x1xf32>
    %broadcast_in_dim3A_1337 = vector.broadcast %broadcast_in_dim3A_1336 : vector<16x1xf32> to vector<16x1024xf32>
    %select_n3A_1338 = arith.select %broadcast_in_dim3A_1335, %broadcast_in_dim3A_1337, %select_n3A_1329 : vector<16x1024xi1>, vector<16x1024xf32>
    %eq3A_1339 = arith.constant 16 : i32
    %eq3A_1340 = vector.broadcast %eq3A_1339 : i32 to vector<1x1024xi32>
    %eq3A_1341 = arith.cmpi eq, %broadcast_in_dim3A_1186, %eq3A_1340 : vector<1x1024xi32>
    %slice3A_1342 = vector.extract_strided_slice %transpose3A_1192 {offsets = [0, 16], sizes = [16, 1], strides = [1, 1]} : vector<16x20xf32> to vector<16x1xf32>
    %broadcast_in_dim3A_1343 = vector.shape_cast %eq3A_1341 : vector<1x1024xi1> to vector<1x1024xi1>
    %broadcast_in_dim3A_1344 = vector.broadcast %broadcast_in_dim3A_1343 : vector<1x1024xi1> to vector<16x1024xi1>
    %broadcast_in_dim3A_1345 = vector.shape_cast %slice3A_1342 : vector<16x1xf32> to vector<16x1xf32>
    %broadcast_in_dim3A_1346 = vector.broadcast %broadcast_in_dim3A_1345 : vector<16x1xf32> to vector<16x1024xf32>
    %select_n3A_1347 = arith.select %broadcast_in_dim3A_1344, %broadcast_in_dim3A_1346, %select_n3A_1338 : vector<16x1024xi1>, vector<16x1024xf32>
    %eq3A_1348 = arith.constant 17 : i32
    %eq3A_1349 = vector.broadcast %eq3A_1348 : i32 to vector<1x1024xi32>
    %eq3A_1350 = arith.cmpi eq, %broadcast_in_dim3A_1186, %eq3A_1349 : vector<1x1024xi32>
    %slice3A_1351 = vector.extract_strided_slice %transpose3A_1192 {offsets = [0, 17], sizes = [16, 1], strides = [1, 1]} : vector<16x20xf32> to vector<16x1xf32>
    %broadcast_in_dim3A_1352 = vector.shape_cast %eq3A_1350 : vector<1x1024xi1> to vector<1x1024xi1>
    %broadcast_in_dim3A_1353 = vector.broadcast %broadcast_in_dim3A_1352 : vector<1x1024xi1> to vector<16x1024xi1>
    %broadcast_in_dim3A_1354 = vector.shape_cast %slice3A_1351 : vector<16x1xf32> to vector<16x1xf32>
    %broadcast_in_dim3A_1355 = vector.broadcast %broadcast_in_dim3A_1354 : vector<16x1xf32> to vector<16x1024xf32>
    %select_n3A_1356 = arith.select %broadcast_in_dim3A_1353, %broadcast_in_dim3A_1355, %select_n3A_1347 : vector<16x1024xi1>, vector<16x1024xf32>
    %eq3A_1357 = arith.constant 18 : i32
    %eq3A_1358 = vector.broadcast %eq3A_1357 : i32 to vector<1x1024xi32>
    %eq3A_1359 = arith.cmpi eq, %broadcast_in_dim3A_1186, %eq3A_1358 : vector<1x1024xi32>
    %slice3A_1360 = vector.extract_strided_slice %transpose3A_1192 {offsets = [0, 18], sizes = [16, 1], strides = [1, 1]} : vector<16x20xf32> to vector<16x1xf32>
    %broadcast_in_dim3A_1361 = vector.shape_cast %eq3A_1359 : vector<1x1024xi1> to vector<1x1024xi1>
    %broadcast_in_dim3A_1362 = vector.broadcast %broadcast_in_dim3A_1361 : vector<1x1024xi1> to vector<16x1024xi1>
    %broadcast_in_dim3A_1363 = vector.shape_cast %slice3A_1360 : vector<16x1xf32> to vector<16x1xf32>
    %broadcast_in_dim3A_1364 = vector.broadcast %broadcast_in_dim3A_1363 : vector<16x1xf32> to vector<16x1024xf32>
    %select_n3A_1365 = arith.select %broadcast_in_dim3A_1362, %broadcast_in_dim3A_1364, %select_n3A_1356 : vector<16x1024xi1>, vector<16x1024xf32>
    %eq3A_1366 = arith.constant 19 : i32
    %eq3A_1367 = vector.broadcast %eq3A_1366 : i32 to vector<1x1024xi32>
    %eq3A_1368 = arith.cmpi eq, %broadcast_in_dim3A_1186, %eq3A_1367 : vector<1x1024xi32>
    %slice3A_1369 = vector.extract_strided_slice %transpose3A_1192 {offsets = [0, 19], sizes = [16, 1], strides = [1, 1]} : vector<16x20xf32> to vector<16x1xf32>
    %broadcast_in_dim3A_1370 = vector.shape_cast %eq3A_1368 : vector<1x1024xi1> to vector<1x1024xi1>
    %broadcast_in_dim3A_1371 = vector.broadcast %broadcast_in_dim3A_1370 : vector<1x1024xi1> to vector<16x1024xi1>
    %broadcast_in_dim3A_1372 = vector.shape_cast %slice3A_1369 : vector<16x1xf32> to vector<16x1xf32>
    %broadcast_in_dim3A_1373 = vector.broadcast %broadcast_in_dim3A_1372 : vector<16x1xf32> to vector<16x1024xf32>
    %select_n3A_1374 = arith.select %broadcast_in_dim3A_1371, %broadcast_in_dim3A_1373, %select_n3A_1365 : vector<16x1024xi1>, vector<16x1024xf32>
    %slice3A_1375 = vector.extract_strided_slice %concatenate3A {offsets = [0, 80], sizes = [20, 16], strides = [1, 1]} : vector<20x128xf32> to vector<20x16xf32>
    %convert_element_type3A_1376 = arith.truncf %slice3A_1375 : vector<20x16xf32> to vector<20x16xbf16>
    %slice3A_1377 = vector.extract_strided_slice %get3A_8 {offsets = [0, 80], sizes = [1024, 16], strides = [1, 1]} : vector<1024x128xf32> to vector<1024x16xf32>
    %convert_element_type3A_1378 = arith.truncf %slice3A_1377 : vector<1024x16xf32> to vector<1024x16xbf16>
    %dot_general3A_1379 = arith.constant dense<0.000000e+00> : vector<20x1024xf32>
    %dot_general3A_1380 = tpu.matmul %convert_element_type3A_1376, %convert_element_type3A_1378, %dot_general3A_1379 {dimension_numbers = #tpu.dot_dimension_numbers<[1], [1], [0], [0], [0, 0, 1, 0], [], []>, transpose_lhs_hint = false} : vector<20x16xbf16>, vector<1024x16xbf16>, vector<20x1024xf32> -> vector<20x1024xf32>
    %mul3A_1381 = arith.constant 2.500000e-01 : f32
    %mul3A_1382 = vector.broadcast %mul3A_1381 : f32 to vector<20x1024xf32>
    %mul3A_1383 = arith.mulf %dot_general3A_1380, %mul3A_1382 : vector<20x1024xf32>
    %get3A_1384 = arith.constant 0 : index
    %get3A_1385 = arith.constant 100 : index
    %get3A_1386 = arith.constant 0 : index
    %get3A_1387 = vector.load %arg5[%get3A_1384, %get3A_1385, %get3A_1386] : memref<1x160x1024xf32, #tpu.memory_space<vmem>>, vector<1x20x1024xf32>
    %get3A_1388 = vector.shape_cast %get3A_1387 : vector<1x20x1024xf32> to vector<20x1024xf32>
    %get3A_1389 = arith.constant 0 : index
    %get3A_1390 = arith.constant 100 : index
    %get3A_1391 = arith.constant 0 : index
    %get3A_1392 = vector.load %arg6[%get3A_1389, %get3A_1390, %get3A_1391] : memref<1x160x1024xf32, #tpu.memory_space<vmem>>, vector<1x20x1024xf32>
    %get3A_1393 = vector.shape_cast %get3A_1392 : vector<1x20x1024xf32> to vector<20x1024xf32>
    %ne3A_1394 = arith.constant 0 : i32
    %ne3A_1395 = arith.cmpi ne, %get3A_22, %ne3A_1394 : i32
    %mul3A_1396 = arith.mulf %mul3A_1383, %get3A_1388 : vector<20x1024xf32>
    %select_n3A_1397 = arith.select %ne3A_1395, %mul3A_1396, %mul3A_1383 : vector<20x1024xf32>
    %ne3A_1398 = arith.constant 0 : i32
    %ne3A_1399 = arith.cmpi ne, %get3A_25, %ne3A_1398 : i32
    %mul3A_1400 = arith.mulf %select_n3A_1397, %get3A_1393 : vector<20x1024xf32>
    %select_n3A_1401 = arith.select %ne3A_1399, %mul3A_1400, %select_n3A_1397 : vector<20x1024xf32>
    %reduce_max3A_1402 = arith.constant dense<0xFF800000> : vector<20xf32>
    %reduce_max3A_1403 = vector.multi_reduction <maximumf>, %select_n3A_1401, %reduce_max3A_1402 [1] : vector<20x1024xf32> to vector<20xf32>
    %broadcast_in_dim3A_1404 = vector.shape_cast %reduce_max3A_1403 : vector<20xf32> to vector<20x1xf32>
    %sub3A_1405 = vector.broadcast %broadcast_in_dim3A_1404 : vector<20x1xf32> to vector<20x1024xf32>
    %sub3A_1406 = arith.subf %select_n3A_1401, %sub3A_1405 : vector<20x1024xf32>
    %exp3A_1407 = math.exp %sub3A_1406 : vector<20x1024xf32>
    %reduce_sum3A_1408 = arith.constant dense<0.000000e+00> : vector<20xf32>
    %reduce_sum3A_1409 = vector.multi_reduction <add>, %exp3A_1407, %reduce_sum3A_1408 [1] : vector<20x1024xf32> to vector<20xf32>
    %broadcast_in_dim3A_1410 = vector.shape_cast %reduce_sum3A_1409 : vector<20xf32> to vector<20x1xf32>
    %div3A_1411 = vector.broadcast %broadcast_in_dim3A_1410 : vector<20x1xf32> to vector<20x1024xf32>
    %div3A_1412 = arith.divf %exp3A_1407, %div3A_1411 : vector<20x1024xf32>
    %reduce_max3A_1413 = arith.constant dense<0xFF800000> : vector<1024xf32>
    %reduce_max3A_1414 = vector.multi_reduction <maximumf>, %div3A_1412, %reduce_max3A_1413 [0] : vector<20x1024xf32> to vector<1024xf32>
    %broadcast_in_dim3A_1415 = vector.shape_cast %reduce_max3A_1414 : vector<1024xf32> to vector<1x1024xf32>
    %eq3A_1416 = vector.broadcast %broadcast_in_dim3A_1415 : vector<1x1024xf32> to vector<20x1024xf32>
    %eq3A_1417 = arith.cmpf oeq, %div3A_1412, %eq3A_1416 : vector<20x1024xf32>
    %jit3A_1418 = arith.constant 20 : i32
    %broadcast_in_dim3A_1419 = vector.broadcast %jit3A_1418 : i32 to vector<20x1024xi32>
    %select_n3A_1420 = arith.select %eq3A_1417, %iota3A_19, %broadcast_in_dim3A_1419 : vector<20x1024xi1>, vector<20x1024xi32>
    %reduce_min3A_1421 = arith.constant dense<2147483647> : vector<1024xi32>
    %reduce_min3A_1422 = vector.multi_reduction <minsi>, %select_n3A_1420, %reduce_min3A_1421 [0] : vector<20x1024xi32> to vector<1024xi32>
    %broadcast_in_dim3A_1423 = vector.shape_cast %reduce_min3A_1422 : vector<1024xi32> to vector<1x1024xi32>
    %convert_element_type3A_1424 = arith.truncf %div3A_1412 : vector<20x1024xf32> to vector<20x1024xbf16>
    %slice3A_1425 = vector.extract_strided_slice %get3A_13 {offsets = [0, 80], sizes = [1024, 16], strides = [1, 1]} : vector<1024x128xf32> to vector<1024x16xf32>
    %convert_element_type3A_1426 = arith.truncf %slice3A_1425 : vector<1024x16xf32> to vector<1024x16xbf16>
    %dot_general3A_1427 = arith.constant dense<0.000000e+00> : vector<20x16xf32>
    %dot_general3A_1428 = tpu.matmul %convert_element_type3A_1424, %convert_element_type3A_1426, %dot_general3A_1427 {dimension_numbers = #tpu.dot_dimension_numbers<[1], [0], [0], [1], [0, 0, 1, 1], [], []>, transpose_lhs_hint = false} : vector<20x1024xbf16>, vector<1024x16xbf16>, vector<20x16xf32> -> vector<20x16xf32>
    %transpose3A_1429 = tpu.transpose %dot_general3A_1428, [1, 0] : vector<20x16xf32> -> vector<16x20xf32>
    %broadcast_in_dim3A_1430 = arith.constant 0.000000e+00 : f32
    %broadcast_in_dim3A_1431 = vector.broadcast %broadcast_in_dim3A_1430 : f32 to vector<16x1024xf32>
    %eq3A_1432 = arith.constant 0 : i32
    %eq3A_1433 = vector.broadcast %eq3A_1432 : i32 to vector<1x1024xi32>
    %eq3A_1434 = arith.cmpi eq, %broadcast_in_dim3A_1423, %eq3A_1433 : vector<1x1024xi32>
    %slice3A_1435 = vector.extract_strided_slice %transpose3A_1429 {offsets = [0, 0], sizes = [16, 1], strides = [1, 1]} : vector<16x20xf32> to vector<16x1xf32>
    %broadcast_in_dim3A_1436 = vector.shape_cast %eq3A_1434 : vector<1x1024xi1> to vector<1x1024xi1>
    %broadcast_in_dim3A_1437 = vector.broadcast %broadcast_in_dim3A_1436 : vector<1x1024xi1> to vector<16x1024xi1>
    %broadcast_in_dim3A_1438 = vector.shape_cast %slice3A_1435 : vector<16x1xf32> to vector<16x1xf32>
    %broadcast_in_dim3A_1439 = vector.broadcast %broadcast_in_dim3A_1438 : vector<16x1xf32> to vector<16x1024xf32>
    %select_n3A_1440 = arith.select %broadcast_in_dim3A_1437, %broadcast_in_dim3A_1439, %broadcast_in_dim3A_1431 : vector<16x1024xi1>, vector<16x1024xf32>
    %eq3A_1441 = arith.constant 1 : i32
    %eq3A_1442 = vector.broadcast %eq3A_1441 : i32 to vector<1x1024xi32>
    %eq3A_1443 = arith.cmpi eq, %broadcast_in_dim3A_1423, %eq3A_1442 : vector<1x1024xi32>
    %slice3A_1444 = vector.extract_strided_slice %transpose3A_1429 {offsets = [0, 1], sizes = [16, 1], strides = [1, 1]} : vector<16x20xf32> to vector<16x1xf32>
    %broadcast_in_dim3A_1445 = vector.shape_cast %eq3A_1443 : vector<1x1024xi1> to vector<1x1024xi1>
    %broadcast_in_dim3A_1446 = vector.broadcast %broadcast_in_dim3A_1445 : vector<1x1024xi1> to vector<16x1024xi1>
    %broadcast_in_dim3A_1447 = vector.shape_cast %slice3A_1444 : vector<16x1xf32> to vector<16x1xf32>
    %broadcast_in_dim3A_1448 = vector.broadcast %broadcast_in_dim3A_1447 : vector<16x1xf32> to vector<16x1024xf32>
    %select_n3A_1449 = arith.select %broadcast_in_dim3A_1446, %broadcast_in_dim3A_1448, %select_n3A_1440 : vector<16x1024xi1>, vector<16x1024xf32>
    %eq3A_1450 = arith.constant 2 : i32
    %eq3A_1451 = vector.broadcast %eq3A_1450 : i32 to vector<1x1024xi32>
    %eq3A_1452 = arith.cmpi eq, %broadcast_in_dim3A_1423, %eq3A_1451 : vector<1x1024xi32>
    %slice3A_1453 = vector.extract_strided_slice %transpose3A_1429 {offsets = [0, 2], sizes = [16, 1], strides = [1, 1]} : vector<16x20xf32> to vector<16x1xf32>
    %broadcast_in_dim3A_1454 = vector.shape_cast %eq3A_1452 : vector<1x1024xi1> to vector<1x1024xi1>
    %broadcast_in_dim3A_1455 = vector.broadcast %broadcast_in_dim3A_1454 : vector<1x1024xi1> to vector<16x1024xi1>
    %broadcast_in_dim3A_1456 = vector.shape_cast %slice3A_1453 : vector<16x1xf32> to vector<16x1xf32>
    %broadcast_in_dim3A_1457 = vector.broadcast %broadcast_in_dim3A_1456 : vector<16x1xf32> to vector<16x1024xf32>
    %select_n3A_1458 = arith.select %broadcast_in_dim3A_1455, %broadcast_in_dim3A_1457, %select_n3A_1449 : vector<16x1024xi1>, vector<16x1024xf32>
    %eq3A_1459 = arith.constant 3 : i32
    %eq3A_1460 = vector.broadcast %eq3A_1459 : i32 to vector<1x1024xi32>
    %eq3A_1461 = arith.cmpi eq, %broadcast_in_dim3A_1423, %eq3A_1460 : vector<1x1024xi32>
    %slice3A_1462 = vector.extract_strided_slice %transpose3A_1429 {offsets = [0, 3], sizes = [16, 1], strides = [1, 1]} : vector<16x20xf32> to vector<16x1xf32>
    %broadcast_in_dim3A_1463 = vector.shape_cast %eq3A_1461 : vector<1x1024xi1> to vector<1x1024xi1>
    %broadcast_in_dim3A_1464 = vector.broadcast %broadcast_in_dim3A_1463 : vector<1x1024xi1> to vector<16x1024xi1>
    %broadcast_in_dim3A_1465 = vector.shape_cast %slice3A_1462 : vector<16x1xf32> to vector<16x1xf32>
    %broadcast_in_dim3A_1466 = vector.broadcast %broadcast_in_dim3A_1465 : vector<16x1xf32> to vector<16x1024xf32>
    %select_n3A_1467 = arith.select %broadcast_in_dim3A_1464, %broadcast_in_dim3A_1466, %select_n3A_1458 : vector<16x1024xi1>, vector<16x1024xf32>
    %eq3A_1468 = arith.constant 4 : i32
    %eq3A_1469 = vector.broadcast %eq3A_1468 : i32 to vector<1x1024xi32>
    %eq3A_1470 = arith.cmpi eq, %broadcast_in_dim3A_1423, %eq3A_1469 : vector<1x1024xi32>
    %slice3A_1471 = vector.extract_strided_slice %transpose3A_1429 {offsets = [0, 4], sizes = [16, 1], strides = [1, 1]} : vector<16x20xf32> to vector<16x1xf32>
    %broadcast_in_dim3A_1472 = vector.shape_cast %eq3A_1470 : vector<1x1024xi1> to vector<1x1024xi1>
    %broadcast_in_dim3A_1473 = vector.broadcast %broadcast_in_dim3A_1472 : vector<1x1024xi1> to vector<16x1024xi1>
    %broadcast_in_dim3A_1474 = vector.shape_cast %slice3A_1471 : vector<16x1xf32> to vector<16x1xf32>
    %broadcast_in_dim3A_1475 = vector.broadcast %broadcast_in_dim3A_1474 : vector<16x1xf32> to vector<16x1024xf32>
    %select_n3A_1476 = arith.select %broadcast_in_dim3A_1473, %broadcast_in_dim3A_1475, %select_n3A_1467 : vector<16x1024xi1>, vector<16x1024xf32>
    %eq3A_1477 = arith.constant 5 : i32
    %eq3A_1478 = vector.broadcast %eq3A_1477 : i32 to vector<1x1024xi32>
    %eq3A_1479 = arith.cmpi eq, %broadcast_in_dim3A_1423, %eq3A_1478 : vector<1x1024xi32>
    %slice3A_1480 = vector.extract_strided_slice %transpose3A_1429 {offsets = [0, 5], sizes = [16, 1], strides = [1, 1]} : vector<16x20xf32> to vector<16x1xf32>
    %broadcast_in_dim3A_1481 = vector.shape_cast %eq3A_1479 : vector<1x1024xi1> to vector<1x1024xi1>
    %broadcast_in_dim3A_1482 = vector.broadcast %broadcast_in_dim3A_1481 : vector<1x1024xi1> to vector<16x1024xi1>
    %broadcast_in_dim3A_1483 = vector.shape_cast %slice3A_1480 : vector<16x1xf32> to vector<16x1xf32>
    %broadcast_in_dim3A_1484 = vector.broadcast %broadcast_in_dim3A_1483 : vector<16x1xf32> to vector<16x1024xf32>
    %select_n3A_1485 = arith.select %broadcast_in_dim3A_1482, %broadcast_in_dim3A_1484, %select_n3A_1476 : vector<16x1024xi1>, vector<16x1024xf32>
    %eq3A_1486 = arith.constant 6 : i32
    %eq3A_1487 = vector.broadcast %eq3A_1486 : i32 to vector<1x1024xi32>
    %eq3A_1488 = arith.cmpi eq, %broadcast_in_dim3A_1423, %eq3A_1487 : vector<1x1024xi32>
    %slice3A_1489 = vector.extract_strided_slice %transpose3A_1429 {offsets = [0, 6], sizes = [16, 1], strides = [1, 1]} : vector<16x20xf32> to vector<16x1xf32>
    %broadcast_in_dim3A_1490 = vector.shape_cast %eq3A_1488 : vector<1x1024xi1> to vector<1x1024xi1>
    %broadcast_in_dim3A_1491 = vector.broadcast %broadcast_in_dim3A_1490 : vector<1x1024xi1> to vector<16x1024xi1>
    %broadcast_in_dim3A_1492 = vector.shape_cast %slice3A_1489 : vector<16x1xf32> to vector<16x1xf32>
    %broadcast_in_dim3A_1493 = vector.broadcast %broadcast_in_dim3A_1492 : vector<16x1xf32> to vector<16x1024xf32>
    %select_n3A_1494 = arith.select %broadcast_in_dim3A_1491, %broadcast_in_dim3A_1493, %select_n3A_1485 : vector<16x1024xi1>, vector<16x1024xf32>
    %eq3A_1495 = arith.constant 7 : i32
    %eq3A_1496 = vector.broadcast %eq3A_1495 : i32 to vector<1x1024xi32>
    %eq3A_1497 = arith.cmpi eq, %broadcast_in_dim3A_1423, %eq3A_1496 : vector<1x1024xi32>
    %slice3A_1498 = vector.extract_strided_slice %transpose3A_1429 {offsets = [0, 7], sizes = [16, 1], strides = [1, 1]} : vector<16x20xf32> to vector<16x1xf32>
    %broadcast_in_dim3A_1499 = vector.shape_cast %eq3A_1497 : vector<1x1024xi1> to vector<1x1024xi1>
    %broadcast_in_dim3A_1500 = vector.broadcast %broadcast_in_dim3A_1499 : vector<1x1024xi1> to vector<16x1024xi1>
    %broadcast_in_dim3A_1501 = vector.shape_cast %slice3A_1498 : vector<16x1xf32> to vector<16x1xf32>
    %broadcast_in_dim3A_1502 = vector.broadcast %broadcast_in_dim3A_1501 : vector<16x1xf32> to vector<16x1024xf32>
    %select_n3A_1503 = arith.select %broadcast_in_dim3A_1500, %broadcast_in_dim3A_1502, %select_n3A_1494 : vector<16x1024xi1>, vector<16x1024xf32>
    %eq3A_1504 = arith.constant 8 : i32
    %eq3A_1505 = vector.broadcast %eq3A_1504 : i32 to vector<1x1024xi32>
    %eq3A_1506 = arith.cmpi eq, %broadcast_in_dim3A_1423, %eq3A_1505 : vector<1x1024xi32>
    %slice3A_1507 = vector.extract_strided_slice %transpose3A_1429 {offsets = [0, 8], sizes = [16, 1], strides = [1, 1]} : vector<16x20xf32> to vector<16x1xf32>
    %broadcast_in_dim3A_1508 = vector.shape_cast %eq3A_1506 : vector<1x1024xi1> to vector<1x1024xi1>
    %broadcast_in_dim3A_1509 = vector.broadcast %broadcast_in_dim3A_1508 : vector<1x1024xi1> to vector<16x1024xi1>
    %broadcast_in_dim3A_1510 = vector.shape_cast %slice3A_1507 : vector<16x1xf32> to vector<16x1xf32>
    %broadcast_in_dim3A_1511 = vector.broadcast %broadcast_in_dim3A_1510 : vector<16x1xf32> to vector<16x1024xf32>
    %select_n3A_1512 = arith.select %broadcast_in_dim3A_1509, %broadcast_in_dim3A_1511, %select_n3A_1503 : vector<16x1024xi1>, vector<16x1024xf32>
    %eq3A_1513 = arith.constant 9 : i32
    %eq3A_1514 = vector.broadcast %eq3A_1513 : i32 to vector<1x1024xi32>
    %eq3A_1515 = arith.cmpi eq, %broadcast_in_dim3A_1423, %eq3A_1514 : vector<1x1024xi32>
    %slice3A_1516 = vector.extract_strided_slice %transpose3A_1429 {offsets = [0, 9], sizes = [16, 1], strides = [1, 1]} : vector<16x20xf32> to vector<16x1xf32>
    %broadcast_in_dim3A_1517 = vector.shape_cast %eq3A_1515 : vector<1x1024xi1> to vector<1x1024xi1>
    %broadcast_in_dim3A_1518 = vector.broadcast %broadcast_in_dim3A_1517 : vector<1x1024xi1> to vector<16x1024xi1>
    %broadcast_in_dim3A_1519 = vector.shape_cast %slice3A_1516 : vector<16x1xf32> to vector<16x1xf32>
    %broadcast_in_dim3A_1520 = vector.broadcast %broadcast_in_dim3A_1519 : vector<16x1xf32> to vector<16x1024xf32>
    %select_n3A_1521 = arith.select %broadcast_in_dim3A_1518, %broadcast_in_dim3A_1520, %select_n3A_1512 : vector<16x1024xi1>, vector<16x1024xf32>
    %eq3A_1522 = arith.constant 10 : i32
    %eq3A_1523 = vector.broadcast %eq3A_1522 : i32 to vector<1x1024xi32>
    %eq3A_1524 = arith.cmpi eq, %broadcast_in_dim3A_1423, %eq3A_1523 : vector<1x1024xi32>
    %slice3A_1525 = vector.extract_strided_slice %transpose3A_1429 {offsets = [0, 10], sizes = [16, 1], strides = [1, 1]} : vector<16x20xf32> to vector<16x1xf32>
    %broadcast_in_dim3A_1526 = vector.shape_cast %eq3A_1524 : vector<1x1024xi1> to vector<1x1024xi1>
    %broadcast_in_dim3A_1527 = vector.broadcast %broadcast_in_dim3A_1526 : vector<1x1024xi1> to vector<16x1024xi1>
    %broadcast_in_dim3A_1528 = vector.shape_cast %slice3A_1525 : vector<16x1xf32> to vector<16x1xf32>
    %broadcast_in_dim3A_1529 = vector.broadcast %broadcast_in_dim3A_1528 : vector<16x1xf32> to vector<16x1024xf32>
    %select_n3A_1530 = arith.select %broadcast_in_dim3A_1527, %broadcast_in_dim3A_1529, %select_n3A_1521 : vector<16x1024xi1>, vector<16x1024xf32>
    %eq3A_1531 = arith.constant 11 : i32
    %eq3A_1532 = vector.broadcast %eq3A_1531 : i32 to vector<1x1024xi32>
    %eq3A_1533 = arith.cmpi eq, %broadcast_in_dim3A_1423, %eq3A_1532 : vector<1x1024xi32>
    %slice3A_1534 = vector.extract_strided_slice %transpose3A_1429 {offsets = [0, 11], sizes = [16, 1], strides = [1, 1]} : vector<16x20xf32> to vector<16x1xf32>
    %broadcast_in_dim3A_1535 = vector.shape_cast %eq3A_1533 : vector<1x1024xi1> to vector<1x1024xi1>
    %broadcast_in_dim3A_1536 = vector.broadcast %broadcast_in_dim3A_1535 : vector<1x1024xi1> to vector<16x1024xi1>
    %broadcast_in_dim3A_1537 = vector.shape_cast %slice3A_1534 : vector<16x1xf32> to vector<16x1xf32>
    %broadcast_in_dim3A_1538 = vector.broadcast %broadcast_in_dim3A_1537 : vector<16x1xf32> to vector<16x1024xf32>
    %select_n3A_1539 = arith.select %broadcast_in_dim3A_1536, %broadcast_in_dim3A_1538, %select_n3A_1530 : vector<16x1024xi1>, vector<16x1024xf32>
    %eq3A_1540 = arith.constant 12 : i32
    %eq3A_1541 = vector.broadcast %eq3A_1540 : i32 to vector<1x1024xi32>
    %eq3A_1542 = arith.cmpi eq, %broadcast_in_dim3A_1423, %eq3A_1541 : vector<1x1024xi32>
    %slice3A_1543 = vector.extract_strided_slice %transpose3A_1429 {offsets = [0, 12], sizes = [16, 1], strides = [1, 1]} : vector<16x20xf32> to vector<16x1xf32>
    %broadcast_in_dim3A_1544 = vector.shape_cast %eq3A_1542 : vector<1x1024xi1> to vector<1x1024xi1>
    %broadcast_in_dim3A_1545 = vector.broadcast %broadcast_in_dim3A_1544 : vector<1x1024xi1> to vector<16x1024xi1>
    %broadcast_in_dim3A_1546 = vector.shape_cast %slice3A_1543 : vector<16x1xf32> to vector<16x1xf32>
    %broadcast_in_dim3A_1547 = vector.broadcast %broadcast_in_dim3A_1546 : vector<16x1xf32> to vector<16x1024xf32>
    %select_n3A_1548 = arith.select %broadcast_in_dim3A_1545, %broadcast_in_dim3A_1547, %select_n3A_1539 : vector<16x1024xi1>, vector<16x1024xf32>
    %eq3A_1549 = arith.constant 13 : i32
    %eq3A_1550 = vector.broadcast %eq3A_1549 : i32 to vector<1x1024xi32>
    %eq3A_1551 = arith.cmpi eq, %broadcast_in_dim3A_1423, %eq3A_1550 : vector<1x1024xi32>
    %slice3A_1552 = vector.extract_strided_slice %transpose3A_1429 {offsets = [0, 13], sizes = [16, 1], strides = [1, 1]} : vector<16x20xf32> to vector<16x1xf32>
    %broadcast_in_dim3A_1553 = vector.shape_cast %eq3A_1551 : vector<1x1024xi1> to vector<1x1024xi1>
    %broadcast_in_dim3A_1554 = vector.broadcast %broadcast_in_dim3A_1553 : vector<1x1024xi1> to vector<16x1024xi1>
    %broadcast_in_dim3A_1555 = vector.shape_cast %slice3A_1552 : vector<16x1xf32> to vector<16x1xf32>
    %broadcast_in_dim3A_1556 = vector.broadcast %broadcast_in_dim3A_1555 : vector<16x1xf32> to vector<16x1024xf32>
    %select_n3A_1557 = arith.select %broadcast_in_dim3A_1554, %broadcast_in_dim3A_1556, %select_n3A_1548 : vector<16x1024xi1>, vector<16x1024xf32>
    %eq3A_1558 = arith.constant 14 : i32
    %eq3A_1559 = vector.broadcast %eq3A_1558 : i32 to vector<1x1024xi32>
    %eq3A_1560 = arith.cmpi eq, %broadcast_in_dim3A_1423, %eq3A_1559 : vector<1x1024xi32>
    %slice3A_1561 = vector.extract_strided_slice %transpose3A_1429 {offsets = [0, 14], sizes = [16, 1], strides = [1, 1]} : vector<16x20xf32> to vector<16x1xf32>
    %broadcast_in_dim3A_1562 = vector.shape_cast %eq3A_1560 : vector<1x1024xi1> to vector<1x1024xi1>
    %broadcast_in_dim3A_1563 = vector.broadcast %broadcast_in_dim3A_1562 : vector<1x1024xi1> to vector<16x1024xi1>
    %broadcast_in_dim3A_1564 = vector.shape_cast %slice3A_1561 : vector<16x1xf32> to vector<16x1xf32>
    %broadcast_in_dim3A_1565 = vector.broadcast %broadcast_in_dim3A_1564 : vector<16x1xf32> to vector<16x1024xf32>
    %select_n3A_1566 = arith.select %broadcast_in_dim3A_1563, %broadcast_in_dim3A_1565, %select_n3A_1557 : vector<16x1024xi1>, vector<16x1024xf32>
    %eq3A_1567 = arith.constant 15 : i32
    %eq3A_1568 = vector.broadcast %eq3A_1567 : i32 to vector<1x1024xi32>
    %eq3A_1569 = arith.cmpi eq, %broadcast_in_dim3A_1423, %eq3A_1568 : vector<1x1024xi32>
    %slice3A_1570 = vector.extract_strided_slice %transpose3A_1429 {offsets = [0, 15], sizes = [16, 1], strides = [1, 1]} : vector<16x20xf32> to vector<16x1xf32>
    %broadcast_in_dim3A_1571 = vector.shape_cast %eq3A_1569 : vector<1x1024xi1> to vector<1x1024xi1>
    %broadcast_in_dim3A_1572 = vector.broadcast %broadcast_in_dim3A_1571 : vector<1x1024xi1> to vector<16x1024xi1>
    %broadcast_in_dim3A_1573 = vector.shape_cast %slice3A_1570 : vector<16x1xf32> to vector<16x1xf32>
    %broadcast_in_dim3A_1574 = vector.broadcast %broadcast_in_dim3A_1573 : vector<16x1xf32> to vector<16x1024xf32>
    %select_n3A_1575 = arith.select %broadcast_in_dim3A_1572, %broadcast_in_dim3A_1574, %select_n3A_1566 : vector<16x1024xi1>, vector<16x1024xf32>
    %eq3A_1576 = arith.constant 16 : i32
    %eq3A_1577 = vector.broadcast %eq3A_1576 : i32 to vector<1x1024xi32>
    %eq3A_1578 = arith.cmpi eq, %broadcast_in_dim3A_1423, %eq3A_1577 : vector<1x1024xi32>
    %slice3A_1579 = vector.extract_strided_slice %transpose3A_1429 {offsets = [0, 16], sizes = [16, 1], strides = [1, 1]} : vector<16x20xf32> to vector<16x1xf32>
    %broadcast_in_dim3A_1580 = vector.shape_cast %eq3A_1578 : vector<1x1024xi1> to vector<1x1024xi1>
    %broadcast_in_dim3A_1581 = vector.broadcast %broadcast_in_dim3A_1580 : vector<1x1024xi1> to vector<16x1024xi1>
    %broadcast_in_dim3A_1582 = vector.shape_cast %slice3A_1579 : vector<16x1xf32> to vector<16x1xf32>
    %broadcast_in_dim3A_1583 = vector.broadcast %broadcast_in_dim3A_1582 : vector<16x1xf32> to vector<16x1024xf32>
    %select_n3A_1584 = arith.select %broadcast_in_dim3A_1581, %broadcast_in_dim3A_1583, %select_n3A_1575 : vector<16x1024xi1>, vector<16x1024xf32>
    %eq3A_1585 = arith.constant 17 : i32
    %eq3A_1586 = vector.broadcast %eq3A_1585 : i32 to vector<1x1024xi32>
    %eq3A_1587 = arith.cmpi eq, %broadcast_in_dim3A_1423, %eq3A_1586 : vector<1x1024xi32>
    %slice3A_1588 = vector.extract_strided_slice %transpose3A_1429 {offsets = [0, 17], sizes = [16, 1], strides = [1, 1]} : vector<16x20xf32> to vector<16x1xf32>
    %broadcast_in_dim3A_1589 = vector.shape_cast %eq3A_1587 : vector<1x1024xi1> to vector<1x1024xi1>
    %broadcast_in_dim3A_1590 = vector.broadcast %broadcast_in_dim3A_1589 : vector<1x1024xi1> to vector<16x1024xi1>
    %broadcast_in_dim3A_1591 = vector.shape_cast %slice3A_1588 : vector<16x1xf32> to vector<16x1xf32>
    %broadcast_in_dim3A_1592 = vector.broadcast %broadcast_in_dim3A_1591 : vector<16x1xf32> to vector<16x1024xf32>
    %select_n3A_1593 = arith.select %broadcast_in_dim3A_1590, %broadcast_in_dim3A_1592, %select_n3A_1584 : vector<16x1024xi1>, vector<16x1024xf32>
    %eq3A_1594 = arith.constant 18 : i32
    %eq3A_1595 = vector.broadcast %eq3A_1594 : i32 to vector<1x1024xi32>
    %eq3A_1596 = arith.cmpi eq, %broadcast_in_dim3A_1423, %eq3A_1595 : vector<1x1024xi32>
    %slice3A_1597 = vector.extract_strided_slice %transpose3A_1429 {offsets = [0, 18], sizes = [16, 1], strides = [1, 1]} : vector<16x20xf32> to vector<16x1xf32>
    %broadcast_in_dim3A_1598 = vector.shape_cast %eq3A_1596 : vector<1x1024xi1> to vector<1x1024xi1>
    %broadcast_in_dim3A_1599 = vector.broadcast %broadcast_in_dim3A_1598 : vector<1x1024xi1> to vector<16x1024xi1>
    %broadcast_in_dim3A_1600 = vector.shape_cast %slice3A_1597 : vector<16x1xf32> to vector<16x1xf32>
    %broadcast_in_dim3A_1601 = vector.broadcast %broadcast_in_dim3A_1600 : vector<16x1xf32> to vector<16x1024xf32>
    %select_n3A_1602 = arith.select %broadcast_in_dim3A_1599, %broadcast_in_dim3A_1601, %select_n3A_1593 : vector<16x1024xi1>, vector<16x1024xf32>
    %eq3A_1603 = arith.constant 19 : i32
    %eq3A_1604 = vector.broadcast %eq3A_1603 : i32 to vector<1x1024xi32>
    %eq3A_1605 = arith.cmpi eq, %broadcast_in_dim3A_1423, %eq3A_1604 : vector<1x1024xi32>
    %slice3A_1606 = vector.extract_strided_slice %transpose3A_1429 {offsets = [0, 19], sizes = [16, 1], strides = [1, 1]} : vector<16x20xf32> to vector<16x1xf32>
    %broadcast_in_dim3A_1607 = vector.shape_cast %eq3A_1605 : vector<1x1024xi1> to vector<1x1024xi1>
    %broadcast_in_dim3A_1608 = vector.broadcast %broadcast_in_dim3A_1607 : vector<1x1024xi1> to vector<16x1024xi1>
    %broadcast_in_dim3A_1609 = vector.shape_cast %slice3A_1606 : vector<16x1xf32> to vector<16x1xf32>
    %broadcast_in_dim3A_1610 = vector.broadcast %broadcast_in_dim3A_1609 : vector<16x1xf32> to vector<16x1024xf32>
    %select_n3A_1611 = arith.select %broadcast_in_dim3A_1608, %broadcast_in_dim3A_1610, %select_n3A_1602 : vector<16x1024xi1>, vector<16x1024xf32>
    %slice3A_1612 = vector.extract_strided_slice %concatenate3A {offsets = [0, 96], sizes = [20, 16], strides = [1, 1]} : vector<20x128xf32> to vector<20x16xf32>
    %convert_element_type3A_1613 = arith.truncf %slice3A_1612 : vector<20x16xf32> to vector<20x16xbf16>
    %slice3A_1614 = vector.extract_strided_slice %get3A_8 {offsets = [0, 96], sizes = [1024, 16], strides = [1, 1]} : vector<1024x128xf32> to vector<1024x16xf32>
    %convert_element_type3A_1615 = arith.truncf %slice3A_1614 : vector<1024x16xf32> to vector<1024x16xbf16>
    %dot_general3A_1616 = arith.constant dense<0.000000e+00> : vector<20x1024xf32>
    %dot_general3A_1617 = tpu.matmul %convert_element_type3A_1613, %convert_element_type3A_1615, %dot_general3A_1616 {dimension_numbers = #tpu.dot_dimension_numbers<[1], [1], [0], [0], [0, 0, 1, 0], [], []>, transpose_lhs_hint = false} : vector<20x16xbf16>, vector<1024x16xbf16>, vector<20x1024xf32> -> vector<20x1024xf32>
    %mul3A_1618 = arith.constant 2.500000e-01 : f32
    %mul3A_1619 = vector.broadcast %mul3A_1618 : f32 to vector<20x1024xf32>
    %mul3A_1620 = arith.mulf %dot_general3A_1617, %mul3A_1619 : vector<20x1024xf32>
    %get3A_1621 = arith.constant 0 : index
    %get3A_1622 = arith.constant 120 : index
    %get3A_1623 = arith.constant 0 : index
    %get3A_1624 = vector.load %arg5[%get3A_1621, %get3A_1622, %get3A_1623] : memref<1x160x1024xf32, #tpu.memory_space<vmem>>, vector<1x20x1024xf32>
    %get3A_1625 = vector.shape_cast %get3A_1624 : vector<1x20x1024xf32> to vector<20x1024xf32>
    %get3A_1626 = arith.constant 0 : index
    %get3A_1627 = arith.constant 120 : index
    %get3A_1628 = arith.constant 0 : index
    %get3A_1629 = vector.load %arg6[%get3A_1626, %get3A_1627, %get3A_1628] : memref<1x160x1024xf32, #tpu.memory_space<vmem>>, vector<1x20x1024xf32>
    %get3A_1630 = vector.shape_cast %get3A_1629 : vector<1x20x1024xf32> to vector<20x1024xf32>
    %ne3A_1631 = arith.constant 0 : i32
    %ne3A_1632 = arith.cmpi ne, %get3A_22, %ne3A_1631 : i32
    %mul3A_1633 = arith.mulf %mul3A_1620, %get3A_1625 : vector<20x1024xf32>
    %select_n3A_1634 = arith.select %ne3A_1632, %mul3A_1633, %mul3A_1620 : vector<20x1024xf32>
    %ne3A_1635 = arith.constant 0 : i32
    %ne3A_1636 = arith.cmpi ne, %get3A_25, %ne3A_1635 : i32
    %mul3A_1637 = arith.mulf %select_n3A_1634, %get3A_1630 : vector<20x1024xf32>
    %select_n3A_1638 = arith.select %ne3A_1636, %mul3A_1637, %select_n3A_1634 : vector<20x1024xf32>
    %reduce_max3A_1639 = arith.constant dense<0xFF800000> : vector<20xf32>
    %reduce_max3A_1640 = vector.multi_reduction <maximumf>, %select_n3A_1638, %reduce_max3A_1639 [1] : vector<20x1024xf32> to vector<20xf32>
    %broadcast_in_dim3A_1641 = vector.shape_cast %reduce_max3A_1640 : vector<20xf32> to vector<20x1xf32>
    %sub3A_1642 = vector.broadcast %broadcast_in_dim3A_1641 : vector<20x1xf32> to vector<20x1024xf32>
    %sub3A_1643 = arith.subf %select_n3A_1638, %sub3A_1642 : vector<20x1024xf32>
    %exp3A_1644 = math.exp %sub3A_1643 : vector<20x1024xf32>
    %reduce_sum3A_1645 = arith.constant dense<0.000000e+00> : vector<20xf32>
    %reduce_sum3A_1646 = vector.multi_reduction <add>, %exp3A_1644, %reduce_sum3A_1645 [1] : vector<20x1024xf32> to vector<20xf32>
    %broadcast_in_dim3A_1647 = vector.shape_cast %reduce_sum3A_1646 : vector<20xf32> to vector<20x1xf32>
    %div3A_1648 = vector.broadcast %broadcast_in_dim3A_1647 : vector<20x1xf32> to vector<20x1024xf32>
    %div3A_1649 = arith.divf %exp3A_1644, %div3A_1648 : vector<20x1024xf32>
    %reduce_max3A_1650 = arith.constant dense<0xFF800000> : vector<1024xf32>
    %reduce_max3A_1651 = vector.multi_reduction <maximumf>, %div3A_1649, %reduce_max3A_1650 [0] : vector<20x1024xf32> to vector<1024xf32>
    %broadcast_in_dim3A_1652 = vector.shape_cast %reduce_max3A_1651 : vector<1024xf32> to vector<1x1024xf32>
    %eq3A_1653 = vector.broadcast %broadcast_in_dim3A_1652 : vector<1x1024xf32> to vector<20x1024xf32>
    %eq3A_1654 = arith.cmpf oeq, %div3A_1649, %eq3A_1653 : vector<20x1024xf32>
    %jit3A_1655 = arith.constant 20 : i32
    %broadcast_in_dim3A_1656 = vector.broadcast %jit3A_1655 : i32 to vector<20x1024xi32>
    %select_n3A_1657 = arith.select %eq3A_1654, %iota3A_19, %broadcast_in_dim3A_1656 : vector<20x1024xi1>, vector<20x1024xi32>
    %reduce_min3A_1658 = arith.constant dense<2147483647> : vector<1024xi32>
    %reduce_min3A_1659 = vector.multi_reduction <minsi>, %select_n3A_1657, %reduce_min3A_1658 [0] : vector<20x1024xi32> to vector<1024xi32>
    %broadcast_in_dim3A_1660 = vector.shape_cast %reduce_min3A_1659 : vector<1024xi32> to vector<1x1024xi32>
    %convert_element_type3A_1661 = arith.truncf %div3A_1649 : vector<20x1024xf32> to vector<20x1024xbf16>
    %slice3A_1662 = vector.extract_strided_slice %get3A_13 {offsets = [0, 96], sizes = [1024, 16], strides = [1, 1]} : vector<1024x128xf32> to vector<1024x16xf32>
    %convert_element_type3A_1663 = arith.truncf %slice3A_1662 : vector<1024x16xf32> to vector<1024x16xbf16>
    %dot_general3A_1664 = arith.constant dense<0.000000e+00> : vector<20x16xf32>
    %dot_general3A_1665 = tpu.matmul %convert_element_type3A_1661, %convert_element_type3A_1663, %dot_general3A_1664 {dimension_numbers = #tpu.dot_dimension_numbers<[1], [0], [0], [1], [0, 0, 1, 1], [], []>, transpose_lhs_hint = false} : vector<20x1024xbf16>, vector<1024x16xbf16>, vector<20x16xf32> -> vector<20x16xf32>
    %transpose3A_1666 = tpu.transpose %dot_general3A_1665, [1, 0] : vector<20x16xf32> -> vector<16x20xf32>
    %broadcast_in_dim3A_1667 = arith.constant 0.000000e+00 : f32
    %broadcast_in_dim3A_1668 = vector.broadcast %broadcast_in_dim3A_1667 : f32 to vector<16x1024xf32>
    %eq3A_1669 = arith.constant 0 : i32
    %eq3A_1670 = vector.broadcast %eq3A_1669 : i32 to vector<1x1024xi32>
    %eq3A_1671 = arith.cmpi eq, %broadcast_in_dim3A_1660, %eq3A_1670 : vector<1x1024xi32>
    %slice3A_1672 = vector.extract_strided_slice %transpose3A_1666 {offsets = [0, 0], sizes = [16, 1], strides = [1, 1]} : vector<16x20xf32> to vector<16x1xf32>
    %broadcast_in_dim3A_1673 = vector.shape_cast %eq3A_1671 : vector<1x1024xi1> to vector<1x1024xi1>
    %broadcast_in_dim3A_1674 = vector.broadcast %broadcast_in_dim3A_1673 : vector<1x1024xi1> to vector<16x1024xi1>
    %broadcast_in_dim3A_1675 = vector.shape_cast %slice3A_1672 : vector<16x1xf32> to vector<16x1xf32>
    %broadcast_in_dim3A_1676 = vector.broadcast %broadcast_in_dim3A_1675 : vector<16x1xf32> to vector<16x1024xf32>
    %select_n3A_1677 = arith.select %broadcast_in_dim3A_1674, %broadcast_in_dim3A_1676, %broadcast_in_dim3A_1668 : vector<16x1024xi1>, vector<16x1024xf32>
    %eq3A_1678 = arith.constant 1 : i32
    %eq3A_1679 = vector.broadcast %eq3A_1678 : i32 to vector<1x1024xi32>
    %eq3A_1680 = arith.cmpi eq, %broadcast_in_dim3A_1660, %eq3A_1679 : vector<1x1024xi32>
    %slice3A_1681 = vector.extract_strided_slice %transpose3A_1666 {offsets = [0, 1], sizes = [16, 1], strides = [1, 1]} : vector<16x20xf32> to vector<16x1xf32>
    %broadcast_in_dim3A_1682 = vector.shape_cast %eq3A_1680 : vector<1x1024xi1> to vector<1x1024xi1>
    %broadcast_in_dim3A_1683 = vector.broadcast %broadcast_in_dim3A_1682 : vector<1x1024xi1> to vector<16x1024xi1>
    %broadcast_in_dim3A_1684 = vector.shape_cast %slice3A_1681 : vector<16x1xf32> to vector<16x1xf32>
    %broadcast_in_dim3A_1685 = vector.broadcast %broadcast_in_dim3A_1684 : vector<16x1xf32> to vector<16x1024xf32>
    %select_n3A_1686 = arith.select %broadcast_in_dim3A_1683, %broadcast_in_dim3A_1685, %select_n3A_1677 : vector<16x1024xi1>, vector<16x1024xf32>
    %eq3A_1687 = arith.constant 2 : i32
    %eq3A_1688 = vector.broadcast %eq3A_1687 : i32 to vector<1x1024xi32>
    %eq3A_1689 = arith.cmpi eq, %broadcast_in_dim3A_1660, %eq3A_1688 : vector<1x1024xi32>
    %slice3A_1690 = vector.extract_strided_slice %transpose3A_1666 {offsets = [0, 2], sizes = [16, 1], strides = [1, 1]} : vector<16x20xf32> to vector<16x1xf32>
    %broadcast_in_dim3A_1691 = vector.shape_cast %eq3A_1689 : vector<1x1024xi1> to vector<1x1024xi1>
    %broadcast_in_dim3A_1692 = vector.broadcast %broadcast_in_dim3A_1691 : vector<1x1024xi1> to vector<16x1024xi1>
    %broadcast_in_dim3A_1693 = vector.shape_cast %slice3A_1690 : vector<16x1xf32> to vector<16x1xf32>
    %broadcast_in_dim3A_1694 = vector.broadcast %broadcast_in_dim3A_1693 : vector<16x1xf32> to vector<16x1024xf32>
    %select_n3A_1695 = arith.select %broadcast_in_dim3A_1692, %broadcast_in_dim3A_1694, %select_n3A_1686 : vector<16x1024xi1>, vector<16x1024xf32>
    %eq3A_1696 = arith.constant 3 : i32
    %eq3A_1697 = vector.broadcast %eq3A_1696 : i32 to vector<1x1024xi32>
    %eq3A_1698 = arith.cmpi eq, %broadcast_in_dim3A_1660, %eq3A_1697 : vector<1x1024xi32>
    %slice3A_1699 = vector.extract_strided_slice %transpose3A_1666 {offsets = [0, 3], sizes = [16, 1], strides = [1, 1]} : vector<16x20xf32> to vector<16x1xf32>
    %broadcast_in_dim3A_1700 = vector.shape_cast %eq3A_1698 : vector<1x1024xi1> to vector<1x1024xi1>
    %broadcast_in_dim3A_1701 = vector.broadcast %broadcast_in_dim3A_1700 : vector<1x1024xi1> to vector<16x1024xi1>
    %broadcast_in_dim3A_1702 = vector.shape_cast %slice3A_1699 : vector<16x1xf32> to vector<16x1xf32>
    %broadcast_in_dim3A_1703 = vector.broadcast %broadcast_in_dim3A_1702 : vector<16x1xf32> to vector<16x1024xf32>
    %select_n3A_1704 = arith.select %broadcast_in_dim3A_1701, %broadcast_in_dim3A_1703, %select_n3A_1695 : vector<16x1024xi1>, vector<16x1024xf32>
    %eq3A_1705 = arith.constant 4 : i32
    %eq3A_1706 = vector.broadcast %eq3A_1705 : i32 to vector<1x1024xi32>
    %eq3A_1707 = arith.cmpi eq, %broadcast_in_dim3A_1660, %eq3A_1706 : vector<1x1024xi32>
    %slice3A_1708 = vector.extract_strided_slice %transpose3A_1666 {offsets = [0, 4], sizes = [16, 1], strides = [1, 1]} : vector<16x20xf32> to vector<16x1xf32>
    %broadcast_in_dim3A_1709 = vector.shape_cast %eq3A_1707 : vector<1x1024xi1> to vector<1x1024xi1>
    %broadcast_in_dim3A_1710 = vector.broadcast %broadcast_in_dim3A_1709 : vector<1x1024xi1> to vector<16x1024xi1>
    %broadcast_in_dim3A_1711 = vector.shape_cast %slice3A_1708 : vector<16x1xf32> to vector<16x1xf32>
    %broadcast_in_dim3A_1712 = vector.broadcast %broadcast_in_dim3A_1711 : vector<16x1xf32> to vector<16x1024xf32>
    %select_n3A_1713 = arith.select %broadcast_in_dim3A_1710, %broadcast_in_dim3A_1712, %select_n3A_1704 : vector<16x1024xi1>, vector<16x1024xf32>
    %eq3A_1714 = arith.constant 5 : i32
    %eq3A_1715 = vector.broadcast %eq3A_1714 : i32 to vector<1x1024xi32>
    %eq3A_1716 = arith.cmpi eq, %broadcast_in_dim3A_1660, %eq3A_1715 : vector<1x1024xi32>
    %slice3A_1717 = vector.extract_strided_slice %transpose3A_1666 {offsets = [0, 5], sizes = [16, 1], strides = [1, 1]} : vector<16x20xf32> to vector<16x1xf32>
    %broadcast_in_dim3A_1718 = vector.shape_cast %eq3A_1716 : vector<1x1024xi1> to vector<1x1024xi1>
    %broadcast_in_dim3A_1719 = vector.broadcast %broadcast_in_dim3A_1718 : vector<1x1024xi1> to vector<16x1024xi1>
    %broadcast_in_dim3A_1720 = vector.shape_cast %slice3A_1717 : vector<16x1xf32> to vector<16x1xf32>
    %broadcast_in_dim3A_1721 = vector.broadcast %broadcast_in_dim3A_1720 : vector<16x1xf32> to vector<16x1024xf32>
    %select_n3A_1722 = arith.select %broadcast_in_dim3A_1719, %broadcast_in_dim3A_1721, %select_n3A_1713 : vector<16x1024xi1>, vector<16x1024xf32>
    %eq3A_1723 = arith.constant 6 : i32
    %eq3A_1724 = vector.broadcast %eq3A_1723 : i32 to vector<1x1024xi32>
    %eq3A_1725 = arith.cmpi eq, %broadcast_in_dim3A_1660, %eq3A_1724 : vector<1x1024xi32>
    %slice3A_1726 = vector.extract_strided_slice %transpose3A_1666 {offsets = [0, 6], sizes = [16, 1], strides = [1, 1]} : vector<16x20xf32> to vector<16x1xf32>
    %broadcast_in_dim3A_1727 = vector.shape_cast %eq3A_1725 : vector<1x1024xi1> to vector<1x1024xi1>
    %broadcast_in_dim3A_1728 = vector.broadcast %broadcast_in_dim3A_1727 : vector<1x1024xi1> to vector<16x1024xi1>
    %broadcast_in_dim3A_1729 = vector.shape_cast %slice3A_1726 : vector<16x1xf32> to vector<16x1xf32>
    %broadcast_in_dim3A_1730 = vector.broadcast %broadcast_in_dim3A_1729 : vector<16x1xf32> to vector<16x1024xf32>
    %select_n3A_1731 = arith.select %broadcast_in_dim3A_1728, %broadcast_in_dim3A_1730, %select_n3A_1722 : vector<16x1024xi1>, vector<16x1024xf32>
    %eq3A_1732 = arith.constant 7 : i32
    %eq3A_1733 = vector.broadcast %eq3A_1732 : i32 to vector<1x1024xi32>
    %eq3A_1734 = arith.cmpi eq, %broadcast_in_dim3A_1660, %eq3A_1733 : vector<1x1024xi32>
    %slice3A_1735 = vector.extract_strided_slice %transpose3A_1666 {offsets = [0, 7], sizes = [16, 1], strides = [1, 1]} : vector<16x20xf32> to vector<16x1xf32>
    %broadcast_in_dim3A_1736 = vector.shape_cast %eq3A_1734 : vector<1x1024xi1> to vector<1x1024xi1>
    %broadcast_in_dim3A_1737 = vector.broadcast %broadcast_in_dim3A_1736 : vector<1x1024xi1> to vector<16x1024xi1>
    %broadcast_in_dim3A_1738 = vector.shape_cast %slice3A_1735 : vector<16x1xf32> to vector<16x1xf32>
    %broadcast_in_dim3A_1739 = vector.broadcast %broadcast_in_dim3A_1738 : vector<16x1xf32> to vector<16x1024xf32>
    %select_n3A_1740 = arith.select %broadcast_in_dim3A_1737, %broadcast_in_dim3A_1739, %select_n3A_1731 : vector<16x1024xi1>, vector<16x1024xf32>
    %eq3A_1741 = arith.constant 8 : i32
    %eq3A_1742 = vector.broadcast %eq3A_1741 : i32 to vector<1x1024xi32>
    %eq3A_1743 = arith.cmpi eq, %broadcast_in_dim3A_1660, %eq3A_1742 : vector<1x1024xi32>
    %slice3A_1744 = vector.extract_strided_slice %transpose3A_1666 {offsets = [0, 8], sizes = [16, 1], strides = [1, 1]} : vector<16x20xf32> to vector<16x1xf32>
    %broadcast_in_dim3A_1745 = vector.shape_cast %eq3A_1743 : vector<1x1024xi1> to vector<1x1024xi1>
    %broadcast_in_dim3A_1746 = vector.broadcast %broadcast_in_dim3A_1745 : vector<1x1024xi1> to vector<16x1024xi1>
    %broadcast_in_dim3A_1747 = vector.shape_cast %slice3A_1744 : vector<16x1xf32> to vector<16x1xf32>
    %broadcast_in_dim3A_1748 = vector.broadcast %broadcast_in_dim3A_1747 : vector<16x1xf32> to vector<16x1024xf32>
    %select_n3A_1749 = arith.select %broadcast_in_dim3A_1746, %broadcast_in_dim3A_1748, %select_n3A_1740 : vector<16x1024xi1>, vector<16x1024xf32>
    %eq3A_1750 = arith.constant 9 : i32
    %eq3A_1751 = vector.broadcast %eq3A_1750 : i32 to vector<1x1024xi32>
    %eq3A_1752 = arith.cmpi eq, %broadcast_in_dim3A_1660, %eq3A_1751 : vector<1x1024xi32>
    %slice3A_1753 = vector.extract_strided_slice %transpose3A_1666 {offsets = [0, 9], sizes = [16, 1], strides = [1, 1]} : vector<16x20xf32> to vector<16x1xf32>
    %broadcast_in_dim3A_1754 = vector.shape_cast %eq3A_1752 : vector<1x1024xi1> to vector<1x1024xi1>
    %broadcast_in_dim3A_1755 = vector.broadcast %broadcast_in_dim3A_1754 : vector<1x1024xi1> to vector<16x1024xi1>
    %broadcast_in_dim3A_1756 = vector.shape_cast %slice3A_1753 : vector<16x1xf32> to vector<16x1xf32>
    %broadcast_in_dim3A_1757 = vector.broadcast %broadcast_in_dim3A_1756 : vector<16x1xf32> to vector<16x1024xf32>
    %select_n3A_1758 = arith.select %broadcast_in_dim3A_1755, %broadcast_in_dim3A_1757, %select_n3A_1749 : vector<16x1024xi1>, vector<16x1024xf32>
    %eq3A_1759 = arith.constant 10 : i32
    %eq3A_1760 = vector.broadcast %eq3A_1759 : i32 to vector<1x1024xi32>
    %eq3A_1761 = arith.cmpi eq, %broadcast_in_dim3A_1660, %eq3A_1760 : vector<1x1024xi32>
    %slice3A_1762 = vector.extract_strided_slice %transpose3A_1666 {offsets = [0, 10], sizes = [16, 1], strides = [1, 1]} : vector<16x20xf32> to vector<16x1xf32>
    %broadcast_in_dim3A_1763 = vector.shape_cast %eq3A_1761 : vector<1x1024xi1> to vector<1x1024xi1>
    %broadcast_in_dim3A_1764 = vector.broadcast %broadcast_in_dim3A_1763 : vector<1x1024xi1> to vector<16x1024xi1>
    %broadcast_in_dim3A_1765 = vector.shape_cast %slice3A_1762 : vector<16x1xf32> to vector<16x1xf32>
    %broadcast_in_dim3A_1766 = vector.broadcast %broadcast_in_dim3A_1765 : vector<16x1xf32> to vector<16x1024xf32>
    %select_n3A_1767 = arith.select %broadcast_in_dim3A_1764, %broadcast_in_dim3A_1766, %select_n3A_1758 : vector<16x1024xi1>, vector<16x1024xf32>
    %eq3A_1768 = arith.constant 11 : i32
    %eq3A_1769 = vector.broadcast %eq3A_1768 : i32 to vector<1x1024xi32>
    %eq3A_1770 = arith.cmpi eq, %broadcast_in_dim3A_1660, %eq3A_1769 : vector<1x1024xi32>
    %slice3A_1771 = vector.extract_strided_slice %transpose3A_1666 {offsets = [0, 11], sizes = [16, 1], strides = [1, 1]} : vector<16x20xf32> to vector<16x1xf32>
    %broadcast_in_dim3A_1772 = vector.shape_cast %eq3A_1770 : vector<1x1024xi1> to vector<1x1024xi1>
    %broadcast_in_dim3A_1773 = vector.broadcast %broadcast_in_dim3A_1772 : vector<1x1024xi1> to vector<16x1024xi1>
    %broadcast_in_dim3A_1774 = vector.shape_cast %slice3A_1771 : vector<16x1xf32> to vector<16x1xf32>
    %broadcast_in_dim3A_1775 = vector.broadcast %broadcast_in_dim3A_1774 : vector<16x1xf32> to vector<16x1024xf32>
    %select_n3A_1776 = arith.select %broadcast_in_dim3A_1773, %broadcast_in_dim3A_1775, %select_n3A_1767 : vector<16x1024xi1>, vector<16x1024xf32>
    %eq3A_1777 = arith.constant 12 : i32
    %eq3A_1778 = vector.broadcast %eq3A_1777 : i32 to vector<1x1024xi32>
    %eq3A_1779 = arith.cmpi eq, %broadcast_in_dim3A_1660, %eq3A_1778 : vector<1x1024xi32>
    %slice3A_1780 = vector.extract_strided_slice %transpose3A_1666 {offsets = [0, 12], sizes = [16, 1], strides = [1, 1]} : vector<16x20xf32> to vector<16x1xf32>
    %broadcast_in_dim3A_1781 = vector.shape_cast %eq3A_1779 : vector<1x1024xi1> to vector<1x1024xi1>
    %broadcast_in_dim3A_1782 = vector.broadcast %broadcast_in_dim3A_1781 : vector<1x1024xi1> to vector<16x1024xi1>
    %broadcast_in_dim3A_1783 = vector.shape_cast %slice3A_1780 : vector<16x1xf32> to vector<16x1xf32>
    %broadcast_in_dim3A_1784 = vector.broadcast %broadcast_in_dim3A_1783 : vector<16x1xf32> to vector<16x1024xf32>
    %select_n3A_1785 = arith.select %broadcast_in_dim3A_1782, %broadcast_in_dim3A_1784, %select_n3A_1776 : vector<16x1024xi1>, vector<16x1024xf32>
    %eq3A_1786 = arith.constant 13 : i32
    %eq3A_1787 = vector.broadcast %eq3A_1786 : i32 to vector<1x1024xi32>
    %eq3A_1788 = arith.cmpi eq, %broadcast_in_dim3A_1660, %eq3A_1787 : vector<1x1024xi32>
    %slice3A_1789 = vector.extract_strided_slice %transpose3A_1666 {offsets = [0, 13], sizes = [16, 1], strides = [1, 1]} : vector<16x20xf32> to vector<16x1xf32>
    %broadcast_in_dim3A_1790 = vector.shape_cast %eq3A_1788 : vector<1x1024xi1> to vector<1x1024xi1>
    %broadcast_in_dim3A_1791 = vector.broadcast %broadcast_in_dim3A_1790 : vector<1x1024xi1> to vector<16x1024xi1>
    %broadcast_in_dim3A_1792 = vector.shape_cast %slice3A_1789 : vector<16x1xf32> to vector<16x1xf32>
    %broadcast_in_dim3A_1793 = vector.broadcast %broadcast_in_dim3A_1792 : vector<16x1xf32> to vector<16x1024xf32>
    %select_n3A_1794 = arith.select %broadcast_in_dim3A_1791, %broadcast_in_dim3A_1793, %select_n3A_1785 : vector<16x1024xi1>, vector<16x1024xf32>
    %eq3A_1795 = arith.constant 14 : i32
    %eq3A_1796 = vector.broadcast %eq3A_1795 : i32 to vector<1x1024xi32>
    %eq3A_1797 = arith.cmpi eq, %broadcast_in_dim3A_1660, %eq3A_1796 : vector<1x1024xi32>
    %slice3A_1798 = vector.extract_strided_slice %transpose3A_1666 {offsets = [0, 14], sizes = [16, 1], strides = [1, 1]} : vector<16x20xf32> to vector<16x1xf32>
    %broadcast_in_dim3A_1799 = vector.shape_cast %eq3A_1797 : vector<1x1024xi1> to vector<1x1024xi1>
    %broadcast_in_dim3A_1800 = vector.broadcast %broadcast_in_dim3A_1799 : vector<1x1024xi1> to vector<16x1024xi1>
    %broadcast_in_dim3A_1801 = vector.shape_cast %slice3A_1798 : vector<16x1xf32> to vector<16x1xf32>
    %broadcast_in_dim3A_1802 = vector.broadcast %broadcast_in_dim3A_1801 : vector<16x1xf32> to vector<16x1024xf32>
    %select_n3A_1803 = arith.select %broadcast_in_dim3A_1800, %broadcast_in_dim3A_1802, %select_n3A_1794 : vector<16x1024xi1>, vector<16x1024xf32>
    %eq3A_1804 = arith.constant 15 : i32
    %eq3A_1805 = vector.broadcast %eq3A_1804 : i32 to vector<1x1024xi32>
    %eq3A_1806 = arith.cmpi eq, %broadcast_in_dim3A_1660, %eq3A_1805 : vector<1x1024xi32>
    %slice3A_1807 = vector.extract_strided_slice %transpose3A_1666 {offsets = [0, 15], sizes = [16, 1], strides = [1, 1]} : vector<16x20xf32> to vector<16x1xf32>
    %broadcast_in_dim3A_1808 = vector.shape_cast %eq3A_1806 : vector<1x1024xi1> to vector<1x1024xi1>
    %broadcast_in_dim3A_1809 = vector.broadcast %broadcast_in_dim3A_1808 : vector<1x1024xi1> to vector<16x1024xi1>
    %broadcast_in_dim3A_1810 = vector.shape_cast %slice3A_1807 : vector<16x1xf32> to vector<16x1xf32>
    %broadcast_in_dim3A_1811 = vector.broadcast %broadcast_in_dim3A_1810 : vector<16x1xf32> to vector<16x1024xf32>
    %select_n3A_1812 = arith.select %broadcast_in_dim3A_1809, %broadcast_in_dim3A_1811, %select_n3A_1803 : vector<16x1024xi1>, vector<16x1024xf32>
    %eq3A_1813 = arith.constant 16 : i32
    %eq3A_1814 = vector.broadcast %eq3A_1813 : i32 to vector<1x1024xi32>
    %eq3A_1815 = arith.cmpi eq, %broadcast_in_dim3A_1660, %eq3A_1814 : vector<1x1024xi32>
    %slice3A_1816 = vector.extract_strided_slice %transpose3A_1666 {offsets = [0, 16], sizes = [16, 1], strides = [1, 1]} : vector<16x20xf32> to vector<16x1xf32>
    %broadcast_in_dim3A_1817 = vector.shape_cast %eq3A_1815 : vector<1x1024xi1> to vector<1x1024xi1>
    %broadcast_in_dim3A_1818 = vector.broadcast %broadcast_in_dim3A_1817 : vector<1x1024xi1> to vector<16x1024xi1>
    %broadcast_in_dim3A_1819 = vector.shape_cast %slice3A_1816 : vector<16x1xf32> to vector<16x1xf32>
    %broadcast_in_dim3A_1820 = vector.broadcast %broadcast_in_dim3A_1819 : vector<16x1xf32> to vector<16x1024xf32>
    %select_n3A_1821 = arith.select %broadcast_in_dim3A_1818, %broadcast_in_dim3A_1820, %select_n3A_1812 : vector<16x1024xi1>, vector<16x1024xf32>
    %eq3A_1822 = arith.constant 17 : i32
    %eq3A_1823 = vector.broadcast %eq3A_1822 : i32 to vector<1x1024xi32>
    %eq3A_1824 = arith.cmpi eq, %broadcast_in_dim3A_1660, %eq3A_1823 : vector<1x1024xi32>
    %slice3A_1825 = vector.extract_strided_slice %transpose3A_1666 {offsets = [0, 17], sizes = [16, 1], strides = [1, 1]} : vector<16x20xf32> to vector<16x1xf32>
    %broadcast_in_dim3A_1826 = vector.shape_cast %eq3A_1824 : vector<1x1024xi1> to vector<1x1024xi1>
    %broadcast_in_dim3A_1827 = vector.broadcast %broadcast_in_dim3A_1826 : vector<1x1024xi1> to vector<16x1024xi1>
    %broadcast_in_dim3A_1828 = vector.shape_cast %slice3A_1825 : vector<16x1xf32> to vector<16x1xf32>
    %broadcast_in_dim3A_1829 = vector.broadcast %broadcast_in_dim3A_1828 : vector<16x1xf32> to vector<16x1024xf32>
    %select_n3A_1830 = arith.select %broadcast_in_dim3A_1827, %broadcast_in_dim3A_1829, %select_n3A_1821 : vector<16x1024xi1>, vector<16x1024xf32>
    %eq3A_1831 = arith.constant 18 : i32
    %eq3A_1832 = vector.broadcast %eq3A_1831 : i32 to vector<1x1024xi32>
    %eq3A_1833 = arith.cmpi eq, %broadcast_in_dim3A_1660, %eq3A_1832 : vector<1x1024xi32>
    %slice3A_1834 = vector.extract_strided_slice %transpose3A_1666 {offsets = [0, 18], sizes = [16, 1], strides = [1, 1]} : vector<16x20xf32> to vector<16x1xf32>
    %broadcast_in_dim3A_1835 = vector.shape_cast %eq3A_1833 : vector<1x1024xi1> to vector<1x1024xi1>
    %broadcast_in_dim3A_1836 = vector.broadcast %broadcast_in_dim3A_1835 : vector<1x1024xi1> to vector<16x1024xi1>
    %broadcast_in_dim3A_1837 = vector.shape_cast %slice3A_1834 : vector<16x1xf32> to vector<16x1xf32>
    %broadcast_in_dim3A_1838 = vector.broadcast %broadcast_in_dim3A_1837 : vector<16x1xf32> to vector<16x1024xf32>
    %select_n3A_1839 = arith.select %broadcast_in_dim3A_1836, %broadcast_in_dim3A_1838, %select_n3A_1830 : vector<16x1024xi1>, vector<16x1024xf32>
    %eq3A_1840 = arith.constant 19 : i32
    %eq3A_1841 = vector.broadcast %eq3A_1840 : i32 to vector<1x1024xi32>
    %eq3A_1842 = arith.cmpi eq, %broadcast_in_dim3A_1660, %eq3A_1841 : vector<1x1024xi32>
    %slice3A_1843 = vector.extract_strided_slice %transpose3A_1666 {offsets = [0, 19], sizes = [16, 1], strides = [1, 1]} : vector<16x20xf32> to vector<16x1xf32>
    %broadcast_in_dim3A_1844 = vector.shape_cast %eq3A_1842 : vector<1x1024xi1> to vector<1x1024xi1>
    %broadcast_in_dim3A_1845 = vector.broadcast %broadcast_in_dim3A_1844 : vector<1x1024xi1> to vector<16x1024xi1>
    %broadcast_in_dim3A_1846 = vector.shape_cast %slice3A_1843 : vector<16x1xf32> to vector<16x1xf32>
    %broadcast_in_dim3A_1847 = vector.broadcast %broadcast_in_dim3A_1846 : vector<16x1xf32> to vector<16x1024xf32>
    %select_n3A_1848 = arith.select %broadcast_in_dim3A_1845, %broadcast_in_dim3A_1847, %select_n3A_1839 : vector<16x1024xi1>, vector<16x1024xf32>
    %slice3A_1849 = vector.extract_strided_slice %concatenate3A {offsets = [0, 112], sizes = [20, 16], strides = [1, 1]} : vector<20x128xf32> to vector<20x16xf32>
    %convert_element_type3A_1850 = arith.truncf %slice3A_1849 : vector<20x16xf32> to vector<20x16xbf16>
    %slice3A_1851 = vector.extract_strided_slice %get3A_8 {offsets = [0, 112], sizes = [1024, 16], strides = [1, 1]} : vector<1024x128xf32> to vector<1024x16xf32>
    %convert_element_type3A_1852 = arith.truncf %slice3A_1851 : vector<1024x16xf32> to vector<1024x16xbf16>
    %dot_general3A_1853 = arith.constant dense<0.000000e+00> : vector<20x1024xf32>
    %dot_general3A_1854 = tpu.matmul %convert_element_type3A_1850, %convert_element_type3A_1852, %dot_general3A_1853 {dimension_numbers = #tpu.dot_dimension_numbers<[1], [1], [0], [0], [0, 0, 1, 0], [], []>, transpose_lhs_hint = false} : vector<20x16xbf16>, vector<1024x16xbf16>, vector<20x1024xf32> -> vector<20x1024xf32>
    %mul3A_1855 = arith.constant 2.500000e-01 : f32
    %mul3A_1856 = vector.broadcast %mul3A_1855 : f32 to vector<20x1024xf32>
    %mul3A_1857 = arith.mulf %dot_general3A_1854, %mul3A_1856 : vector<20x1024xf32>
    %get3A_1858 = arith.constant 0 : index
    %get3A_1859 = arith.constant 140 : index
    %get3A_1860 = arith.constant 0 : index
    %get3A_1861 = vector.load %arg5[%get3A_1858, %get3A_1859, %get3A_1860] : memref<1x160x1024xf32, #tpu.memory_space<vmem>>, vector<1x20x1024xf32>
    %get3A_1862 = vector.shape_cast %get3A_1861 : vector<1x20x1024xf32> to vector<20x1024xf32>
    %get3A_1863 = arith.constant 0 : index
    %get3A_1864 = arith.constant 140 : index
    %get3A_1865 = arith.constant 0 : index
    %get3A_1866 = vector.load %arg6[%get3A_1863, %get3A_1864, %get3A_1865] : memref<1x160x1024xf32, #tpu.memory_space<vmem>>, vector<1x20x1024xf32>
    %get3A_1867 = vector.shape_cast %get3A_1866 : vector<1x20x1024xf32> to vector<20x1024xf32>
    %ne3A_1868 = arith.constant 0 : i32
    %ne3A_1869 = arith.cmpi ne, %get3A_22, %ne3A_1868 : i32
    %mul3A_1870 = arith.mulf %mul3A_1857, %get3A_1862 : vector<20x1024xf32>
    %select_n3A_1871 = arith.select %ne3A_1869, %mul3A_1870, %mul3A_1857 : vector<20x1024xf32>
    %ne3A_1872 = arith.constant 0 : i32
    %ne3A_1873 = arith.cmpi ne, %get3A_25, %ne3A_1872 : i32
    %mul3A_1874 = arith.mulf %select_n3A_1871, %get3A_1867 : vector<20x1024xf32>
    %select_n3A_1875 = arith.select %ne3A_1873, %mul3A_1874, %select_n3A_1871 : vector<20x1024xf32>
    %reduce_max3A_1876 = arith.constant dense<0xFF800000> : vector<20xf32>
    %reduce_max3A_1877 = vector.multi_reduction <maximumf>, %select_n3A_1875, %reduce_max3A_1876 [1] : vector<20x1024xf32> to vector<20xf32>
    %broadcast_in_dim3A_1878 = vector.shape_cast %reduce_max3A_1877 : vector<20xf32> to vector<20x1xf32>
    %sub3A_1879 = vector.broadcast %broadcast_in_dim3A_1878 : vector<20x1xf32> to vector<20x1024xf32>
    %sub3A_1880 = arith.subf %select_n3A_1875, %sub3A_1879 : vector<20x1024xf32>
    %exp3A_1881 = math.exp %sub3A_1880 : vector<20x1024xf32>
    %reduce_sum3A_1882 = arith.constant dense<0.000000e+00> : vector<20xf32>
    %reduce_sum3A_1883 = vector.multi_reduction <add>, %exp3A_1881, %reduce_sum3A_1882 [1] : vector<20x1024xf32> to vector<20xf32>
    %broadcast_in_dim3A_1884 = vector.shape_cast %reduce_sum3A_1883 : vector<20xf32> to vector<20x1xf32>
    %div3A_1885 = vector.broadcast %broadcast_in_dim3A_1884 : vector<20x1xf32> to vector<20x1024xf32>
    %div3A_1886 = arith.divf %exp3A_1881, %div3A_1885 : vector<20x1024xf32>
    %reduce_max3A_1887 = arith.constant dense<0xFF800000> : vector<1024xf32>
    %reduce_max3A_1888 = vector.multi_reduction <maximumf>, %div3A_1886, %reduce_max3A_1887 [0] : vector<20x1024xf32> to vector<1024xf32>
    %broadcast_in_dim3A_1889 = vector.shape_cast %reduce_max3A_1888 : vector<1024xf32> to vector<1x1024xf32>
    %eq3A_1890 = vector.broadcast %broadcast_in_dim3A_1889 : vector<1x1024xf32> to vector<20x1024xf32>
    %eq3A_1891 = arith.cmpf oeq, %div3A_1886, %eq3A_1890 : vector<20x1024xf32>
    %jit3A_1892 = arith.constant 20 : i32
    %broadcast_in_dim3A_1893 = vector.broadcast %jit3A_1892 : i32 to vector<20x1024xi32>
    %select_n3A_1894 = arith.select %eq3A_1891, %iota3A_19, %broadcast_in_dim3A_1893 : vector<20x1024xi1>, vector<20x1024xi32>
    %reduce_min3A_1895 = arith.constant dense<2147483647> : vector<1024xi32>
    %reduce_min3A_1896 = vector.multi_reduction <minsi>, %select_n3A_1894, %reduce_min3A_1895 [0] : vector<20x1024xi32> to vector<1024xi32>
    %broadcast_in_dim3A_1897 = vector.shape_cast %reduce_min3A_1896 : vector<1024xi32> to vector<1x1024xi32>
    %convert_element_type3A_1898 = arith.truncf %div3A_1886 : vector<20x1024xf32> to vector<20x1024xbf16>
    %slice3A_1899 = vector.extract_strided_slice %get3A_13 {offsets = [0, 112], sizes = [1024, 16], strides = [1, 1]} : vector<1024x128xf32> to vector<1024x16xf32>
    %convert_element_type3A_1900 = arith.truncf %slice3A_1899 : vector<1024x16xf32> to vector<1024x16xbf16>
    %dot_general3A_1901 = arith.constant dense<0.000000e+00> : vector<20x16xf32>
    %dot_general3A_1902 = tpu.matmul %convert_element_type3A_1898, %convert_element_type3A_1900, %dot_general3A_1901 {dimension_numbers = #tpu.dot_dimension_numbers<[1], [0], [0], [1], [0, 0, 1, 1], [], []>, transpose_lhs_hint = false} : vector<20x1024xbf16>, vector<1024x16xbf16>, vector<20x16xf32> -> vector<20x16xf32>
    %transpose3A_1903 = tpu.transpose %dot_general3A_1902, [1, 0] : vector<20x16xf32> -> vector<16x20xf32>
    %broadcast_in_dim3A_1904 = arith.constant 0.000000e+00 : f32
    %broadcast_in_dim3A_1905 = vector.broadcast %broadcast_in_dim3A_1904 : f32 to vector<16x1024xf32>
    %eq3A_1906 = arith.constant 0 : i32
    %eq3A_1907 = vector.broadcast %eq3A_1906 : i32 to vector<1x1024xi32>
    %eq3A_1908 = arith.cmpi eq, %broadcast_in_dim3A_1897, %eq3A_1907 : vector<1x1024xi32>
    %slice3A_1909 = vector.extract_strided_slice %transpose3A_1903 {offsets = [0, 0], sizes = [16, 1], strides = [1, 1]} : vector<16x20xf32> to vector<16x1xf32>
    %broadcast_in_dim3A_1910 = vector.shape_cast %eq3A_1908 : vector<1x1024xi1> to vector<1x1024xi1>
    %broadcast_in_dim3A_1911 = vector.broadcast %broadcast_in_dim3A_1910 : vector<1x1024xi1> to vector<16x1024xi1>
    %broadcast_in_dim3A_1912 = vector.shape_cast %slice3A_1909 : vector<16x1xf32> to vector<16x1xf32>
    %broadcast_in_dim3A_1913 = vector.broadcast %broadcast_in_dim3A_1912 : vector<16x1xf32> to vector<16x1024xf32>
    %select_n3A_1914 = arith.select %broadcast_in_dim3A_1911, %broadcast_in_dim3A_1913, %broadcast_in_dim3A_1905 : vector<16x1024xi1>, vector<16x1024xf32>
    %eq3A_1915 = arith.constant 1 : i32
    %eq3A_1916 = vector.broadcast %eq3A_1915 : i32 to vector<1x1024xi32>
    %eq3A_1917 = arith.cmpi eq, %broadcast_in_dim3A_1897, %eq3A_1916 : vector<1x1024xi32>
    %slice3A_1918 = vector.extract_strided_slice %transpose3A_1903 {offsets = [0, 1], sizes = [16, 1], strides = [1, 1]} : vector<16x20xf32> to vector<16x1xf32>
    %broadcast_in_dim3A_1919 = vector.shape_cast %eq3A_1917 : vector<1x1024xi1> to vector<1x1024xi1>
    %broadcast_in_dim3A_1920 = vector.broadcast %broadcast_in_dim3A_1919 : vector<1x1024xi1> to vector<16x1024xi1>
    %broadcast_in_dim3A_1921 = vector.shape_cast %slice3A_1918 : vector<16x1xf32> to vector<16x1xf32>
    %broadcast_in_dim3A_1922 = vector.broadcast %broadcast_in_dim3A_1921 : vector<16x1xf32> to vector<16x1024xf32>
    %select_n3A_1923 = arith.select %broadcast_in_dim3A_1920, %broadcast_in_dim3A_1922, %select_n3A_1914 : vector<16x1024xi1>, vector<16x1024xf32>
    %eq3A_1924 = arith.constant 2 : i32
    %eq3A_1925 = vector.broadcast %eq3A_1924 : i32 to vector<1x1024xi32>
    %eq3A_1926 = arith.cmpi eq, %broadcast_in_dim3A_1897, %eq3A_1925 : vector<1x1024xi32>
    %slice3A_1927 = vector.extract_strided_slice %transpose3A_1903 {offsets = [0, 2], sizes = [16, 1], strides = [1, 1]} : vector<16x20xf32> to vector<16x1xf32>
    %broadcast_in_dim3A_1928 = vector.shape_cast %eq3A_1926 : vector<1x1024xi1> to vector<1x1024xi1>
    %broadcast_in_dim3A_1929 = vector.broadcast %broadcast_in_dim3A_1928 : vector<1x1024xi1> to vector<16x1024xi1>
    %broadcast_in_dim3A_1930 = vector.shape_cast %slice3A_1927 : vector<16x1xf32> to vector<16x1xf32>
    %broadcast_in_dim3A_1931 = vector.broadcast %broadcast_in_dim3A_1930 : vector<16x1xf32> to vector<16x1024xf32>
    %select_n3A_1932 = arith.select %broadcast_in_dim3A_1929, %broadcast_in_dim3A_1931, %select_n3A_1923 : vector<16x1024xi1>, vector<16x1024xf32>
    %eq3A_1933 = arith.constant 3 : i32
    %eq3A_1934 = vector.broadcast %eq3A_1933 : i32 to vector<1x1024xi32>
    %eq3A_1935 = arith.cmpi eq, %broadcast_in_dim3A_1897, %eq3A_1934 : vector<1x1024xi32>
    %slice3A_1936 = vector.extract_strided_slice %transpose3A_1903 {offsets = [0, 3], sizes = [16, 1], strides = [1, 1]} : vector<16x20xf32> to vector<16x1xf32>
    %broadcast_in_dim3A_1937 = vector.shape_cast %eq3A_1935 : vector<1x1024xi1> to vector<1x1024xi1>
    %broadcast_in_dim3A_1938 = vector.broadcast %broadcast_in_dim3A_1937 : vector<1x1024xi1> to vector<16x1024xi1>
    %broadcast_in_dim3A_1939 = vector.shape_cast %slice3A_1936 : vector<16x1xf32> to vector<16x1xf32>
    %broadcast_in_dim3A_1940 = vector.broadcast %broadcast_in_dim3A_1939 : vector<16x1xf32> to vector<16x1024xf32>
    %select_n3A_1941 = arith.select %broadcast_in_dim3A_1938, %broadcast_in_dim3A_1940, %select_n3A_1932 : vector<16x1024xi1>, vector<16x1024xf32>
    %eq3A_1942 = arith.constant 4 : i32
    %eq3A_1943 = vector.broadcast %eq3A_1942 : i32 to vector<1x1024xi32>
    %eq3A_1944 = arith.cmpi eq, %broadcast_in_dim3A_1897, %eq3A_1943 : vector<1x1024xi32>
    %slice3A_1945 = vector.extract_strided_slice %transpose3A_1903 {offsets = [0, 4], sizes = [16, 1], strides = [1, 1]} : vector<16x20xf32> to vector<16x1xf32>
    %broadcast_in_dim3A_1946 = vector.shape_cast %eq3A_1944 : vector<1x1024xi1> to vector<1x1024xi1>
    %broadcast_in_dim3A_1947 = vector.broadcast %broadcast_in_dim3A_1946 : vector<1x1024xi1> to vector<16x1024xi1>
    %broadcast_in_dim3A_1948 = vector.shape_cast %slice3A_1945 : vector<16x1xf32> to vector<16x1xf32>
    %broadcast_in_dim3A_1949 = vector.broadcast %broadcast_in_dim3A_1948 : vector<16x1xf32> to vector<16x1024xf32>
    %select_n3A_1950 = arith.select %broadcast_in_dim3A_1947, %broadcast_in_dim3A_1949, %select_n3A_1941 : vector<16x1024xi1>, vector<16x1024xf32>
    %eq3A_1951 = arith.constant 5 : i32
    %eq3A_1952 = vector.broadcast %eq3A_1951 : i32 to vector<1x1024xi32>
    %eq3A_1953 = arith.cmpi eq, %broadcast_in_dim3A_1897, %eq3A_1952 : vector<1x1024xi32>
    %slice3A_1954 = vector.extract_strided_slice %transpose3A_1903 {offsets = [0, 5], sizes = [16, 1], strides = [1, 1]} : vector<16x20xf32> to vector<16x1xf32>
    %broadcast_in_dim3A_1955 = vector.shape_cast %eq3A_1953 : vector<1x1024xi1> to vector<1x1024xi1>
    %broadcast_in_dim3A_1956 = vector.broadcast %broadcast_in_dim3A_1955 : vector<1x1024xi1> to vector<16x1024xi1>
    %broadcast_in_dim3A_1957 = vector.shape_cast %slice3A_1954 : vector<16x1xf32> to vector<16x1xf32>
    %broadcast_in_dim3A_1958 = vector.broadcast %broadcast_in_dim3A_1957 : vector<16x1xf32> to vector<16x1024xf32>
    %select_n3A_1959 = arith.select %broadcast_in_dim3A_1956, %broadcast_in_dim3A_1958, %select_n3A_1950 : vector<16x1024xi1>, vector<16x1024xf32>
    %eq3A_1960 = arith.constant 6 : i32
    %eq3A_1961 = vector.broadcast %eq3A_1960 : i32 to vector<1x1024xi32>
    %eq3A_1962 = arith.cmpi eq, %broadcast_in_dim3A_1897, %eq3A_1961 : vector<1x1024xi32>
    %slice3A_1963 = vector.extract_strided_slice %transpose3A_1903 {offsets = [0, 6], sizes = [16, 1], strides = [1, 1]} : vector<16x20xf32> to vector<16x1xf32>
    %broadcast_in_dim3A_1964 = vector.shape_cast %eq3A_1962 : vector<1x1024xi1> to vector<1x1024xi1>
    %broadcast_in_dim3A_1965 = vector.broadcast %broadcast_in_dim3A_1964 : vector<1x1024xi1> to vector<16x1024xi1>
    %broadcast_in_dim3A_1966 = vector.shape_cast %slice3A_1963 : vector<16x1xf32> to vector<16x1xf32>
    %broadcast_in_dim3A_1967 = vector.broadcast %broadcast_in_dim3A_1966 : vector<16x1xf32> to vector<16x1024xf32>
    %select_n3A_1968 = arith.select %broadcast_in_dim3A_1965, %broadcast_in_dim3A_1967, %select_n3A_1959 : vector<16x1024xi1>, vector<16x1024xf32>
    %eq3A_1969 = arith.constant 7 : i32
    %eq3A_1970 = vector.broadcast %eq3A_1969 : i32 to vector<1x1024xi32>
    %eq3A_1971 = arith.cmpi eq, %broadcast_in_dim3A_1897, %eq3A_1970 : vector<1x1024xi32>
    %slice3A_1972 = vector.extract_strided_slice %transpose3A_1903 {offsets = [0, 7], sizes = [16, 1], strides = [1, 1]} : vector<16x20xf32> to vector<16x1xf32>
    %broadcast_in_dim3A_1973 = vector.shape_cast %eq3A_1971 : vector<1x1024xi1> to vector<1x1024xi1>
    %broadcast_in_dim3A_1974 = vector.broadcast %broadcast_in_dim3A_1973 : vector<1x1024xi1> to vector<16x1024xi1>
    %broadcast_in_dim3A_1975 = vector.shape_cast %slice3A_1972 : vector<16x1xf32> to vector<16x1xf32>
    %broadcast_in_dim3A_1976 = vector.broadcast %broadcast_in_dim3A_1975 : vector<16x1xf32> to vector<16x1024xf32>
    %select_n3A_1977 = arith.select %broadcast_in_dim3A_1974, %broadcast_in_dim3A_1976, %select_n3A_1968 : vector<16x1024xi1>, vector<16x1024xf32>
    %eq3A_1978 = arith.constant 8 : i32
    %eq3A_1979 = vector.broadcast %eq3A_1978 : i32 to vector<1x1024xi32>
    %eq3A_1980 = arith.cmpi eq, %broadcast_in_dim3A_1897, %eq3A_1979 : vector<1x1024xi32>
    %slice3A_1981 = vector.extract_strided_slice %transpose3A_1903 {offsets = [0, 8], sizes = [16, 1], strides = [1, 1]} : vector<16x20xf32> to vector<16x1xf32>
    %broadcast_in_dim3A_1982 = vector.shape_cast %eq3A_1980 : vector<1x1024xi1> to vector<1x1024xi1>
    %broadcast_in_dim3A_1983 = vector.broadcast %broadcast_in_dim3A_1982 : vector<1x1024xi1> to vector<16x1024xi1>
    %broadcast_in_dim3A_1984 = vector.shape_cast %slice3A_1981 : vector<16x1xf32> to vector<16x1xf32>
    %broadcast_in_dim3A_1985 = vector.broadcast %broadcast_in_dim3A_1984 : vector<16x1xf32> to vector<16x1024xf32>
    %select_n3A_1986 = arith.select %broadcast_in_dim3A_1983, %broadcast_in_dim3A_1985, %select_n3A_1977 : vector<16x1024xi1>, vector<16x1024xf32>
    %eq3A_1987 = arith.constant 9 : i32
    %eq3A_1988 = vector.broadcast %eq3A_1987 : i32 to vector<1x1024xi32>
    %eq3A_1989 = arith.cmpi eq, %broadcast_in_dim3A_1897, %eq3A_1988 : vector<1x1024xi32>
    %slice3A_1990 = vector.extract_strided_slice %transpose3A_1903 {offsets = [0, 9], sizes = [16, 1], strides = [1, 1]} : vector<16x20xf32> to vector<16x1xf32>
    %broadcast_in_dim3A_1991 = vector.shape_cast %eq3A_1989 : vector<1x1024xi1> to vector<1x1024xi1>
    %broadcast_in_dim3A_1992 = vector.broadcast %broadcast_in_dim3A_1991 : vector<1x1024xi1> to vector<16x1024xi1>
    %broadcast_in_dim3A_1993 = vector.shape_cast %slice3A_1990 : vector<16x1xf32> to vector<16x1xf32>
    %broadcast_in_dim3A_1994 = vector.broadcast %broadcast_in_dim3A_1993 : vector<16x1xf32> to vector<16x1024xf32>
    %select_n3A_1995 = arith.select %broadcast_in_dim3A_1992, %broadcast_in_dim3A_1994, %select_n3A_1986 : vector<16x1024xi1>, vector<16x1024xf32>
    %eq3A_1996 = arith.constant 10 : i32
    %eq3A_1997 = vector.broadcast %eq3A_1996 : i32 to vector<1x1024xi32>
    %eq3A_1998 = arith.cmpi eq, %broadcast_in_dim3A_1897, %eq3A_1997 : vector<1x1024xi32>
    %slice3A_1999 = vector.extract_strided_slice %transpose3A_1903 {offsets = [0, 10], sizes = [16, 1], strides = [1, 1]} : vector<16x20xf32> to vector<16x1xf32>
    %broadcast_in_dim3A_2000 = vector.shape_cast %eq3A_1998 : vector<1x1024xi1> to vector<1x1024xi1>
    %broadcast_in_dim3A_2001 = vector.broadcast %broadcast_in_dim3A_2000 : vector<1x1024xi1> to vector<16x1024xi1>
    %broadcast_in_dim3A_2002 = vector.shape_cast %slice3A_1999 : vector<16x1xf32> to vector<16x1xf32>
    %broadcast_in_dim3A_2003 = vector.broadcast %broadcast_in_dim3A_2002 : vector<16x1xf32> to vector<16x1024xf32>
    %select_n3A_2004 = arith.select %broadcast_in_dim3A_2001, %broadcast_in_dim3A_2003, %select_n3A_1995 : vector<16x1024xi1>, vector<16x1024xf32>
    %eq3A_2005 = arith.constant 11 : i32
    %eq3A_2006 = vector.broadcast %eq3A_2005 : i32 to vector<1x1024xi32>
    %eq3A_2007 = arith.cmpi eq, %broadcast_in_dim3A_1897, %eq3A_2006 : vector<1x1024xi32>
    %slice3A_2008 = vector.extract_strided_slice %transpose3A_1903 {offsets = [0, 11], sizes = [16, 1], strides = [1, 1]} : vector<16x20xf32> to vector<16x1xf32>
    %broadcast_in_dim3A_2009 = vector.shape_cast %eq3A_2007 : vector<1x1024xi1> to vector<1x1024xi1>
    %broadcast_in_dim3A_2010 = vector.broadcast %broadcast_in_dim3A_2009 : vector<1x1024xi1> to vector<16x1024xi1>
    %broadcast_in_dim3A_2011 = vector.shape_cast %slice3A_2008 : vector<16x1xf32> to vector<16x1xf32>
    %broadcast_in_dim3A_2012 = vector.broadcast %broadcast_in_dim3A_2011 : vector<16x1xf32> to vector<16x1024xf32>
    %select_n3A_2013 = arith.select %broadcast_in_dim3A_2010, %broadcast_in_dim3A_2012, %select_n3A_2004 : vector<16x1024xi1>, vector<16x1024xf32>
    %eq3A_2014 = arith.constant 12 : i32
    %eq3A_2015 = vector.broadcast %eq3A_2014 : i32 to vector<1x1024xi32>
    %eq3A_2016 = arith.cmpi eq, %broadcast_in_dim3A_1897, %eq3A_2015 : vector<1x1024xi32>
    %slice3A_2017 = vector.extract_strided_slice %transpose3A_1903 {offsets = [0, 12], sizes = [16, 1], strides = [1, 1]} : vector<16x20xf32> to vector<16x1xf32>
    %broadcast_in_dim3A_2018 = vector.shape_cast %eq3A_2016 : vector<1x1024xi1> to vector<1x1024xi1>
    %broadcast_in_dim3A_2019 = vector.broadcast %broadcast_in_dim3A_2018 : vector<1x1024xi1> to vector<16x1024xi1>
    %broadcast_in_dim3A_2020 = vector.shape_cast %slice3A_2017 : vector<16x1xf32> to vector<16x1xf32>
    %broadcast_in_dim3A_2021 = vector.broadcast %broadcast_in_dim3A_2020 : vector<16x1xf32> to vector<16x1024xf32>
    %select_n3A_2022 = arith.select %broadcast_in_dim3A_2019, %broadcast_in_dim3A_2021, %select_n3A_2013 : vector<16x1024xi1>, vector<16x1024xf32>
    %eq3A_2023 = arith.constant 13 : i32
    %eq3A_2024 = vector.broadcast %eq3A_2023 : i32 to vector<1x1024xi32>
    %eq3A_2025 = arith.cmpi eq, %broadcast_in_dim3A_1897, %eq3A_2024 : vector<1x1024xi32>
    %slice3A_2026 = vector.extract_strided_slice %transpose3A_1903 {offsets = [0, 13], sizes = [16, 1], strides = [1, 1]} : vector<16x20xf32> to vector<16x1xf32>
    %broadcast_in_dim3A_2027 = vector.shape_cast %eq3A_2025 : vector<1x1024xi1> to vector<1x1024xi1>
    %broadcast_in_dim3A_2028 = vector.broadcast %broadcast_in_dim3A_2027 : vector<1x1024xi1> to vector<16x1024xi1>
    %broadcast_in_dim3A_2029 = vector.shape_cast %slice3A_2026 : vector<16x1xf32> to vector<16x1xf32>
    %broadcast_in_dim3A_2030 = vector.broadcast %broadcast_in_dim3A_2029 : vector<16x1xf32> to vector<16x1024xf32>
    %select_n3A_2031 = arith.select %broadcast_in_dim3A_2028, %broadcast_in_dim3A_2030, %select_n3A_2022 : vector<16x1024xi1>, vector<16x1024xf32>
    %eq3A_2032 = arith.constant 14 : i32
    %eq3A_2033 = vector.broadcast %eq3A_2032 : i32 to vector<1x1024xi32>
    %eq3A_2034 = arith.cmpi eq, %broadcast_in_dim3A_1897, %eq3A_2033 : vector<1x1024xi32>
    %slice3A_2035 = vector.extract_strided_slice %transpose3A_1903 {offsets = [0, 14], sizes = [16, 1], strides = [1, 1]} : vector<16x20xf32> to vector<16x1xf32>
    %broadcast_in_dim3A_2036 = vector.shape_cast %eq3A_2034 : vector<1x1024xi1> to vector<1x1024xi1>
    %broadcast_in_dim3A_2037 = vector.broadcast %broadcast_in_dim3A_2036 : vector<1x1024xi1> to vector<16x1024xi1>
    %broadcast_in_dim3A_2038 = vector.shape_cast %slice3A_2035 : vector<16x1xf32> to vector<16x1xf32>
    %broadcast_in_dim3A_2039 = vector.broadcast %broadcast_in_dim3A_2038 : vector<16x1xf32> to vector<16x1024xf32>
    %select_n3A_2040 = arith.select %broadcast_in_dim3A_2037, %broadcast_in_dim3A_2039, %select_n3A_2031 : vector<16x1024xi1>, vector<16x1024xf32>
    %eq3A_2041 = arith.constant 15 : i32
    %eq3A_2042 = vector.broadcast %eq3A_2041 : i32 to vector<1x1024xi32>
    %eq3A_2043 = arith.cmpi eq, %broadcast_in_dim3A_1897, %eq3A_2042 : vector<1x1024xi32>
    %slice3A_2044 = vector.extract_strided_slice %transpose3A_1903 {offsets = [0, 15], sizes = [16, 1], strides = [1, 1]} : vector<16x20xf32> to vector<16x1xf32>
    %broadcast_in_dim3A_2045 = vector.shape_cast %eq3A_2043 : vector<1x1024xi1> to vector<1x1024xi1>
    %broadcast_in_dim3A_2046 = vector.broadcast %broadcast_in_dim3A_2045 : vector<1x1024xi1> to vector<16x1024xi1>
    %broadcast_in_dim3A_2047 = vector.shape_cast %slice3A_2044 : vector<16x1xf32> to vector<16x1xf32>
    %broadcast_in_dim3A_2048 = vector.broadcast %broadcast_in_dim3A_2047 : vector<16x1xf32> to vector<16x1024xf32>
    %select_n3A_2049 = arith.select %broadcast_in_dim3A_2046, %broadcast_in_dim3A_2048, %select_n3A_2040 : vector<16x1024xi1>, vector<16x1024xf32>
    %eq3A_2050 = arith.constant 16 : i32
    %eq3A_2051 = vector.broadcast %eq3A_2050 : i32 to vector<1x1024xi32>
    %eq3A_2052 = arith.cmpi eq, %broadcast_in_dim3A_1897, %eq3A_2051 : vector<1x1024xi32>
    %slice3A_2053 = vector.extract_strided_slice %transpose3A_1903 {offsets = [0, 16], sizes = [16, 1], strides = [1, 1]} : vector<16x20xf32> to vector<16x1xf32>
    %broadcast_in_dim3A_2054 = vector.shape_cast %eq3A_2052 : vector<1x1024xi1> to vector<1x1024xi1>
    %broadcast_in_dim3A_2055 = vector.broadcast %broadcast_in_dim3A_2054 : vector<1x1024xi1> to vector<16x1024xi1>
    %broadcast_in_dim3A_2056 = vector.shape_cast %slice3A_2053 : vector<16x1xf32> to vector<16x1xf32>
    %broadcast_in_dim3A_2057 = vector.broadcast %broadcast_in_dim3A_2056 : vector<16x1xf32> to vector<16x1024xf32>
    %select_n3A_2058 = arith.select %broadcast_in_dim3A_2055, %broadcast_in_dim3A_2057, %select_n3A_2049 : vector<16x1024xi1>, vector<16x1024xf32>
    %eq3A_2059 = arith.constant 17 : i32
    %eq3A_2060 = vector.broadcast %eq3A_2059 : i32 to vector<1x1024xi32>
    %eq3A_2061 = arith.cmpi eq, %broadcast_in_dim3A_1897, %eq3A_2060 : vector<1x1024xi32>
    %slice3A_2062 = vector.extract_strided_slice %transpose3A_1903 {offsets = [0, 17], sizes = [16, 1], strides = [1, 1]} : vector<16x20xf32> to vector<16x1xf32>
    %broadcast_in_dim3A_2063 = vector.shape_cast %eq3A_2061 : vector<1x1024xi1> to vector<1x1024xi1>
    %broadcast_in_dim3A_2064 = vector.broadcast %broadcast_in_dim3A_2063 : vector<1x1024xi1> to vector<16x1024xi1>
    %broadcast_in_dim3A_2065 = vector.shape_cast %slice3A_2062 : vector<16x1xf32> to vector<16x1xf32>
    %broadcast_in_dim3A_2066 = vector.broadcast %broadcast_in_dim3A_2065 : vector<16x1xf32> to vector<16x1024xf32>
    %select_n3A_2067 = arith.select %broadcast_in_dim3A_2064, %broadcast_in_dim3A_2066, %select_n3A_2058 : vector<16x1024xi1>, vector<16x1024xf32>
    %eq3A_2068 = arith.constant 18 : i32
    %eq3A_2069 = vector.broadcast %eq3A_2068 : i32 to vector<1x1024xi32>
    %eq3A_2070 = arith.cmpi eq, %broadcast_in_dim3A_1897, %eq3A_2069 : vector<1x1024xi32>
    %slice3A_2071 = vector.extract_strided_slice %transpose3A_1903 {offsets = [0, 18], sizes = [16, 1], strides = [1, 1]} : vector<16x20xf32> to vector<16x1xf32>
    %broadcast_in_dim3A_2072 = vector.shape_cast %eq3A_2070 : vector<1x1024xi1> to vector<1x1024xi1>
    %broadcast_in_dim3A_2073 = vector.broadcast %broadcast_in_dim3A_2072 : vector<1x1024xi1> to vector<16x1024xi1>
    %broadcast_in_dim3A_2074 = vector.shape_cast %slice3A_2071 : vector<16x1xf32> to vector<16x1xf32>
    %broadcast_in_dim3A_2075 = vector.broadcast %broadcast_in_dim3A_2074 : vector<16x1xf32> to vector<16x1024xf32>
    %select_n3A_2076 = arith.select %broadcast_in_dim3A_2073, %broadcast_in_dim3A_2075, %select_n3A_2067 : vector<16x1024xi1>, vector<16x1024xf32>
    %eq3A_2077 = arith.constant 19 : i32
    %eq3A_2078 = vector.broadcast %eq3A_2077 : i32 to vector<1x1024xi32>
    %eq3A_2079 = arith.cmpi eq, %broadcast_in_dim3A_1897, %eq3A_2078 : vector<1x1024xi32>
    %slice3A_2080 = vector.extract_strided_slice %transpose3A_1903 {offsets = [0, 19], sizes = [16, 1], strides = [1, 1]} : vector<16x20xf32> to vector<16x1xf32>
    %broadcast_in_dim3A_2081 = vector.shape_cast %eq3A_2079 : vector<1x1024xi1> to vector<1x1024xi1>
    %broadcast_in_dim3A_2082 = vector.broadcast %broadcast_in_dim3A_2081 : vector<1x1024xi1> to vector<16x1024xi1>
    %broadcast_in_dim3A_2083 = vector.shape_cast %slice3A_2080 : vector<16x1xf32> to vector<16x1xf32>
    %broadcast_in_dim3A_2084 = vector.broadcast %broadcast_in_dim3A_2083 : vector<16x1xf32> to vector<16x1024xf32>
    %select_n3A_2085 = arith.select %broadcast_in_dim3A_2082, %broadcast_in_dim3A_2084, %select_n3A_2076 : vector<16x1024xi1>, vector<16x1024xf32>
    %concatenate3A_2086 = tpu.concatenate %select_n3A_426, %select_n3A_663, %select_n3A_900, %select_n3A_1137, %select_n3A_1374, %select_n3A_1611, %select_n3A_1848, %select_n3A_2085 in 0 : vector<16x1024xf32>, vector<16x1024xf32>, vector<16x1024xf32>, vector<16x1024xf32>, vector<16x1024xf32>, vector<16x1024xf32>, vector<16x1024xf32>, vector<16x1024xf32> -> vector<128x1024xf32>
    %transpose3A_2087 = tpu.transpose %concatenate3A_2086, [1, 0] : vector<128x1024xf32> -> vector<1024x128xf32>
    %convert_element_type3A_2088 = arith.truncf %transpose3A_2087 : vector<1024x128xf32> to vector<1024x128xbf16>
    %get3A_2089 = arith.constant 0 : index
    %get3A_2090 = arith.constant 0 : index
    %get3A_2091 = vector.load %arg9[%get3A_2089, %get3A_2090] : memref<128x128xf32, #tpu.memory_space<vmem>>, vector<128x128xf32>
    %convert_element_type3A_2092 = arith.truncf %get3A_2091 : vector<128x128xf32> to vector<128x128xbf16>
    %dot_general3A_2093 = arith.constant dense<0.000000e+00> : vector<1024x128xf32>
    %dot_general3A_2094 = tpu.matmul %convert_element_type3A_2088, %convert_element_type3A_2092, %dot_general3A_2093 {dimension_numbers = #tpu.dot_dimension_numbers<[1], [1], [0], [0], [0, 0, 1, 0], [], []>, transpose_lhs_hint = false} : vector<1024x128xbf16>, vector<128x128xbf16>, vector<1024x128xf32> -> vector<1024x128xf32>
    %get3A_2095 = arith.constant 0 : index
    %get3A_2096 = arith.constant 0 : index
    %get3A_2097 = vector.load %arg10[%get3A_2095, %get3A_2096] : memref<1x128xf32, #tpu.memory_space<vmem>>, vector<1x128xf32>
    %add3A = vector.broadcast %get3A_2097 : vector<1x128xf32> to vector<1024x128xf32>
    %add3A_2098 = arith.addf %dot_general3A_2094, %add3A : vector<1024x128xf32>
    %reduce_sum3A_2099 = arith.constant dense<0.000000e+00> : vector<1024xf32>
    %reduce_sum3A_2100 = vector.multi_reduction <add>, %add3A_2098, %reduce_sum3A_2099 [1] : vector<1024x128xf32> to vector<1024xf32>
    %broadcast_in_dim3A_2101 = vector.shape_cast %reduce_sum3A_2100 : vector<1024xf32> to vector<1024x1xf32>
    %div3A_2102 = arith.constant 1.280000e+02 : f32
    %div3A_2103 = vector.broadcast %div3A_2102 : f32 to vector<1024x1xf32>
    %div3A_2104 = arith.divf %broadcast_in_dim3A_2101, %div3A_2103 : vector<1024x1xf32>
    %sub3A_2105 = vector.broadcast %div3A_2104 : vector<1024x1xf32> to vector<1024x128xf32>
    %sub3A_2106 = arith.subf %add3A_2098, %sub3A_2105 : vector<1024x128xf32>
    %integer_pow3A = arith.mulf %sub3A_2106, %sub3A_2106 : vector<1024x128xf32>
    %reduce_sum3A_2107 = arith.constant dense<0.000000e+00> : vector<1024xf32>
    %reduce_sum3A_2108 = vector.multi_reduction <add>, %integer_pow3A, %reduce_sum3A_2107 [1] : vector<1024x128xf32> to vector<1024xf32>
    %broadcast_in_dim3A_2109 = vector.shape_cast %reduce_sum3A_2108 : vector<1024xf32> to vector<1024x1xf32>
    %div3A_2110 = arith.constant 1.280000e+02 : f32
    %div3A_2111 = vector.broadcast %div3A_2110 : f32 to vector<1024x1xf32>
    %div3A_2112 = arith.divf %broadcast_in_dim3A_2109, %div3A_2111 : vector<1024x1xf32>
    %sub3A_2113 = vector.broadcast %div3A_2104 : vector<1024x1xf32> to vector<1024x128xf32>
    %sub3A_2114 = arith.subf %add3A_2098, %sub3A_2113 : vector<1024x128xf32>
    %add3A_2115 = arith.constant 9.99999974E-6 : f32
    %add3A_2116 = vector.broadcast %add3A_2115 : f32 to vector<1024x1xf32>
    %add3A_2117 = arith.addf %div3A_2112, %add3A_2116 : vector<1024x1xf32>
    %sqrt3A = math.sqrt %add3A_2117 : vector<1024x1xf32>
    %div3A_2118 = vector.broadcast %sqrt3A : vector<1024x1xf32> to vector<1024x128xf32>
    %div3A_2119 = arith.divf %sub3A_2114, %div3A_2118 : vector<1024x128xf32>
    %get3A_2120 = arith.constant 0 : index
    %get3A_2121 = arith.constant 0 : index
    %get3A_2122 = vector.load %arg11[%get3A_2120, %get3A_2121] : memref<1x128xf32, #tpu.memory_space<vmem>>, vector<1x128xf32>
    %mul3A_2123 = vector.broadcast %get3A_2122 : vector<1x128xf32> to vector<1024x128xf32>
    %mul3A_2124 = arith.mulf %div3A_2119, %mul3A_2123 : vector<1024x128xf32>
    %get3A_2125 = arith.constant 0 : index
    %get3A_2126 = arith.constant 0 : index
    %get3A_2127 = vector.load %arg12[%get3A_2125, %get3A_2126] : memref<1x128xf32, #tpu.memory_space<vmem>>, vector<1x128xf32>
    %add3A_2128 = vector.broadcast %get3A_2127 : vector<1x128xf32> to vector<1024x128xf32>
    %add3A_2129 = arith.addf %mul3A_2124, %add3A_2128 : vector<1024x128xf32>
    %convert_element_type3A_2130 = arith.truncf %add3A_2129 : vector<1024x128xf32> to vector<1024x128xbf16>
    %get3A_2131 = arith.constant 0 : index
    %get3A_2132 = arith.constant 0 : index
    %get3A_2133 = vector.load %arg13[%get3A_2131, %get3A_2132] : memref<128x128xf32, #tpu.memory_space<vmem>>, vector<128x128xf32>
    %convert_element_type3A_2134 = arith.truncf %get3A_2133 : vector<128x128xf32> to vector<128x128xbf16>
    %dot_general3A_2135 = arith.constant dense<0.000000e+00> : vector<1024x128xf32>
    %dot_general3A_2136 = tpu.matmul %convert_element_type3A_2130, %convert_element_type3A_2134, %dot_general3A_2135 {dimension_numbers = #tpu.dot_dimension_numbers<[1], [1], [0], [0], [0, 0, 1, 0], [], []>, transpose_lhs_hint = false} : vector<1024x128xbf16>, vector<128x128xbf16>, vector<1024x128xf32> -> vector<1024x128xf32>
    %get3A_2137 = arith.constant 0 : index
    %get3A_2138 = arith.constant 0 : index
    %get3A_2139 = vector.load %arg14[%get3A_2137, %get3A_2138] : memref<1x128xf32, #tpu.memory_space<vmem>>, vector<1x128xf32>
    %add3A_2140 = vector.broadcast %get3A_2139 : vector<1x128xf32> to vector<1024x128xf32>
    %add3A_2141 = arith.addf %dot_general3A_2136, %add3A_2140 : vector<1024x128xf32>
    %swap3A = arith.constant 0 : index
    %swap3A_2142 = arith.constant 0 : index
    %swap3A_2143 = arith.constant 0 : index
    %swap3A_2144 = vector.load %arg15[%swap3A, %swap3A_2142, %swap3A_2143] : memref<1x1024x128xf32, #tpu.memory_space<vmem>>, vector<1x1024x128xf32>
    %swap3A_2145 = vector.shape_cast %swap3A_2144 : vector<1x1024x128xf32> to vector<1024x128xf32>
    %swap3A_2146 = vector.shape_cast %add3A_2141 : vector<1024x128xf32> to vector<1x1024x128xf32>
    tpu.vector_store %arg15[%swap3A, %swap3A_2142, %swap3A_2143], %swap3A_2146 {strides = array<i32>} : memref<1x1024x128xf32, #tpu.memory_space<vmem>>, vector<1x1024x128xf32>,
    return
  }
  func.func @transform_0(%arg0: i32) -> (i32, i32, i32) {
    %c0_i32 = arith.constant 0 : i32
    %c0_i32_0 = arith.constant 0 : i32
    %c0_i32_1 = arith.constant 0 : i32
    return %arg0, %c0_i32, %c0_i32_0 : i32, i32, i32
  }
  func.func @transform_1(%arg0: i32) -> (i32, i32, i32) {
    %c0_i32 = arith.constant 0 : i32
    %c0_i32_0 = arith.constant 0 : i32
    %c0_i32_1 = arith.constant 0 : i32
    return %arg0, %c0_i32, %c0_i32_0 : i32, i32, i32
  }
  func.func @transform_2(%arg0: i32) -> (i32, i32, i32) {
    %c0_i32 = arith.constant 0 : i32
    %c0_i32_0 = arith.constant 0 : i32
    %c0_i32_1 = arith.constant 0 : i32
    return %arg0, %c0_i32, %c0_i32_0 : i32, i32, i32
  }
  func.func @transform_3(%arg0: i32) -> (i32, i32, i32) {
    %c0_i32 = arith.constant 0 : i32
    %c0_i32_0 = arith.constant 0 : i32
    %c0_i32_1 = arith.constant 0 : i32
    return %arg0, %c0_i32, %c0_i32_0 : i32, i32, i32
  }
  func.func @transform_4(%arg0: i32) -> (i32, i32, i32) {
    %c0_i32 = arith.constant 0 : i32
    %c0_i32_0 = arith.constant 0 : i32
    %c0_i32_1 = arith.constant 0 : i32
    return %arg0, %c0_i32, %c0_i32_0 : i32, i32, i32
  }
  func.func @transform_5(%arg0: i32) -> (i32, i32, i32) {
    %c0_i32 = arith.constant 0 : i32
    %c0_i32_0 = arith.constant 0 : i32
    %c0_i32_1 = arith.constant 0 : i32
    return %arg0, %c0_i32, %c0_i32_0 : i32, i32, i32
  }
  func.func @transform_6(%arg0: i32) -> (i32, i32) {
    %c0_i32 = arith.constant 0 : i32
    %c0_i32_0 = arith.constant 0 : i32
    %c0_i32_1 = arith.constant 0 : i32
    return %c0_i32, %c0_i32_0 : i32, i32
  }
  func.func @transform_7(%arg0: i32) -> (i32, i32) {
    %c0_i32 = arith.constant 0 : i32
    %c0_i32_0 = arith.constant 0 : i32
    %c0_i32_1 = arith.constant 0 : i32
    return %c0_i32, %c0_i32_0 : i32, i32
  }
  func.func @transform_8(%arg0: i32) -> (i32, i32) {
    %c0_i32 = arith.constant 0 : i32
    %c0_i32_0 = arith.constant 0 : i32
    %c0_i32_1 = arith.constant 0 : i32
    return %c0_i32, %c0_i32_0 : i32, i32
  }
  func.func @transform_9(%arg0: i32) -> (i32, i32) {
    %c0_i32 = arith.constant 0 : i32
    %c0_i32_0 = arith.constant 0 : i32
    %c0_i32_1 = arith.constant 0 : i32
    return %c0_i32, %c0_i32_0 : i32, i32
  }
  func.func @transform_10(%arg0: i32) -> (i32, i32) {
    %c0_i32 = arith.constant 0 : i32
    %c0_i32_0 = arith.constant 0 : i32
    %c0_i32_1 = arith.constant 0 : i32
    return %c0_i32, %c0_i32_0 : i32, i32
  }
  func.func @transform_11(%arg0: i32) -> (i32, i32) {
    %c0_i32 = arith.constant 0 : i32
    %c0_i32_0 = arith.constant 0 : i32
    %c0_i32_1 = arith.constant 0 : i32
    return %c0_i32, %c0_i32_0 : i32, i32
  }
  func.func @transform_12(%arg0: i32) -> (i32, i32) {
    %c0_i32 = arith.constant 0 : i32
    %c0_i32_0 = arith.constant 0 : i32
    %c0_i32_1 = arith.constant 0 : i32
    return %c0_i32, %c0_i32_0 : i32, i32
  }
  func.func @transform_13(%arg0: i32) -> (i32, i32) {
    %c0_i32 = arith.constant 0 : i32
    %c0_i32_0 = arith.constant 0 : i32
    %c0_i32_1 = arith.constant 0 : i32
    return %c0_i32, %c0_i32_0 : i32, i32
  }
  func.func @transform_14(%arg0: i32) -> (i32, i32, i32) {
    %c0_i32 = arith.constant 0 : i32
    %c0_i32_0 = arith.constant 0 : i32
    %c0_i32_1 = arith.constant 0 : i32
    return %arg0, %c0_i32, %c0_i32_0 : i32, i32, i32
  }
}

</mosaic_0001>

<sc_bundles>
// kernel: kernel.5.cloned.1.call-start
scs
__scs_entry_jumppad:
0x0: {  	(pc) =	sbr.rel $0x88, $3  }
0x1: {  	(tag) =	ssettag $0x0;
	lr =	simm.s32 $0x1  }
0x2: {  	[smem:$0x3F89] =	sst lr;
	_ =	strace $0xD0000000  }
0x3: {  	_ = 	snop  }
0x4: {  	_ = 	snop  }
0x5: {  	_ = 	snop  }
0x6: {  	_ = 	snop  }
0x7: {  	_ = 	snop  }
__scs_overlays_trampoline_lowered:
0x8: {  	[smem:$0x3F98] =	sst s0  }
0x9: {  	[smem:$0x3F99] =	sst s1  }
0xa: {  	[smem:$0x3F9A] =	sst s2  }
0xb: {  	[smem:$0x3F9B] =	sst s3  }
0xc: {  	[smem:$0x3F9C] =	sst s4  }
0xd: {  	[smem:$0x3F9D] =	sst s5  }
0xe: {  	[smem:$0x3F9E] =	sst s6  }
0xf: {  	[smem:$0x3F9F] =	sst s7  }
0x10: {  	[smem:$0x3FA0] =	sst s8  }
0x11: {  	[smem:$0x3FA1] =	sst s9;
	s0 =	simm.s32 @!p0 $0x0  }
0x12: {  	s1 =	sld [smem:$0x3F87];
	s0 =	simm.s32 @p0 $0x1  }
0x13: {  	[smem:$0x3FA2] =	sst s0;
	s0 =	simm.s32 @!p1 $0x0  }
0x14: {  	s2 =	sld [smem:$0x3F86];
	s0 =	simm.s32 @p1 $0x1  }
0x15: {  	[smem:$0x3FA3] =	sst s0;
	s0 =	simm.s32 @!p2 $0x0  }
0x16: {  	s3 =	sld [smem:$0x3FDB];
	s0 =	simm.s32 @p2 $0x1  }
0x17: {  	s4 =	simm.s32 $0x1BF5;
	[smem:$0x3FA5] =	sst s0  }
0x18: {  	s0 =	sld [smem:$0x3F88];
	_ =	swait.ge [sflag:s4], $0x0  }
0x19: {  	s7 =	sld [smem:$0x3F89]  }
0x1a: {  	s8 =	sadd.s32 $0xFFFFE003, lr  }
0x1b: {  	s9 =	sadd.s32 $0xFFFFFEF7, lr;
	s5 =	simm.s32 $0xFFFFFFFF;
	p2 =	slt.u32 s8, $0xFFFFF086  }
0x1c: {  	p1 =	slt.u32 s9, $0xF7A;
	s5 =	simm.s32 @!p2 $0x0  }
0x1d: {  	s5 =	simm.s32 @p1 $0x1;
	p0 =	seq.s32 s7, s2  }
0x1e: {  	s7 =	smul.u32 @!p0 $0xF7A, s2;
	p2 =	seq.s32 @!p0 s5, $0x0  }
0x1f: {  	s9 =	smul.u32 $0xF7A, s1;
	s8 =	simm.s32 @!p0 $0x1BF5;
	p2 =	por !p2, p0  }
0x20: {  	[sflag:s8] =	ssyncset.s32 @!p0 $0xFFFFF086;
	s6 =	sadd.s32 @!p0 s3, s7;
	s7 =	simm.s32 @!p0 $0x108  }
0x21: {  	s3 =	sadd.s32 s3, s9;
	s6 =	sadd.s32 @!p0 $0x88, s6;
	s7 =	simm.s32 @p2 $0x1082  }
0x22: {  	[simem:s7], [sflag:s8] =	dma.local @!p0 [hbm:s6], $0xF7A  }
0x23: {  	s9 =	sor.u32 $0xD0000000, s2;
	s6 =	simm.s32 $0x108;
	_ =	swait.ge @!p0 [sflag:s8], $0x0  }
0x24: {  	s3 =	sadd.s32 $0x88, s3;
	s6 =	simm.s32 @!p1 $0x1082;
	[sflag:s4] =	ssyncset.s32 $0xFFFFF086  }
0x25: {  	[simem:s6], [sflag:s4] =	dma.local [hbm:s3], $0xF7A  }
0x26: {  	[smem:$0x3F89] =	sst s1;
	(tag) =	ssettag s2;
	_ =	strace s9  }
0x27: {  	s1 =	sld [smem:$0x3F99]  }
0x28: {  	s2 =	sld [smem:$0x3F9A]  }
0x29: {  	s4 =	sld [smem:$0x3F9C]  }
0x2a: {  	p0 =	seq.s32 s5, $0x0;
	s5 =	sld [smem:$0x3F9D]  }
0x2b: {  	s6 =	sld [smem:$0x3F9E]  }
0x2c: {  	s7 =	sld [smem:$0x3F9F]  }
0x2d: {  	s3 =	simm.s32 $0x108;
	s8 =	sld [smem:$0x3FA0]  }
0x2e: {  	s3 =	simm.s32 @!p0 $0x1082;
	s9 =	sld [smem:$0x3FA1]  }
0x2f: {  	lr =	sadd.s32 s0, s3;
	s0 =	sld [smem:$0x3F98]  }
0x30: {  	s3 =	sld [smem:$0x3F9B]  }
0x31: {  	[smem:$0x3FA4] =	sst s10  }
0x32: {  	s10 =	sld [smem:$0x3FA2];
	_ =	sdelay $0x3  }
0x33: {  	p0 =	seq.s32 s10, $0x1;
	s10 =	sld [smem:$0x3FA4];
	_ =	sdelay $0x3  }
0x34: {  	[smem:$0x3FA4] =	sst s10  }
0x35: {  	s10 =	sld [smem:$0x3FA3];
	_ =	sdelay $0x3  }
0x36: {  	p1 =	seq.s32 s10, $0x1;
	s10 =	sld [smem:$0x3FA4];
	_ =	sdelay $0x3  }
0x37: {  	[smem:$0x3FA4] =	sst s10  }
0x38: {  	s10 =	sld [smem:$0x3FA5]  }
0x39: {  	_ = 	snop;
	(pc) =	sbr.ind lr, $3  }
0x3a: {  	_ = 	snop  }
0x3b: {  	_ = 	snop  }
0x3c: {  	p2 =	seq.s32 s10, $0x1;
	s10 =	sld [smem:$0x3FA4]  }
0x3d: {  	_ =	shalt  }
0x3e: {  	_ =	shalt  }
0x3f: {  	_ =	shalt  }
0x40: {  	_ =	shalt  }
0x41: {  	_ =	shalt  }
0x42: {  	_ =	shalt  }
0x43: {  	_ =	shalt  }
0x44: {  	_ =	shalt  }
0x45: {  	_ =	shalt  }
0x46: {  	_ =	shalt  }
0x47: {  	_ =	shalt  }
0x48: {  	_ =	shalt  }
0x49: {  	_ =	shalt  }
0x4a: {  	_ =	shalt  }
0x4b: {  	_ =	shalt  }
0x4c: {  	_ =	shalt  }
0x4d: {  	_ =	shalt  }
0x4e: {  	_ =	shalt  }
0x4f: {  	_ =	shalt  }
0x50: {  	_ =	shalt  }
0x51: {  	_ =	shalt  }
0x52: {  	_ =	shalt  }
0x53: {  	_ =	shalt  }
0x54: {  	_ =	shalt  }
0x55: {  	_ =	shalt  }
0x56: {  	_ =	shalt  }
0x57: {  	_ =	shalt  }
0x58: {  	_ =	shalt  }
0x59: {  	_ =	shalt  }
0x5a: {  	_ =	shalt  }
0x5b: {  	_ =	shalt  }
0x5c: {  	_ =	shalt  }
0x5d: {  	_ =	shalt  }
0x5e: {  	_ =	shalt  }
0x5f: {  	_ =	shalt  }
0x60: {  	_ =	shalt  }
0x61: {  	_ =	shalt  }
0x62: {  	_ =	shalt  }
0x63: {  	_ =	shalt  }
0x64: {  	_ =	shalt  }
0x65: {  	_ =	shalt  }
0x66: {  	_ =	shalt  }
0x67: {  	_ =	shalt  }
0x68: {  	_ =	shalt  }
0x69: {  	_ =	shalt  }
0x6a: {  	_ =	shalt  }
0x6b: {  	_ =	shalt  }
0x6c: {  	_ =	shalt  }
0x6d: {  	_ =	shalt  }
0x6e: {  	_ =	shalt  }
0x6f: {  	_ =	shalt  }
0x70: {  	_ =	shalt  }
0x71: {  	_ =	shalt  }
0x72: {  	_ =	shalt  }
0x73: {  	_ =	shalt  }
0x74: {  	_ =	shalt  }
0x75: {  	_ =	shalt  }
0x76: {  	_ =	shalt  }
0x77: {  	_ =	shalt  }
0x78: {  	_ =	shalt  }
0x79: {  	_ =	shalt  }
0x7a: {  	_ =	shalt  }
0x7b: {  	_ =	shalt  }
0x7c: {  	_ =	shalt  }
0x7d: {  	_ =	shalt  }
0x7e: {  	_ =	shalt  }
0x7f: {  	_ =	shalt  }
0x80: {  	_ =	shalt  }
0x81: {  	_ =	shalt  }
0x82: {  	_ =	shalt  }
0x83: {  	_ =	shalt  }
0x84: {  	_ =	shalt  }
0x85: {  	_ =	shalt  }
0x86: {  	_ =	shalt  }
0x87: {  	_ =	shalt  }
.Lfunc_end0:
.L_simem_size_0:
called_computation.1_lowered:
.L_overlay_start_0:
0x88: {  	s2 =	sld [smem:$0x3FD9]  }
0x89: {  	s3 =	sld [smem:$0x3FFE];
	_ =	sdelay $0x1  }
0x8a: {  	s1 =	srdreg.scid  }
0x8b: {  	s0 =	sand.u32 $0x1, s1  }
0x8c: {  	s17 =	sshll.u32 s0, $0xA;
	s2 =	sadd.s32 s3, s2  }
0x8d: {  	s2 =	sadd.s32 s2, s17  }
0x8e: {  	[smem:$0x3FB0] =	sst s2  }
0x8f: {  	_ = 	snop  }
0x90: {  	s2 =	sld [smem:$0x3FC1]  }
0x91: {  	s18 =	sld [smem:$0x3FC0];
	(tm) =	ssettm $0x1  }
0x92: {  	s4 =	sld [smem:$0x3FFB];
	_ =	sdelay $0x3  }
0x93: {  	_ =	strace s4  }
0x94: {  	s4 =	sld [smem:$0x3FFC];
	_ =	sdelay $0x3  }
0x95: {  	_ =	strace s4  }
0x96: {  	s4 =	sld [smem:$0x3FFD];
	_ =	sdelay $0x3  }
0x97: {  	_ =	strace s4  }
0x98: {  	_ =	strace $0x8FFFFFFF  }
0x99: {  	s19 =	sld [smem:$0x3FDB];
	_ =	sdelay $0x1  }
0x9a: {  	s5 =	simm.s32 $_scs_section_size  }
0x9b: {  	s6 =	simm.s32 $_size__tile_overlayer_lowered;
	s7 =	simm.s32 $_tile_overlayer_lowered  }
0x9c: {  	s22 =	simm.s32 $0x1BFF;
	s21 =	sshll.u32 s7, $0x1;
	s4 =	sadd.s32 s5, s19  }
0x9d: {  	s8 =	simm.s32 $0x0;
	s20 =	sshll.u32 s6, $0x1;
	s6 =	sadd.s32 s21, s4  }
0x9e: {  	[timem:s8], [sflag:s22] =	dma.local [hbm:s6], s20  }
0x9f: {  	_ =	swait.ge [sflag:s22], s20  }
0xa0: {  	s5 =	ssub.s32 $0x0, s20;
	[sflag:s22] =	ssyncset.done $0x0  }
0xa1: {  	[sflag:s22] =	ssyncadd.s32 s5;
	_ =	sdelay $0x1  }
0xa2: {  	s23 =	simm.s32 $0x1B8B  }
0xa3: {  	_ =	swait.ge [sflag:s23], $0x1  }
0xa4: {  	[sflag:s23] =	ssyncset.done $0x0  }
0xa5: {  	s25 =	simm.s32 $0x1B8E;
	s24 =	sld [smem:$0x3FFE];
	[sflag:s23] =	ssyncadd.s32 $0xFFFFFFFF  }
0xa6: {  	s26 =	simm.s32 $execute0_lowered;
	[smem:$0x3FD2] =	sst s25  }
0xa7: {  	s6 =	sshll.u32 s26, $0x1;
	_ =	strace $0x80000049;
	[dreg:$0x1] =	wrdreg $0xFFFFFFFF  }
0xa8: {  	s28 =	simm.s32 $_size_execute0_lowered;
	s4 =	sadd.s32 s4, s6;
	[dreg:$0x0] =	wrdreg $0x0  }
0xa9: {  	s6 =	sshll.u32 s28, $0x1;
	[dreg:$0x2] =	wrdreg s4  }
0xaa: {  	[dreg:$0x3] =	wrdreg s6  }
0xab: {  	[dreg:$0x4] =	wrdreg $0xC0  }
0xac: {  	_ =	task [dreg:s8], $0x5FFFF  }
0xad: {  	[dreg:$0x1] =	wrdreg $0xFFFFFFFF  }
0xae: {  	[dreg:$0x0] =	wrdreg $0x60  }
0xaf: {  	[dreg:$0x2] =	wrdreg s24  }
0xb0: {  	[dreg:$0x3] =	wrdreg s2  }
0xb1: {  	[dreg:$0x4] =	wrdreg s18  }
0xb2: {  	[dreg:$0x5] =	wrdreg $0x9  }
0xb3: {  	_ =	task.clear_ibuf [dreg:s8], $0x6FFFF;
	_ =	strace $0x90000049  }
0xb4: {  	s29 =	simm.s32 $0x9;
	_ =	strace $0x8000004B  }
0xb5: {  	_ =	swait.ge [sflag:s29], $0x1  }
0xb6: {  	[sflag:s29] =	ssyncadd.s32 $0xFFFFFFFF  }
0xb7: {  	_ =	strace $0x9000004B  }
0xb8: {  	_ =	sfence  }
0xb9: {  	s30 =	sld [smem:$0x0];
	_ =	sdelay $0x2  }
0xba: {  	s31 =	sshll.u32 s1, $0xD;
	s1 =	sshrl.u32 s1, $0x2  }
0xbb: {  	s3 =	sand.u32 $0x4000, s31;
	s1 =	sadd.s32 s1, s30  }
0xbc: {  	s0 =	sor.u32 s3, s0;
	s1 =	sshll.u32 s1, $0x11  }
0xbd: {  	s0 =	sor.u32 s1, s0  }
0xbe: {  	s0 =	sadd.s32 $0x8F2B, s0  }
0xbf: {  	[sflag:s0] =	ssyncadd.remote.s32 $0x1  }
0xc0: {  	_ =	sfence.sel $0xFFFF  }
0xc1: {  	[dreg:$0x0] =	wrdreg $0xFFFFFFFF;
	(pc) =	sbr.abs _section_cstart, $3  }
0xc2: {  	[dreg:$0x1] =	wrdreg $0xFFFFFFFF  }
0xc3: {  	_ =	task.clear_ibuf [dreg:s8], $0x2FFFF;
	_ =	strace $0x9FFFFFFF  }
0xc4: {  	(tm) =	ssettm $0x7FFFFFFF  }
0xc5: {  	_ =	shalt  }
tec
execute0_lowered:
.L_overlay_start_1:
0x0: {  	(tag) =	ssettag $0x1  }
0x1: {  	s0 =	rddreg [dreg:$0x0]  }
0x2: {  	s2 =	rddreg [dreg:$0x1]  }
0x3: {  	s3 =	rddreg [dreg:$0x2];
	s5 =	srdreg.scid  }
0x4: {  	s1 =	stileid.u32;
	s4 =	simm.s32 $0x0;
	s28 =	simm.s32 $0x4080  }
0x5: {  	s29 =	simm.s32 $0x4880;
	s30 =	simm.s32 $0x5080;
	s31 =	simm.s32 $0x5880  }
0x6: {  	s5 =	sand.u32 $0x1, s5;
	s6 =	sshll.u32 s1, $0x1;
	[smem:$0x7FF] =	sst s4  }
0x7: {  	s13 =	sadd.s32 $0x6C400, s0;
	s15 =	sadd.s32 $0x6C600, s0;
	s14 =	sadd.s32 $0x6C800, s0  }
0x8: {  	s0 =	sadd.s32 $0xE4800, s0;
	s6 =	sor.u32 s5, s6;
	s5 =	ssub.s32 $0x2, s5  }
0x9: {  	_ =	strace $0x8000004A;
	s11 =	smul.u32 $0x78, s6;
	s7 =	sshrl.u32 s5, $0x1  }
0xa: {  	s9 =	smul.u32 $0x3C00, s6;
	s6 =	sadd.s32 $0x200, s2;
	s17 =	ssub.s32 s5, s7  }
0xb: {  	s5 =	sadd.s32 $0x100, s2;
	s7 =	sadd.s32 $0x300, s2;
	s8 =	sshrl.u32 s11, $0x3  }
0xc: {  	s24 =	sadd.s32 s14, s9;
	s10 =	sadd.s32 $0x18, s11;
	s9 =	sadd.s32 s0, s9  }
0xd: {  	s26 =	sadd.s32 $0x30, s11;
	s20 =	sadd.s32 $0x48, s11;
	s17 =	smax.u32 s17, $0x1  }
0xe: {  	s23 =	sadd.s32 s13, s8;
	[dreg:$0x5] =	wrdreg s24;
	s8 =	sadd.s32 s15, s8  }
0xf: {  	s12 =	sshrl.u32 s10, $0x3;
	[dreg:$0x7] =	wrdreg s9;
	s10 =	sshll.u32 s10, $0x7  }
0x10: {  	s9 =	sadd.s32 $0x200, s3;
	s1 =	sshrl.u32 s26, $0x3;
	[dreg:$0x4] =	wrdreg s23  }
0x11: {  	s22 =	sshrl.u32 s20, $0x3;
	[dreg:$0x6] =	wrdreg s8;
	s16 =	sadd.s32 s13, s12  }
0x12: {  	s8 =	sadd.s32 $0x100, s3;
	s25 =	sadd.s32 s14, s10;
	[dreg:$0x8] =	wrdreg s16  }
0x13: {  	s12 =	sadd.s32 s15, s12;
	s10 =	sadd.s32 s0, s10;
	[dreg:$0x9] =	wrdreg s25  }
0x14: {  	s18 =	sadd.s32 s13, s1;
	s23 =	sadd.s32 s13, s22;
	[dreg:$0xa] =	wrdreg s12  }
0x15: {  	[dreg:$0xb] =	wrdreg s10;
	s16 =	sshll.u32 s26, $0x7;
	s10 =	sadd.s32 $0x300, s3  }
0x16: {  	[dreg:$0xc] =	wrdreg s18;
	s12 =	sadd.s32 s15, s1;
	s18 =	sshll.u32 s20, $0x7  }
0x17: {  	[dreg:$0x10] =	wrdreg s23;
	s20 =	simm.s32 $0x880;
	s23 =	simm.s32 $0x2080  }
0x18: {  	s19 =	sadd.s32 s14, s16;
	[dreg:$0xe] =	wrdreg s12;
	s21 =	sadd.s32 s0, s16  }
0x19: {  	s24 =	sadd.s32 s14, s18;
	s12 =	sadd.s32 s0, s18;
	[dreg:$0xd] =	wrdreg s19  }
0x1a: {  	s18 =	simm.s32 $0x2;
	[dreg:$0xf] =	wrdreg s21;
	s19 =	sadd.s32 $0x60, s11  }
0x1b: {  	[dreg:$0x11] =	wrdreg s24;
	s11 =	sadd.s32 s15, s22;
	s21 =	simm.s32 $0x1080  }
0x1c: {  	s22 =	simm.s32 $0x1880;
	s24 =	simm.s32 $0x2880;
	s25 =	sshrl.u32 s19, $0x3  }
0x1d: {  	v2 =	vlaneseq.u32;
	s26 =	sshll.u32 s19, $0x7;
	s19 =	simm.s32 $0x80;
	s13 =	sadd.s32 s13, s25  }
0x1e: {  	vm0 =	vmmov $0xffff;
	v1 =	vshrl.u32 v2, $0x3;
	s14 =	sadd.s32 s14, s26;
	s15 =	sadd.s32 s15, s25;
	s16 =	sadd.s32 s0, s26  }
0x1f: {  	v0 =	vand.u32 $0x7, v2;
	v2 =	vor.u32 $0x8, v2;
	v1 =	vmul.u32 $0x8, v1;
	s25 =	simm.s32 $0x3080;
	s26 =	simm.s32 $0x3880;
	s0 =	simm.s32 $0x1  }
.LBB2_1:
0x20: {  	s1 =	rddreg [dreg:$0x4]  }
0x21: {  	[tilespmem:s4], [sflag:$0x2] =	stream.linear.gather [hbm4b:s1+s4], $0x18, $0x38;
	[tilespmem:$0x6080] =	vst v63  }
0x22: {  	_ =	swait.ge [sflag:s18], $0x18  }
0x23: {  	[sflag:s18] =	ssyncset.done $0x0  }
0x24: {  	[sflag:s18] =	ssyncadd.s32 $0xFFFFFFE8  }
0x25: {  	v3 =	vld [tilespmem:$0x0];
	_ =	sdelay $0x4  }
0x26: {  	v4 =	vshll.u32 v3, $0x3  }
0x27: {  	v3 =	vand.u32 $0x7, v3;
	v4 =	vand.u32 $0xFFFFFFC0, v4  }
0x28: {  	v3 =	vor.u32 v3, v4  }
0x29: {  	v4 =	vperm.xlane v3, v0;
	_ =	sdelay $0x1  }
0x2a: {  	v4 =	vadd.s32 v1, v4;
	_ =	sdelay $0x4  }
0x2b: {  	[tilespmem:s19], [sflag:$0x1] =	stream.indirect_vreg.gather [hbm4b:s2+s4], $0x80, v4, vm0, $0xb8;
	[tilespmem:$0x6080] =	vst v63  }
0x2c: {  	v3 =	vperm.xlane v3, v2  }
0x2d: {  	[tilespmem:s20], [sflag:$0x1] =	stream.indirect_vreg.gather [hbm4b:s5+s4], $0x80, v4, vm0, $0xb8;
	[tilespmem:$0x6080] =	vst v63  }
0x2e: {  	v3 =	vadd.s32 v1, v3  }
0x2f: {  	[tilespmem:s21], [sflag:$0x1] =	stream.indirect_vreg.gather [hbm4b:s6+s4], $0x80, v4, vm0, $0xb8;
	[tilespmem:$0x6080] =	vst v63  }
0x30: {  	_ = 	snop  }
0x31: {  	[tilespmem:s22], [sflag:$0x1] =	stream.indirect_vreg.gather [hbm4b:s7+s4], $0x80, v4, vm0, $0xb8;
	[tilespmem:$0x6080] =	vst v63  }
0x32: {  	_ = 	snop  }
0x33: {  	[tilespmem:s23], [sflag:$0x1] =	stream.indirect_vreg.gather [hbm4b:s2+s4], $0x80, v3, vm0, $0xb8;
	[tilespmem:$0x6080] =	vst v63  }
0x34: {  	_ = 	snop  }
0x35: {  	[tilespmem:s24], [sflag:$0x1] =	stream.indirect_vreg.gather [hbm4b:s5+s4], $0x80, v3, vm0, $0xb8;
	[tilespmem:$0x6080] =	vst v63  }
0x36: {  	_ = 	snop  }
0x37: {  	[tilespmem:s25], [sflag:$0x1] =	stream.indirect_vreg.gather [hbm4b:s6+s4], $0x80, v3, vm0, $0xb8;
	[tilespmem:$0x6080] =	vst v63  }
0x38: {  	_ = 	snop  }
0x39: {  	[tilespmem:s26], [sflag:$0x1] =	stream.indirect_vreg.gather [hbm4b:s7+s4], $0x80, v3, vm0, $0xb8;
	[tilespmem:$0x6080] =	vst v63  }
0x3a: {  	v3 =	vld.msk [tilespmem:$0x10], $0xff;
	_ =	sdelay $0x4  }
0x3b: {  	v45 =	vshll.u32 v3, $0x3  }
0x3c: {  	v3 =	vand.u32 $0x7, v3;
	v4 =	vand.u32 $0xFFFFFFC0, v45  }
0x3d: {  	v3 =	vor.u32 v3, v4  }
0x3e: {  	v3 =	vperm.xlane v3, v0;
	_ =	sdelay $0x1  }
0x3f: {  	v3 =	vadd.s32 v1, v3;
	_ =	sdelay $0x4  }
0x40: {  	[tilespmem:s28], [sflag:$0x1] =	stream.indirect_vreg.gather [hbm4b:s2+s4], $0x80, v3, vm0, $0xb8;
	[tilespmem:$0x6080] =	vst v63  }
0x41: {  	_ = 	snop  }
0x42: {  	[tilespmem:s29], [sflag:$0x1] =	stream.indirect_vreg.gather [hbm4b:s5+s4], $0x80, v3, vm0, $0xb8;
	[tilespmem:$0x6080] =	vst v63  }
0x43: {  	_ = 	snop  }
0x44: {  	[tilespmem:s30], [sflag:$0x1] =	stream.indirect_vreg.gather [hbm4b:s6+s4], $0x80, v3, vm0, $0xb8;
	[tilespmem:$0x6080] =	vst v63  }
0x45: {  	_ = 	snop  }
0x46: {  	[tilespmem:s31], [sflag:$0x1] =	stream.indirect_vreg.gather [hbm4b:s7+s4], $0x80, v3, vm0, $0xb8;
	[tilespmem:$0x6080] =	vst v63  }
0x47: {  	_ =	swait.ge [sflag:s0], $0x6000  }
0x48: {  	[sflag:s0] =	ssyncset.done $0x0  }
0x49: {  	s1 =	rddreg [dreg:$0x5];
	[sflag:s0] =	ssyncadd.s32 $0xFFFFA000  }
0x4a: {  	[hbm4b:s1+s4] =	stream.linear.scatter [tilespmem:s19], [sflag:$0x2], $0x6000, $0x38;
	[tilespmem:$0x6080] =	vst v63  }
0x4b: {  	_ =	swait.ge [sflag:s18], $0x6000  }
0x4c: {  	[sflag:s18] =	ssyncset.done $0x0  }
0x4d: {  	s1 =	rddreg [dreg:$0x6];
	[sflag:s18] =	ssyncadd.s32 $0xFFFFA000  }
0x4e: {  	[tilespmem:s4], [sflag:$0x2] =	stream.linear.gather [hbm4b:s1+s4], $0x18, $0x38;
	[tilespmem:$0x6080] =	vst v63  }
0x4f: {  	_ =	swait.ge [sflag:s18], $0x18  }
0x50: {  	[sflag:s18] =	ssyncset.done $0x0  }
0x51: {  	[sflag:s18] =	ssyncadd.s32 $0xFFFFFFE8  }
0x52: {  	v3 =	vld [tilespmem:$0x0];
	_ =	sdelay $0x4  }
0x53: {  	v46 =	vshll.u32 v3, $0x3  }
0x54: {  	v3 =	vand.u32 $0x7, v3;
	v4 =	vand.u32 $0xFFFFFFC0, v46  }
0x55: {  	v3 =	vor.u32 v3, v4  }
0x56: {  	v4 =	vperm.xlane v3, v0;
	_ =	sdelay $0x1  }
0x57: {  	v4 =	vadd.s32 v1, v4;
	_ =	sdelay $0x4  }
0x58: {  	[tilespmem:s19], [sflag:$0x1] =	stream.indirect_vreg.gather [hbm4b:s3+s4], $0x80, v4, vm0, $0xb8;
	[tilespmem:$0x6080] =	vst v63  }
0x59: {  	v3 =	vperm.xlane v3, v2  }
0x5a: {  	[tilespmem:s20], [sflag:$0x1] =	stream.indirect_vreg.gather [hbm4b:s8+s4], $0x80, v4, vm0, $0xb8;
	[tilespmem:$0x6080] =	vst v63  }
0x5b: {  	v3 =	vadd.s32 v1, v3  }
0x5c: {  	[tilespmem:s21], [sflag:$0x1] =	stream.indirect_vreg.gather [hbm4b:s9+s4], $0x80, v4, vm0, $0xb8;
	[tilespmem:$0x6080] =	vst v63  }
0x5d: {  	_ = 	snop  }
0x5e: {  	[tilespmem:s22], [sflag:$0x1] =	stream.indirect_vreg.gather [hbm4b:s10+s4], $0x80, v4, vm0, $0xb8;
	[tilespmem:$0x6080] =	vst v63  }
0x5f: {  	_ = 	snop  }
0x60: {  	[tilespmem:s23], [sflag:$0x1] =	stream.indirect_vreg.gather [hbm4b:s3+s4], $0x80, v3, vm0, $0xb8;
	[tilespmem:$0x6080] =	vst v63  }
0x61: {  	_ = 	snop  }
0x62: {  	[tilespmem:s24], [sflag:$0x1] =	stream.indirect_vreg.gather [hbm4b:s8+s4], $0x80, v3, vm0, $0xb8;
	[tilespmem:$0x6080] =	vst v63  }
0x63: {  	_ = 	snop  }
0x64: {  	[tilespmem:s25], [sflag:$0x1] =	stream.indirect_vreg.gather [hbm4b:s9+s4], $0x80, v3, vm0, $0xb8;
	[tilespmem:$0x6080] =	vst v63  }
0x65: {  	_ = 	snop  }
0x66: {  	[tilespmem:s26], [sflag:$0x1] =	stream.indirect_vreg.gather [hbm4b:s10+s4], $0x80, v3, vm0, $0xb8;
	[tilespmem:$0x6080] =	vst v63  }
0x67: {  	v3 =	vld.msk [tilespmem:$0x10], $0xff;
	_ =	sdelay $0x4  }
0x68: {  	v47 =	vshll.u32 v3, $0x3  }
0x69: {  	v3 =	vand.u32 $0x7, v3;
	v4 =	vand.u32 $0xFFFFFFC0, v47  }
0x6a: {  	v3 =	vor.u32 v3, v4  }
0x6b: {  	v3 =	vperm.xlane v3, v0;
	_ =	sdelay $0x1  }
0x6c: {  	v3 =	vadd.s32 v1, v3;
	_ =	sdelay $0x4  }
0x6d: {  	[tilespmem:s28], [sflag:$0x1] =	stream.indirect_vreg.gather [hbm4b:s3+s4], $0x80, v3, vm0, $0xb8;
	[tilespmem:$0x6080] =	vst v63  }
0x6e: {  	_ = 	snop  }
0x6f: {  	[tilespmem:s29], [sflag:$0x1] =	stream.indirect_vreg.gather [hbm4b:s8+s4], $0x80, v3, vm0, $0xb8;
	[tilespmem:$0x6080] =	vst v63  }
0x70: {  	_ = 	snop  }
0x71: {  	[tilespmem:s30], [sflag:$0x1] =	stream.indirect_vreg.gather [hbm4b:s9+s4], $0x80, v3, vm0, $0xb8;
	[tilespmem:$0x6080] =	vst v63  }
0x72: {  	_ = 	snop  }
0x73: {  	[tilespmem:s31], [sflag:$0x1] =	stream.indirect_vreg.gather [hbm4b:s10+s4], $0x80, v3, vm0, $0xb8;
	[tilespmem:$0x6080] =	vst v63  }
0x74: {  	_ =	swait.ge [sflag:s0], $0x6000  }
0x75: {  	[sflag:s0] =	ssyncset.done $0x0  }
0x76: {  	s1 =	rddreg [dreg:$0x7];
	[sflag:s0] =	ssyncadd.s32 $0xFFFFA000  }
0x77: {  	[hbm4b:s1+s4] =	stream.linear.scatter [tilespmem:s19], [sflag:$0x2], $0x6000, $0x38;
	[tilespmem:$0x6080] =	vst v63  }
0x78: {  	_ =	swait.ge [sflag:s18], $0x6000  }
0x79: {  	[sflag:s18] =	ssyncset.done $0x0  }
0x7a: {  	s1 =	rddreg [dreg:$0x8];
	[sflag:s18] =	ssyncadd.s32 $0xFFFFA000  }
0x7b: {  	[tilespmem:s4], [sflag:$0x2] =	stream.linear.gather [hbm4b:s1+s4], $0x18, $0x38;
	[tilespmem:$0x6080] =	vst v63  }
0x7c: {  	_ =	swait.ge [sflag:s18], $0x18  }
0x7d: {  	[sflag:s18] =	ssyncset.done $0x0  }
0x7e: {  	[sflag:s18] =	ssyncadd.s32 $0xFFFFFFE8  }
0x7f: {  	v3 =	vld [tilespmem:$0x0];
	_ =	sdelay $0x4  }
0x80: {  	v48 =	vshll.u32 v3, $0x3  }
0x81: {  	v3 =	vand.u32 $0x7, v3;
	v4 =	vand.u32 $0xFFFFFFC0, v48  }
0x82: {  	v3 =	vor.u32 v3, v4  }
0x83: {  	v4 =	vperm.xlane v3, v0;
	_ =	sdelay $0x1  }
0x84: {  	v4 =	vadd.s32 v1, v4;
	_ =	sdelay $0x4  }
0x85: {  	[tilespmem:s19], [sflag:$0x1] =	stream.indirect_vreg.gather [hbm4b:s2+s4], $0x80, v4, vm0, $0xb8;
	[tilespmem:$0x6080] =	vst v63  }
0x86: {  	v3 =	vperm.xlane v3, v2  }
0x87: {  	[tilespmem:s20], [sflag:$0x1] =	stream.indirect_vreg.gather [hbm4b:s5+s4], $0x80, v4, vm0, $0xb8;
	[tilespmem:$0x6080] =	vst v63  }
0x88: {  	v3 =	vadd.s32 v1, v3  }
0x89: {  	[tilespmem:s21], [sflag:$0x1] =	stream.indirect_vreg.gather [hbm4b:s6+s4], $0x80, v4, vm0, $0xb8;
	[tilespmem:$0x6080] =	vst v63  }
0x8a: {  	_ = 	snop  }
0x8b: {  	[tilespmem:s22], [sflag:$0x1] =	stream.indirect_vreg.gather [hbm4b:s7+s4], $0x80, v4, vm0, $0xb8;
	[tilespmem:$0x6080] =	vst v63  }
0x8c: {  	_ = 	snop  }
0x8d: {  	[tilespmem:s23], [sflag:$0x1] =	stream.indirect_vreg.gather [hbm4b:s2+s4], $0x80, v3, vm0, $0xb8;
	[tilespmem:$0x6080] =	vst v63  }
0x8e: {  	_ = 	snop  }
0x8f: {  	[tilespmem:s24], [sflag:$0x1] =	stream.indirect_vreg.gather [hbm4b:s5+s4], $0x80, v3, vm0, $0xb8;
	[tilespmem:$0x6080] =	vst v63  }
0x90: {  	_ = 	snop  }
0x91: {  	[tilespmem:s25], [sflag:$0x1] =	stream.indirect_vreg.gather [hbm4b:s6+s4], $0x80, v3, vm0, $0xb8;
	[tilespmem:$0x6080] =	vst v63  }
0x92: {  	_ = 	snop  }
0x93: {  	[tilespmem:s26], [sflag:$0x1] =	stream.indirect_vreg.gather [hbm4b:s7+s4], $0x80, v3, vm0, $0xb8;
	[tilespmem:$0x6080] =	vst v63  }
0x94: {  	v3 =	vld.msk [tilespmem:$0x10], $0xff;
	_ =	sdelay $0x4  }
0x95: {  	v49 =	vshll.u32 v3, $0x3  }
0x96: {  	v3 =	vand.u32 $0x7, v3;
	v4 =	vand.u32 $0xFFFFFFC0, v49  }
0x97: {  	v3 =	vor.u32 v3, v4  }
0x98: {  	v3 =	vperm.xlane v3, v0;
	_ =	sdelay $0x1  }
0x99: {  	v3 =	vadd.s32 v1, v3;
	_ =	sdelay $0x4  }
0x9a: {  	[tilespmem:s28], [sflag:$0x1] =	stream.indirect_vreg.gather [hbm4b:s2+s4], $0x80, v3, vm0, $0xb8;
	[tilespmem:$0x6080] =	vst v63  }
0x9b: {  	_ = 	snop  }
0x9c: {  	[tilespmem:s29], [sflag:$0x1] =	stream.indirect_vreg.gather [hbm4b:s5+s4], $0x80, v3, vm0, $0xb8;
	[tilespmem:$0x6080] =	vst v63  }
0x9d: {  	_ = 	snop  }
0x9e: {  	[tilespmem:s30], [sflag:$0x1] =	stream.indirect_vreg.gather [hbm4b:s6+s4], $0x80, v3, vm0, $0xb8;
	[tilespmem:$0x6080] =	vst v63  }
0x9f: {  	_ = 	snop  }
0xa0: {  	[tilespmem:s31], [sflag:$0x1] =	stream.indirect_vreg.gather [hbm4b:s7+s4], $0x80, v3, vm0, $0xb8;
	[tilespmem:$0x6080] =	vst v63  }
0xa1: {  	_ =	swait.ge [sflag:s0], $0x6000  }
0xa2: {  	[sflag:s0] =	ssyncset.done $0x0  }
0xa3: {  	s1 =	rddreg [dreg:$0x9];
	[sflag:s0] =	ssyncadd.s32 $0xFFFFA000  }
0xa4: {  	[hbm4b:s1+s4] =	stream.linear.scatter [tilespmem:s19], [sflag:$0x2], $0x6000, $0x38;
	[tilespmem:$0x6080] =	vst v63  }
0xa5: {  	_ =	swait.ge [sflag:s18], $0x6000  }
0xa6: {  	[sflag:s18] =	ssyncset.done $0x0  }
0xa7: {  	s1 =	rddreg [dreg:$0xa];
	[sflag:s18] =	ssyncadd.s32 $0xFFFFA000  }
0xa8: {  	[tilespmem:s4], [sflag:$0x2] =	stream.linear.gather [hbm4b:s1+s4], $0x18, $0x38;
	[tilespmem:$0x6080] =	vst v63  }
0xa9: {  	_ =	swait.ge [sflag:s18], $0x18  }
0xaa: {  	[sflag:s18] =	ssyncset.done $0x0  }
0xab: {  	[sflag:s18] =	ssyncadd.s32 $0xFFFFFFE8  }
0xac: {  	v3 =	vld [tilespmem:$0x0];
	_ =	sdelay $0x4  }
0xad: {  	v50 =	vshll.u32 v3, $0x3  }
0xae: {  	v3 =	vand.u32 $0x7, v3;
	v4 =	vand.u32 $0xFFFFFFC0, v50  }
0xaf: {  	v3 =	vor.u32 v3, v4  }
0xb0: {  	v4 =	vperm.xlane v3, v0;
	_ =	sdelay $0x1  }
0xb1: {  	v4 =	vadd.s32 v1, v4;
	_ =	sdelay $0x4  }
0xb2: {  	[tilespmem:s19], [sflag:$0x1] =	stream.indirect_vreg.gather [hbm4b:s3+s4], $0x80, v4, vm0, $0xb8;
	[tilespmem:$0x6080] =	vst v63  }
0xb3: {  	v3 =	vperm.xlane v3, v2  }
0xb4: {  	[tilespmem:s20], [sflag:$0x1] =	stream.indirect_vreg.gather [hbm4b:s8+s4], $0x80, v4, vm0, $0xb8;
	[tilespmem:$0x6080] =	vst v63  }
0xb5: {  	v3 =	vadd.s32 v1, v3  }
0xb6: {  	[tilespmem:s21], [sflag:$0x1] =	stream.indirect_vreg.gather [hbm4b:s9+s4], $0x80, v4, vm0, $0xb8;
	[tilespmem:$0x6080] =	vst v63  }
0xb7: {  	_ = 	snop  }
0xb8: {  	[tilespmem:s22], [sflag:$0x1] =	stream.indirect_vreg.gather [hbm4b:s10+s4], $0x80, v4, vm0, $0xb8;
	[tilespmem:$0x6080] =	vst v63  }
0xb9: {  	_ = 	snop  }
0xba: {  	[tilespmem:s23], [sflag:$0x1] =	stream.indirect_vreg.gather [hbm4b:s3+s4], $0x80, v3, vm0, $0xb8;
	[tilespmem:$0x6080] =	vst v63  }
0xbb: {  	_ = 	snop  }
0xbc: {  	[tilespmem:s24], [sflag:$0x1] =	stream.indirect_vreg.gather [hbm4b:s8+s4], $0x80, v3, vm0, $0xb8;
	[tilespmem:$0x6080] =	vst v63  }
0xbd: {  	_ = 	snop  }
0xbe: {  	[tilespmem:s25], [sflag:$0x1] =	stream.indirect_vreg.gather [hbm4b:s9+s4], $0x80, v3, vm0, $0xb8;
	[tilespmem:$0x6080] =	vst v63  }
0xbf: {  	_ = 	snop  }
0xc0: {  	[tilespmem:s26], [sflag:$0x1] =	stream.indirect_vreg.gather [hbm4b:s10+s4], $0x80, v3, vm0, $0xb8;
	[tilespmem:$0x6080] =	vst v63  }
0xc1: {  	v3 =	vld.msk [tilespmem:$0x10], $0xff;
	_ =	sdelay $0x4  }
0xc2: {  	v51 =	vshll.u32 v3, $0x3  }
0xc3: {  	v3 =	vand.u32 $0x7, v3;
	v4 =	vand.u32 $0xFFFFFFC0, v51  }
0xc4: {  	v3 =	vor.u32 v3, v4  }
0xc5: {  	v3 =	vperm.xlane v3, v0;
	_ =	sdelay $0x1  }
0xc6: {  	v3 =	vadd.s32 v1, v3;
	_ =	sdelay $0x4  }
0xc7: {  	[tilespmem:s28], [sflag:$0x1] =	stream.indirect_vreg.gather [hbm4b:s3+s4], $0x80, v3, vm0, $0xb8;
	[tilespmem:$0x6080] =	vst v63  }
0xc8: {  	_ = 	snop  }
0xc9: {  	[tilespmem:s29], [sflag:$0x1] =	stream.indirect_vreg.gather [hbm4b:s8+s4], $0x80, v3, vm0, $0xb8;
	[tilespmem:$0x6080] =	vst v63  }
0xca: {  	_ = 	snop  }
0xcb: {  	[tilespmem:s30], [sflag:$0x1] =	stream.indirect_vreg.gather [hbm4b:s9+s4], $0x80, v3, vm0, $0xb8;
	[tilespmem:$0x6080] =	vst v63  }
0xcc: {  	_ = 	snop  }
0xcd: {  	[tilespmem:s31], [sflag:$0x1] =	stream.indirect_vreg.gather [hbm4b:s10+s4], $0x80, v3, vm0, $0xb8;
	[tilespmem:$0x6080] =	vst v63  }
0xce: {  	_ =	swait.ge [sflag:s0], $0x6000  }
0xcf: {  	[sflag:s0] =	ssyncset.done $0x0  }
0xd0: {  	s1 =	rddreg [dreg:$0xb];
	[sflag:s0] =	ssyncadd.s32 $0xFFFFA000  }
0xd1: {  	[hbm4b:s1+s4] =	stream.linear.scatter [tilespmem:s19], [sflag:$0x2], $0x6000, $0x38;
	[tilespmem:$0x6080] =	vst v63  }
0xd2: {  	_ =	swait.ge [sflag:s18], $0x6000  }
0xd3: {  	[sflag:s18] =	ssyncset.done $0x0  }
0xd4: {  	s1 =	rddreg [dreg:$0xc];
	[sflag:s18] =	ssyncadd.s32 $0xFFFFA000  }
0xd5: {  	[tilespmem:s4], [sflag:$0x2] =	stream.linear.gather [hbm4b:s1+s4], $0x18, $0x38;
	[tilespmem:$0x6080] =	vst v63  }
0xd6: {  	_ =	swait.ge [sflag:s18], $0x18  }
0xd7: {  	[sflag:s18] =	ssyncset.done $0x0  }
0xd8: {  	[sflag:s18] =	ssyncadd.s32 $0xFFFFFFE8  }
0xd9: {  	v3 =	vld [tilespmem:$0x0];
	_ =	sdelay $0x4  }
0xda: {  	v52 =	vshll.u32 v3, $0x3  }
0xdb: {  	v3 =	vand.u32 $0x7, v3;
	v4 =	vand.u32 $0xFFFFFFC0, v52  }
0xdc: {  	v3 =	vor.u32 v3, v4  }
0xdd: {  	v4 =	vperm.xlane v3, v0;
	_ =	sdelay $0x1  }
0xde: {  	v4 =	vadd.s32 v1, v4;
	_ =	sdelay $0x4  }
0xdf: {  	[tilespmem:s19], [sflag:$0x1] =	stream.indirect_vreg.gather [hbm4b:s2+s4], $0x80, v4, vm0, $0xb8;
	[tilespmem:$0x6080] =	vst v63  }
0xe0: {  	v3 =	vperm.xlane v3, v2  }
0xe1: {  	[tilespmem:s20], [sflag:$0x1] =	stream.indirect_vreg.gather [hbm4b:s5+s4], $0x80, v4, vm0, $0xb8;
	[tilespmem:$0x6080] =	vst v63  }
0xe2: {  	v3 =	vadd.s32 v1, v3  }
0xe3: {  	[tilespmem:s21], [sflag:$0x1] =	stream.indirect_vreg.gather [hbm4b:s6+s4], $0x80, v4, vm0, $0xb8;
	[tilespmem:$0x6080] =	vst v63  }
0xe4: {  	_ = 	snop  }
0xe5: {  	[tilespmem:s22], [sflag:$0x1] =	stream.indirect_vreg.gather [hbm4b:s7+s4], $0x80, v4, vm0, $0xb8;
	[tilespmem:$0x6080] =	vst v63  }
0xe6: {  	_ = 	snop  }
0xe7: {  	[tilespmem:s23], [sflag:$0x1] =	stream.indirect_vreg.gather [hbm4b:s2+s4], $0x80, v3, vm0, $0xb8;
	[tilespmem:$0x6080] =	vst v63  }
0xe8: {  	_ = 	snop  }
0xe9: {  	[tilespmem:s24], [sflag:$0x1] =	stream.indirect_vreg.gather [hbm4b:s5+s4], $0x80, v3, vm0, $0xb8;
	[tilespmem:$0x6080] =	vst v63  }
0xea: {  	_ = 	snop  }
0xeb: {  	[tilespmem:s25], [sflag:$0x1] =	stream.indirect_vreg.gather [hbm4b:s6+s4], $0x80, v3, vm0, $0xb8;
	[tilespmem:$0x6080] =	vst v63  }
0xec: {  	_ = 	snop  }
0xed: {  	[tilespmem:s26], [sflag:$0x1] =	stream.indirect_vreg.gather [hbm4b:s7+s4], $0x80, v3, vm0, $0xb8;
	[tilespmem:$0x6080] =	vst v63  }
0xee: {  	v3 =	vld.msk [tilespmem:$0x10], $0xff;
	_ =	sdelay $0x4  }
0xef: {  	v53 =	vshll.u32 v3, $0x3  }
0xf0: {  	v3 =	vand.u32 $0x7, v3;
	v4 =	vand.u32 $0xFFFFFFC0, v53  }
0xf1: {  	v3 =	vor.u32 v3, v4  }
0xf2: {  	v3 =	vperm.xlane v3, v0;
	_ =	sdelay $0x1  }
0xf3: {  	v3 =	vadd.s32 v1, v3;
	_ =	sdelay $0x4  }
0xf4: {  	[tilespmem:s28], [sflag:$0x1] =	stream.indirect_vreg.gather [hbm4b:s2+s4], $0x80, v3, vm0, $0xb8;
	[tilespmem:$0x6080] =	vst v63  }
0xf5: {  	_ = 	snop  }
0xf6: {  	[tilespmem:s29], [sflag:$0x1] =	stream.indirect_vreg.gather [hbm4b:s5+s4], $0x80, v3, vm0, $0xb8;
	[tilespmem:$0x6080] =	vst v63  }
0xf7: {  	_ = 	snop  }
0xf8: {  	[tilespmem:s30], [sflag:$0x1] =	stream.indirect_vreg.gather [hbm4b:s6+s4], $0x80, v3, vm0, $0xb8;
	[tilespmem:$0x6080] =	vst v63  }
0xf9: {  	_ = 	snop  }
0xfa: {  	[tilespmem:s31], [sflag:$0x1] =	stream.indirect_vreg.gather [hbm4b:s7+s4], $0x80, v3, vm0, $0xb8;
	[tilespmem:$0x6080] =	vst v63  }
0xfb: {  	_ =	swait.ge [sflag:s0], $0x6000  }
0xfc: {  	[sflag:s0] =	ssyncset.done $0x0  }
0xfd: {  	s1 =	rddreg [dreg:$0xd];
	[sflag:s0] =	ssyncadd.s32 $0xFFFFA000  }
0xfe: {  	[hbm4b:s1+s4] =	stream.linear.scatter [tilespmem:s19], [sflag:$0x2], $0x6000, $0x38;
	[tilespmem:$0x6080] =	vst v63  }
0xff: {  	_ =	swait.ge [sflag:s18], $0x6000  }
0x100: {  	[sflag:s18] =	ssyncset.done $0x0  }
0x101: {  	s1 =	rddreg [dreg:$0xe];
	[sflag:s18] =	ssyncadd.s32 $0xFFFFA000  }
0x102: {  	[tilespmem:s4], [sflag:$0x2] =	stream.linear.gather [hbm4b:s1+s4], $0x18, $0x38;
	[tilespmem:$0x6080] =	vst v63  }
0x103: {  	_ =	swait.ge [sflag:s18], $0x18  }
0x104: {  	[sflag:s18] =	ssyncset.done $0x0  }
0x105: {  	[sflag:s18] =	ssyncadd.s32 $0xFFFFFFE8  }
0x106: {  	v3 =	vld [tilespmem:$0x0];
	_ =	sdelay $0x4  }
0x107: {  	v54 =	vshll.u32 v3, $0x3  }
0x108: {  	v3 =	vand.u32 $0x7, v3;
	v4 =	vand.u32 $0xFFFFFFC0, v54  }
0x109: {  	v3 =	vor.u32 v3, v4  }
0x10a: {  	v4 =	vperm.xlane v3, v0;
	_ =	sdelay $0x1  }
0x10b: {  	v4 =	vadd.s32 v1, v4;
	_ =	sdelay $0x4  }
0x10c: {  	[tilespmem:s19], [sflag:$0x1] =	stream.indirect_vreg.gather [hbm4b:s3+s4], $0x80, v4, vm0, $0xb8;
	[tilespmem:$0x6080] =	vst v63  }
0x10d: {  	v3 =	vperm.xlane v3, v2  }
0x10e: {  	[tilespmem:s20], [sflag:$0x1] =	stream.indirect_vreg.gather [hbm4b:s8+s4], $0x80, v4, vm0, $0xb8;
	[tilespmem:$0x6080] =	vst v63  }
0x10f: {  	v3 =	vadd.s32 v1, v3  }
0x110: {  	[tilespmem:s21], [sflag:$0x1] =	stream.indirect_vreg.gather [hbm4b:s9+s4], $0x80, v4, vm0, $0xb8;
	[tilespmem:$0x6080] =	vst v63  }
0x111: {  	_ = 	snop  }
0x112: {  	[tilespmem:s22], [sflag:$0x1] =	stream.indirect_vreg.gather [hbm4b:s10+s4], $0x80, v4, vm0, $0xb8;
	[tilespmem:$0x6080] =	vst v63  }
0x113: {  	_ = 	snop  }
0x114: {  	[tilespmem:s23], [sflag:$0x1] =	stream.indirect_vreg.gather [hbm4b:s3+s4], $0x80, v3, vm0, $0xb8;
	[tilespmem:$0x6080] =	vst v63  }
0x115: {  	_ = 	snop  }
0x116: {  	[tilespmem:s24], [sflag:$0x1] =	stream.indirect_vreg.gather [hbm4b:s8+s4], $0x80, v3, vm0, $0xb8;
	[tilespmem:$0x6080] =	vst v63  }
0x117: {  	_ = 	snop  }
0x118: {  	[tilespmem:s25], [sflag:$0x1] =	stream.indirect_vreg.gather [hbm4b:s9+s4], $0x80, v3, vm0, $0xb8;
	[tilespmem:$0x6080] =	vst v63  }
0x119: {  	_ = 	snop  }
0x11a: {  	[tilespmem:s26], [sflag:$0x1] =	stream.indirect_vreg.gather [hbm4b:s10+s4], $0x80, v3, vm0, $0xb8;
	[tilespmem:$0x6080] =	vst v63  }
0x11b: {  	v3 =	vld.msk [tilespmem:$0x10], $0xff;
	_ =	sdelay $0x4  }
0x11c: {  	v55 =	vshll.u32 v3, $0x3  }
0x11d: {  	v3 =	vand.u32 $0x7, v3;
	v4 =	vand.u32 $0xFFFFFFC0, v55  }
0x11e: {  	v3 =	vor.u32 v3, v4  }
0x11f: {  	v3 =	vperm.xlane v3, v0;
	_ =	sdelay $0x1  }
0x120: {  	v3 =	vadd.s32 v1, v3;
	_ =	sdelay $0x4  }
0x121: {  	[tilespmem:s28], [sflag:$0x1] =	stream.indirect_vreg.gather [hbm4b:s3+s4], $0x80, v3, vm0, $0xb8;
	[tilespmem:$0x6080] =	vst v63  }
0x122: {  	_ = 	snop  }
0x123: {  	[tilespmem:s29], [sflag:$0x1] =	stream.indirect_vreg.gather [hbm4b:s8+s4], $0x80, v3, vm0, $0xb8;
	[tilespmem:$0x6080] =	vst v63  }
0x124: {  	_ = 	snop  }
0x125: {  	[tilespmem:s30], [sflag:$0x1] =	stream.indirect_vreg.gather [hbm4b:s9+s4], $0x80, v3, vm0, $0xb8;
	[tilespmem:$0x6080] =	vst v63  }
0x126: {  	_ = 	snop  }
0x127: {  	[tilespmem:s31], [sflag:$0x1] =	stream.indirect_vreg.gather [hbm4b:s10+s4], $0x80, v3, vm0, $0xb8;
	[tilespmem:$0x6080] =	vst v63  }
0x128: {  	_ =	swait.ge [sflag:s0], $0x6000  }
0x129: {  	[sflag:s0] =	ssyncset.done $0x0  }
0x12a: {  	s1 =	rddreg [dreg:$0xf];
	[sflag:s0] =	ssyncadd.s32 $0xFFFFA000  }
0x12b: {  	[hbm4b:s1+s4] =	stream.linear.scatter [tilespmem:s19], [sflag:$0x2], $0x6000, $0x38;
	[tilespmem:$0x6080] =	vst v63  }
0x12c: {  	_ =	swait.ge [sflag:s18], $0x6000  }
0x12d: {  	[sflag:s18] =	ssyncset.done $0x0  }
0x12e: {  	s1 =	rddreg [dreg:$0x10];
	[sflag:s18] =	ssyncadd.s32 $0xFFFFA000  }
0x12f: {  	[tilespmem:s4], [sflag:$0x2] =	stream.linear.gather [hbm4b:s1+s4], $0x18, $0x38;
	[tilespmem:$0x6080] =	vst v63  }
0x130: {  	_ =	swait.ge [sflag:s18], $0x18  }
0x131: {  	[sflag:s18] =	ssyncset.done $0x0  }
0x132: {  	[sflag:s18] =	ssyncadd.s32 $0xFFFFFFE8  }
0x133: {  	v3 =	vld [tilespmem:$0x0];
	_ =	sdelay $0x4  }
0x134: {  	v56 =	vshll.u32 v3, $0x3  }
0x135: {  	v3 =	vand.u32 $0x7, v3;
	v4 =	vand.u32 $0xFFFFFFC0, v56  }
0x136: {  	v3 =	vor.u32 v3, v4  }
0x137: {  	v4 =	vperm.xlane v3, v0;
	_ =	sdelay $0x1  }
0x138: {  	v4 =	vadd.s32 v1, v4;
	_ =	sdelay $0x4  }
0x139: {  	[tilespmem:s19], [sflag:$0x1] =	stream.indirect_vreg.gather [hbm4b:s2+s4], $0x80, v4, vm0, $0xb8;
	[tilespmem:$0x6080] =	vst v63  }
0x13a: {  	v3 =	vperm.xlane v3, v2  }
0x13b: {  	[tilespmem:s20], [sflag:$0x1] =	stream.indirect_vreg.gather [hbm4b:s5+s4], $0x80, v4, vm0, $0xb8;
	[tilespmem:$0x6080] =	vst v63  }
0x13c: {  	v3 =	vadd.s32 v1, v3  }
0x13d: {  	[tilespmem:s21], [sflag:$0x1] =	stream.indirect_vreg.gather [hbm4b:s6+s4], $0x80, v4, vm0, $0xb8;
	[tilespmem:$0x6080] =	vst v63  }
0x13e: {  	_ = 	snop  }
0x13f: {  	[tilespmem:s22], [sflag:$0x1] =	stream.indirect_vreg.gather [hbm4b:s7+s4], $0x80, v4, vm0, $0xb8;
	[tilespmem:$0x6080] =	vst v63  }
0x140: {  	_ = 	snop  }
0x141: {  	[tilespmem:s23], [sflag:$0x1] =	stream.indirect_vreg.gather [hbm4b:s2+s4], $0x80, v3, vm0, $0xb8;
	[tilespmem:$0x6080] =	vst v63  }
0x142: {  	_ = 	snop  }
0x143: {  	[tilespmem:s24], [sflag:$0x1] =	stream.indirect_vreg.gather [hbm4b:s5+s4], $0x80, v3, vm0, $0xb8;
	[tilespmem:$0x6080] =	vst v63  }
0x144: {  	_ = 	snop  }
0x145: {  	[tilespmem:s25], [sflag:$0x1] =	stream.indirect_vreg.gather [hbm4b:s6+s4], $0x80, v3, vm0, $0xb8;
	[tilespmem:$0x6080] =	vst v63  }
0x146: {  	_ = 	snop  }
0x147: {  	[tilespmem:s26], [sflag:$0x1] =	stream.indirect_vreg.gather [hbm4b:s7+s4], $0x80, v3, vm0, $0xb8;
	[tilespmem:$0x6080] =	vst v63  }
0x148: {  	v3 =	vld.msk [tilespmem:$0x10], $0xff;
	_ =	sdelay $0x4  }
0x149: {  	v57 =	vshll.u32 v3, $0x3  }
0x14a: {  	v3 =	vand.u32 $0x7, v3;
	v4 =	vand.u32 $0xFFFFFFC0, v57  }
0x14b: {  	v3 =	vor.u32 v3, v4  }
0x14c: {  	v3 =	vperm.xlane v3, v0;
	_ =	sdelay $0x1  }
0x14d: {  	v3 =	vadd.s32 v1, v3;
	_ =	sdelay $0x4  }
0x14e: {  	[tilespmem:s28], [sflag:$0x1] =	stream.indirect_vreg.gather [hbm4b:s2+s4], $0x80, v3, vm0, $0xb8;
	[tilespmem:$0x6080] =	vst v63  }
0x14f: {  	_ = 	snop  }
0x150: {  	[tilespmem:s29], [sflag:$0x1] =	stream.indirect_vreg.gather [hbm4b:s5+s4], $0x80, v3, vm0, $0xb8;
	[tilespmem:$0x6080] =	vst v63  }
0x151: {  	_ = 	snop  }
0x152: {  	[tilespmem:s30], [sflag:$0x1] =	stream.indirect_vreg.gather [hbm4b:s6+s4], $0x80, v3, vm0, $0xb8;
	[tilespmem:$0x6080] =	vst v63  }
0x153: {  	_ = 	snop  }
0x154: {  	[tilespmem:s31], [sflag:$0x1] =	stream.indirect_vreg.gather [hbm4b:s7+s4], $0x80, v3, vm0, $0xb8;
	[tilespmem:$0x6080] =	vst v63  }
0x155: {  	_ =	swait.ge [sflag:s0], $0x6000  }
0x156: {  	[sflag:s0] =	ssyncset.done $0x0  }
0x157: {  	s1 =	rddreg [dreg:$0x11];
	[sflag:s0] =	ssyncadd.s32 $0xFFFFA000  }
0x158: {  	[hbm4b:s1+s4] =	stream.linear.scatter [tilespmem:s19], [sflag:$0x2], $0x6000, $0x38;
	[tilespmem:$0x6080] =	vst v63  }
0x159: {  	_ =	swait.ge [sflag:s18], $0x6000  }
0x15a: {  	[sflag:s18] =	ssyncset.done $0x0  }
0x15b: {  	[sflag:s18] =	ssyncadd.s32 $0xFFFFA000  }
0x15c: {  	[tilespmem:s4], [sflag:$0x2] =	stream.linear.gather [hbm4b:s11+s4], $0x18, $0x38;
	[tilespmem:$0x6080] =	vst v63  }
0x15d: {  	_ =	swait.ge [sflag:s18], $0x18  }
0x15e: {  	[sflag:s18] =	ssyncset.done $0x0  }
0x15f: {  	[sflag:s18] =	ssyncadd.s32 $0xFFFFFFE8  }
0x160: {  	v3 =	vld [tilespmem:$0x0];
	_ =	sdelay $0x4  }
0x161: {  	v58 =	vshll.u32 v3, $0x3  }
0x162: {  	v3 =	vand.u32 $0x7, v3;
	v4 =	vand.u32 $0xFFFFFFC0, v58  }
0x163: {  	v3 =	vor.u32 v3, v4  }
0x164: {  	v4 =	vperm.xlane v3, v0;
	_ =	sdelay $0x1  }
0x165: {  	v4 =	vadd.s32 v1, v4;
	_ =	sdelay $0x4  }
0x166: {  	[tilespmem:s19], [sflag:$0x1] =	stream.indirect_vreg.gather [hbm4b:s3+s4], $0x80, v4, vm0, $0xb8;
	[tilespmem:$0x6080] =	vst v63  }
0x167: {  	v3 =	vperm.xlane v3, v2  }
0x168: {  	[tilespmem:s20], [sflag:$0x1] =	stream.indirect_vreg.gather [hbm4b:s8+s4], $0x80, v4, vm0, $0xb8;
	[tilespmem:$0x6080] =	vst v63  }
0x169: {  	v3 =	vadd.s32 v1, v3  }
0x16a: {  	[tilespmem:s21], [sflag:$0x1] =	stream.indirect_vreg.gather [hbm4b:s9+s4], $0x80, v4, vm0, $0xb8;
	[tilespmem:$0x6080] =	vst v63  }
0x16b: {  	_ = 	snop  }
0x16c: {  	[tilespmem:s22], [sflag:$0x1] =	stream.indirect_vreg.gather [hbm4b:s10+s4], $0x80, v4, vm0, $0xb8;
	[tilespmem:$0x6080] =	vst v63  }
0x16d: {  	_ = 	snop  }
0x16e: {  	[tilespmem:s23], [sflag:$0x1] =	stream.indirect_vreg.gather [hbm4b:s3+s4], $0x80, v3, vm0, $0xb8;
	[tilespmem:$0x6080] =	vst v63  }
0x16f: {  	_ = 	snop  }
0x170: {  	[tilespmem:s24], [sflag:$0x1] =	stream.indirect_vreg.gather [hbm4b:s8+s4], $0x80, v3, vm0, $0xb8;
	[tilespmem:$0x6080] =	vst v63  }
0x171: {  	_ = 	snop  }
0x172: {  	[tilespmem:s25], [sflag:$0x1] =	stream.indirect_vreg.gather [hbm4b:s9+s4], $0x80, v3, vm0, $0xb8;
	[tilespmem:$0x6080] =	vst v63  }
0x173: {  	_ = 	snop  }
0x174: {  	[tilespmem:s26], [sflag:$0x1] =	stream.indirect_vreg.gather [hbm4b:s10+s4], $0x80, v3, vm0, $0xb8;
	[tilespmem:$0x6080] =	vst v63  }
0x175: {  	v3 =	vld.msk [tilespmem:$0x10], $0xff;
	_ =	sdelay $0x4  }
0x176: {  	v59 =	vshll.u32 v3, $0x3  }
0x177: {  	v3 =	vand.u32 $0x7, v3;
	v4 =	vand.u32 $0xFFFFFFC0, v59  }
0x178: {  	v3 =	vor.u32 v3, v4  }
0x179: {  	v3 =	vperm.xlane v3, v0;
	_ =	sdelay $0x1  }
0x17a: {  	v3 =	vadd.s32 v1, v3;
	_ =	sdelay $0x4  }
0x17b: {  	[tilespmem:s28], [sflag:$0x1] =	stream.indirect_vreg.gather [hbm4b:s3+s4], $0x80, v3, vm0, $0xb8;
	[tilespmem:$0x6080] =	vst v63  }
0x17c: {  	_ = 	snop  }
0x17d: {  	[tilespmem:s29], [sflag:$0x1] =	stream.indirect_vreg.gather [hbm4b:s8+s4], $0x80, v3, vm0, $0xb8;
	[tilespmem:$0x6080] =	vst v63  }
0x17e: {  	_ = 	snop  }
0x17f: {  	[tilespmem:s30], [sflag:$0x1] =	stream.indirect_vreg.gather [hbm4b:s9+s4], $0x80, v3, vm0, $0xb8;
	[tilespmem:$0x6080] =	vst v63  }
0x180: {  	_ = 	snop  }
0x181: {  	[tilespmem:s31], [sflag:$0x1] =	stream.indirect_vreg.gather [hbm4b:s10+s4], $0x80, v3, vm0, $0xb8;
	[tilespmem:$0x6080] =	vst v63  }
0x182: {  	_ =	swait.ge [sflag:s0], $0x6000  }
0x183: {  	[sflag:s0] =	ssyncset.done $0x0  }
0x184: {  	[sflag:s0] =	ssyncadd.s32 $0xFFFFA000  }
0x185: {  	[hbm4b:s12+s4] =	stream.linear.scatter [tilespmem:s19], [sflag:$0x2], $0x6000, $0x38;
	[tilespmem:$0x6080] =	vst v63  }
0x186: {  	_ =	swait.ge [sflag:s18], $0x6000  }
0x187: {  	[sflag:s18] =	ssyncset.done $0x0  }
0x188: {  	[sflag:s18] =	ssyncadd.s32 $0xFFFFA000  }
0x189: {  	[tilespmem:s4], [sflag:$0x2] =	stream.linear.gather [hbm4b:s13+s4], $0x18, $0x38;
	[tilespmem:$0x6080] =	vst v63  }
0x18a: {  	_ =	swait.ge [sflag:s18], $0x18  }
0x18b: {  	[sflag:s18] =	ssyncset.done $0x0  }
0x18c: {  	[sflag:s18] =	ssyncadd.s32 $0xFFFFFFE8  }
0x18d: {  	v3 =	vld [tilespmem:$0x0];
	_ =	sdelay $0x4  }
0x18e: {  	v60 =	vshll.u32 v3, $0x3  }
0x18f: {  	v3 =	vand.u32 $0x7, v3;
	v4 =	vand.u32 $0xFFFFFFC0, v60  }
0x190: {  	v3 =	vor.u32 v3, v4  }
0x191: {  	v4 =	vperm.xlane v3, v0;
	_ =	sdelay $0x1  }
0x192: {  	v4 =	vadd.s32 v1, v4;
	_ =	sdelay $0x4  }
0x193: {  	[tilespmem:s19], [sflag:$0x1] =	stream.indirect_vreg.gather [hbm4b:s2+s4], $0x80, v4, vm0, $0xb8;
	[tilespmem:$0x6080] =	vst v63  }
0x194: {  	v3 =	vperm.xlane v3, v2  }
0x195: {  	[tilespmem:s20], [sflag:$0x1] =	stream.indirect_vreg.gather [hbm4b:s5+s4], $0x80, v4, vm0, $0xb8;
	[tilespmem:$0x6080] =	vst v63  }
0x196: {  	v3 =	vadd.s32 v1, v3  }
0x197: {  	[tilespmem:s21], [sflag:$0x1] =	stream.indirect_vreg.gather [hbm4b:s6+s4], $0x80, v4, vm0, $0xb8;
	[tilespmem:$0x6080] =	vst v63  }
0x198: {  	_ = 	snop  }
0x199: {  	[tilespmem:s22], [sflag:$0x1] =	stream.indirect_vreg.gather [hbm4b:s7+s4], $0x80, v4, vm0, $0xb8;
	[tilespmem:$0x6080] =	vst v63  }
0x19a: {  	_ = 	snop  }
0x19b: {  	[tilespmem:s23], [sflag:$0x1] =	stream.indirect_vreg.gather [hbm4b:s2+s4], $0x80, v3, vm0, $0xb8;
	[tilespmem:$0x6080] =	vst v63  }
0x19c: {  	_ = 	snop  }
0x19d: {  	[tilespmem:s24], [sflag:$0x1] =	stream.indirect_vreg.gather [hbm4b:s5+s4], $0x80, v3, vm0, $0xb8;
	[tilespmem:$0x6080] =	vst v63  }
0x19e: {  	_ = 	snop  }
0x19f: {  	[tilespmem:s25], [sflag:$0x1] =	stream.indirect_vreg.gather [hbm4b:s6+s4], $0x80, v3, vm0, $0xb8;
	[tilespmem:$0x6080] =	vst v63  }
0x1a0: {  	_ = 	snop  }
0x1a1: {  	[tilespmem:s26], [sflag:$0x1] =	stream.indirect_vreg.gather [hbm4b:s7+s4], $0x80, v3, vm0, $0xb8;
	[tilespmem:$0x6080] =	vst v63  }
0x1a2: {  	v3 =	vld.msk [tilespmem:$0x10], $0xff;
	_ =	sdelay $0x4  }
0x1a3: {  	v61 =	vshll.u32 v3, $0x3  }
0x1a4: {  	v3 =	vand.u32 $0x7, v3;
	v4 =	vand.u32 $0xFFFFFFC0, v61  }
0x1a5: {  	v3 =	vor.u32 v3, v4  }
0x1a6: {  	v3 =	vperm.xlane v3, v0;
	_ =	sdelay $0x1  }
0x1a7: {  	v3 =	vadd.s32 v1, v3;
	_ =	sdelay $0x4  }
0x1a8: {  	[tilespmem:s28], [sflag:$0x1] =	stream.indirect_vreg.gather [hbm4b:s2+s4], $0x80, v3, vm0, $0xb8;
	[tilespmem:$0x6080] =	vst v63  }
0x1a9: {  	_ = 	snop  }
0x1aa: {  	[tilespmem:s29], [sflag:$0x1] =	stream.indirect_vreg.gather [hbm4b:s5+s4], $0x80, v3, vm0, $0xb8;
	[tilespmem:$0x6080] =	vst v63  }
0x1ab: {  	_ = 	snop  }
0x1ac: {  	[tilespmem:s30], [sflag:$0x1] =	stream.indirect_vreg.gather [hbm4b:s6+s4], $0x80, v3, vm0, $0xb8;
	[tilespmem:$0x6080] =	vst v63  }
0x1ad: {  	_ = 	snop  }
0x1ae: {  	[tilespmem:s31], [sflag:$0x1] =	stream.indirect_vreg.gather [hbm4b:s7+s4], $0x80, v3, vm0, $0xb8;
	[tilespmem:$0x6080] =	vst v63  }
0x1af: {  	_ =	swait.ge [sflag:s0], $0x6000  }
0x1b0: {  	[sflag:s0] =	ssyncset.done $0x0  }
0x1b1: {  	[sflag:s0] =	ssyncadd.s32 $0xFFFFA000  }
0x1b2: {  	[hbm4b:s14+s4] =	stream.linear.scatter [tilespmem:s19], [sflag:$0x2], $0x6000, $0x38;
	[tilespmem:$0x6080] =	vst v63  }
0x1b3: {  	_ =	swait.ge [sflag:s18], $0x6000  }
0x1b4: {  	[sflag:s18] =	ssyncset.done $0x0  }
0x1b5: {  	[sflag:s18] =	ssyncadd.s32 $0xFFFFA000  }
0x1b6: {  	[tilespmem:s4], [sflag:$0x2] =	stream.linear.gather [hbm4b:s15+s4], $0x18, $0x38;
	[tilespmem:$0x6080] =	vst v63  }
0x1b7: {  	_ =	swait.ge [sflag:s18], $0x18  }
0x1b8: {  	[sflag:s18] =	ssyncset.done $0x0  }
0x1b9: {  	[sflag:s18] =	ssyncadd.s32 $0xFFFFFFE8  }
0x1ba: {  	v3 =	vld [tilespmem:$0x0];
	_ =	sdelay $0x4  }
0x1bb: {  	v62 =	vshll.u32 v3, $0x3  }
0x1bc: {  	v3 =	vand.u32 $0x7, v3;
	v4 =	vand.u32 $0xFFFFFFC0, v62  }
0x1bd: {  	v3 =	vor.u32 v3, v4  }
0x1be: {  	v4 =	vperm.xlane v3, v0;
	_ =	sdelay $0x1  }
0x1bf: {  	v4 =	vadd.s32 v1, v4;
	_ =	sdelay $0x4  }
0x1c0: {  	[tilespmem:s19], [sflag:$0x1] =	stream.indirect_vreg.gather [hbm4b:s3+s4], $0x80, v4, vm0, $0xb8;
	[tilespmem:$0x6080] =	vst v63  }
0x1c1: {  	v3 =	vperm.xlane v3, v2  }
0x1c2: {  	[tilespmem:s20], [sflag:$0x1] =	stream.indirect_vreg.gather [hbm4b:s8+s4], $0x80, v4, vm0, $0xb8;
	[tilespmem:$0x6080] =	vst v63  }
0x1c3: {  	v3 =	vadd.s32 v1, v3  }
0x1c4: {  	[tilespmem:s21], [sflag:$0x1] =	stream.indirect_vreg.gather [hbm4b:s9+s4], $0x80, v4, vm0, $0xb8;
	[tilespmem:$0x6080] =	vst v63  }
0x1c5: {  	_ = 	snop  }
0x1c6: {  	[tilespmem:s22], [sflag:$0x1] =	stream.indirect_vreg.gather [hbm4b:s10+s4], $0x80, v4, vm0, $0xb8;
	[tilespmem:$0x6080] =	vst v63  }
0x1c7: {  	_ = 	snop  }
0x1c8: {  	[tilespmem:s23], [sflag:$0x1] =	stream.indirect_vreg.gather [hbm4b:s3+s4], $0x80, v3, vm0, $0xb8;
	[tilespmem:$0x6080] =	vst v63  }
0x1c9: {  	_ = 	snop  }
0x1ca: {  	[tilespmem:s24], [sflag:$0x1] =	stream.indirect_vreg.gather [hbm4b:s8+s4], $0x80, v3, vm0, $0xb8;
	[tilespmem:$0x6080] =	vst v63  }
0x1cb: {  	_ = 	snop  }
0x1cc: {  	[tilespmem:s25], [sflag:$0x1] =	stream.indirect_vreg.gather [hbm4b:s9+s4], $0x80, v3, vm0, $0xb8;
	[tilespmem:$0x6080] =	vst v63  }
0x1cd: {  	_ = 	snop  }
0x1ce: {  	[tilespmem:s26], [sflag:$0x1] =	stream.indirect_vreg.gather [hbm4b:s10+s4], $0x80, v3, vm0, $0xb8;
	[tilespmem:$0x6080] =	vst v63  }
0x1cf: {  	v3 =	vld.msk [tilespmem:$0x10], $0xff;
	_ =	sdelay $0x4  }
0x1d0: {  	v63 =	vshll.u32 v3, $0x3  }
0x1d1: {  	v3 =	vand.u32 $0x7, v3;
	v4 =	vand.u32 $0xFFFFFFC0, v63  }
0x1d2: {  	v3 =	vor.u32 v3, v4  }
0x1d3: {  	v3 =	vperm.xlane v3, v0;
	_ =	sdelay $0x1  }
0x1d4: {  	v3 =	vadd.s32 v1, v3;
	_ =	sdelay $0x4  }
0x1d5: {  	[tilespmem:s28], [sflag:$0x1] =	stream.indirect_vreg.gather [hbm4b:s3+s4], $0x80, v3, vm0, $0xb8;
	[tilespmem:$0x6080] =	vst v63  }
0x1d6: {  	_ = 	snop  }
0x1d7: {  	[tilespmem:s29], [sflag:$0x1] =	stream.indirect_vreg.gather [hbm4b:s8+s4], $0x80, v3, vm0, $0xb8;
	[tilespmem:$0x6080] =	vst v63  }
0x1d8: {  	_ = 	snop  }
0x1d9: {  	[tilespmem:s30], [sflag:$0x1] =	stream.indirect_vreg.gather [hbm4b:s9+s4], $0x80, v3, vm0, $0xb8;
	[tilespmem:$0x6080] =	vst v63  }
0x1da: {  	_ = 	snop  }
0x1db: {  	[tilespmem:s31], [sflag:$0x1] =	stream.indirect_vreg.gather [hbm4b:s10+s4], $0x80, v3, vm0, $0xb8;
	[tilespmem:$0x6080] =	vst v63  }
0x1dc: {  	_ =	swait.ge [sflag:s0], $0x6000  }
0x1dd: {  	p0 =	sne.s32 s17, $0x1;
	[sflag:s0] =	ssyncset.done $0x0  }
.Ltmp0:
0x1de: {  	[sflag:s0] =	ssyncadd.s32 $0xFFFFA000;
	(pc) =	sbr.rel @p0 .LBB2_1-.Ltmp0, $4  }
0x1df: {  	[hbm4b:s16+s4] =	stream.linear.scatter [tilespmem:s19], [sflag:$0x2], $0x6000, $0x38;
	[tilespmem:$0x6080] =	vst v63  }
0x1e0: {  	_ =	swait.ge [sflag:s18], $0x6000  }
0x1e1: {  	[sflag:s18] =	ssyncset.done $0x0  }
0x1e2: {  	s17 =	sadd.s32 $0xFFFFFFFF, s17;
	[sflag:s18] =	ssyncadd.s32 $0xFFFFA000  }
0x1e3: {  	_ =	sfence.sel $0x180000  }
0x1e4: {  	[bflag:$0x0] =	sbarrier.arrive $0xFFFF  }
0x1e5: {  	_ =	strace $0x9000004A  }
0x1e6: {  	s0 =	stileid.u32;
	[bflag:$0x2] =	sbarrier.arrive $0xFFFF  }
0x1e7: {  	p0 =	sne.s32 s0, $0x0;
	s0 =	rddreg [dreg:$0x3]  }
0x1e8: {  	s0 =	sadd.s32 @!p0 $0x100000, s0  }
0x1e9: {  	[sflag:s0] =	ssyncadd.tile.s32 @!p0 $0x1;
	_ =	shalt  }
.Lfunc_end2:
_tile_overlayer_lowered:
.L_overlay_start_2:
0x1ea: {  	(tag) =	ssettag $0x2  }
0x1eb: {  	s0 =	rddreg [dreg:$0x0];
	s2 =	stileid.u32  }
0x1ec: {  	s1 =	rddreg [dreg:$0x1];
	p0 =	sne.s32 s2, $0x0  }
0x1ed: {  	s3 =	rddreg [dreg:$0x2];
	[bflag:$0x3] =	sbarrier.arrive $0xFFFF;
	s2 =	simm.s32 @!p0 $0x1C02  }
0x1ee: {  	[timem:s3], [sflag:s2] =	dma.local @!p0 [hbm:s0], s1  }
0x1ef: {  	s0 =	simm.s32 @!p0 $0x2  }
0x1f0: {  	_ =	swait.ge @!p0 [sflag:s0], s1  }
0x1f1: {  	s1 =	ssub.s32 @!p0 $0x0, s1;
	[sflag:s0] =	ssyncset.done @!p0 $0x0  }
0x1f2: {  	[sflag:s0] =	ssyncadd.s32 @!p0 s1  }
0x1f3: {  	[bflag:$0x3] =	sbarrier.arrive $0xFFFF  }
0x1f4: {  	_ =	shalt  }

// kernel: sparse-core-data-format-call.cloned.1.call-start
scs
called_computation_lowered:
.L_overlay_start_0:
0x0: {  	s1 =	sld [smem:$0x3FD9]  }
0x1: {  	s2 =	sld [smem:$0x3FFE];
	_ =	sdelay $0x1  }
0x2: {  	s3 =	srdreg.scid  }
0x3: {  	s0 =	sand.u32 $0x1, s3  }
0x4: {  	s17 =	sshll.u32 s0, $0xA;
	s1 =	sadd.s32 s2, s1  }
0x5: {  	s1 =	sadd.s32 s1, s17  }
0x6: {  	[smem:$0x3FB0] =	sst s1  }
0x7: {  	_ = 	snop  }
0x8: {  	(tm) =	ssettm $0x1  }
0x9: {  	s18 =	sld [smem:$0x3FFB];
	_ =	sdelay $0x3  }
0xa: {  	_ =	strace s18  }
0xb: {  	s1 =	sld [smem:$0x3FFC];
	_ =	sdelay $0x3  }
0xc: {  	_ =	strace s1  }
0xd: {  	s1 =	sld [smem:$0x3FFD];
	_ =	sdelay $0x3  }
0xe: {  	_ =	strace s1  }
0xf: {  	_ =	strace $0x8FFFFFFF  }
0x10: {  	s19 =	sld [smem:$0x3FDB];
	_ =	sdelay $0x1  }
0x11: {  	s20 =	simm.s32 $_scs_section_size  }
0x12: {  	s4 =	simm.s32 $_size__tile_overlayer_lowered;
	s5 =	simm.s32 $_tile_overlayer_lowered  }
0x13: {  	s23 =	simm.s32 $0x1BFF;
	s22 =	sshll.u32 s5, $0x1;
	s1 =	sadd.s32 s20, s19  }
0x14: {  	s6 =	simm.s32 $0x0;
	s21 =	sshll.u32 s4, $0x1;
	s4 =	sadd.s32 s22, s1  }
0x15: {  	[timem:s6], [sflag:s23] =	dma.local [hbm:s4], s21  }
0x16: {  	_ =	swait.ge [sflag:s23], s21  }
0x17: {  	s2 =	ssub.s32 $0x0, s21;
	[sflag:s23] =	ssyncset.done $0x0  }
0x18: {  	[sflag:s23] =	ssyncadd.s32 s2;
	_ =	sdelay $0x1  }
0x19: {  	s24 =	simm.s32 $0x1B8B  }
0x1a: {  	_ =	swait.ge [sflag:s24], $0x1  }
0x1b: {  	[sflag:s24] =	ssyncset.done $0x0  }
0x1c: {  	s26 =	simm.s32 $0x1B8E;
	s25 =	sld [smem:$0x3FFE];
	[sflag:s24] =	ssyncadd.s32 $0xFFFFFFFF  }
0x1d: {  	s27 =	simm.s32 $execute0_lowered;
	[smem:$0x3FD2] =	sst s26  }
0x1e: {  	s4 =	sshll.u32 s27, $0x1;
	_ =	strace $0x80000046;
	[dreg:$0x1] =	wrdreg $0xFFFFFFFF  }
0x1f: {  	s28 =	simm.s32 $_size_execute0_lowered;
	s1 =	sadd.s32 s1, s4;
	[dreg:$0x0] =	wrdreg $0x0  }
0x20: {  	s4 =	sshll.u32 s28, $0x1;
	[dreg:$0x2] =	wrdreg s1  }
0x21: {  	[dreg:$0x3] =	wrdreg s4  }
0x22: {  	[dreg:$0x4] =	wrdreg $0xC0  }
0x23: {  	_ =	task [dreg:s6], $0x5FFFF  }
0x24: {  	[dreg:$0x1] =	wrdreg $0xFFFFFFFF  }
0x25: {  	[dreg:$0x0] =	wrdreg $0x60  }
0x26: {  	[dreg:$0x2] =	wrdreg s25  }
0x27: {  	[dreg:$0x3] =	wrdreg $0x9  }
0x28: {  	_ =	task.clear_ibuf [dreg:s6], $0x4FFFF;
	_ =	strace $0x90000046  }
0x29: {  	s29 =	simm.s32 $0x9;
	_ =	strace $0x80000048  }
0x2a: {  	_ =	swait.ge [sflag:s29], $0x1  }
0x2b: {  	[sflag:s29] =	ssyncadd.s32 $0xFFFFFFFF  }
0x2c: {  	_ =	strace $0x90000048  }
0x2d: {  	_ =	sfence  }
0x2e: {  	s30 =	sld [smem:$0x0];
	_ =	sdelay $0x2  }
0x2f: {  	s31 =	sshll.u32 s3, $0xD;
	s3 =	sshrl.u32 s3, $0x2  }
0x30: {  	s2 =	sand.u32 $0x4000, s31;
	s1 =	sadd.s32 s3, s30  }
0x31: {  	s0 =	sor.u32 s2, s0;
	s1 =	sshll.u32 s1, $0x11  }
0x32: {  	s0 =	sor.u32 s1, s0  }
0x33: {  	s0 =	sadd.s32 $0x8F2B, s0  }
0x34: {  	[sflag:s0] =	ssyncadd.remote.s32 $0x1  }
0x35: {  	_ =	sfence.sel $0xFFFF  }
0x36: {  	[dreg:$0x0] =	wrdreg $0xFFFFFFFF;
	(pc) =	sbr.abs _section_cstart, $3  }
0x37: {  	[dreg:$0x1] =	wrdreg $0xFFFFFFFF  }
0x38: {  	_ =	task.clear_ibuf [dreg:s6], $0x2FFFF;
	_ =	strace $0x9FFFFFFF  }
0x39: {  	(tm) =	ssettm $0x7FFFFFFF  }
tec
execute0_lowered:
.L_overlay_start_1:
0x0: {  	(tag) =	ssettag $0x1  }
0x1: {  	s0 =	stileid.u32  }
0x2: {  	s16 =	srdreg.scid;
	s5 =	rddreg [dreg:$0x0]  }
0x3: {  	_ =	strace $0x80000047;
	s12 =	simm.s32 $0x1;
	s31 =	simm.s32 $0x2  }
0x4: {  	s30 =	simm.s32 $0x0;
	s27 =	simm.s32 $0x0;
	s29 =	simm.s32 $0x0  }
0x5: {  	s1 =	sshll.u32 s0, $0x6;
	s3 =	sand.u32 $0x1, s16;
	s19 =	sadd.s32 $0x336C400, s5  }
0x6: {  	s0 =	simm.s32 $0x1;
	s20 =	sadd.s32 $0x3370400, s5;
	[dreg:$0x2] =	wrdreg s19  }
0x7: {  	s21 =	sadd.s32 $0x3374400, s5;
	s22 =	sadd.s32 $0x3378400, s5;
	[dreg:$0x3] =	wrdreg s20  }
0x8: {  	s23 =	sadd.s32 $0x337C400, s5;
	s24 =	sadd.s32 $0x3380400, s5;
	[dreg:$0x4] =	wrdreg s21  }
0x9: {  	s25 =	sadd.s32 $0x3384400, s5;
	s26 =	sadd.s32 $0x3388400, s5;
	[dreg:$0x5] =	wrdreg s22  }
0xa: {  	[sflag:s12] =	ssyncpa.u1 $0x0;
	s15 =	sadd.s32 $0x338C400, s5;
	[dreg:$0x6] =	wrdreg s23  }
0xb: {  	s16 =	sadd.s32 $0x3390400, s5;
	s2 =	ssub.s32 $0x400, s1;
	[dreg:$0x7] =	wrdreg s24  }
0xc: {  	s4 =	ssub.s32 $0x10, s3;
	[dreg:$0x8] =	wrdreg s25;
	s17 =	sand.u32 $0x3C0, s2  }
0xd: {  	[dreg:$0x9] =	wrdreg s26;
	[sflag:s31] =	ssyncpa.u1 $0x0;
	p0 =	sne.s32 s17, $0x0  }
0xe: {  	s2 =	sshrl.u32 s2, $0xA;
	s6 =	sshrl.u32 s4, $0x1;
	s0 =	simm.s32 @!p0 $0x0  }
0xf: {  	s19 =	sadd.s32 $0x339C400, s5;
	s18 =	ssub.s32 s4, s6;
	s0 =	sadd.s32 s0, s2  }
0x10: {  	s20 =	sadd.s32 $0x33A0400, s5;
	s21 =	sadd.s32 $0x33A4400, s5;
	s0 =	smul.u32 s0, s18  }
.Ltmp0:
0x11: {  	s22 =	sadd.s32 $0x33A8400, s5;
	s24 =	simm.s32 $0x80;
	(pc) =	sbr.rel .LBB1_1-.Ltmp0, $4  }
0x12: {  	s25 =	smov.u32 s3;
	s26 =	simm.s32 $0x0;
	s4 =	sadd.s32 $0x36C400, s5  }
0x13: {  	s28 =	smov.u32 s1;
	s17 =	sadd.s32 $0x3394400, s5;
	s6 =	smul.u32 $0xC, s0  }
0x14: {  	p0 =	por $0x0, $0x0;
	s2 =	simm.s32 $0x0;
	s18 =	sadd.s32 $0x3398400, s5  }
0x15: {  	s5 =	simm.s32 $0x0;
	s0 =	simm.s32 $0x0;
	s23 =	sor.u32 $0x1, s6  }
.LBB1_7:
0x16: {  	s7 =	sadd.s32 $0x2, s25  }
0x17: {  	s0 =	simm.s32 $0x1;
	p2 =	sgt.s32 s7, $0xF  }
0x18: {  	s0 =	simm.s32 @!p2 $0x0  }
0x19: {  	s8 =	sadd.s32 s0, s26  }
0x1a: {  	s9 =	smov.u32 s27;
	s0 =	sadd.s32 $0x10, s27;
	p3 =	sgt.s32 s8, $0xB  }
0x1b: {  	s9 =	smov.u32 @p3 s0  }
0x1c: {  	s10 =	smov.u32 s28;
	s0 =	sadd.s32 $0x400, s28;
	p4 =	sgt.s32 s9, $0xF  }
0x1d: {  	p1 =	slt.u32 s29, $0x2;
	s10 =	smov.u32 @p4 s0  }
0x1e: {  	s2 =	smov.u32 s25;
	s7 =	smov.u32 @p2 s3;
	p2 =	sgt.s32 s10, $0x3FF  }
0x1f: {  	s11 =	simm.s32 @!p1 $0x2;
	s10 =	smov.u32 @p2 s1;
	p2 =	sne.s32 s29, s23  }
.Ltmp1:
0x20: {  	s30 =	smov.u32 s27;
	_ =	swait.ge @!p1 [sflag:s11], $0x4000;
	(pc) =	sbr.rel @!p2 .LBB1_8-.Ltmp1, $4  }
0x21: {  	s5 =	smov.u32 s28;
	p0 =	por !p0, !p0;
	[sflag:s11] =	ssyncset.done @!p1 $0x0  }
0x22: {  	s25 =	smov.u32 s7;
	[sflag:s11] =	ssyncadd.s32 @!p1 $0xFFFFC000;
	s8 =	simm.s32 @p3 $0x0  }
0x23: {  	s9 =	simm.s32 @p4 $0x0;
	s0 =	smov.u32 s26;
	s26 =	smov.u32 s8  }
0x24: {  	s27 =	smov.u32 s9;
	s29 =	sadd.s32 $0x1, s29;
	s28 =	smov.u32 s10  }
.LBB1_1:
0x25: {  	p1 =	sge.u32 s29, s6  }
0x26: {  	s7 =	smul.u32 @!p1 $0xC000, s28  }
0x27: {  	s31 =	sadd.s32 $0xFFFFFFFF, s29;
	s9 =	smul.u32 @!p1 $0xC00, s27  }
0x28: {  	s8 =	sxor.u32 @!p1 $0xFFFFFFFF, s29;
	s10 =	sshll.u32 @!p1 s26, $0x8;
	s7 =	sadd.s32 @!p1 s4, s7  }
0x29: {  	s11 =	sshll.u32 @!p1 s25, $0x4;
	s8 =	sshll.u32 @!p1 s8, $0xE;
	s7 =	sadd.s32 @!p1 s9, s7  }
0x2a: {  	s8 =	sand.u32 @!p1 $0x4000, s8;
	s9 =	sand.u32 @!p1 $0xF0, s11;
	s7 =	sadd.s32 @!p1 s10, s7  }
0x2b: {  	s10 =	simm.s32 @!p1 $0x6000;
	s7 =	sadd.s32 @!p1 s9, s7;
	s9 =	simm.s32 @!p1 $0x10  }
0x2c: {  	[tilespmem:s8], [sflag:$0x1] =	stream.strided.gather @!p1 [hbm4b:s7+s9], $0x4000, s10, s9, $0x38;
	[tilespmem:$0x10800] =	vst v63  }
0x2d: {  	p1 =	sge.u32 s31, s6  }
.Ltmp2:
0x2e: {  	_ = 	snop;
	(pc) =	sbr.rel @p1 .LBB1_7-.Ltmp2, $1  }
0x2f: {  	_ =	sdelay $0x3  }
0x30: {  	s7 =	simm.s32 $0x1;
	s8 =	sand.u32 $0x1, s29  }
0x31: {  	s7 =	simm.s32 @!p0 $0x0;
	s10 =	smul.u32 $0x11000, s8  }
0x32: {  	_ =	swait.ge [sflag:s12], $0x4000;
	s9 =	smul.u32 $0x11000, s7  }
0x33: {  	[sflag:s12] =	ssyncset.done $0x0;
	s8 =	sshll.u32 s7, $0xE  }
0x34: {  	[sflag:s12] =	ssyncadd.s32 $0xFFFFC000;
	s31 =	sshrl.u32 s10, $0x2;
	s14 =	sshrl.u32 s9, $0x2  }
0x35: {  	s10 =	simm.s32 $0x0;
	s7 =	sor.u32 $0x8000, s31;
	s11 =	sor.u32 $0x8000, s14  }
.LBB1_3:
0x36: {  	v0 =	vmov s8;
	_ =	sdelay $0x3  }
0x37: {  	s9 =	simm.s32 $0x0  }
0x38: {  	v1 =	vld.idx.msk [tilespmem:v0+s9+$0x0 ss:$0x1], $0xffff;
	_ =	sdelay $0x2  }
0x39: {  	s13 =	simm.s32 $0x40;
	s9 =	smov.u32 s11  }
.LBB1_4:
0x3a: {  	s14 =	sshra.s32 s13, $0x2;
	p1 =	sne.s32 s13, $0x3C0;
	s13 =	sadd.s32 $0x40, s13  }
.Ltmp3:
0x3b: {  	[tilespmem:s9+$0x0 ss:$0x440] =	vst.msk $0xffff, v1;
	v1 =	vld.idx.msk [tilespmem:v0+s14+$0x0 ss:$0x1], $0xffff;
	(pc) =	sbr.rel @p1 .LBB1_4-.Ltmp3, $2  }
0x3c: {  	_ =	sdelay $0x2  }
0x3d: {  	s9 =	sadd.s32 $0x1, s9  }
0x3e: {  	s10 =	sadd.s32 $0x1, s10  }
0x3f: {  	p1 =	sne.s32 s10, $0x40  }
.Ltmp4:
0x40: {  	_ = 	snop;
	(pc) =	sbr.rel @p1 .LBB1_3-.Ltmp4, $2  }
0x41: {  	_ =	sdelay $0x2  }
0x42: {  	[tilespmem:s9+$0x0 ss:$0x440] =	vst.msk $0xffff, v1;
	s8 =	sadd.s32 $0x100, s8;
	s11 =	sadd.s32 $0x11, s11  }
0x43: {  	s5 =	sshll.u32 s5, $0x7;
	s8 =	sshll.u32 s30, $0x3  }
0x44: {  	s9 =	sand.u32 $0x1FC00, s5;
	s8 =	sand.u32 $0x1FC00, s8  }
0x45: {  	s5 =	sand.u32 $0x380, s5;
	s8 =	sadd.s32 s9, s8  }
0x46: {  	s2 =	smul.u32 $0x300000, s2;
	s5 =	sor.u32 s5, s8  }
0x47: {  	s0 =	sshll.u32 s0, $0x12;
	s5 =	sshrl.u32 s5, $0x3  }
0x48: {  	s13 =	sshrl.u32 s30, $0x3;
	s0 =	sadd.s32 s0, s2;
	s5 =	sand.u32 $0x3FF0, s5  }
0x49: {  	s14 =	sand.u32 $0x7, s30;
	s2 =	sand.u32 $0xF, s13;
	s0 =	sor.u32 s0, s5  }
0x4a: {  	s30 =	sshll.u32 s14, $0x12;
	s8 =	rddreg [dreg:$0x2];
	s0 =	sor.u32 s2, s0  }
0x4b: {  	s10 =	rddreg [dreg:$0x3];
	s2 =	sor.u32 $0x10, s30;
	s5 =	sadd.s32 s8, s0  }
0x4c: {  	[hbm4b:s5+s2] =	stream.strided.scatter [tilespmem:s7], [sflag:$0x2], $0x400, s24, s2, $0x8;
	[tilespmem:$0x10800] =	vst v63  }
0x4d: {  	s9 =	sadd.s32 $0x8440, s31;
	s13 =	rddreg [dreg:$0x4];
	s7 =	sadd.s32 s0, s10  }
0x4e: {  	[hbm4b:s7+s2] =	stream.strided.scatter [tilespmem:s9], [sflag:$0x2], $0x400, s24, s2, $0x8;
	[tilespmem:$0x10800] =	vst v63  }
0x4f: {  	s11 =	sadd.s32 $0x8880, s31;
	s30 =	rddreg [dreg:$0x5];
	s7 =	sadd.s32 s0, s13  }
0x50: {  	[hbm4b:s7+s2] =	stream.strided.scatter [tilespmem:s11], [sflag:$0x2], $0x400, s24, s2, $0x8;
	[tilespmem:$0x10800] =	vst v63  }
0x51: {  	s14 =	sadd.s32 $0x8CC0, s31;
	s9 =	rddreg [dreg:$0x6];
	s7 =	sadd.s32 s0, s30  }
0x52: {  	[hbm4b:s7+s2] =	stream.strided.scatter [tilespmem:s14], [sflag:$0x2], $0x400, s24, s2, $0x8;
	[tilespmem:$0x10800] =	vst v63  }
0x53: {  	s8 =	sadd.s32 $0x9100, s31;
	s11 =	rddreg [dreg:$0x7];
	s7 =	sadd.s32 s0, s9  }
0x54: {  	[hbm4b:s7+s2] =	stream.strided.scatter [tilespmem:s8], [sflag:$0x2], $0x400, s24, s2, $0x8;
	[tilespmem:$0x10800] =	vst v63  }
0x55: {  	s10 =	sadd.s32 $0x9540, s31;
	s14 =	rddreg [dreg:$0x8];
	s7 =	sadd.s32 s0, s11  }
0x56: {  	[hbm4b:s7+s2] =	stream.strided.scatter [tilespmem:s10], [sflag:$0x2], $0x400, s24, s2, $0x8;
	[tilespmem:$0x10800] =	vst v63  }
0x57: {  	s13 =	sadd.s32 $0x9980, s31;
	s8 =	rddreg [dreg:$0x9];
	s7 =	sadd.s32 s0, s14  }
0x58: {  	[hbm4b:s7+s2] =	stream.strided.scatter [tilespmem:s13], [sflag:$0x2], $0x400, s24, s2, $0x8;
	[tilespmem:$0x10800] =	vst v63  }
0x59: {  	s30 =	sadd.s32 $0x9DC0, s31;
	s7 =	sadd.s32 s0, s8  }
0x5a: {  	[hbm4b:s7+s2] =	stream.strided.scatter [tilespmem:s30], [sflag:$0x2], $0x400, s24, s2, $0x8;
	[tilespmem:$0x10800] =	vst v63  }
0x5b: {  	s9 =	sadd.s32 $0xA200, s31;
	s10 =	sadd.s32 s0, s15  }
0x5c: {  	[hbm4b:s10+s2] =	stream.strided.scatter [tilespmem:s9], [sflag:$0x2], $0x400, s24, s2, $0x8;
	[tilespmem:$0x10800] =	vst v63  }
0x5d: {  	s11 =	sadd.s32 $0xA640, s31;
	s13 =	sadd.s32 s0, s16  }
0x5e: {  	[hbm4b:s13+s2] =	stream.strided.scatter [tilespmem:s11], [sflag:$0x2], $0x400, s24, s2, $0x8;
	[tilespmem:$0x10800] =	vst v63  }
0x5f: {  	s14 =	sadd.s32 $0xAA80, s31;
	s30 =	sadd.s32 s0, s17  }
0x60: {  	[hbm4b:s30+s2] =	stream.strided.scatter [tilespmem:s14], [sflag:$0x2], $0x400, s24, s2, $0x8;
	[tilespmem:$0x10800] =	vst v63  }
0x61: {  	s8 =	sadd.s32 s0, s18;
	s7 =	sadd.s32 $0xAEC0, s31  }
0x62: {  	[hbm4b:s8+s2] =	stream.strided.scatter [tilespmem:s7], [sflag:$0x2], $0x400, s24, s2, $0x8;
	[tilespmem:$0x10800] =	vst v63  }
0x63: {  	s9 =	sadd.s32 $0xB300, s31;
	s10 =	sadd.s32 s0, s19  }
0x64: {  	[hbm4b:s10+s2] =	stream.strided.scatter [tilespmem:s9], [sflag:$0x2], $0x400, s24, s2, $0x8;
	[tilespmem:$0x10800] =	vst v63  }
0x65: {  	s11 =	sadd.s32 $0xB740, s31;
	s13 =	sadd.s32 s0, s20  }
0x66: {  	[hbm4b:s13+s2] =	stream.strided.scatter [tilespmem:s11], [sflag:$0x2], $0x400, s24, s2, $0x8;
	[tilespmem:$0x10800] =	vst v63  }
.Ltmp5:
0x67: {  	_ = 	snop;
	(pc) =	sbr.rel .LBB1_7-.Ltmp5, $4  }
0x68: {  	s14 =	sadd.s32 $0xBB80, s31;
	s30 =	sadd.s32 s0, s21  }
0x69: {  	[hbm4b:s30+s2] =	stream.strided.scatter [tilespmem:s14], [sflag:$0x2], $0x400, s24, s2, $0x8;
	[tilespmem:$0x10800] =	vst v63  }
0x6a: {  	s31 =	sadd.s32 $0xBFC0, s31;
	s0 =	sadd.s32 s0, s22  }
0x6b: {  	[hbm4b:s0+s2] =	stream.strided.scatter [tilespmem:s31], [sflag:$0x2], $0x400, s24, s2, $0x8;
	[tilespmem:$0x10800] =	vst v63  }
.LBB1_8:
0x6c: {  	_ =	sfence.sel $0x180000  }
0x6d: {  	s0 =	simm.s32 $0x1;
	[bflag:$0x0] =	sbarrier.arrive $0xFFFF  }
0x6e: {  	s30 =	simm.s32 $0x2;
	[sflag:s0] =	ssyncpa.u1 $0x1  }
0x6f: {  	[sflag:s30] =	ssyncpa.u1 $0x1  }
0x70: {  	_ =	strace $0x90000047  }
0x71: {  	s31 =	stileid.u32;
	[bflag:$0x2] =	sbarrier.arrive $0xFFFF  }
0x72: {  	p0 =	sne.s32 s31, $0x0;
	s0 =	rddreg [dreg:$0x1]  }
0x73: {  	s0 =	sadd.s32 @!p0 $0x100000, s0  }
0x74: {  	[sflag:s0] =	ssyncadd.tile.s32 @!p0 $0x1;
	_ =	shalt  }
.Lfunc_end1:
_tile_overlayer_lowered:
.L_overlay_start_2:
0x75: {  	(tag) =	ssettag $0x2  }
0x76: {  	s0 =	rddreg [dreg:$0x0];
	s2 =	stileid.u32  }
0x77: {  	s1 =	rddreg [dreg:$0x1];
	p0 =	sne.s32 s2, $0x0  }
0x78: {  	s3 =	rddreg [dreg:$0x2];
	[bflag:$0x3] =	sbarrier.arrive $0xFFFF;
	s2 =	simm.s32 @!p0 $0x1C01  }
0x79: {  	[timem:s3], [sflag:s2] =	dma.local @!p0 [hbm:s0], s1  }
0x7a: {  	s0 =	simm.s32 @!p0 $0x1  }
0x7b: {  	_ =	swait.ge @!p0 [sflag:s0], s1  }
0x7c: {  	s1 =	ssub.s32 @!p0 $0x0, s1;
	[sflag:s0] =	ssyncset.done @!p0 $0x0  }
0x7d: {  	[sflag:s0] =	ssyncadd.s32 @!p0 s1  }
0x7e: {  	[bflag:$0x3] =	sbarrier.arrive $0xFFFF  }
0x7f: {  	_ =	shalt  }

</sc_bundles>
